<compile_context>
chip_gen: v7x
topology: tpu7x:2x2x1
jax: 0.10.2.dev20260603
libtpu: 0.0.44.dev20260713+nightly
codegen_flags: <defaults>
</compile_context>

<pallas_src>
import functools

import jax
import jax.numpy as jnp
from jax import lax
from jax.experimental import pallas as pl
from jax.experimental.pallas import tpu as pltpu
from jax.experimental.pallas import tpu_sc as plsc

N = 10000
E = 320000
D = 128
H = 4
C = 32
DE = 16
HC = H * C

NC = 2
NS = 16
NW = NC * NS
L = 16

EPW = E // NW
K = 40
NCHUNK = EPW // K
HCH = NCHUNK // 2
UNROLL = 4
ACCW = 144
WB = 200
WNB = N // WB

KP = 80
NCHUNKP = EPW // KP

_SC_PARAMS = pltpu.CompilerParams(needs_layout_passes=False,
                                  use_tc_tiling_on_sc=False)


def _proj(x, WlT, bl, WrT, br):
    R = 2000

    def body(x_ref, wl_ref, bl_ref, wr_ref, br_ref, xl_ref, xr_ref):
        xb = x_ref[...]
        xl_ref[...] = jnp.dot(xb, wl_ref[...], preferred_element_type=jnp.float32) + bl_ref[...]
        xr_ref[...] = jnp.dot(xb, wr_ref[...], preferred_element_type=jnp.float32) + br_ref[...]

    return pl.pallas_call(
        body,
        grid=(N // R,),
        in_specs=[
            pl.BlockSpec((R, D), lambda i: (i, 0)),
            pl.BlockSpec((D, HC), lambda i: (0, 0)),
            pl.BlockSpec((1, HC), lambda i: (0, 0)),
            pl.BlockSpec((D, HC), lambda i: (0, 0)),
            pl.BlockSpec((1, HC), lambda i: (0, 0)),
        ],
        out_specs=[
            pl.BlockSpec((R, HC), lambda i: (i, 0)),
            pl.BlockSpec((R, HC), lambda i: (i, 0)),
        ],
        out_shape=[
            jax.ShapeDtypeStruct((N, HC), jnp.float32),
            jax.ShapeDtypeStruct((N, HC), jnp.float32),
        ],
    )(x, WlT, bl, WrT, br)


def _edge_proj_packed(eaT, Wlo, Whi):
    R = 6400

    dn = (((0,), (0,)), ((), ()))

    def pack(eabT, wlo, whi):
        lo = jax.lax.dot_general(eabT, wlo, dn,
                                 preferred_element_type=jnp.float32)
        hi = jax.lax.dot_general(eabT, whi, dn,
                                 preferred_element_type=jnp.float32)
        lo16 = jax.lax.bitcast_convert_type(lo.astype(jnp.bfloat16), jnp.uint16)
        hi16 = jax.lax.bitcast_convert_type(hi.astype(jnp.bfloat16), jnp.uint16)
        return lo16.astype(jnp.uint32) | (hi16.astype(jnp.uint32) << 16)

    def body(eaa_ref, eab_ref, wlo_ref, whi_ref, out_ref):
        wlo = wlo_ref[...]
        whi = whi_ref[...]
        ua = pack(eaa_ref[...], wlo, whi)
        ub = pack(eab_ref[...], wlo, whi)
        out_ref[...] = jnp.concatenate([ua, ub], axis=1)

    return pl.pallas_call(
        body,
        grid=(E // 2 // R,),
        in_specs=[
            pl.BlockSpec((DE, R), lambda i: (0, i)),
            pl.BlockSpec((DE, R), lambda i: (0, i + E // 2 // R)),
            pl.BlockSpec((DE, 64), lambda i: (0, 0)),
            pl.BlockSpec((DE, 64), lambda i: (0, 0)),
        ],
        out_specs=pl.BlockSpec((R, HC), lambda i: (i, 0)),
        out_shape=jax.ShapeDtypeStruct((E // 2, HC), jnp.uint32),
    )(eaT, eaT, Wlo, Whi)


def _sc_prepass(dst, ea):
    mesh = plsc.VectorSubcoreMesh(core_axis_name="c", subcore_axis_name="s")

    @functools.partial(
        pl.kernel,
        out_type=[
            jax.ShapeDtypeStruct((NC, N, DE), jnp.float32),
            jax.ShapeDtypeStruct((NC, N, DE), jnp.float32),
        ],
        mesh=mesh,
        compiler_params=_SC_PARAMS,
        scratch_types=[
            pltpu.VMEM((4, KP), jnp.int32),
            pltpu.VMEM((4, KP, DE), jnp.float32),
            pltpu.VMEM((KP, DE), jnp.float32),
            pltpu.VMEM_SHARED((N, DE), jnp.float32),
            pltpu.VMEM_SHARED((N, DE), jnp.float32),
            pltpu.SemaphoreType.DMA,
            pltpu.SemaphoreType.DMA,
            pltpu.SemaphoreType.DMA,
            pltpu.SemaphoreType.DMA,
            pltpu.SemaphoreType.DMA,
            pltpu.SemaphoreType.DMA,
            pltpu.SemaphoreType.DMA,
            pltpu.SemaphoreType.DMA,
        ],
    )
    def k(dst_h, ea_h, asum_h, cnt_h,
          dst_v, ea_v, ones_v, acc_a, acc_c,
          s0, s1, s2, s3, c0, c1, c2, c3):
        c = lax.axis_index("c")
        s = lax.axis_index("s")
        wid = c * NS + s
        sems = (s0, s1, s2, s3)
        csems = (c0, c1, c2, c3)

        val = jnp.zeros((L,), jnp.float32)

        def fill(buf, v):
            def body(i, carry):
                buf[i, :] = v
                return carry
            lax.fori_loop(0, KP, body, 0)

        fill(ones_v, val)

        def zblk(b, carry):
            blk = s + b * NS

            @pl.when(blk < N // KP)
            def _():
                pltpu.sync_copy(ones_v, acc_a.at[pl.ds(blk * KP, KP), :])
                pltpu.sync_copy(ones_v, acc_c.at[pl.ds(blk * KP, KP), :])
            return carry

        lax.fori_loop(0, -(-(N // KP) // NS), zblk, 0)
        fill(ones_v, jnp.ones((L,), jnp.float32))
        plsc.subcore_barrier()

        def load(ch, p):
            base = wid * EPW + ch * KP
            pltpu.async_copy(dst_h.at[pl.ds(base, KP)], dst_v.at[p], sems[p])
            pltpu.async_copy(ea_h.at[pl.ds(base, KP), :], ea_v.at[p], sems[p])

        def drain(p):
            pltpu.make_async_copy(dst_h.at[pl.ds(0, KP)], dst_v.at[p], sems[p]).wait()
            pltpu.make_async_copy(ea_h.at[pl.ds(0, KP), :], ea_v.at[p], sems[p]).wait()

        def wait_scat(q):
            pltpu.make_async_copy(ea_v.at[q], acc_a.at[dst_v.at[q]],
                                  csems[q]).wait()
            pltpu.make_async_copy(ones_v, acc_c.at[dst_v.at[q]],
                                  csems[q]).wait()

        load(0, 0)
        load(1, 1)

        def chunk(ch, carry):
            for q in range(4):
                @pl.when(lax.rem(ch, 4) == q)
                def _():
                    qn = (q + 2) % 4
                    drain(q)
                    pltpu.async_copy(ea_v.at[q], acc_a.at[dst_v.at[q]],
                                     csems[q], add=True)
                    pltpu.async_copy(ones_v, acc_c.at[dst_v.at[q]],
                                     csems[q], add=True)

                    @pl.when(ch + 2 < NCHUNKP)
                    def _():
                        @pl.when(ch >= 2)
                        def _():
                            wait_scat(qn)
                        load(ch + 2, qn)
            return carry

        lax.fori_loop(0, NCHUNKP, chunk, 0)
        wait_scat((NCHUNKP - 2) % 4)
        wait_scat((NCHUNKP - 1) % 4)

        plsc.subcore_barrier()

        def wblk(b, carry):
            blk = s + b * NS

            @pl.when(blk < N // KP)
            def _():
                r0 = blk * KP
                pltpu.sync_copy(acc_a.at[pl.ds(r0, KP), :],
                                asum_h.at[c, pl.ds(r0, KP), :])
                pltpu.sync_copy(acc_c.at[pl.ds(r0, KP), :],
                                cnt_h.at[c, pl.ds(r0, KP), :])
            return carry

        lax.fori_loop(0, -(-(N // KP) // NS), wblk, 0)

    return k(dst, ea)


def _sc_edge_pass(src, dst, xl, xr, efp, att8):
    mesh = plsc.VectorSubcoreMesh(core_axis_name="c", subcore_axis_name="s")

    @functools.partial(
        pl.kernel,
        out_type=[
            jax.ShapeDtypeStruct((NC, N, HC), jnp.float32),
            jax.ShapeDtypeStruct((NC, N, L), jnp.float32),
        ],
        mesh=mesh,
        compiler_params=_SC_PARAMS,
        scratch_types=[
            pltpu.VMEM((2, K), jnp.int32),
            pltpu.VMEM((2, K), jnp.int32),
            pltpu.VMEM((2, K), jnp.int32),
            pltpu.VMEM((2, K, HC), jnp.float32),
            pltpu.VMEM((2, K, HC), jnp.float32),
            pltpu.VMEM((2, K, 64), jnp.uint32),
            pltpu.VMEM((2, K, ACCW), jnp.float32),
            pltpu.VMEM((8, L), jnp.float32),
            pltpu.VMEM_SHARED((N, ACCW), jnp.float32),
            pltpu.SemaphoreType.DMA,
            pltpu.SemaphoreType.DMA,
            pltpu.SemaphoreType.DMA,
            pltpu.SemaphoreType.DMA,
            pltpu.SemaphoreType.DMA,
            pltpu.SemaphoreType.DMA,
            pltpu.SemaphoreType.DMA,
            pltpu.SemaphoreType.DMA,
        ],
    )
    def k(src_h, dst_h, xl_h, xr_h, ef_h, att_h, outw_h, outm_h,
          src_v, dst_v, sd_v, xl_v, xr_v, ef_v, row_v, att_v, acc,
          g0, g1, i0, i1, c0, c1, d0, d1):
        c = lax.axis_index("c")
        s = lax.axis_index("s")
        wid = c * NS + s
        gsem = (g0, g1)
        isem = (i0, i1)
        csem = (c0, c1)
        dsem = (d0, d1)

        zero = jnp.zeros((L,), jnp.float32)

        def zrow(i, carry):
            for t in range(ACCW // L):
                row_v[0, i, pl.ds(t * L, L)] = zero
            return carry

        lax.fori_loop(0, K, zrow, 0)

        def zblk(b, carry):
            blk = s + b * NS

            @pl.when(blk < N // K)
            def _():
                pltpu.sync_copy(row_v.at[0], acc.at[pl.ds(blk * K, K), :])
            return carry

        lax.fori_loop(0, -(-(N // K) // NS), zblk, 0)
        plsc.subcore_barrier()

        pltpu.sync_copy(att_h, att_v)
        att_c = [att_v[i, :] for i in range(8)]
        lanes = lax.broadcasted_iota(jnp.int32, (L,), 0)
        masks = [lanes == h for h in range(4)]

        def load_idx(ch, p):
            base = wid * EPW + ch * K
            pltpu.async_copy(src_h.at[pl.ds(base, K)], src_v.at[p], isem[p])
            pltpu.async_copy(dst_h.at[pl.ds(base, K)], dst_v.at[p], isem[p])

        def wait_idx(p):
            pltpu.make_async_copy(src_h.at[pl.ds(0, K)], src_v.at[p], isem[p]).wait()
            pltpu.make_async_copy(dst_h.at[pl.ds(0, K)], dst_v.at[p], isem[p]).wait()

        def ef_src(ch):
            rowbase = s * EPW + ch * K
            return ef_h.at[pl.ds(rowbase, K), pl.ds(c * 64, 64)]

        def gather(ch, p):
            pltpu.async_copy(xl_h.at[src_v.at[p]], xl_v.at[p], gsem[p])
            pltpu.async_copy(xr_h.at[dst_v.at[p]], xr_v.at[p], gsem[p])
            pltpu.async_copy(ef_src(ch), ef_v.at[p], gsem[p])

        def drain_gather(p):
            pltpu.make_async_copy(xl_h.at[pl.ds(0, K)], xl_v.at[p], gsem[p]).wait()
            pltpu.make_async_copy(xr_h.at[pl.ds(0, K)], xr_v.at[p], gsem[p]).wait()
            pltpu.make_async_copy(ef_h.at[pl.ds(0, K), pl.ds(0, 64)],
                                  ef_v.at[p], gsem[p]).wait()

        def compute(p):
            def edge_group(g, carry):
                for u in range(UNROLL):
                    j = g * UNROLL + u
                    xlr = [xl_v[p, j, pl.ds(i * L, L)] for i in range(8)]
                    exvs = []
                    for h in range(4):
                        ef32 = plsc.bitcast(ef_v[p, j, pl.ds(h * L, L)],
                                            jnp.bfloat16)
                        ef2 = plsc.unpack(ef32,
                                          format=plsc.PackFormat.INTERLEAVED,
                                          preferred_element_type=jnp.float32)
                        th = []
                        for q in range(2):
                            i = 2 * h + q
                            m = xlr[i] + xr_v[p, j, pl.ds(i * L, L)] + ef2[q]
                            m = jnp.maximum(m, m * 0.2)
                            th.append(m * att_c[i])
                        a = plsc.cumsum(th[0] + th[1])[L - 1]
                        exvs.append(jnp.exp(jnp.broadcast_to(a, (L,))))
                    for i in range(8):
                        row_v[p, j, pl.ds(i * L, L)] = xlr[i] * exvs[i // 2]
                    mix = jnp.where(masks[0], exvs[0],
                          jnp.where(masks[1], exvs[1],
                          jnp.where(masks[2], exvs[2],
                          jnp.where(masks[3], exvs[3], 0.0))))
                    row_v[p, j, pl.ds(HC, L)] = mix
                return carry

            lax.fori_loop(0, K // UNROLL, edge_group, 0)

        def wait_scatter(p):
            pltpu.make_async_copy(row_v.at[p], acc.at[sd_v.at[p]], csem[p]).wait()

        load_idx(0, 0)
        load_idx(1, 1)
        wait_idx(0)
        gather(0, 0)

        def chunk(ch, carry):
            for p in range(2):
                pn = 1 - p

                @pl.when(lax.rem(ch, 2) == p)
                def _():
                    @pl.when(ch + 1 < NCHUNK)
                    def _():
                        wait_idx(pn)
                        gather(ch + 1, pn)

                    drain_gather(p)
                    @pl.when(ch >= 2)
                    def _():
                        wait_scatter(p)

                    @pl.when(ch + 2 < NCHUNK)
                    def _():
                        load_idx(ch + 2, p)
                    base = wid * EPW + ch * K
                    pltpu.async_copy(dst_h.at[pl.ds(base, K)], sd_v.at[p],
                                     dsem[p])
                    compute(p)
                    pltpu.make_async_copy(dst_h.at[pl.ds(0, K)], sd_v.at[p],
                                          dsem[p]).wait()
                    pltpu.async_copy(row_v.at[p], acc.at[sd_v.at[p]], csem[p],
                                     add=True)
            return carry

        lax.fori_loop(0, NCHUNK, chunk, 0)
        wait_scatter(0)
        wait_scatter(1)

        plsc.subcore_barrier()

        def wblk(b, carry):
            blk = s + b * NS

            @pl.when(blk < WNB)
            def _():
                r0 = blk * WB
                pltpu.sync_copy(acc.at[pl.ds(r0, WB), pl.ds(0, HC)],
                                outw_h.at[c, pl.ds(r0, WB), :])
                pltpu.sync_copy(acc.at[pl.ds(r0, WB), pl.ds(HC, L)],
                                outm_h.at[c, pl.ds(r0, WB), :])
            return carry

        lax.fori_loop(0, -(-WNB // NS), wblk, 0)

    return k(src, dst, xl, xr, efp, att8)


def _epilogue(x, xl, xr, Sw, Sm, A, B, WeT, att_row, bias_row, gamma_row,
              beta_row, expand):
    R = 2000

    def body(x_ref, xl_ref, xr_ref, s0_ref, s1_ref, m0_ref, m1_ref,
             a0_ref, a1_ref, b0_ref, b1_ref, we_ref, att_ref, bias_ref,
             gamma_ref, beta_ref, exp_ref, out_ref):
        xb = x_ref[...]
        xlb = xl_ref[...]
        xrb = xr_ref[...]
        s0 = s0_ref[0]
        s1 = s1_ref[0]
        den8 = m0_ref[0][:, 0:8] + m1_ref[0][:, 0:8]
        cnt16 = b0_ref[0] + b1_ref[0]
        loop_attr = (a0_ref[0] + a1_ref[0]) / jnp.maximum(cnt16, 1.0)
        e_loop = jnp.dot(loop_attr, we_ref[...], preferred_element_type=jnp.float32)
        m2 = xlb + xrb + e_loop
        m2 = jnp.maximum(m2, m2 * 0.2)
        t2 = m2 * att_ref[...]
        expm = exp_ref[...]
        alpha8 = jnp.dot(t2, expm.T, preferred_element_type=jnp.float32)
        ex8 = jnp.exp(alpha8)
        den_exp = jnp.dot(den8 + ex8, expm, preferred_element_type=jnp.float32)
        ex_exp = jnp.dot(ex8, expm, preferred_element_type=jnp.float32)
        s_tot = s0 + s1 + ex_exp * xlb
        out = s_tot / (den_exp + 1e-16) + bias_ref[...]
        out = jnp.where(out > 0.0, out, jnp.exp(out) - 1.0)
        out = out + xb
        mu = jnp.mean(out, axis=1, keepdims=True)
        dev = out - mu
        var = jnp.mean(dev * dev, axis=1, keepdims=True)
        out = dev * jax.lax.rsqrt(var + 1e-5) * gamma_ref[...] + beta_ref[...]
        out_ref[...] = out

    row = lambda i: (i, 0)
    full = lambda i: (0, 0)
    return pl.pallas_call(
        body,
        grid=(N // R,),
        in_specs=[
            pl.BlockSpec((R, D), row),
            pl.BlockSpec((R, HC), row),
            pl.BlockSpec((R, HC), row),
            pl.BlockSpec((1, R, HC), lambda i: (0, i, 0)),
            pl.BlockSpec((1, R, HC), lambda i: (1, i, 0)),
            pl.BlockSpec((1, R, L), lambda i: (0, i, 0)),
            pl.BlockSpec((1, R, L), lambda i: (1, i, 0)),
            pl.BlockSpec((1, R, DE), lambda i: (0, i, 0)),
            pl.BlockSpec((1, R, DE), lambda i: (1, i, 0)),
            pl.BlockSpec((1, R, DE), lambda i: (0, i, 0)),
            pl.BlockSpec((1, R, DE), lambda i: (1, i, 0)),
            pl.BlockSpec((DE, HC), full),
            pl.BlockSpec((1, HC), full),
            pl.BlockSpec((1, HC), full),
            pl.BlockSpec((1, HC), full),
            pl.BlockSpec((1, HC), full),
            pl.BlockSpec((8, HC), full),
        ],
        out_specs=pl.BlockSpec((R, HC), row),
        out_shape=jax.ShapeDtypeStruct((N, HC), jnp.float32),
    )(x, xl, xr, Sw, Sw, Sm, Sm, A, A, B, B, WeT, att_row, bias_row,
      gamma_row, beta_row, expand)


def kernel(x, edge_index, edge_attr, W_l, b_l, W_r, b_r, W_e, att, bias,
           gamma, beta):
    src = edge_index[0]
    dst = edge_index[1]
    cols = jnp.arange(HC, dtype=jnp.int32)
    t32, r32 = cols // 32, cols % 32
    newc = t32 * 32 + jnp.where(r32 < 16, 2 * r32, 2 * (r32 - 16) + 1)
    P = (newc[:, None] == cols[None, :]).astype(jnp.float32)
    WeTP = W_e.T @ P
    Wlo = WeTP[:, 0::2]
    Whi = WeTP[:, 1::2]

    xl, xr = _proj(x, W_l.T, b_l.reshape(1, HC), W_r.T, b_r.reshape(1, HC))
    efp = _edge_proj_packed(edge_attr.T, Wlo, Whi)
    Sw, Sm = _sc_edge_pass(src, dst, xl, xr, efp, att.reshape(8, L))
    A, B = _sc_prepass(dst, edge_attr)

    hidx = jnp.arange(8, dtype=jnp.int32)[:, None]
    cidx = jnp.arange(HC, dtype=jnp.int32)[None, :]
    expand = jnp.where((cidx // C) == hidx, 1.0, 0.0).astype(jnp.float32)

    return _epilogue(
        x, xl, xr, Sw, Sm, A, B, W_e.T,
        att.reshape(1, HC), bias.reshape(1, HC), gamma.reshape(1, HC),
        beta.reshape(1, HC), expand)

# --- scband reference (transcript-rebuilt; emitter-appended) ---
"""Pipeline reference for scband-gatlayer-77498389889093 (READ-ONLY COPY).

The authoritative reference and input builder live on the scoring server;
editing this copy changes nothing except your own understanding.
"""

import jax, jax.numpy as jnp
import numpy as np

N = 10000
E = 320000
D = 128
H = 4
C = 32
DE = 16

def setup_inputs(seed: int = 0):
    key = jax.random.key(seed)
    ks = jax.random.split(key, 8)
    sd = 1.0 / np.sqrt(D)
    sde = 1.0 / np.sqrt(DE)
    return {
        "x": jax.random.normal(ks[0], (N, D), jnp.float32),
        "edge_index": jax.random.randint(ks[1], (2, E), 0, N, jnp.int32),
        "edge_attr": jax.random.uniform(ks[2], (E, DE), dtype=jnp.float32),
        "W_l": jax.random.normal(ks[3], (H * C, D), jnp.float32) * sd,
        "b_l": jnp.zeros((H * C,), jnp.float32),
        "W_r": jax.random.normal(ks[4], (H * C, D), jnp.float32) * sd,
        "b_r": jnp.zeros((H * C,), jnp.float32),
        "W_e": jax.random.normal(ks[5], (H * C, DE), jnp.float32) * sde,
        "att": jax.random.normal(ks[6], (H, C), jnp.float32) * (1.0 / np.sqrt(C)),
        "bias": jnp.zeros((H * C,), jnp.float32),
        "gamma": jnp.ones((D,), jnp.float32),
        "beta": jnp.zeros((D,), jnp.float32),
    }

def _gatv2_layer(x, edge_index, edge_attr, W_l, b_l, W_r, b_r, W_e, att, bias, gamma, beta):
    n = x.shape[0]
    src0, dst0 = edge_index[0], edge_index[1]
    # add_self_loops=True with fill_value='mean': self-loop edge_attr is the per-dst-node
    # mean of incoming edge attributes (PyG semantics)
    ones = jnp.ones((edge_attr.shape[0],), jnp.float32)
    cnt = jax.ops.segment_sum(ones, dst0, num_segments=n)
    loop_attr = jax.ops.segment_sum(edge_attr, dst0, num_segments=n) / jnp.clip(cnt, 1.0)[:, None]
    loop = jnp.arange(n, dtype=edge_index.dtype)
    src = jnp.concatenate([src0, loop])
    dst = jnp.concatenate([dst0, loop])
    ea = jnp.concatenate([edge_attr, loop_attr], axis=0)
    # GATv2Conv: lin_l on source (x_j), lin_r on target (x_i), lin_edge (no bias) on edge_attr
    x_l = (x @ W_l.T + b_l).reshape(n, H, C)
    x_r = (x @ W_r.T + b_r).reshape(n, H, C)
    e = (ea @ W_e.T).reshape(-1, H, C)
    m = x_l[src] + x_r[dst] + e
    m = jax.nn.leaky_relu(m, negative_slope=0.2)
    alpha = (m * att[None, :, :]).sum(-1)  # (E+N, H)
    # softmax over edges grouped by destination node
    amax = jax.ops.segment_max(alpha, dst, num_segments=n)
    amax = jnp.where(jnp.isfinite(amax), amax, 0.0)
    ex = jnp.exp(alpha - amax[dst])
    den = jax.ops.segment_sum(ex, dst, num_segments=n)
    a = ex / (den[dst] + 1e-16)
    out = jax.ops.segment_sum(x_l[src] * a[..., None], dst, num_segments=n)
    out = out.reshape(n, H * C) + bias
    out = jax.nn.elu(out)
    # dropout is identity in eval mode; residual with in_dim == out_dim (no projection)
    out = out + x
    mu = out.mean(-1, keepdims=True)
    var = ((out - mu) ** 2).mean(-1, keepdims=True)
    out = (out - mu) / jnp.sqrt(var + 1e-5) * gamma + beta
    return out

def reference(x, edge_index, edge_attr, W_l, b_l, W_r, b_r, W_e, att, bias, gamma, beta):
    return _gatv2_layer(x, edge_index, edge_attr, W_l, b_l, W_r, b_r, W_e, att, bias, gamma, beta)

if __name__ == "__main__":
    import jax
    _d = setup_inputs()
    print(jax.jit(kernel)(*tuple(_d.values())))

</pallas_src>

<mosaic_0001>
#map = affine_map<(d0, d1) -> (0)>
#map1 = affine_map<(d0, d1) -> (0, 0)>
#map2 = affine_map<(d0, d1) -> (0, 0, 0)>
module attributes {stable_mosaic.version = 14 : i64} {
  func.func @k(%arg0: i32, %arg1: i32, %arg2: memref<320000xi32, #tpu.memory_space<hbm>>, %arg3: memref<320000x16xf32, #tpu.memory_space<hbm>>, %arg4: memref<2x10000x16xf32, #tpu.memory_space<hbm>>, %arg5: memref<2x10000x16xf32, #tpu.memory_space<hbm>>, %arg6: memref<4x80xi32, #tpu.memory_space<vmem>>, %arg7: memref<4x80x16xf32, #tpu.memory_space<vmem>>, %arg8: memref<80x16xf32, #tpu.memory_space<vmem>>, %arg9: memref<10000x16xf32, #tpu.memory_space<vmem_shared>>, %arg10: memref<10000x16xf32, #tpu.memory_space<vmem_shared>>, %arg11: memref<!tpu.dma_semaphore, #tpu.memory_space<semaphore_mem>>, %arg12: memref<!tpu.dma_semaphore, #tpu.memory_space<semaphore_mem>>, %arg13: memref<!tpu.dma_semaphore, #tpu.memory_space<semaphore_mem>>, %arg14: memref<!tpu.dma_semaphore, #tpu.memory_space<semaphore_mem>>, %arg15: memref<!tpu.dma_semaphore, #tpu.memory_space<semaphore_mem>>, %arg16: memref<!tpu.dma_semaphore, #tpu.memory_space<semaphore_mem>>, %arg17: memref<!tpu.dma_semaphore, #tpu.memory_space<semaphore_mem>>, %arg18: memref<!tpu.dma_semaphore, #tpu.memory_space<semaphore_mem>>) attributes {dimension_semantics = [#tpu.dimension_semantics<core_parallel>, #tpu.dimension_semantics<subcore_parallel>], iteration_bounds = array<i64: 2, 16>, scalar_prefetch = 0 : i64, scratch_operands = 13 : i64, tpu.core_type = #tpu.core_type<sc_vector_subcore>, window_params = [{transform_indices = #map}, {transform_indices = #map1}, {transform_indices = #map2}, {transform_indices = #map2}]} {
    %mul3A = arith.constant 16 : i32
    %mul3A_0 = arith.muli %arg0, %mul3A : i32
    %add3A = arith.addi %mul3A_0, %arg1 : i32
    %broadcast_in_dim3A = arith.constant 0.000000e+00 : f32
    %broadcast_in_dim3A_1 = vector.broadcast %broadcast_in_dim3A : f32 to vector<16xf32>
    %scan3A = arith.constant 0 : i32
    %scan3A_2 = arith.constant 0 : i32
    %scan3A_3 = arith.constant 80 : i32
    %scan3A_4 = arith.addi %scan3A_2, %scan3A_3 : i32
    %scan3A_5 = arith.constant 1 : i32
    scf.for %scan3A_122 = %scan3A_2 to %scan3A_4 step %scan3A_5  : i32 {
      %swap3A = arith.index_cast %scan3A_122 : i32 to index
      %swap3A_123 = arith.constant 0 : index
      %swap3A_124 = tpu.vector_load %arg8[%swap3A, %swap3A_123] {strides = array<i32>} : memref<80x16xf32, #tpu.memory_space<vmem>>, vector<16xf32>,
      tpu.vector_store %arg8[%swap3A, %swap3A_123], %broadcast_in_dim3A_1 {strides = array<i32>} : memref<80x16xf32, #tpu.memory_space<vmem>>, vector<16xf32>,
    }
    %scan3A_6 = arith.constant 80 : i32
    %scan3A_7 = arith.constant 0 : i32
    %scan3A_8 = arith.constant 0 : i32
    %scan3A_9 = arith.constant 8 : i32
    %scan3A_10 = arith.addi %scan3A_8, %scan3A_9 : i32
    %scan3A_11 = arith.constant 1 : i32
    scf.for %scan3A_122 = %scan3A_8 to %scan3A_10 step %scan3A_11  : i32 {
      %mul3A_123 = arith.constant 16 : i32
      %mul3A_124 = arith.muli %scan3A_122, %mul3A_123 : i32
      %add3A_125 = arith.addi %arg1, %mul3A_124 : i32
      %lt3A = arith.constant 125 : i32
      %lt3A_126 = arith.cmpi slt, %add3A_125, %lt3A : i32
      %convert_element_type3A = arith.extui %lt3A_126 : i1 to i32
      %cond3A = arith.constant 0 : i32
      %cond3A_127 = arith.cmpi ne, %convert_element_type3A, %cond3A : i32
      scf.if %cond3A_127 {
        %mul3A_128 = arith.constant 80 : i32
        %mul3A_129 = arith.muli %add3A_125, %mul3A_128 : i32
        "tpu.region"() ({
          %run_scoped3A = tpu.sem_alloc : memref<!tpu.dma_semaphore, #tpu.memory_space<semaphore_mem>>
          %dma_start3A_132 = arith.constant 0 : i32
          %dma_start3A_133 = tpu.memref_slice %arg9[%mul3A_129, %dma_start3A_132] : memref<10000x16xf32, #tpu.memory_space<vmem_shared>> -> memref<80x16xf32, #tpu.memory_space<vmem_shared>>
          %dma_start3A_134 = arith.constant 0 : i32
          %dma_start3A_135 = tpu.memref_slice %arg9[%mul3A_129, %dma_start3A_134] : memref<10000x16xf32, #tpu.memory_space<vmem_shared>> -> memref<80x16xf32, #tpu.memory_space<vmem_shared>>
          tpu.enqueue_dma source(%arg8 : memref<80x16xf32, #tpu.memory_space<vmem>>) target(%dma_start3A_135 : memref<80x16xf32, #tpu.memory_space<vmem_shared>>) target_semaphore(%run_scoped3A : memref<!tpu.dma_semaphore, #tpu.memory_space<semaphore_mem>>)
          %dma_wait3A_136 = arith.constant 0 : i32
          %dma_wait3A_137 = tpu.memref_slice %arg9[%mul3A_129, %dma_wait3A_136] : memref<10000x16xf32, #tpu.memory_space<vmem_shared>> -> memref<80x16xf32, #tpu.memory_space<vmem_shared>>
          %dma_wait3A_138 = arith.constant 0 : i32
          %dma_wait3A_139 = tpu.memref_slice %arg9[%mul3A_129, %dma_wait3A_138] : memref<10000x16xf32, #tpu.memory_space<vmem_shared>> -> memref<80x16xf32, #tpu.memory_space<vmem_shared>>
          tpu.wait_dma2 semaphore(%run_scoped3A : memref<!tpu.dma_semaphore, #tpu.memory_space<semaphore_mem>>) src(%arg8 : memref<80x16xf32, #tpu.memory_space<vmem>>) dst(%dma_wait3A_139 : memref<80x16xf32, #tpu.memory_space<vmem_shared>>)
          tpu.yield
        }) : () -> ()
        %mul3A_130 = arith.constant 80 : i32
        %mul3A_131 = arith.muli %add3A_125, %mul3A_130 : i32
        "tpu.region"() ({
          %run_scoped3A = tpu.sem_alloc : memref<!tpu.dma_semaphore, #tpu.memory_space<semaphore_mem>>
          %dma_start3A_132 = arith.constant 0 : i32
          %dma_start3A_133 = tpu.memref_slice %arg10[%mul3A_131, %dma_start3A_132] : memref<10000x16xf32, #tpu.memory_space<vmem_shared>> -> memref<80x16xf32, #tpu.memory_space<vmem_shared>>
          %dma_start3A_134 = arith.constant 0 : i32
          %dma_start3A_135 = tpu.memref_slice %arg10[%mul3A_131, %dma_start3A_134] : memref<10000x16xf32, #tpu.memory_space<vmem_shared>> -> memref<80x16xf32, #tpu.memory_space<vmem_shared>>
          tpu.enqueue_dma source(%arg8 : memref<80x16xf32, #tpu.memory_space<vmem>>) target(%dma_start3A_135 : memref<80x16xf32, #tpu.memory_space<vmem_shared>>) target_semaphore(%run_scoped3A : memref<!tpu.dma_semaphore, #tpu.memory_space<semaphore_mem>>)
          %dma_wait3A_136 = arith.constant 0 : i32
          %dma_wait3A_137 = tpu.memref_slice %arg10[%mul3A_131, %dma_wait3A_136] : memref<10000x16xf32, #tpu.memory_space<vmem_shared>> -> memref<80x16xf32, #tpu.memory_space<vmem_shared>>
          %dma_wait3A_138 = arith.constant 0 : i32
          %dma_wait3A_139 = tpu.memref_slice %arg10[%mul3A_131, %dma_wait3A_138] : memref<10000x16xf32, #tpu.memory_space<vmem_shared>> -> memref<80x16xf32, #tpu.memory_space<vmem_shared>>
          tpu.wait_dma2 semaphore(%run_scoped3A : memref<!tpu.dma_semaphore, #tpu.memory_space<semaphore_mem>>) src(%arg8 : memref<80x16xf32, #tpu.memory_space<vmem>>) dst(%dma_wait3A_139 : memref<80x16xf32, #tpu.memory_space<vmem_shared>>)
          tpu.yield
        }) : () -> ()
      } else {
      }
    }
    %scan3A_12 = arith.constant 8 : i32
    %broadcast_in_dim3A_13 = arith.constant 1.000000e+00 : f32
    %broadcast_in_dim3A_14 = vector.broadcast %broadcast_in_dim3A_13 : f32 to vector<16xf32>
    %scan3A_15 = arith.constant 0 : i32
    %scan3A_16 = arith.constant 0 : i32
    %scan3A_17 = arith.constant 80 : i32
    %scan3A_18 = arith.addi %scan3A_16, %scan3A_17 : i32
    %scan3A_19 = arith.constant 1 : i32
    scf.for %scan3A_122 = %scan3A_16 to %scan3A_18 step %scan3A_19  : i32 {
      %swap3A = arith.index_cast %scan3A_122 : i32 to index
      %swap3A_123 = arith.constant 0 : index
      %swap3A_124 = tpu.vector_load %arg8[%swap3A, %swap3A_123] {strides = array<i32>} : memref<80x16xf32, #tpu.memory_space<vmem>>, vector<16xf32>,
      tpu.vector_store %arg8[%swap3A, %swap3A_123], %broadcast_in_dim3A_14 {strides = array<i32>} : memref<80x16xf32, #tpu.memory_space<vmem>>, vector<16xf32>,
    }
    %scan3A_20 = arith.constant 80 : i32
    %barrier3A = arith.constant 0 : index
    tpu.barrier barrier_id(%barrier3A)
    %mul3A_21 = arith.constant 10000 : i32
    %mul3A_22 = arith.muli %add3A, %mul3A_21 : i32
    %add3A_23 = arith.constant 0 : i32
    %add3A_24 = arith.addi %mul3A_22, %add3A_23 : i32
    %dma_start3A = arith.constant 0 : i32
    %dma_start3A_25 = arith.constant 0 : i32
    %dma_start3A_26 = tpu.memref_slice %arg6[%dma_start3A, %dma_start3A_25] : memref<4x80xi32, #tpu.memory_space<vmem>> -> memref<1x80xi32, #tpu.memory_space<vmem>>
    %dma_start3A_27 = tpu.memref_squeeze %dma_start3A_26 : memref<1x80xi32, #tpu.memory_space<vmem>> -> memref<80xi32, #tpu.memory_space<vmem>>
    %dma_start3A_28 = tpu.memref_slice %arg2[%add3A_24] : memref<320000xi32, #tpu.memory_space<hbm>> -> memref<80xi32, #tpu.memory_space<hbm>>
    %dma_start3A_29 = arith.constant 0 : i32
    %dma_start3A_30 = tpu.memref_slice %arg6[%dma_start3A, %dma_start3A_29] : memref<4x80xi32, #tpu.memory_space<vmem>> -> memref<1x80xi32, #tpu.memory_space<vmem>>
    %dma_start3A_31 = tpu.memref_squeeze %dma_start3A_30 : memref<1x80xi32, #tpu.memory_space<vmem>> -> memref<80xi32, #tpu.memory_space<vmem>>
    %dma_start3A_32 = tpu.memref_slice %arg2[%add3A_24] : memref<320000xi32, #tpu.memory_space<hbm>> -> memref<80xi32, #tpu.memory_space<hbm>>
    tpu.enqueue_dma source(%dma_start3A_32 : memref<80xi32, #tpu.memory_space<hbm>>) target(%dma_start3A_31 : memref<80xi32, #tpu.memory_space<vmem>>) target_semaphore(%arg11 : memref<!tpu.dma_semaphore, #tpu.memory_space<semaphore_mem>>)
    %dma_start3A_33 = arith.constant 0 : i32
    %dma_start3A_34 = arith.constant 0 : i32
    %dma_start3A_35 = arith.constant 0 : i32
    %dma_start3A_36 = tpu.memref_slice %arg7[%dma_start3A_33, %dma_start3A_34, %dma_start3A_35] : memref<4x80x16xf32, #tpu.memory_space<vmem>> -> memref<1x80x16xf32, #tpu.memory_space<vmem>>
    %dma_start3A_37 = tpu.memref_squeeze %dma_start3A_36 : memref<1x80x16xf32, #tpu.memory_space<vmem>> -> memref<80x16xf32, #tpu.memory_space<vmem>>
    %dma_start3A_38 = arith.constant 0 : i32
    %dma_start3A_39 = tpu.memref_slice %arg3[%add3A_24, %dma_start3A_38] : memref<320000x16xf32, #tpu.memory_space<hbm>> -> memref<80x16xf32, #tpu.memory_space<hbm>>
    %dma_start3A_40 = arith.constant 0 : i32
    %dma_start3A_41 = arith.constant 0 : i32
    %dma_start3A_42 = tpu.memref_slice %arg7[%dma_start3A_33, %dma_start3A_40, %dma_start3A_41] : memref<4x80x16xf32, #tpu.memory_space<vmem>> -> memref<1x80x16xf32, #tpu.memory_space<vmem>>
    %dma_start3A_43 = tpu.memref_squeeze %dma_start3A_42 : memref<1x80x16xf32, #tpu.memory_space<vmem>> -> memref<80x16xf32, #tpu.memory_space<vmem>>
    %dma_start3A_44 = arith.constant 0 : i32
    %dma_start3A_45 = tpu.memref_slice %arg3[%add3A_24, %dma_start3A_44] : memref<320000x16xf32, #tpu.memory_space<hbm>> -> memref<80x16xf32, #tpu.memory_space<hbm>>
    tpu.enqueue_dma source(%dma_start3A_45 : memref<80x16xf32, #tpu.memory_space<hbm>>) target(%dma_start3A_43 : memref<80x16xf32, #tpu.memory_space<vmem>>) target_semaphore(%arg11 : memref<!tpu.dma_semaphore, #tpu.memory_space<semaphore_mem>>)
    %mul3A_46 = arith.constant 10000 : i32
    %mul3A_47 = arith.muli %add3A, %mul3A_46 : i32
    %add3A_48 = arith.constant 80 : i32
    %add3A_49 = arith.addi %mul3A_47, %add3A_48 : i32
    %dma_start3A_50 = arith.constant 1 : i32
    %dma_start3A_51 = arith.constant 0 : i32
    %dma_start3A_52 = tpu.memref_slice %arg6[%dma_start3A_50, %dma_start3A_51] : memref<4x80xi32, #tpu.memory_space<vmem>> -> memref<1x80xi32, #tpu.memory_space<vmem>>
    %dma_start3A_53 = tpu.memref_squeeze %dma_start3A_52 : memref<1x80xi32, #tpu.memory_space<vmem>> -> memref<80xi32, #tpu.memory_space<vmem>>
    %dma_start3A_54 = tpu.memref_slice %arg2[%add3A_49] : memref<320000xi32, #tpu.memory_space<hbm>> -> memref<80xi32, #tpu.memory_space<hbm>>
    %dma_start3A_55 = arith.constant 0 : i32
    %dma_start3A_56 = tpu.memref_slice %arg6[%dma_start3A_50, %dma_start3A_55] : memref<4x80xi32, #tpu.memory_space<vmem>> -> memref<1x80xi32, #tpu.memory_space<vmem>>
    %dma_start3A_57 = tpu.memref_squeeze %dma_start3A_56 : memref<1x80xi32, #tpu.memory_space<vmem>> -> memref<80xi32, #tpu.memory_space<vmem>>
    %dma_start3A_58 = tpu.memref_slice %arg2[%add3A_49] : memref<320000xi32, #tpu.memory_space<hbm>> -> memref<80xi32, #tpu.memory_space<hbm>>
    tpu.enqueue_dma source(%dma_start3A_58 : memref<80xi32, #tpu.memory_space<hbm>>) target(%dma_start3A_57 : memref<80xi32, #tpu.memory_space<vmem>>) target_semaphore(%arg12 : memref<!tpu.dma_semaphore, #tpu.memory_space<semaphore_mem>>)
    %dma_start3A_59 = arith.constant 1 : i32
    %dma_start3A_60 = arith.constant 0 : i32
    %dma_start3A_61 = arith.constant 0 : i32
    %dma_start3A_62 = tpu.memref_slice %arg7[%dma_start3A_59, %dma_start3A_60, %dma_start3A_61] : memref<4x80x16xf32, #tpu.memory_space<vmem>> -> memref<1x80x16xf32, #tpu.memory_space<vmem>>
    %dma_start3A_63 = tpu.memref_squeeze %dma_start3A_62 : memref<1x80x16xf32, #tpu.memory_space<vmem>> -> memref<80x16xf32, #tpu.memory_space<vmem>>
    %dma_start3A_64 = arith.constant 0 : i32
    %dma_start3A_65 = tpu.memref_slice %arg3[%add3A_49, %dma_start3A_64] : memref<320000x16xf32, #tpu.memory_space<hbm>> -> memref<80x16xf32, #tpu.memory_space<hbm>>
    %dma_start3A_66 = arith.constant 0 : i32
    %dma_start3A_67 = arith.constant 0 : i32
    %dma_start3A_68 = tpu.memref_slice %arg7[%dma_start3A_59, %dma_start3A_66, %dma_start3A_67] : memref<4x80x16xf32, #tpu.memory_space<vmem>> -> memref<1x80x16xf32, #tpu.memory_space<vmem>>
    %dma_start3A_69 = tpu.memref_squeeze %dma_start3A_68 : memref<1x80x16xf32, #tpu.memory_space<vmem>> -> memref<80x16xf32, #tpu.memory_space<vmem>>
    %dma_start3A_70 = arith.constant 0 : i32
    %dma_start3A_71 = tpu.memref_slice %arg3[%add3A_49, %dma_start3A_70] : memref<320000x16xf32, #tpu.memory_space<hbm>> -> memref<80x16xf32, #tpu.memory_space<hbm>>
    tpu.enqueue_dma source(%dma_start3A_71 : memref<80x16xf32, #tpu.memory_space<hbm>>) target(%dma_start3A_69 : memref<80x16xf32, #tpu.memory_space<vmem>>) target_semaphore(%arg12 : memref<!tpu.dma_semaphore, #tpu.memory_space<semaphore_mem>>)
    %scan3A_72 = arith.constant 0 : i32
    %scan3A_73 = arith.constant 0 : i32
    %scan3A_74 = arith.constant 125 : i32
    %scan3A_75 = arith.addi %scan3A_73, %scan3A_74 : i32
    %scan3A_76 = arith.constant 1 : i32
    scf.for %scan3A_122 = %scan3A_73 to %scan3A_75 step %scan3A_76  : i32 {
      %rem3A = arith.constant 4 : i32
      %rem3A_123 = arith.remsi %scan3A_122, %rem3A : i32
      %eq3A = arith.constant 0 : i32
      %eq3A_124 = arith.cmpi eq, %rem3A_123, %eq3A : i32
      %convert_element_type3A = arith.extui %eq3A_124 : i1 to i32
      %cond3A = arith.constant 0 : i32
      %cond3A_125 = arith.cmpi ne, %convert_element_type3A, %cond3A : i32
      scf.if %cond3A_125 {
        %dma_wait3A_147 = arith.constant 0 : i32
        %dma_wait3A_148 = arith.constant 0 : i32
        %dma_wait3A_149 = tpu.memref_slice %arg6[%dma_wait3A_147, %dma_wait3A_148] : memref<4x80xi32, #tpu.memory_space<vmem>> -> memref<1x80xi32, #tpu.memory_space<vmem>>
        %dma_wait3A_150 = tpu.memref_squeeze %dma_wait3A_149 : memref<1x80xi32, #tpu.memory_space<vmem>> -> memref<80xi32, #tpu.memory_space<vmem>>
        %dma_wait3A_151 = arith.constant 0 : i32
        %dma_wait3A_152 = tpu.memref_slice %arg2[%dma_wait3A_151] : memref<320000xi32, #tpu.memory_space<hbm>> -> memref<80xi32, #tpu.memory_space<hbm>>
        %dma_wait3A_153 = arith.constant 0 : i32
        %dma_wait3A_154 = tpu.memref_slice %arg6[%dma_wait3A_147, %dma_wait3A_153] : memref<4x80xi32, #tpu.memory_space<vmem>> -> memref<1x80xi32, #tpu.memory_space<vmem>>
        %dma_wait3A_155 = tpu.memref_squeeze %dma_wait3A_154 : memref<1x80xi32, #tpu.memory_space<vmem>> -> memref<80xi32, #tpu.memory_space<vmem>>
        %dma_wait3A_156 = arith.constant 0 : i32
        %dma_wait3A_157 = tpu.memref_slice %arg2[%dma_wait3A_156] : memref<320000xi32, #tpu.memory_space<hbm>> -> memref<80xi32, #tpu.memory_space<hbm>>
        tpu.wait_dma2 semaphore(%arg11 : memref<!tpu.dma_semaphore, #tpu.memory_space<semaphore_mem>>) src(%dma_wait3A_157 : memref<80xi32, #tpu.memory_space<hbm>>) dst(%dma_wait3A_155 : memref<80xi32, #tpu.memory_space<vmem>>)
        %dma_wait3A_158 = arith.constant 0 : i32
        %dma_wait3A_159 = arith.constant 0 : i32
        %dma_wait3A_160 = arith.constant 0 : i32
        %dma_wait3A_161 = tpu.memref_slice %arg7[%dma_wait3A_158, %dma_wait3A_159, %dma_wait3A_160] : memref<4x80x16xf32, #tpu.memory_space<vmem>> -> memref<1x80x16xf32, #tpu.memory_space<vmem>>
        %dma_wait3A_162 = tpu.memref_squeeze %dma_wait3A_161 : memref<1x80x16xf32, #tpu.memory_space<vmem>> -> memref<80x16xf32, #tpu.memory_space<vmem>>
        %dma_wait3A_163 = arith.constant 0 : i32
        %dma_wait3A_164 = arith.constant 0 : i32
        %dma_wait3A_165 = tpu.memref_slice %arg3[%dma_wait3A_163, %dma_wait3A_164] : memref<320000x16xf32, #tpu.memory_space<hbm>> -> memref<80x16xf32, #tpu.memory_space<hbm>>
        %dma_wait3A_166 = arith.constant 0 : i32
        %dma_wait3A_167 = arith.constant 0 : i32
        %dma_wait3A_168 = tpu.memref_slice %arg7[%dma_wait3A_158, %dma_wait3A_166, %dma_wait3A_167] : memref<4x80x16xf32, #tpu.memory_space<vmem>> -> memref<1x80x16xf32, #tpu.memory_space<vmem>>
        %dma_wait3A_169 = tpu.memref_squeeze %dma_wait3A_168 : memref<1x80x16xf32, #tpu.memory_space<vmem>> -> memref<80x16xf32, #tpu.memory_space<vmem>>
        %dma_wait3A_170 = arith.constant 0 : i32
        %dma_wait3A_171 = arith.constant 0 : i32
        %dma_wait3A_172 = tpu.memref_slice %arg3[%dma_wait3A_170, %dma_wait3A_171] : memref<320000x16xf32, #tpu.memory_space<hbm>> -> memref<80x16xf32, #tpu.memory_space<hbm>>
        tpu.wait_dma2 semaphore(%arg11 : memref<!tpu.dma_semaphore, #tpu.memory_space<semaphore_mem>>) src(%dma_wait3A_172 : memref<80x16xf32, #tpu.memory_space<hbm>>) dst(%dma_wait3A_169 : memref<80x16xf32, #tpu.memory_space<vmem>>)
        %dma_start3A_173 = arith.constant 0 : i32
        %dma_start3A_174 = arith.constant 0 : i32
        %dma_start3A_175 = arith.constant 0 : i32
        %dma_start3A_176 = arith.constant 0 : i32
        %dma_start3A_177 = tpu.memref_slice %arg7[%dma_start3A_173, %dma_start3A_175, %dma_start3A_176] : memref<4x80x16xf32, #tpu.memory_space<vmem>> -> memref<1x80x16xf32, #tpu.memory_space<vmem>>
        %dma_start3A_178 = tpu.memref_squeeze %dma_start3A_177 : memref<1x80x16xf32, #tpu.memory_space<vmem>> -> memref<80x16xf32, #tpu.memory_space<vmem>>
        %dma_start3A_179 = arith.constant 0 : i32
        %dma_start3A_180 = tpu.memref_slice %arg6[%dma_start3A_174, %dma_start3A_179] : memref<4x80xi32, #tpu.memory_space<vmem>> -> memref<1x80xi32, #tpu.memory_space<vmem>>
        %dma_start3A_181 = tpu.memref_squeeze %dma_start3A_180 : memref<1x80xi32, #tpu.memory_space<vmem>> -> memref<80xi32, #tpu.memory_space<vmem>>
        %dma_start3A_182 = arith.constant 0 : i32
        %dma_start3A_183 = arith.constant 0 : i32
        %dma_start3A_184 = tpu.memref_slice %arg9[%dma_start3A_182, %dma_start3A_183] : memref<10000x16xf32, #tpu.memory_space<vmem_shared>> -> memref<10000x16xf32, #tpu.memory_space<vmem_shared>>
        tpu.enqueue_indirect_dma source(%dma_start3A_178 : memref<80x16xf32, #tpu.memory_space<vmem>>) target(%dma_start3A_184 : memref<10000x16xf32, #tpu.memory_space<vmem_shared>>) offsets(%dma_start3A_181 : memref<80xi32, #tpu.memory_space<vmem>>) semaphore(%arg15 : memref<!tpu.dma_semaphore, #tpu.memory_space<semaphore_mem>>) {add = true}
        %dma_start3A_185 = arith.constant 0 : i32
        %dma_start3A_186 = arith.constant 0 : i32
        %dma_start3A_187 = tpu.memref_slice %arg6[%dma_start3A_185, %dma_start3A_186] : memref<4x80xi32, #tpu.memory_space<vmem>> -> memref<1x80xi32, #tpu.memory_space<vmem>>
        %dma_start3A_188 = tpu.memref_squeeze %dma_start3A_187 : memref<1x80xi32, #tpu.memory_space<vmem>> -> memref<80xi32, #tpu.memory_space<vmem>>
        %dma_start3A_189 = arith.constant 0 : i32
        %dma_start3A_190 = arith.constant 0 : i32
        %dma_start3A_191 = tpu.memref_slice %arg10[%dma_start3A_189, %dma_start3A_190] : memref<10000x16xf32, #tpu.memory_space<vmem_shared>> -> memref<10000x16xf32, #tpu.memory_space<vmem_shared>>
        tpu.enqueue_indirect_dma source(%arg8 : memref<80x16xf32, #tpu.memory_space<vmem>>) target(%dma_start3A_191 : memref<10000x16xf32, #tpu.memory_space<vmem_shared>>) offsets(%dma_start3A_188 : memref<80xi32, #tpu.memory_space<vmem>>) semaphore(%arg15 : memref<!tpu.dma_semaphore, #tpu.memory_space<semaphore_mem>>) {add = true}
        %add3A_192 = arith.constant 2 : i32
        %add3A_193 = arith.addi %scan3A_122, %add3A_192 : i32
        %lt3A = arith.constant 125 : i32
        %lt3A_194 = arith.cmpi slt, %add3A_193, %lt3A : i32
        %convert_element_type3A_195 = arith.extui %lt3A_194 : i1 to i32
        %cond3A_196 = arith.constant 0 : i32
        %cond3A_197 = arith.cmpi ne, %convert_element_type3A_195, %cond3A_196 : i32
        scf.if %cond3A_197 {
          %ge3A = arith.constant 2 : i32
          %ge3A_198 = arith.cmpi sge, %scan3A_122, %ge3A : i32
          %convert_element_type3A_199 = arith.extui %ge3A_198 : i1 to i32
          %cond3A_200 = arith.constant 0 : i32
          %cond3A_201 = arith.cmpi ne, %convert_element_type3A_199, %cond3A_200 : i32
          scf.if %cond3A_201 {
            %dma_wait3A_231 = arith.constant 2 : i32
            %dma_wait3A_232 = arith.constant 2 : i32
            %dma_wait3A_233 = arith.constant 0 : i32
            %dma_wait3A_234 = arith.constant 0 : i32
            %dma_wait3A_235 = tpu.memref_slice %arg7[%dma_wait3A_231, %dma_wait3A_233, %dma_wait3A_234] : memref<4x80x16xf32, #tpu.memory_space<vmem>> -> memref<1x80x16xf32, #tpu.memory_space<vmem>>
            %dma_wait3A_236 = tpu.memref_squeeze %dma_wait3A_235 : memref<1x80x16xf32, #tpu.memory_space<vmem>> -> memref<80x16xf32, #tpu.memory_space<vmem>>
            %dma_wait3A_237 = arith.constant 0 : i32
            %dma_wait3A_238 = tpu.memref_slice %arg6[%dma_wait3A_232, %dma_wait3A_237] : memref<4x80xi32, #tpu.memory_space<vmem>> -> memref<1x80xi32, #tpu.memory_space<vmem>>
            %dma_wait3A_239 = tpu.memref_squeeze %dma_wait3A_238 : memref<1x80xi32, #tpu.memory_space<vmem>> -> memref<80xi32, #tpu.memory_space<vmem>>
            %dma_wait3A_240 = arith.constant 0 : i32
            %dma_wait3A_241 = arith.constant 0 : i32
            %dma_wait3A_242 = tpu.memref_slice %arg9[%dma_wait3A_240, %dma_wait3A_241] : memref<10000x16xf32, #tpu.memory_space<vmem_shared>> -> memref<10000x16xf32, #tpu.memory_space<vmem_shared>>
            tpu.wait_indirect_dma semaphore(%arg17 : memref<!tpu.dma_semaphore, #tpu.memory_space<semaphore_mem>>) src(%dma_wait3A_236 : memref<80x16xf32, #tpu.memory_space<vmem>>) dst(%dma_wait3A_242 : memref<10000x16xf32, #tpu.memory_space<vmem_shared>>)
            %dma_wait3A_243 = arith.constant 2 : i32
            %dma_wait3A_244 = arith.constant 0 : i32
            %dma_wait3A_245 = tpu.memref_slice %arg6[%dma_wait3A_243, %dma_wait3A_244] : memref<4x80xi32, #tpu.memory_space<vmem>> -> memref<1x80xi32, #tpu.memory_space<vmem>>
            %dma_wait3A_246 = tpu.memref_squeeze %dma_wait3A_245 : memref<1x80xi32, #tpu.memory_space<vmem>> -> memref<80xi32, #tpu.memory_space<vmem>>
            %dma_wait3A_247 = arith.constant 0 : i32
            %dma_wait3A_248 = arith.constant 0 : i32
            %dma_wait3A_249 = tpu.memref_slice %arg10[%dma_wait3A_247, %dma_wait3A_248] : memref<10000x16xf32, #tpu.memory_space<vmem_shared>> -> memref<10000x16xf32, #tpu.memory_space<vmem_shared>>
            tpu.wait_indirect_dma semaphore(%arg17 : memref<!tpu.dma_semaphore, #tpu.memory_space<semaphore_mem>>) src(%arg8 : memref<80x16xf32, #tpu.memory_space<vmem>>) dst(%dma_wait3A_249 : memref<10000x16xf32, #tpu.memory_space<vmem_shared>>)
          } else {
          }
          %add3A_202 = arith.constant 2 : i32
          %add3A_203 = arith.addi %scan3A_122, %add3A_202 : i32
          %mul3A_204 = arith.constant 10000 : i32
          %mul3A_205 = arith.muli %add3A, %mul3A_204 : i32
          %mul3A_206 = arith.constant 80 : i32
          %mul3A_207 = arith.muli %add3A_203, %mul3A_206 : i32
          %add3A_208 = arith.addi %mul3A_205, %mul3A_207 : i32
          %dma_start3A_209 = arith.constant 2 : i32
          %dma_start3A_210 = arith.constant 0 : i32
          %dma_start3A_211 = tpu.memref_slice %arg6[%dma_start3A_209, %dma_start3A_210] : memref<4x80xi32, #tpu.memory_space<vmem>> -> memref<1x80xi32, #tpu.memory_space<vmem>>
          %dma_start3A_212 = tpu.memref_squeeze %dma_start3A_211 : memref<1x80xi32, #tpu.memory_space<vmem>> -> memref<80xi32, #tpu.memory_space<vmem>>
          %dma_start3A_213 = tpu.memref_slice %arg2[%add3A_208] : memref<320000xi32, #tpu.memory_space<hbm>> -> memref<80xi32, #tpu.memory_space<hbm>>
          %dma_start3A_214 = arith.constant 0 : i32
          %dma_start3A_215 = tpu.memref_slice %arg6[%dma_start3A_209, %dma_start3A_214] : memref<4x80xi32, #tpu.memory_space<vmem>> -> memref<1x80xi32, #tpu.memory_space<vmem>>
          %dma_start3A_216 = tpu.memref_squeeze %dma_start3A_215 : memref<1x80xi32, #tpu.memory_space<vmem>> -> memref<80xi32, #tpu.memory_space<vmem>>
          %dma_start3A_217 = tpu.memref_slice %arg2[%add3A_208] : memref<320000xi32, #tpu.memory_space<hbm>> -> memref<80xi32, #tpu.memory_space<hbm>>
          tpu.enqueue_dma source(%dma_start3A_217 : memref<80xi32, #tpu.memory_space<hbm>>) target(%dma_start3A_216 : memref<80xi32, #tpu.memory_space<vmem>>) target_semaphore(%arg13 : memref<!tpu.dma_semaphore, #tpu.memory_space<semaphore_mem>>)
          %dma_start3A_218 = arith.constant 2 : i32
          %dma_start3A_219 = arith.constant 0 : i32
          %dma_start3A_220 = arith.constant 0 : i32
          %dma_start3A_221 = tpu.memref_slice %arg7[%dma_start3A_218, %dma_start3A_219, %dma_start3A_220] : memref<4x80x16xf32, #tpu.memory_space<vmem>> -> memref<1x80x16xf32, #tpu.memory_space<vmem>>
          %dma_start3A_222 = tpu.memref_squeeze %dma_start3A_221 : memref<1x80x16xf32, #tpu.memory_space<vmem>> -> memref<80x16xf32, #tpu.memory_space<vmem>>
          %dma_start3A_223 = arith.constant 0 : i32
          %dma_start3A_224 = tpu.memref_slice %arg3[%add3A_208, %dma_start3A_223] : memref<320000x16xf32, #tpu.memory_space<hbm>> -> memref<80x16xf32, #tpu.memory_space<hbm>>
          %dma_start3A_225 = arith.constant 0 : i32
          %dma_start3A_226 = arith.constant 0 : i32
          %dma_start3A_227 = tpu.memref_slice %arg7[%dma_start3A_218, %dma_start3A_225, %dma_start3A_226] : memref<4x80x16xf32, #tpu.memory_space<vmem>> -> memref<1x80x16xf32, #tpu.memory_space<vmem>>
          %dma_start3A_228 = tpu.memref_squeeze %dma_start3A_227 : memref<1x80x16xf32, #tpu.memory_space<vmem>> -> memref<80x16xf32, #tpu.memory_space<vmem>>
          %dma_start3A_229 = arith.constant 0 : i32
          %dma_start3A_230 = tpu.memref_slice %arg3[%add3A_208, %dma_start3A_229] : memref<320000x16xf32, #tpu.memory_space<hbm>> -> memref<80x16xf32, #tpu.memory_space<hbm>>
          tpu.enqueue_dma source(%dma_start3A_230 : memref<80x16xf32, #tpu.memory_space<hbm>>) target(%dma_start3A_228 : memref<80x16xf32, #tpu.memory_space<vmem>>) target_semaphore(%arg13 : memref<!tpu.dma_semaphore, #tpu.memory_space<semaphore_mem>>)
        } else {
        }
      } else {
      }
      %rem3A_126 = arith.constant 4 : i32
      %rem3A_127 = arith.remsi %scan3A_122, %rem3A_126 : i32
      %eq3A_128 = arith.constant 1 : i32
      %eq3A_129 = arith.cmpi eq, %rem3A_127, %eq3A_128 : i32
      %convert_element_type3A_130 = arith.extui %eq3A_129 : i1 to i32
      %cond3A_131 = arith.constant 0 : i32
      %cond3A_132 = arith.cmpi ne, %convert_element_type3A_130, %cond3A_131 : i32
      scf.if %cond3A_132 {
        %dma_wait3A_147 = arith.constant 1 : i32
        %dma_wait3A_148 = arith.constant 0 : i32
        %dma_wait3A_149 = tpu.memref_slice %arg6[%dma_wait3A_147, %dma_wait3A_148] : memref<4x80xi32, #tpu.memory_space<vmem>> -> memref<1x80xi32, #tpu.memory_space<vmem>>
        %dma_wait3A_150 = tpu.memref_squeeze %dma_wait3A_149 : memref<1x80xi32, #tpu.memory_space<vmem>> -> memref<80xi32, #tpu.memory_space<vmem>>
        %dma_wait3A_151 = arith.constant 0 : i32
        %dma_wait3A_152 = tpu.memref_slice %arg2[%dma_wait3A_151] : memref<320000xi32, #tpu.memory_space<hbm>> -> memref<80xi32, #tpu.memory_space<hbm>>
        %dma_wait3A_153 = arith.constant 0 : i32
        %dma_wait3A_154 = tpu.memref_slice %arg6[%dma_wait3A_147, %dma_wait3A_153] : memref<4x80xi32, #tpu.memory_space<vmem>> -> memref<1x80xi32, #tpu.memory_space<vmem>>
        %dma_wait3A_155 = tpu.memref_squeeze %dma_wait3A_154 : memref<1x80xi32, #tpu.memory_space<vmem>> -> memref<80xi32, #tpu.memory_space<vmem>>
        %dma_wait3A_156 = arith.constant 0 : i32
        %dma_wait3A_157 = tpu.memref_slice %arg2[%dma_wait3A_156] : memref<320000xi32, #tpu.memory_space<hbm>> -> memref<80xi32, #tpu.memory_space<hbm>>
        tpu.wait_dma2 semaphore(%arg12 : memref<!tpu.dma_semaphore, #tpu.memory_space<semaphore_mem>>) src(%dma_wait3A_157 : memref<80xi32, #tpu.memory_space<hbm>>) dst(%dma_wait3A_155 : memref<80xi32, #tpu.memory_space<vmem>>)
        %dma_wait3A_158 = arith.constant 1 : i32
        %dma_wait3A_159 = arith.constant 0 : i32
        %dma_wait3A_160 = arith.constant 0 : i32
        %dma_wait3A_161 = tpu.memref_slice %arg7[%dma_wait3A_158, %dma_wait3A_159, %dma_wait3A_160] : memref<4x80x16xf32, #tpu.memory_space<vmem>> -> memref<1x80x16xf32, #tpu.memory_space<vmem>>
        %dma_wait3A_162 = tpu.memref_squeeze %dma_wait3A_161 : memref<1x80x16xf32, #tpu.memory_space<vmem>> -> memref<80x16xf32, #tpu.memory_space<vmem>>
        %dma_wait3A_163 = arith.constant 0 : i32
        %dma_wait3A_164 = arith.constant 0 : i32
        %dma_wait3A_165 = tpu.memref_slice %arg3[%dma_wait3A_163, %dma_wait3A_164] : memref<320000x16xf32, #tpu.memory_space<hbm>> -> memref<80x16xf32, #tpu.memory_space<hbm>>
        %dma_wait3A_166 = arith.constant 0 : i32
        %dma_wait3A_167 = arith.constant 0 : i32
        %dma_wait3A_168 = tpu.memref_slice %arg7[%dma_wait3A_158, %dma_wait3A_166, %dma_wait3A_167] : memref<4x80x16xf32, #tpu.memory_space<vmem>> -> memref<1x80x16xf32, #tpu.memory_space<vmem>>
        %dma_wait3A_169 = tpu.memref_squeeze %dma_wait3A_168 : memref<1x80x16xf32, #tpu.memory_space<vmem>> -> memref<80x16xf32, #tpu.memory_space<vmem>>
        %dma_wait3A_170 = arith.constant 0 : i32
        %dma_wait3A_171 = arith.constant 0 : i32
        %dma_wait3A_172 = tpu.memref_slice %arg3[%dma_wait3A_170, %dma_wait3A_171] : memref<320000x16xf32, #tpu.memory_space<hbm>> -> memref<80x16xf32, #tpu.memory_space<hbm>>
        tpu.wait_dma2 semaphore(%arg12 : memref<!tpu.dma_semaphore, #tpu.memory_space<semaphore_mem>>) src(%dma_wait3A_172 : memref<80x16xf32, #tpu.memory_space<hbm>>) dst(%dma_wait3A_169 : memref<80x16xf32, #tpu.memory_space<vmem>>)
        %dma_start3A_173 = arith.constant 1 : i32
        %dma_start3A_174 = arith.constant 1 : i32
        %dma_start3A_175 = arith.constant 0 : i32
        %dma_start3A_176 = arith.constant 0 : i32
        %dma_start3A_177 = tpu.memref_slice %arg7[%dma_start3A_173, %dma_start3A_175, %dma_start3A_176] : memref<4x80x16xf32, #tpu.memory_space<vmem>> -> memref<1x80x16xf32, #tpu.memory_space<vmem>>
        %dma_start3A_178 = tpu.memref_squeeze %dma_start3A_177 : memref<1x80x16xf32, #tpu.memory_space<vmem>> -> memref<80x16xf32, #tpu.memory_space<vmem>>
        %dma_start3A_179 = arith.constant 0 : i32
        %dma_start3A_180 = tpu.memref_slice %arg6[%dma_start3A_174, %dma_start3A_179] : memref<4x80xi32, #tpu.memory_space<vmem>> -> memref<1x80xi32, #tpu.memory_space<vmem>>
        %dma_start3A_181 = tpu.memref_squeeze %dma_start3A_180 : memref<1x80xi32, #tpu.memory_space<vmem>> -> memref<80xi32, #tpu.memory_space<vmem>>
        %dma_start3A_182 = arith.constant 0 : i32
        %dma_start3A_183 = arith.constant 0 : i32
        %dma_start3A_184 = tpu.memref_slice %arg9[%dma_start3A_182, %dma_start3A_183] : memref<10000x16xf32, #tpu.memory_space<vmem_shared>> -> memref<10000x16xf32, #tpu.memory_space<vmem_shared>>
        tpu.enqueue_indirect_dma source(%dma_start3A_178 : memref<80x16xf32, #tpu.memory_space<vmem>>) target(%dma_start3A_184 : memref<10000x16xf32, #tpu.memory_space<vmem_shared>>) offsets(%dma_start3A_181 : memref<80xi32, #tpu.memory_space<vmem>>) semaphore(%arg16 : memref<!tpu.dma_semaphore, #tpu.memory_space<semaphore_mem>>) {add = true}
        %dma_start3A_185 = arith.constant 1 : i32
        %dma_start3A_186 = arith.constant 0 : i32
        %dma_start3A_187 = tpu.memref_slice %arg6[%dma_start3A_185, %dma_start3A_186] : memref<4x80xi32, #tpu.memory_space<vmem>> -> memref<1x80xi32, #tpu.memory_space<vmem>>
        %dma_start3A_188 = tpu.memref_squeeze %dma_start3A_187 : memref<1x80xi32, #tpu.memory_space<vmem>> -> memref<80xi32, #tpu.memory_space<vmem>>
        %dma_start3A_189 = arith.constant 0 : i32
        %dma_start3A_190 = arith.constant 0 : i32
        %dma_start3A_191 = tpu.memref_slice %arg10[%dma_start3A_189, %dma_start3A_190] : memref<10000x16xf32, #tpu.memory_space<vmem_shared>> -> memref<10000x16xf32, #tpu.memory_space<vmem_shared>>
        tpu.enqueue_indirect_dma source(%arg8 : memref<80x16xf32, #tpu.memory_space<vmem>>) target(%dma_start3A_191 : memref<10000x16xf32, #tpu.memory_space<vmem_shared>>) offsets(%dma_start3A_188 : memref<80xi32, #tpu.memory_space<vmem>>) semaphore(%arg16 : memref<!tpu.dma_semaphore, #tpu.memory_space<semaphore_mem>>) {add = true}
        %add3A_192 = arith.constant 2 : i32
        %add3A_193 = arith.addi %scan3A_122, %add3A_192 : i32
        %lt3A = arith.constant 125 : i32
        %lt3A_194 = arith.cmpi slt, %add3A_193, %lt3A : i32
        %convert_element_type3A_195 = arith.extui %lt3A_194 : i1 to i32
        %cond3A_196 = arith.constant 0 : i32
        %cond3A_197 = arith.cmpi ne, %convert_element_type3A_195, %cond3A_196 : i32
        scf.if %cond3A_197 {
          %ge3A = arith.constant 2 : i32
          %ge3A_198 = arith.cmpi sge, %scan3A_122, %ge3A : i32
          %convert_element_type3A_199 = arith.extui %ge3A_198 : i1 to i32
          %cond3A_200 = arith.constant 0 : i32
          %cond3A_201 = arith.cmpi ne, %convert_element_type3A_199, %cond3A_200 : i32
          scf.if %cond3A_201 {
            %dma_wait3A_231 = arith.constant 3 : i32
            %dma_wait3A_232 = arith.constant 3 : i32
            %dma_wait3A_233 = arith.constant 0 : i32
            %dma_wait3A_234 = arith.constant 0 : i32
            %dma_wait3A_235 = tpu.memref_slice %arg7[%dma_wait3A_231, %dma_wait3A_233, %dma_wait3A_234] : memref<4x80x16xf32, #tpu.memory_space<vmem>> -> memref<1x80x16xf32, #tpu.memory_space<vmem>>
            %dma_wait3A_236 = tpu.memref_squeeze %dma_wait3A_235 : memref<1x80x16xf32, #tpu.memory_space<vmem>> -> memref<80x16xf32, #tpu.memory_space<vmem>>
            %dma_wait3A_237 = arith.constant 0 : i32
            %dma_wait3A_238 = tpu.memref_slice %arg6[%dma_wait3A_232, %dma_wait3A_237] : memref<4x80xi32, #tpu.memory_space<vmem>> -> memref<1x80xi32, #tpu.memory_space<vmem>>
            %dma_wait3A_239 = tpu.memref_squeeze %dma_wait3A_238 : memref<1x80xi32, #tpu.memory_space<vmem>> -> memref<80xi32, #tpu.memory_space<vmem>>
            %dma_wait3A_240 = arith.constant 0 : i32
            %dma_wait3A_241 = arith.constant 0 : i32
            %dma_wait3A_242 = tpu.memref_slice %arg9[%dma_wait3A_240, %dma_wait3A_241] : memref<10000x16xf32, #tpu.memory_space<vmem_shared>> -> memref<10000x16xf32, #tpu.memory_space<vmem_shared>>
            tpu.wait_indirect_dma semaphore(%arg18 : memref<!tpu.dma_semaphore, #tpu.memory_space<semaphore_mem>>) src(%dma_wait3A_236 : memref<80x16xf32, #tpu.memory_space<vmem>>) dst(%dma_wait3A_242 : memref<10000x16xf32, #tpu.memory_space<vmem_shared>>)
            %dma_wait3A_243 = arith.constant 3 : i32
            %dma_wait3A_244 = arith.constant 0 : i32
            %dma_wait3A_245 = tpu.memref_slice %arg6[%dma_wait3A_243, %dma_wait3A_244] : memref<4x80xi32, #tpu.memory_space<vmem>> -> memref<1x80xi32, #tpu.memory_space<vmem>>
            %dma_wait3A_246 = tpu.memref_squeeze %dma_wait3A_245 : memref<1x80xi32, #tpu.memory_space<vmem>> -> memref<80xi32, #tpu.memory_space<vmem>>
            %dma_wait3A_247 = arith.constant 0 : i32
            %dma_wait3A_248 = arith.constant 0 : i32
            %dma_wait3A_249 = tpu.memref_slice %arg10[%dma_wait3A_247, %dma_wait3A_248] : memref<10000x16xf32, #tpu.memory_space<vmem_shared>> -> memref<10000x16xf32, #tpu.memory_space<vmem_shared>>
            tpu.wait_indirect_dma semaphore(%arg18 : memref<!tpu.dma_semaphore, #tpu.memory_space<semaphore_mem>>) src(%arg8 : memref<80x16xf32, #tpu.memory_space<vmem>>) dst(%dma_wait3A_249 : memref<10000x16xf32, #tpu.memory_space<vmem_shared>>)
          } else {
          }
          %add3A_202 = arith.constant 2 : i32
          %add3A_203 = arith.addi %scan3A_122, %add3A_202 : i32
          %mul3A_204 = arith.constant 10000 : i32
          %mul3A_205 = arith.muli %add3A, %mul3A_204 : i32
          %mul3A_206 = arith.constant 80 : i32
          %mul3A_207 = arith.muli %add3A_203, %mul3A_206 : i32
          %add3A_208 = arith.addi %mul3A_205, %mul3A_207 : i32
          %dma_start3A_209 = arith.constant 3 : i32
          %dma_start3A_210 = arith.constant 0 : i32
          %dma_start3A_211 = tpu.memref_slice %arg6[%dma_start3A_209, %dma_start3A_210] : memref<4x80xi32, #tpu.memory_space<vmem>> -> memref<1x80xi32, #tpu.memory_space<vmem>>
          %dma_start3A_212 = tpu.memref_squeeze %dma_start3A_211 : memref<1x80xi32, #tpu.memory_space<vmem>> -> memref<80xi32, #tpu.memory_space<vmem>>
          %dma_start3A_213 = tpu.memref_slice %arg2[%add3A_208] : memref<320000xi32, #tpu.memory_space<hbm>> -> memref<80xi32, #tpu.memory_space<hbm>>
          %dma_start3A_214 = arith.constant 0 : i32
          %dma_start3A_215 = tpu.memref_slice %arg6[%dma_start3A_209, %dma_start3A_214] : memref<4x80xi32, #tpu.memory_space<vmem>> -> memref<1x80xi32, #tpu.memory_space<vmem>>
          %dma_start3A_216 = tpu.memref_squeeze %dma_start3A_215 : memref<1x80xi32, #tpu.memory_space<vmem>> -> memref<80xi32, #tpu.memory_space<vmem>>
          %dma_start3A_217 = tpu.memref_slice %arg2[%add3A_208] : memref<320000xi32, #tpu.memory_space<hbm>> -> memref<80xi32, #tpu.memory_space<hbm>>
          tpu.enqueue_dma source(%dma_start3A_217 : memref<80xi32, #tpu.memory_space<hbm>>) target(%dma_start3A_216 : memref<80xi32, #tpu.memory_space<vmem>>) target_semaphore(%arg14 : memref<!tpu.dma_semaphore, #tpu.memory_space<semaphore_mem>>)
          %dma_start3A_218 = arith.constant 3 : i32
          %dma_start3A_219 = arith.constant 0 : i32
          %dma_start3A_220 = arith.constant 0 : i32
          %dma_start3A_221 = tpu.memref_slice %arg7[%dma_start3A_218, %dma_start3A_219, %dma_start3A_220] : memref<4x80x16xf32, #tpu.memory_space<vmem>> -> memref<1x80x16xf32, #tpu.memory_space<vmem>>
          %dma_start3A_222 = tpu.memref_squeeze %dma_start3A_221 : memref<1x80x16xf32, #tpu.memory_space<vmem>> -> memref<80x16xf32, #tpu.memory_space<vmem>>
          %dma_start3A_223 = arith.constant 0 : i32
          %dma_start3A_224 = tpu.memref_slice %arg3[%add3A_208, %dma_start3A_223] : memref<320000x16xf32, #tpu.memory_space<hbm>> -> memref<80x16xf32, #tpu.memory_space<hbm>>
          %dma_start3A_225 = arith.constant 0 : i32
          %dma_start3A_226 = arith.constant 0 : i32
          %dma_start3A_227 = tpu.memref_slice %arg7[%dma_start3A_218, %dma_start3A_225, %dma_start3A_226] : memref<4x80x16xf32, #tpu.memory_space<vmem>> -> memref<1x80x16xf32, #tpu.memory_space<vmem>>
          %dma_start3A_228 = tpu.memref_squeeze %dma_start3A_227 : memref<1x80x16xf32, #tpu.memory_space<vmem>> -> memref<80x16xf32, #tpu.memory_space<vmem>>
          %dma_start3A_229 = arith.constant 0 : i32
          %dma_start3A_230 = tpu.memref_slice %arg3[%add3A_208, %dma_start3A_229] : memref<320000x16xf32, #tpu.memory_space<hbm>> -> memref<80x16xf32, #tpu.memory_space<hbm>>
          tpu.enqueue_dma source(%dma_start3A_230 : memref<80x16xf32, #tpu.memory_space<hbm>>) target(%dma_start3A_228 : memref<80x16xf32, #tpu.memory_space<vmem>>) target_semaphore(%arg14 : memref<!tpu.dma_semaphore, #tpu.memory_space<semaphore_mem>>)
        } else {
        }
      } else {
      }
      %rem3A_133 = arith.constant 4 : i32
      %rem3A_134 = arith.remsi %scan3A_122, %rem3A_133 : i32
      %eq3A_135 = arith.constant 2 : i32
      %eq3A_136 = arith.cmpi eq, %rem3A_134, %eq3A_135 : i32
      %convert_element_type3A_137 = arith.extui %eq3A_136 : i1 to i32
      %cond3A_138 = arith.constant 0 : i32
      %cond3A_139 = arith.cmpi ne, %convert_element_type3A_137, %cond3A_138 : i32
      scf.if %cond3A_139 {
        %dma_wait3A_147 = arith.constant 2 : i32
        %dma_wait3A_148 = arith.constant 0 : i32
        %dma_wait3A_149 = tpu.memref_slice %arg6[%dma_wait3A_147, %dma_wait3A_148] : memref<4x80xi32, #tpu.memory_space<vmem>> -> memref<1x80xi32, #tpu.memory_space<vmem>>
        %dma_wait3A_150 = tpu.memref_squeeze %dma_wait3A_149 : memref<1x80xi32, #tpu.memory_space<vmem>> -> memref<80xi32, #tpu.memory_space<vmem>>
        %dma_wait3A_151 = arith.constant 0 : i32
        %dma_wait3A_152 = tpu.memref_slice %arg2[%dma_wait3A_151] : memref<320000xi32, #tpu.memory_space<hbm>> -> memref<80xi32, #tpu.memory_space<hbm>>
        %dma_wait3A_153 = arith.constant 0 : i32
        %dma_wait3A_154 = tpu.memref_slice %arg6[%dma_wait3A_147, %dma_wait3A_153] : memref<4x80xi32, #tpu.memory_space<vmem>> -> memref<1x80xi32, #tpu.memory_space<vmem>>
        %dma_wait3A_155 = tpu.memref_squeeze %dma_wait3A_154 : memref<1x80xi32, #tpu.memory_space<vmem>> -> memref<80xi32, #tpu.memory_space<vmem>>
        %dma_wait3A_156 = arith.constant 0 : i32
        %dma_wait3A_157 = tpu.memref_slice %arg2[%dma_wait3A_156] : memref<320000xi32, #tpu.memory_space<hbm>> -> memref<80xi32, #tpu.memory_space<hbm>>
        tpu.wait_dma2 semaphore(%arg13 : memref<!tpu.dma_semaphore, #tpu.memory_space<semaphore_mem>>) src(%dma_wait3A_157 : memref<80xi32, #tpu.memory_space<hbm>>) dst(%dma_wait3A_155 : memref<80xi32, #tpu.memory_space<vmem>>)
        %dma_wait3A_158 = arith.constant 2 : i32
        %dma_wait3A_159 = arith.constant 0 : i32
        %dma_wait3A_160 = arith.constant 0 : i32
        %dma_wait3A_161 = tpu.memref_slice %arg7[%dma_wait3A_158, %dma_wait3A_159, %dma_wait3A_160] : memref<4x80x16xf32, #tpu.memory_space<vmem>> -> memref<1x80x16xf32, #tpu.memory_space<vmem>>
        %dma_wait3A_162 = tpu.memref_squeeze %dma_wait3A_161 : memref<1x80x16xf32, #tpu.memory_space<vmem>> -> memref<80x16xf32, #tpu.memory_space<vmem>>
        %dma_wait3A_163 = arith.constant 0 : i32
        %dma_wait3A_164 = arith.constant 0 : i32
        %dma_wait3A_165 = tpu.memref_slice %arg3[%dma_wait3A_163, %dma_wait3A_164] : memref<320000x16xf32, #tpu.memory_space<hbm>> -> memref<80x16xf32, #tpu.memory_space<hbm>>
        %dma_wait3A_166 = arith.constant 0 : i32
        %dma_wait3A_167 = arith.constant 0 : i32
        %dma_wait3A_168 = tpu.memref_slice %arg7[%dma_wait3A_158, %dma_wait3A_166, %dma_wait3A_167] : memref<4x80x16xf32, #tpu.memory_space<vmem>> -> memref<1x80x16xf32, #tpu.memory_space<vmem>>
        %dma_wait3A_169 = tpu.memref_squeeze %dma_wait3A_168 : memref<1x80x16xf32, #tpu.memory_space<vmem>> -> memref<80x16xf32, #tpu.memory_space<vmem>>
        %dma_wait3A_170 = arith.constant 0 : i32
        %dma_wait3A_171 = arith.constant 0 : i32
        %dma_wait3A_172 = tpu.memref_slice %arg3[%dma_wait3A_170, %dma_wait3A_171] : memref<320000x16xf32, #tpu.memory_space<hbm>> -> memref<80x16xf32, #tpu.memory_space<hbm>>
        tpu.wait_dma2 semaphore(%arg13 : memref<!tpu.dma_semaphore, #tpu.memory_space<semaphore_mem>>) src(%dma_wait3A_172 : memref<80x16xf32, #tpu.memory_space<hbm>>) dst(%dma_wait3A_169 : memref<80x16xf32, #tpu.memory_space<vmem>>)
        %dma_start3A_173 = arith.constant 2 : i32
        %dma_start3A_174 = arith.constant 2 : i32
        %dma_start3A_175 = arith.constant 0 : i32
        %dma_start3A_176 = arith.constant 0 : i32
        %dma_start3A_177 = tpu.memref_slice %arg7[%dma_start3A_173, %dma_start3A_175, %dma_start3A_176] : memref<4x80x16xf32, #tpu.memory_space<vmem>> -> memref<1x80x16xf32, #tpu.memory_space<vmem>>
        %dma_start3A_178 = tpu.memref_squeeze %dma_start3A_177 : memref<1x80x16xf32, #tpu.memory_space<vmem>> -> memref<80x16xf32, #tpu.memory_space<vmem>>
        %dma_start3A_179 = arith.constant 0 : i32
        %dma_start3A_180 = tpu.memref_slice %arg6[%dma_start3A_174, %dma_start3A_179] : memref<4x80xi32, #tpu.memory_space<vmem>> -> memref<1x80xi32, #tpu.memory_space<vmem>>
        %dma_start3A_181 = tpu.memref_squeeze %dma_start3A_180 : memref<1x80xi32, #tpu.memory_space<vmem>> -> memref<80xi32, #tpu.memory_space<vmem>>
        %dma_start3A_182 = arith.constant 0 : i32
        %dma_start3A_183 = arith.constant 0 : i32
        %dma_start3A_184 = tpu.memref_slice %arg9[%dma_start3A_182, %dma_start3A_183] : memref<10000x16xf32, #tpu.memory_space<vmem_shared>> -> memref<10000x16xf32, #tpu.memory_space<vmem_shared>>
        tpu.enqueue_indirect_dma source(%dma_start3A_178 : memref<80x16xf32, #tpu.memory_space<vmem>>) target(%dma_start3A_184 : memref<10000x16xf32, #tpu.memory_space<vmem_shared>>) offsets(%dma_start3A_181 : memref<80xi32, #tpu.memory_space<vmem>>) semaphore(%arg17 : memref<!tpu.dma_semaphore, #tpu.memory_space<semaphore_mem>>) {add = true}
        %dma_start3A_185 = arith.constant 2 : i32
        %dma_start3A_186 = arith.constant 0 : i32
        %dma_start3A_187 = tpu.memref_slice %arg6[%dma_start3A_185, %dma_start3A_186] : memref<4x80xi32, #tpu.memory_space<vmem>> -> memref<1x80xi32, #tpu.memory_space<vmem>>
        %dma_start3A_188 = tpu.memref_squeeze %dma_start3A_187 : memref<1x80xi32, #tpu.memory_space<vmem>> -> memref<80xi32, #tpu.memory_space<vmem>>
        %dma_start3A_189 = arith.constant 0 : i32
        %dma_start3A_190 = arith.constant 0 : i32
        %dma_start3A_191 = tpu.memref_slice %arg10[%dma_start3A_189, %dma_start3A_190] : memref<10000x16xf32, #tpu.memory_space<vmem_shared>> -> memref<10000x16xf32, #tpu.memory_space<vmem_shared>>
        tpu.enqueue_indirect_dma source(%arg8 : memref<80x16xf32, #tpu.memory_space<vmem>>) target(%dma_start3A_191 : memref<10000x16xf32, #tpu.memory_space<vmem_shared>>) offsets(%dma_start3A_188 : memref<80xi32, #tpu.memory_space<vmem>>) semaphore(%arg17 : memref<!tpu.dma_semaphore, #tpu.memory_space<semaphore_mem>>) {add = true}
        %add3A_192 = arith.constant 2 : i32
        %add3A_193 = arith.addi %scan3A_122, %add3A_192 : i32
        %lt3A = arith.constant 125 : i32
        %lt3A_194 = arith.cmpi slt, %add3A_193, %lt3A : i32
        %convert_element_type3A_195 = arith.extui %lt3A_194 : i1 to i32
        %cond3A_196 = arith.constant 0 : i32
        %cond3A_197 = arith.cmpi ne, %convert_element_type3A_195, %cond3A_196 : i32
        scf.if %cond3A_197 {
          %ge3A = arith.constant 2 : i32
          %ge3A_198 = arith.cmpi sge, %scan3A_122, %ge3A : i32
          %convert_element_type3A_199 = arith.extui %ge3A_198 : i1 to i32
          %cond3A_200 = arith.constant 0 : i32
          %cond3A_201 = arith.cmpi ne, %convert_element_type3A_199, %cond3A_200 : i32
          scf.if %cond3A_201 {
            %dma_wait3A_231 = arith.constant 0 : i32
            %dma_wait3A_232 = arith.constant 0 : i32
            %dma_wait3A_233 = arith.constant 0 : i32
            %dma_wait3A_234 = arith.constant 0 : i32
            %dma_wait3A_235 = tpu.memref_slice %arg7[%dma_wait3A_231, %dma_wait3A_233, %dma_wait3A_234] : memref<4x80x16xf32, #tpu.memory_space<vmem>> -> memref<1x80x16xf32, #tpu.memory_space<vmem>>
            %dma_wait3A_236 = tpu.memref_squeeze %dma_wait3A_235 : memref<1x80x16xf32, #tpu.memory_space<vmem>> -> memref<80x16xf32, #tpu.memory_space<vmem>>
            %dma_wait3A_237 = arith.constant 0 : i32
            %dma_wait3A_238 = tpu.memref_slice %arg6[%dma_wait3A_232, %dma_wait3A_237] : memref<4x80xi32, #tpu.memory_space<vmem>> -> memref<1x80xi32, #tpu.memory_space<vmem>>
            %dma_wait3A_239 = tpu.memref_squeeze %dma_wait3A_238 : memref<1x80xi32, #tpu.memory_space<vmem>> -> memref<80xi32, #tpu.memory_space<vmem>>
            %dma_wait3A_240 = arith.constant 0 : i32
            %dma_wait3A_241 = arith.constant 0 : i32
            %dma_wait3A_242 = tpu.memref_slice %arg9[%dma_wait3A_240, %dma_wait3A_241] : memref<10000x16xf32, #tpu.memory_space<vmem_shared>> -> memref<10000x16xf32, #tpu.memory_space<vmem_shared>>
            tpu.wait_indirect_dma semaphore(%arg15 : memref<!tpu.dma_semaphore, #tpu.memory_space<semaphore_mem>>) src(%dma_wait3A_236 : memref<80x16xf32, #tpu.memory_space<vmem>>) dst(%dma_wait3A_242 : memref<10000x16xf32, #tpu.memory_space<vmem_shared>>)
            %dma_wait3A_243 = arith.constant 0 : i32
            %dma_wait3A_244 = arith.constant 0 : i32
            %dma_wait3A_245 = tpu.memref_slice %arg6[%dma_wait3A_243, %dma_wait3A_244] : memref<4x80xi32, #tpu.memory_space<vmem>> -> memref<1x80xi32, #tpu.memory_space<vmem>>
            %dma_wait3A_246 = tpu.memref_squeeze %dma_wait3A_245 : memref<1x80xi32, #tpu.memory_space<vmem>> -> memref<80xi32, #tpu.memory_space<vmem>>
            %dma_wait3A_247 = arith.constant 0 : i32
            %dma_wait3A_248 = arith.constant 0 : i32
            %dma_wait3A_249 = tpu.memref_slice %arg10[%dma_wait3A_247, %dma_wait3A_248] : memref<10000x16xf32, #tpu.memory_space<vmem_shared>> -> memref<10000x16xf32, #tpu.memory_space<vmem_shared>>
            tpu.wait_indirect_dma semaphore(%arg15 : memref<!tpu.dma_semaphore, #tpu.memory_space<semaphore_mem>>) src(%arg8 : memref<80x16xf32, #tpu.memory_space<vmem>>) dst(%dma_wait3A_249 : memref<10000x16xf32, #tpu.memory_space<vmem_shared>>)
          } else {
          }
          %add3A_202 = arith.constant 2 : i32
          %add3A_203 = arith.addi %scan3A_122, %add3A_202 : i32
          %mul3A_204 = arith.constant 10000 : i32
          %mul3A_205 = arith.muli %add3A, %mul3A_204 : i32
          %mul3A_206 = arith.constant 80 : i32
          %mul3A_207 = arith.muli %add3A_203, %mul3A_206 : i32
          %add3A_208 = arith.addi %mul3A_205, %mul3A_207 : i32
          %dma_start3A_209 = arith.constant 0 : i32
          %dma_start3A_210 = arith.constant 0 : i32
          %dma_start3A_211 = tpu.memref_slice %arg6[%dma_start3A_209, %dma_start3A_210] : memref<4x80xi32, #tpu.memory_space<vmem>> -> memref<1x80xi32, #tpu.memory_space<vmem>>
          %dma_start3A_212 = tpu.memref_squeeze %dma_start3A_211 : memref<1x80xi32, #tpu.memory_space<vmem>> -> memref<80xi32, #tpu.memory_space<vmem>>
          %dma_start3A_213 = tpu.memref_slice %arg2[%add3A_208] : memref<320000xi32, #tpu.memory_space<hbm>> -> memref<80xi32, #tpu.memory_space<hbm>>
          %dma_start3A_214 = arith.constant 0 : i32
          %dma_start3A_215 = tpu.memref_slice %arg6[%dma_start3A_209, %dma_start3A_214] : memref<4x80xi32, #tpu.memory_space<vmem>> -> memref<1x80xi32, #tpu.memory_space<vmem>>
          %dma_start3A_216 = tpu.memref_squeeze %dma_start3A_215 : memref<1x80xi32, #tpu.memory_space<vmem>> -> memref<80xi32, #tpu.memory_space<vmem>>
          %dma_start3A_217 = tpu.memref_slice %arg2[%add3A_208] : memref<320000xi32, #tpu.memory_space<hbm>> -> memref<80xi32, #tpu.memory_space<hbm>>
          tpu.enqueue_dma source(%dma_start3A_217 : memref<80xi32, #tpu.memory_space<hbm>>) target(%dma_start3A_216 : memref<80xi32, #tpu.memory_space<vmem>>) target_semaphore(%arg11 : memref<!tpu.dma_semaphore, #tpu.memory_space<semaphore_mem>>)
          %dma_start3A_218 = arith.constant 0 : i32
          %dma_start3A_219 = arith.constant 0 : i32
          %dma_start3A_220 = arith.constant 0 : i32
          %dma_start3A_221 = tpu.memref_slice %arg7[%dma_start3A_218, %dma_start3A_219, %dma_start3A_220] : memref<4x80x16xf32, #tpu.memory_space<vmem>> -> memref<1x80x16xf32, #tpu.memory_space<vmem>>
          %dma_start3A_222 = tpu.memref_squeeze %dma_start3A_221 : memref<1x80x16xf32, #tpu.memory_space<vmem>> -> memref<80x16xf32, #tpu.memory_space<vmem>>
          %dma_start3A_223 = arith.constant 0 : i32
          %dma_start3A_224 = tpu.memref_slice %arg3[%add3A_208, %dma_start3A_223] : memref<320000x16xf32, #tpu.memory_space<hbm>> -> memref<80x16xf32, #tpu.memory_space<hbm>>
          %dma_start3A_225 = arith.constant 0 : i32
          %dma_start3A_226 = arith.constant 0 : i32
          %dma_start3A_227 = tpu.memref_slice %arg7[%dma_start3A_218, %dma_start3A_225, %dma_start3A_226] : memref<4x80x16xf32, #tpu.memory_space<vmem>> -> memref<1x80x16xf32, #tpu.memory_space<vmem>>
          %dma_start3A_228 = tpu.memref_squeeze %dma_start3A_227 : memref<1x80x16xf32, #tpu.memory_space<vmem>> -> memref<80x16xf32, #tpu.memory_space<vmem>>
          %dma_start3A_229 = arith.constant 0 : i32
          %dma_start3A_230 = tpu.memref_slice %arg3[%add3A_208, %dma_start3A_229] : memref<320000x16xf32, #tpu.memory_space<hbm>> -> memref<80x16xf32, #tpu.memory_space<hbm>>
          tpu.enqueue_dma source(%dma_start3A_230 : memref<80x16xf32, #tpu.memory_space<hbm>>) target(%dma_start3A_228 : memref<80x16xf32, #tpu.memory_space<vmem>>) target_semaphore(%arg11 : memref<!tpu.dma_semaphore, #tpu.memory_space<semaphore_mem>>)
        } else {
        }
      } else {
      }
      %rem3A_140 = arith.constant 4 : i32
      %rem3A_141 = arith.remsi %scan3A_122, %rem3A_140 : i32
      %eq3A_142 = arith.constant 3 : i32
      %eq3A_143 = arith.cmpi eq, %rem3A_141, %eq3A_142 : i32
      %convert_element_type3A_144 = arith.extui %eq3A_143 : i1 to i32
      %cond3A_145 = arith.constant 0 : i32
      %cond3A_146 = arith.cmpi ne, %convert_element_type3A_144, %cond3A_145 : i32
      scf.if %cond3A_146 {
        %dma_wait3A_147 = arith.constant 3 : i32
        %dma_wait3A_148 = arith.constant 0 : i32
        %dma_wait3A_149 = tpu.memref_slice %arg6[%dma_wait3A_147, %dma_wait3A_148] : memref<4x80xi32, #tpu.memory_space<vmem>> -> memref<1x80xi32, #tpu.memory_space<vmem>>
        %dma_wait3A_150 = tpu.memref_squeeze %dma_wait3A_149 : memref<1x80xi32, #tpu.memory_space<vmem>> -> memref<80xi32, #tpu.memory_space<vmem>>
        %dma_wait3A_151 = arith.constant 0 : i32
        %dma_wait3A_152 = tpu.memref_slice %arg2[%dma_wait3A_151] : memref<320000xi32, #tpu.memory_space<hbm>> -> memref<80xi32, #tpu.memory_space<hbm>>
        %dma_wait3A_153 = arith.constant 0 : i32
        %dma_wait3A_154 = tpu.memref_slice %arg6[%dma_wait3A_147, %dma_wait3A_153] : memref<4x80xi32, #tpu.memory_space<vmem>> -> memref<1x80xi32, #tpu.memory_space<vmem>>
        %dma_wait3A_155 = tpu.memref_squeeze %dma_wait3A_154 : memref<1x80xi32, #tpu.memory_space<vmem>> -> memref<80xi32, #tpu.memory_space<vmem>>
        %dma_wait3A_156 = arith.constant 0 : i32
        %dma_wait3A_157 = tpu.memref_slice %arg2[%dma_wait3A_156] : memref<320000xi32, #tpu.memory_space<hbm>> -> memref<80xi32, #tpu.memory_space<hbm>>
        tpu.wait_dma2 semaphore(%arg14 : memref<!tpu.dma_semaphore, #tpu.memory_space<semaphore_mem>>) src(%dma_wait3A_157 : memref<80xi32, #tpu.memory_space<hbm>>) dst(%dma_wait3A_155 : memref<80xi32, #tpu.memory_space<vmem>>)
        %dma_wait3A_158 = arith.constant 3 : i32
        %dma_wait3A_159 = arith.constant 0 : i32
        %dma_wait3A_160 = arith.constant 0 : i32
        %dma_wait3A_161 = tpu.memref_slice %arg7[%dma_wait3A_158, %dma_wait3A_159, %dma_wait3A_160] : memref<4x80x16xf32, #tpu.memory_space<vmem>> -> memref<1x80x16xf32, #tpu.memory_space<vmem>>
        %dma_wait3A_162 = tpu.memref_squeeze %dma_wait3A_161 : memref<1x80x16xf32, #tpu.memory_space<vmem>> -> memref<80x16xf32, #tpu.memory_space<vmem>>
        %dma_wait3A_163 = arith.constant 0 : i32
        %dma_wait3A_164 = arith.constant 0 : i32
        %dma_wait3A_165 = tpu.memref_slice %arg3[%dma_wait3A_163, %dma_wait3A_164] : memref<320000x16xf32, #tpu.memory_space<hbm>> -> memref<80x16xf32, #tpu.memory_space<hbm>>
        %dma_wait3A_166 = arith.constant 0 : i32
        %dma_wait3A_167 = arith.constant 0 : i32
        %dma_wait3A_168 = tpu.memref_slice %arg7[%dma_wait3A_158, %dma_wait3A_166, %dma_wait3A_167] : memref<4x80x16xf32, #tpu.memory_space<vmem>> -> memref<1x80x16xf32, #tpu.memory_space<vmem>>
        %dma_wait3A_169 = tpu.memref_squeeze %dma_wait3A_168 : memref<1x80x16xf32, #tpu.memory_space<vmem>> -> memref<80x16xf32, #tpu.memory_space<vmem>>
        %dma_wait3A_170 = arith.constant 0 : i32
        %dma_wait3A_171 = arith.constant 0 : i32
        %dma_wait3A_172 = tpu.memref_slice %arg3[%dma_wait3A_170, %dma_wait3A_171] : memref<320000x16xf32, #tpu.memory_space<hbm>> -> memref<80x16xf32, #tpu.memory_space<hbm>>
        tpu.wait_dma2 semaphore(%arg14 : memref<!tpu.dma_semaphore, #tpu.memory_space<semaphore_mem>>) src(%dma_wait3A_172 : memref<80x16xf32, #tpu.memory_space<hbm>>) dst(%dma_wait3A_169 : memref<80x16xf32, #tpu.memory_space<vmem>>)
        %dma_start3A_173 = arith.constant 3 : i32
        %dma_start3A_174 = arith.constant 3 : i32
        %dma_start3A_175 = arith.constant 0 : i32
        %dma_start3A_176 = arith.constant 0 : i32
        %dma_start3A_177 = tpu.memref_slice %arg7[%dma_start3A_173, %dma_start3A_175, %dma_start3A_176] : memref<4x80x16xf32, #tpu.memory_space<vmem>> -> memref<1x80x16xf32, #tpu.memory_space<vmem>>
        %dma_start3A_178 = tpu.memref_squeeze %dma_start3A_177 : memref<1x80x16xf32, #tpu.memory_space<vmem>> -> memref<80x16xf32, #tpu.memory_space<vmem>>
        %dma_start3A_179 = arith.constant 0 : i32
        %dma_start3A_180 = tpu.memref_slice %arg6[%dma_start3A_174, %dma_start3A_179] : memref<4x80xi32, #tpu.memory_space<vmem>> -> memref<1x80xi32, #tpu.memory_space<vmem>>
        %dma_start3A_181 = tpu.memref_squeeze %dma_start3A_180 : memref<1x80xi32, #tpu.memory_space<vmem>> -> memref<80xi32, #tpu.memory_space<vmem>>
        %dma_start3A_182 = arith.constant 0 : i32
        %dma_start3A_183 = arith.constant 0 : i32
        %dma_start3A_184 = tpu.memref_slice %arg9[%dma_start3A_182, %dma_start3A_183] : memref<10000x16xf32, #tpu.memory_space<vmem_shared>> -> memref<10000x16xf32, #tpu.memory_space<vmem_shared>>
        tpu.enqueue_indirect_dma source(%dma_start3A_178 : memref<80x16xf32, #tpu.memory_space<vmem>>) target(%dma_start3A_184 : memref<10000x16xf32, #tpu.memory_space<vmem_shared>>) offsets(%dma_start3A_181 : memref<80xi32, #tpu.memory_space<vmem>>) semaphore(%arg18 : memref<!tpu.dma_semaphore, #tpu.memory_space<semaphore_mem>>) {add = true}
        %dma_start3A_185 = arith.constant 3 : i32
        %dma_start3A_186 = arith.constant 0 : i32
        %dma_start3A_187 = tpu.memref_slice %arg6[%dma_start3A_185, %dma_start3A_186] : memref<4x80xi32, #tpu.memory_space<vmem>> -> memref<1x80xi32, #tpu.memory_space<vmem>>
        %dma_start3A_188 = tpu.memref_squeeze %dma_start3A_187 : memref<1x80xi32, #tpu.memory_space<vmem>> -> memref<80xi32, #tpu.memory_space<vmem>>
        %dma_start3A_189 = arith.constant 0 : i32
        %dma_start3A_190 = arith.constant 0 : i32
        %dma_start3A_191 = tpu.memref_slice %arg10[%dma_start3A_189, %dma_start3A_190] : memref<10000x16xf32, #tpu.memory_space<vmem_shared>> -> memref<10000x16xf32, #tpu.memory_space<vmem_shared>>
        tpu.enqueue_indirect_dma source(%arg8 : memref<80x16xf32, #tpu.memory_space<vmem>>) target(%dma_start3A_191 : memref<10000x16xf32, #tpu.memory_space<vmem_shared>>) offsets(%dma_start3A_188 : memref<80xi32, #tpu.memory_space<vmem>>) semaphore(%arg18 : memref<!tpu.dma_semaphore, #tpu.memory_space<semaphore_mem>>) {add = true}
        %add3A_192 = arith.constant 2 : i32
        %add3A_193 = arith.addi %scan3A_122, %add3A_192 : i32
        %lt3A = arith.constant 125 : i32
        %lt3A_194 = arith.cmpi slt, %add3A_193, %lt3A : i32
        %convert_element_type3A_195 = arith.extui %lt3A_194 : i1 to i32
        %cond3A_196 = arith.constant 0 : i32
        %cond3A_197 = arith.cmpi ne, %convert_element_type3A_195, %cond3A_196 : i32
        scf.if %cond3A_197 {
          %ge3A = arith.constant 2 : i32
          %ge3A_198 = arith.cmpi sge, %scan3A_122, %ge3A : i32
          %convert_element_type3A_199 = arith.extui %ge3A_198 : i1 to i32
          %cond3A_200 = arith.constant 0 : i32
          %cond3A_201 = arith.cmpi ne, %convert_element_type3A_199, %cond3A_200 : i32
          scf.if %cond3A_201 {
            %dma_wait3A_231 = arith.constant 1 : i32
            %dma_wait3A_232 = arith.constant 1 : i32
            %dma_wait3A_233 = arith.constant 0 : i32
            %dma_wait3A_234 = arith.constant 0 : i32
            %dma_wait3A_235 = tpu.memref_slice %arg7[%dma_wait3A_231, %dma_wait3A_233, %dma_wait3A_234] : memref<4x80x16xf32, #tpu.memory_space<vmem>> -> memref<1x80x16xf32, #tpu.memory_space<vmem>>
            %dma_wait3A_236 = tpu.memref_squeeze %dma_wait3A_235 : memref<1x80x16xf32, #tpu.memory_space<vmem>> -> memref<80x16xf32, #tpu.memory_space<vmem>>
            %dma_wait3A_237 = arith.constant 0 : i32
            %dma_wait3A_238 = tpu.memref_slice %arg6[%dma_wait3A_232, %dma_wait3A_237] : memref<4x80xi32, #tpu.memory_space<vmem>> -> memref<1x80xi32, #tpu.memory_space<vmem>>
            %dma_wait3A_239 = tpu.memref_squeeze %dma_wait3A_238 : memref<1x80xi32, #tpu.memory_space<vmem>> -> memref<80xi32, #tpu.memory_space<vmem>>
            %dma_wait3A_240 = arith.constant 0 : i32
            %dma_wait3A_241 = arith.constant 0 : i32
            %dma_wait3A_242 = tpu.memref_slice %arg9[%dma_wait3A_240, %dma_wait3A_241] : memref<10000x16xf32, #tpu.memory_space<vmem_shared>> -> memref<10000x16xf32, #tpu.memory_space<vmem_shared>>
            tpu.wait_indirect_dma semaphore(%arg16 : memref<!tpu.dma_semaphore, #tpu.memory_space<semaphore_mem>>) src(%dma_wait3A_236 : memref<80x16xf32, #tpu.memory_space<vmem>>) dst(%dma_wait3A_242 : memref<10000x16xf32, #tpu.memory_space<vmem_shared>>)
            %dma_wait3A_243 = arith.constant 1 : i32
            %dma_wait3A_244 = arith.constant 0 : i32
            %dma_wait3A_245 = tpu.memref_slice %arg6[%dma_wait3A_243, %dma_wait3A_244] : memref<4x80xi32, #tpu.memory_space<vmem>> -> memref<1x80xi32, #tpu.memory_space<vmem>>
            %dma_wait3A_246 = tpu.memref_squeeze %dma_wait3A_245 : memref<1x80xi32, #tpu.memory_space<vmem>> -> memref<80xi32, #tpu.memory_space<vmem>>
            %dma_wait3A_247 = arith.constant 0 : i32
            %dma_wait3A_248 = arith.constant 0 : i32
            %dma_wait3A_249 = tpu.memref_slice %arg10[%dma_wait3A_247, %dma_wait3A_248] : memref<10000x16xf32, #tpu.memory_space<vmem_shared>> -> memref<10000x16xf32, #tpu.memory_space<vmem_shared>>
            tpu.wait_indirect_dma semaphore(%arg16 : memref<!tpu.dma_semaphore, #tpu.memory_space<semaphore_mem>>) src(%arg8 : memref<80x16xf32, #tpu.memory_space<vmem>>) dst(%dma_wait3A_249 : memref<10000x16xf32, #tpu.memory_space<vmem_shared>>)
          } else {
          }
          %add3A_202 = arith.constant 2 : i32
          %add3A_203 = arith.addi %scan3A_122, %add3A_202 : i32
          %mul3A_204 = arith.constant 10000 : i32
          %mul3A_205 = arith.muli %add3A, %mul3A_204 : i32
          %mul3A_206 = arith.constant 80 : i32
          %mul3A_207 = arith.muli %add3A_203, %mul3A_206 : i32
          %add3A_208 = arith.addi %mul3A_205, %mul3A_207 : i32
          %dma_start3A_209 = arith.constant 1 : i32
          %dma_start3A_210 = arith.constant 0 : i32
          %dma_start3A_211 = tpu.memref_slice %arg6[%dma_start3A_209, %dma_start3A_210] : memref<4x80xi32, #tpu.memory_space<vmem>> -> memref<1x80xi32, #tpu.memory_space<vmem>>
          %dma_start3A_212 = tpu.memref_squeeze %dma_start3A_211 : memref<1x80xi32, #tpu.memory_space<vmem>> -> memref<80xi32, #tpu.memory_space<vmem>>
          %dma_start3A_213 = tpu.memref_slice %arg2[%add3A_208] : memref<320000xi32, #tpu.memory_space<hbm>> -> memref<80xi32, #tpu.memory_space<hbm>>
          %dma_start3A_214 = arith.constant 0 : i32
          %dma_start3A_215 = tpu.memref_slice %arg6[%dma_start3A_209, %dma_start3A_214] : memref<4x80xi32, #tpu.memory_space<vmem>> -> memref<1x80xi32, #tpu.memory_space<vmem>>
          %dma_start3A_216 = tpu.memref_squeeze %dma_start3A_215 : memref<1x80xi32, #tpu.memory_space<vmem>> -> memref<80xi32, #tpu.memory_space<vmem>>
          %dma_start3A_217 = tpu.memref_slice %arg2[%add3A_208] : memref<320000xi32, #tpu.memory_space<hbm>> -> memref<80xi32, #tpu.memory_space<hbm>>
          tpu.enqueue_dma source(%dma_start3A_217 : memref<80xi32, #tpu.memory_space<hbm>>) target(%dma_start3A_216 : memref<80xi32, #tpu.memory_space<vmem>>) target_semaphore(%arg12 : memref<!tpu.dma_semaphore, #tpu.memory_space<semaphore_mem>>)
          %dma_start3A_218 = arith.constant 1 : i32
          %dma_start3A_219 = arith.constant 0 : i32
          %dma_start3A_220 = arith.constant 0 : i32
          %dma_start3A_221 = tpu.memref_slice %arg7[%dma_start3A_218, %dma_start3A_219, %dma_start3A_220] : memref<4x80x16xf32, #tpu.memory_space<vmem>> -> memref<1x80x16xf32, #tpu.memory_space<vmem>>
          %dma_start3A_222 = tpu.memref_squeeze %dma_start3A_221 : memref<1x80x16xf32, #tpu.memory_space<vmem>> -> memref<80x16xf32, #tpu.memory_space<vmem>>
          %dma_start3A_223 = arith.constant 0 : i32
          %dma_start3A_224 = tpu.memref_slice %arg3[%add3A_208, %dma_start3A_223] : memref<320000x16xf32, #tpu.memory_space<hbm>> -> memref<80x16xf32, #tpu.memory_space<hbm>>
          %dma_start3A_225 = arith.constant 0 : i32
          %dma_start3A_226 = arith.constant 0 : i32
          %dma_start3A_227 = tpu.memref_slice %arg7[%dma_start3A_218, %dma_start3A_225, %dma_start3A_226] : memref<4x80x16xf32, #tpu.memory_space<vmem>> -> memref<1x80x16xf32, #tpu.memory_space<vmem>>
          %dma_start3A_228 = tpu.memref_squeeze %dma_start3A_227 : memref<1x80x16xf32, #tpu.memory_space<vmem>> -> memref<80x16xf32, #tpu.memory_space<vmem>>
          %dma_start3A_229 = arith.constant 0 : i32
          %dma_start3A_230 = tpu.memref_slice %arg3[%add3A_208, %dma_start3A_229] : memref<320000x16xf32, #tpu.memory_space<hbm>> -> memref<80x16xf32, #tpu.memory_space<hbm>>
          tpu.enqueue_dma source(%dma_start3A_230 : memref<80x16xf32, #tpu.memory_space<hbm>>) target(%dma_start3A_228 : memref<80x16xf32, #tpu.memory_space<vmem>>) target_semaphore(%arg12 : memref<!tpu.dma_semaphore, #tpu.memory_space<semaphore_mem>>)
        } else {
        }
      } else {
      }
    }
    %scan3A_77 = arith.constant 125 : i32
    %dma_wait3A = arith.constant 3 : i32
    %dma_wait3A_78 = arith.constant 3 : i32
    %dma_wait3A_79 = arith.constant 0 : i32
    %dma_wait3A_80 = arith.constant 0 : i32
    %dma_wait3A_81 = tpu.memref_slice %arg7[%dma_wait3A, %dma_wait3A_79, %dma_wait3A_80] : memref<4x80x16xf32, #tpu.memory_space<vmem>> -> memref<1x80x16xf32, #tpu.memory_space<vmem>>
    %dma_wait3A_82 = tpu.memref_squeeze %dma_wait3A_81 : memref<1x80x16xf32, #tpu.memory_space<vmem>> -> memref<80x16xf32, #tpu.memory_space<vmem>>
    %dma_wait3A_83 = arith.constant 0 : i32
    %dma_wait3A_84 = tpu.memref_slice %arg6[%dma_wait3A_78, %dma_wait3A_83] : memref<4x80xi32, #tpu.memory_space<vmem>> -> memref<1x80xi32, #tpu.memory_space<vmem>>
    %dma_wait3A_85 = tpu.memref_squeeze %dma_wait3A_84 : memref<1x80xi32, #tpu.memory_space<vmem>> -> memref<80xi32, #tpu.memory_space<vmem>>
    %dma_wait3A_86 = arith.constant 0 : i32
    %dma_wait3A_87 = arith.constant 0 : i32
    %dma_wait3A_88 = tpu.memref_slice %arg9[%dma_wait3A_86, %dma_wait3A_87] : memref<10000x16xf32, #tpu.memory_space<vmem_shared>> -> memref<10000x16xf32, #tpu.memory_space<vmem_shared>>
    tpu.wait_indirect_dma semaphore(%arg18 : memref<!tpu.dma_semaphore, #tpu.memory_space<semaphore_mem>>) src(%dma_wait3A_82 : memref<80x16xf32, #tpu.memory_space<vmem>>) dst(%dma_wait3A_88 : memref<10000x16xf32, #tpu.memory_space<vmem_shared>>)
    %dma_wait3A_89 = arith.constant 3 : i32
    %dma_wait3A_90 = arith.constant 0 : i32
    %dma_wait3A_91 = tpu.memref_slice %arg6[%dma_wait3A_89, %dma_wait3A_90] : memref<4x80xi32, #tpu.memory_space<vmem>> -> memref<1x80xi32, #tpu.memory_space<vmem>>
    %dma_wait3A_92 = tpu.memref_squeeze %dma_wait3A_91 : memref<1x80xi32, #tpu.memory_space<vmem>> -> memref<80xi32, #tpu.memory_space<vmem>>
    %dma_wait3A_93 = arith.constant 0 : i32
    %dma_wait3A_94 = arith.constant 0 : i32
    %dma_wait3A_95 = tpu.memref_slice %arg10[%dma_wait3A_93, %dma_wait3A_94] : memref<10000x16xf32, #tpu.memory_space<vmem_shared>> -> memref<10000x16xf32, #tpu.memory_space<vmem_shared>>
    tpu.wait_indirect_dma semaphore(%arg18 : memref<!tpu.dma_semaphore, #tpu.memory_space<semaphore_mem>>) src(%arg8 : memref<80x16xf32, #tpu.memory_space<vmem>>) dst(%dma_wait3A_95 : memref<10000x16xf32, #tpu.memory_space<vmem_shared>>)
    %dma_wait3A_96 = arith.constant 0 : i32
    %dma_wait3A_97 = arith.constant 0 : i32
    %dma_wait3A_98 = arith.constant 0 : i32
    %dma_wait3A_99 = arith.constant 0 : i32
    %dma_wait3A_100 = tpu.memref_slice %arg7[%dma_wait3A_96, %dma_wait3A_98, %dma_wait3A_99] : memref<4x80x16xf32, #tpu.memory_space<vmem>> -> memref<1x80x16xf32, #tpu.memory_space<vmem>>
    %dma_wait3A_101 = tpu.memref_squeeze %dma_wait3A_100 : memref<1x80x16xf32, #tpu.memory_space<vmem>> -> memref<80x16xf32, #tpu.memory_space<vmem>>
    %dma_wait3A_102 = arith.constant 0 : i32
    %dma_wait3A_103 = tpu.memref_slice %arg6[%dma_wait3A_97, %dma_wait3A_102] : memref<4x80xi32, #tpu.memory_space<vmem>> -> memref<1x80xi32, #tpu.memory_space<vmem>>
    %dma_wait3A_104 = tpu.memref_squeeze %dma_wait3A_103 : memref<1x80xi32, #tpu.memory_space<vmem>> -> memref<80xi32, #tpu.memory_space<vmem>>
    %dma_wait3A_105 = arith.constant 0 : i32
    %dma_wait3A_106 = arith.constant 0 : i32
    %dma_wait3A_107 = tpu.memref_slice %arg9[%dma_wait3A_105, %dma_wait3A_106] : memref<10000x16xf32, #tpu.memory_space<vmem_shared>> -> memref<10000x16xf32, #tpu.memory_space<vmem_shared>>
    tpu.wait_indirect_dma semaphore(%arg15 : memref<!tpu.dma_semaphore, #tpu.memory_space<semaphore_mem>>) src(%dma_wait3A_101 : memref<80x16xf32, #tpu.memory_space<vmem>>) dst(%dma_wait3A_107 : memref<10000x16xf32, #tpu.memory_space<vmem_shared>>)
    %dma_wait3A_108 = arith.constant 0 : i32
    %dma_wait3A_109 = arith.constant 0 : i32
    %dma_wait3A_110 = tpu.memref_slice %arg6[%dma_wait3A_108, %dma_wait3A_109] : memref<4x80xi32, #tpu.memory_space<vmem>> -> memref<1x80xi32, #tpu.memory_space<vmem>>
    %dma_wait3A_111 = tpu.memref_squeeze %dma_wait3A_110 : memref<1x80xi32, #tpu.memory_space<vmem>> -> memref<80xi32, #tpu.memory_space<vmem>>
    %dma_wait3A_112 = arith.constant 0 : i32
    %dma_wait3A_113 = arith.constant 0 : i32
    %dma_wait3A_114 = tpu.memref_slice %arg10[%dma_wait3A_112, %dma_wait3A_113] : memref<10000x16xf32, #tpu.memory_space<vmem_shared>> -> memref<10000x16xf32, #tpu.memory_space<vmem_shared>>
    tpu.wait_indirect_dma semaphore(%arg15 : memref<!tpu.dma_semaphore, #tpu.memory_space<semaphore_mem>>) src(%arg8 : memref<80x16xf32, #tpu.memory_space<vmem>>) dst(%dma_wait3A_114 : memref<10000x16xf32, #tpu.memory_space<vmem_shared>>)
    %barrier3A_115 = arith.constant 0 : index
    tpu.barrier barrier_id(%barrier3A_115)
    %scan3A_116 = arith.constant 0 : i32
    %scan3A_117 = arith.constant 0 : i32
    %scan3A_118 = arith.constant 8 : i32
    %scan3A_119 = arith.addi %scan3A_117, %scan3A_118 : i32
    %scan3A_120 = arith.constant 1 : i32
    scf.for %scan3A_122 = %scan3A_117 to %scan3A_119 step %scan3A_120  : i32 {
      %mul3A_123 = arith.constant 16 : i32
      %mul3A_124 = arith.muli %scan3A_122, %mul3A_123 : i32
      %add3A_125 = arith.addi %arg1, %mul3A_124 : i32
      %lt3A = arith.constant 125 : i32
      %lt3A_126 = arith.cmpi slt, %add3A_125, %lt3A : i32
      %convert_element_type3A = arith.extui %lt3A_126 : i1 to i32
      %cond3A = arith.constant 0 : i32
      %cond3A_127 = arith.cmpi ne, %convert_element_type3A, %cond3A : i32
      scf.if %cond3A_127 {
        %mul3A_128 = arith.constant 80 : i32
        %mul3A_129 = arith.muli %add3A_125, %mul3A_128 : i32
        "tpu.region"() ({
          %run_scoped3A = tpu.sem_alloc : memref<!tpu.dma_semaphore, #tpu.memory_space<semaphore_mem>>
          %dma_start3A_130 = arith.constant 0 : i32
          %dma_start3A_131 = tpu.memref_slice %arg4[%arg0, %mul3A_129, %dma_start3A_130] : memref<2x10000x16xf32, #tpu.memory_space<hbm>> -> memref<1x80x16xf32, #tpu.memory_space<hbm>>
          %dma_start3A_132 = tpu.memref_squeeze %dma_start3A_131 : memref<1x80x16xf32, #tpu.memory_space<hbm>> -> memref<80x16xf32, #tpu.memory_space<hbm>>
          %dma_start3A_133 = arith.constant 0 : i32
          %dma_start3A_134 = tpu.memref_slice %arg9[%mul3A_129, %dma_start3A_133] : memref<10000x16xf32, #tpu.memory_space<vmem_shared>> -> memref<80x16xf32, #tpu.memory_space<vmem_shared>>
          tpu.enqueue_dma source(%dma_start3A_134 : memref<80x16xf32, #tpu.memory_space<vmem_shared>>) target(%dma_start3A_132 : memref<80x16xf32, #tpu.memory_space<hbm>>) target_semaphore(%run_scoped3A : memref<!tpu.dma_semaphore, #tpu.memory_space<semaphore_mem>>)
          %dma_wait3A_135 = arith.constant 0 : i32
          %dma_wait3A_136 = tpu.memref_slice %arg4[%arg0, %mul3A_129, %dma_wait3A_135] : memref<2x10000x16xf32, #tpu.memory_space<hbm>> -> memref<1x80x16xf32, #tpu.memory_space<hbm>>
          %dma_wait3A_137 = tpu.memref_squeeze %dma_wait3A_136 : memref<1x80x16xf32, #tpu.memory_space<hbm>> -> memref<80x16xf32, #tpu.memory_space<hbm>>
          %dma_wait3A_138 = arith.constant 0 : i32
          %dma_wait3A_139 = tpu.memref_slice %arg9[%mul3A_129, %dma_wait3A_138] : memref<10000x16xf32, #tpu.memory_space<vmem_shared>> -> memref<80x16xf32, #tpu.memory_space<vmem_shared>>
          tpu.wait_dma2 semaphore(%run_scoped3A : memref<!tpu.dma_semaphore, #tpu.memory_space<semaphore_mem>>) src(%dma_wait3A_139 : memref<80x16xf32, #tpu.memory_space<vmem_shared>>) dst(%dma_wait3A_137 : memref<80x16xf32, #tpu.memory_space<hbm>>)
          tpu.yield
        }) : () -> ()
        "tpu.region"() ({
          %run_scoped3A = tpu.sem_alloc : memref<!tpu.dma_semaphore, #tpu.memory_space<semaphore_mem>>
          %dma_start3A_130 = arith.constant 0 : i32
          %dma_start3A_131 = tpu.memref_slice %arg5[%arg0, %mul3A_129, %dma_start3A_130] : memref<2x10000x16xf32, #tpu.memory_space<hbm>> -> memref<1x80x16xf32, #tpu.memory_space<hbm>>
          %dma_start3A_132 = tpu.memref_squeeze %dma_start3A_131 : memref<1x80x16xf32, #tpu.memory_space<hbm>> -> memref<80x16xf32, #tpu.memory_space<hbm>>
          %dma_start3A_133 = arith.constant 0 : i32
          %dma_start3A_134 = tpu.memref_slice %arg10[%mul3A_129, %dma_start3A_133] : memref<10000x16xf32, #tpu.memory_space<vmem_shared>> -> memref<80x16xf32, #tpu.memory_space<vmem_shared>>
          tpu.enqueue_dma source(%dma_start3A_134 : memref<80x16xf32, #tpu.memory_space<vmem_shared>>) target(%dma_start3A_132 : memref<80x16xf32, #tpu.memory_space<hbm>>) target_semaphore(%run_scoped3A : memref<!tpu.dma_semaphore, #tpu.memory_space<semaphore_mem>>)
          %dma_wait3A_135 = arith.constant 0 : i32
          %dma_wait3A_136 = tpu.memref_slice %arg5[%arg0, %mul3A_129, %dma_wait3A_135] : memref<2x10000x16xf32, #tpu.memory_space<hbm>> -> memref<1x80x16xf32, #tpu.memory_space<hbm>>
          %dma_wait3A_137 = tpu.memref_squeeze %dma_wait3A_136 : memref<1x80x16xf32, #tpu.memory_space<hbm>> -> memref<80x16xf32, #tpu.memory_space<hbm>>
          %dma_wait3A_138 = arith.constant 0 : i32
          %dma_wait3A_139 = tpu.memref_slice %arg10[%mul3A_129, %dma_wait3A_138] : memref<10000x16xf32, #tpu.memory_space<vmem_shared>> -> memref<80x16xf32, #tpu.memory_space<vmem_shared>>
          tpu.wait_dma2 semaphore(%run_scoped3A : memref<!tpu.dma_semaphore, #tpu.memory_space<semaphore_mem>>) src(%dma_wait3A_139 : memref<80x16xf32, #tpu.memory_space<vmem_shared>>) dst(%dma_wait3A_137 : memref<80x16xf32, #tpu.memory_space<hbm>>)
          tpu.yield
        }) : () -> ()
      } else {
      }
    }
    %scan3A_121 = arith.constant 8 : i32
    return
  }
}

#map = affine_map<(d0, d1) -> (0)>
#map1 = affine_map<(d0, d1) -> (0, 0)>
#map2 = affine_map<(d0, d1) -> (0, 0, 0)>
module attributes {stable_mosaic.version = 14 : i64} {
  func.func @k(%arg0: i32, %arg1: i32, %arg2: memref<320000xi32, #tpu.memory_space<hbm>>, %arg3: memref<320000xi32, #tpu.memory_space<hbm>>, %arg4: memref<10000x128xf32, #tpu.memory_space<hbm>>, %arg5: memref<10000x128xf32, #tpu.memory_space<hbm>>, %arg6: memref<160000x128xi32, #tpu.memory_space<hbm>>, %arg7: memref<8x16xf32, #tpu.memory_space<hbm>>, %arg8: memref<2x10000x128xf32, #tpu.memory_space<hbm>>, %arg9: memref<2x10000x16xf32, #tpu.memory_space<hbm>>, %arg10: memref<2x40xi32, #tpu.memory_space<vmem>>, %arg11: memref<2x40xi32, #tpu.memory_space<vmem>>, %arg12: memref<2x40xi32, #tpu.memory_space<vmem>>, %arg13: memref<2x40x128xf32, #tpu.memory_space<vmem>>, %arg14: memref<2x40x128xf32, #tpu.memory_space<vmem>>, %arg15: memref<2x40x64xi32, #tpu.memory_space<vmem>>, %arg16: memref<2x40x144xf32, #tpu.memory_space<vmem>>, %arg17: memref<8x16xf32, #tpu.memory_space<vmem>>, %arg18: memref<10000x144xf32, #tpu.memory_space<vmem_shared>>, %arg19: memref<!tpu.dma_semaphore, #tpu.memory_space<semaphore_mem>>, %arg20: memref<!tpu.dma_semaphore, #tpu.memory_space<semaphore_mem>>, %arg21: memref<!tpu.dma_semaphore, #tpu.memory_space<semaphore_mem>>, %arg22: memref<!tpu.dma_semaphore, #tpu.memory_space<semaphore_mem>>, %arg23: memref<!tpu.dma_semaphore, #tpu.memory_space<semaphore_mem>>, %arg24: memref<!tpu.dma_semaphore, #tpu.memory_space<semaphore_mem>>, %arg25: memref<!tpu.dma_semaphore, #tpu.memory_space<semaphore_mem>>, %arg26: memref<!tpu.dma_semaphore, #tpu.memory_space<semaphore_mem>>) attributes {dimension_semantics = [#tpu.dimension_semantics<core_parallel>, #tpu.dimension_semantics<subcore_parallel>], iteration_bounds = array<i64: 2, 16>, scalar_prefetch = 0 : i64, scratch_operands = 17 : i64, tpu.core_type = #tpu.core_type<sc_vector_subcore>, window_params = [{transform_indices = #map}, {transform_indices = #map}, {transform_indices = #map1}, {transform_indices = #map1}, {transform_indices = #map1}, {transform_indices = #map1}, {transform_indices = #map2}, {transform_indices = #map2}]} {
    %mul3A = arith.constant 16 : i32
    %mul3A_0 = arith.muli %arg0, %mul3A : i32
    %add3A = arith.addi %mul3A_0, %arg1 : i32
    %broadcast_in_dim3A = arith.constant 0.000000e+00 : f32
    %broadcast_in_dim3A_1 = vector.broadcast %broadcast_in_dim3A : f32 to vector<16xf32>
    %scan3A = arith.constant 0 : i32
    %scan3A_2 = arith.constant 0 : i32
    %scan3A_3 = arith.constant 40 : i32
    %scan3A_4 = arith.addi %scan3A_2, %scan3A_3 : i32
    %scan3A_5 = arith.constant 1 : i32
    scf.for %scan3A_197 = %scan3A_2 to %scan3A_4 step %scan3A_5  : i32 {
      %swap3A = arith.constant 0 : i32
      %swap3A_198 = arith.index_cast %swap3A : i32 to index
      %swap3A_199 = arith.index_cast %scan3A_197 : i32 to index
      %swap3A_200 = arith.constant 0 : index
      %swap3A_201 = tpu.vector_load %arg16[%swap3A_198, %swap3A_199, %swap3A_200] {strides = array<i32>} : memref<2x40x144xf32, #tpu.memory_space<vmem>>, vector<16xf32>,
      tpu.vector_store %arg16[%swap3A_198, %swap3A_199, %swap3A_200], %broadcast_in_dim3A_1 {strides = array<i32>} : memref<2x40x144xf32, #tpu.memory_space<vmem>>, vector<16xf32>,
      %swap3A_202 = arith.constant 0 : i32
      %swap3A_203 = arith.index_cast %swap3A_202 : i32 to index
      %swap3A_204 = arith.index_cast %scan3A_197 : i32 to index
      %swap3A_205 = arith.constant 16 : index
      %swap3A_206 = tpu.vector_load %arg16[%swap3A_203, %swap3A_204, %swap3A_205] {strides = array<i32>} : memref<2x40x144xf32, #tpu.memory_space<vmem>>, vector<16xf32>,
      tpu.vector_store %arg16[%swap3A_203, %swap3A_204, %swap3A_205], %broadcast_in_dim3A_1 {strides = array<i32>} : memref<2x40x144xf32, #tpu.memory_space<vmem>>, vector<16xf32>,
      %swap3A_207 = arith.constant 0 : i32
      %swap3A_208 = arith.index_cast %swap3A_207 : i32 to index
      %swap3A_209 = arith.index_cast %scan3A_197 : i32 to index
      %swap3A_210 = arith.constant 32 : index
      %swap3A_211 = tpu.vector_load %arg16[%swap3A_208, %swap3A_209, %swap3A_210] {strides = array<i32>} : memref<2x40x144xf32, #tpu.memory_space<vmem>>, vector<16xf32>,
      tpu.vector_store %arg16[%swap3A_208, %swap3A_209, %swap3A_210], %broadcast_in_dim3A_1 {strides = array<i32>} : memref<2x40x144xf32, #tpu.memory_space<vmem>>, vector<16xf32>,
      %swap3A_212 = arith.constant 0 : i32
      %swap3A_213 = arith.index_cast %swap3A_212 : i32 to index
      %swap3A_214 = arith.index_cast %scan3A_197 : i32 to index
      %swap3A_215 = arith.constant 48 : index
      %swap3A_216 = tpu.vector_load %arg16[%swap3A_213, %swap3A_214, %swap3A_215] {strides = array<i32>} : memref<2x40x144xf32, #tpu.memory_space<vmem>>, vector<16xf32>,
      tpu.vector_store %arg16[%swap3A_213, %swap3A_214, %swap3A_215], %broadcast_in_dim3A_1 {strides = array<i32>} : memref<2x40x144xf32, #tpu.memory_space<vmem>>, vector<16xf32>,
      %swap3A_217 = arith.constant 0 : i32
      %swap3A_218 = arith.index_cast %swap3A_217 : i32 to index
      %swap3A_219 = arith.index_cast %scan3A_197 : i32 to index
      %swap3A_220 = arith.constant 64 : index
      %swap3A_221 = tpu.vector_load %arg16[%swap3A_218, %swap3A_219, %swap3A_220] {strides = array<i32>} : memref<2x40x144xf32, #tpu.memory_space<vmem>>, vector<16xf32>,
      tpu.vector_store %arg16[%swap3A_218, %swap3A_219, %swap3A_220], %broadcast_in_dim3A_1 {strides = array<i32>} : memref<2x40x144xf32, #tpu.memory_space<vmem>>, vector<16xf32>,
      %swap3A_222 = arith.constant 0 : i32
      %swap3A_223 = arith.index_cast %swap3A_222 : i32 to index
      %swap3A_224 = arith.index_cast %scan3A_197 : i32 to index
      %swap3A_225 = arith.constant 80 : index
      %swap3A_226 = tpu.vector_load %arg16[%swap3A_223, %swap3A_224, %swap3A_225] {strides = array<i32>} : memref<2x40x144xf32, #tpu.memory_space<vmem>>, vector<16xf32>,
      tpu.vector_store %arg16[%swap3A_223, %swap3A_224, %swap3A_225], %broadcast_in_dim3A_1 {strides = array<i32>} : memref<2x40x144xf32, #tpu.memory_space<vmem>>, vector<16xf32>,
      %swap3A_227 = arith.constant 0 : i32
      %swap3A_228 = arith.index_cast %swap3A_227 : i32 to index
      %swap3A_229 = arith.index_cast %scan3A_197 : i32 to index
      %swap3A_230 = arith.constant 96 : index
      %swap3A_231 = tpu.vector_load %arg16[%swap3A_228, %swap3A_229, %swap3A_230] {strides = array<i32>} : memref<2x40x144xf32, #tpu.memory_space<vmem>>, vector<16xf32>,
      tpu.vector_store %arg16[%swap3A_228, %swap3A_229, %swap3A_230], %broadcast_in_dim3A_1 {strides = array<i32>} : memref<2x40x144xf32, #tpu.memory_space<vmem>>, vector<16xf32>,
      %swap3A_232 = arith.constant 0 : i32
      %swap3A_233 = arith.index_cast %swap3A_232 : i32 to index
      %swap3A_234 = arith.index_cast %scan3A_197 : i32 to index
      %swap3A_235 = arith.constant 112 : index
      %swap3A_236 = tpu.vector_load %arg16[%swap3A_233, %swap3A_234, %swap3A_235] {strides = array<i32>} : memref<2x40x144xf32, #tpu.memory_space<vmem>>, vector<16xf32>,
      tpu.vector_store %arg16[%swap3A_233, %swap3A_234, %swap3A_235], %broadcast_in_dim3A_1 {strides = array<i32>} : memref<2x40x144xf32, #tpu.memory_space<vmem>>, vector<16xf32>,
      %swap3A_237 = arith.constant 0 : i32
      %swap3A_238 = arith.index_cast %swap3A_237 : i32 to index
      %swap3A_239 = arith.index_cast %scan3A_197 : i32 to index
      %swap3A_240 = arith.constant 128 : index
      %swap3A_241 = tpu.vector_load %arg16[%swap3A_238, %swap3A_239, %swap3A_240] {strides = array<i32>} : memref<2x40x144xf32, #tpu.memory_space<vmem>>, vector<16xf32>,
      tpu.vector_store %arg16[%swap3A_238, %swap3A_239, %swap3A_240], %broadcast_in_dim3A_1 {strides = array<i32>} : memref<2x40x144xf32, #tpu.memory_space<vmem>>, vector<16xf32>,
    }
    %scan3A_6 = arith.constant 40 : i32
    %scan3A_7 = arith.constant 0 : i32
    %scan3A_8 = arith.constant 0 : i32
    %scan3A_9 = arith.constant 16 : i32
    %scan3A_10 = arith.addi %scan3A_8, %scan3A_9 : i32
    %scan3A_11 = arith.constant 1 : i32
    scf.for %scan3A_197 = %scan3A_8 to %scan3A_10 step %scan3A_11  : i32 {
      %mul3A_198 = arith.constant 16 : i32
      %mul3A_199 = arith.muli %scan3A_197, %mul3A_198 : i32
      %add3A_200 = arith.addi %arg1, %mul3A_199 : i32
      %lt3A = arith.constant 250 : i32
      %lt3A_201 = arith.cmpi slt, %add3A_200, %lt3A : i32
      %convert_element_type3A = arith.extui %lt3A_201 : i1 to i32
      %cond3A = arith.constant 0 : i32
      %cond3A_202 = arith.cmpi ne, %convert_element_type3A, %cond3A : i32
      scf.if %cond3A_202 {
        %mul3A_203 = arith.constant 40 : i32
        %mul3A_204 = arith.muli %add3A_200, %mul3A_203 : i32
        %run_scoped3A = arith.constant 0 : i32
        "tpu.region"() ({
          %run_scoped3A_205 = tpu.sem_alloc : memref<!tpu.dma_semaphore, #tpu.memory_space<semaphore_mem>>
          %dma_start3A_206 = arith.constant 0 : i32
          %dma_start3A_207 = arith.constant 0 : i32
          %dma_start3A_208 = tpu.memref_slice %arg16[%run_scoped3A, %dma_start3A_206, %dma_start3A_207] : memref<2x40x144xf32, #tpu.memory_space<vmem>> -> memref<1x40x144xf32, #tpu.memory_space<vmem>>
          %dma_start3A_209 = tpu.memref_squeeze %dma_start3A_208 : memref<1x40x144xf32, #tpu.memory_space<vmem>> -> memref<40x144xf32, #tpu.memory_space<vmem>>
          %dma_start3A_210 = arith.constant 0 : i32
          %dma_start3A_211 = tpu.memref_slice %arg18[%mul3A_204, %dma_start3A_210] : memref<10000x144xf32, #tpu.memory_space<vmem_shared>> -> memref<40x144xf32, #tpu.memory_space<vmem_shared>>
          %dma_start3A_212 = arith.constant 0 : i32
          %dma_start3A_213 = tpu.memref_slice %arg18[%mul3A_204, %dma_start3A_212] : memref<10000x144xf32, #tpu.memory_space<vmem_shared>> -> memref<40x144xf32, #tpu.memory_space<vmem_shared>>
          %dma_start3A_214 = arith.constant 0 : i32
          %dma_start3A_215 = arith.constant 0 : i32
          %dma_start3A_216 = tpu.memref_slice %arg16[%run_scoped3A, %dma_start3A_214, %dma_start3A_215] : memref<2x40x144xf32, #tpu.memory_space<vmem>> -> memref<1x40x144xf32, #tpu.memory_space<vmem>>
          %dma_start3A_217 = tpu.memref_squeeze %dma_start3A_216 : memref<1x40x144xf32, #tpu.memory_space<vmem>> -> memref<40x144xf32, #tpu.memory_space<vmem>>
          tpu.enqueue_dma source(%dma_start3A_217 : memref<40x144xf32, #tpu.memory_space<vmem>>) target(%dma_start3A_213 : memref<40x144xf32, #tpu.memory_space<vmem_shared>>) target_semaphore(%run_scoped3A_205 : memref<!tpu.dma_semaphore, #tpu.memory_space<semaphore_mem>>)
          %dma_wait3A_218 = arith.constant 0 : i32
          %dma_wait3A_219 = arith.constant 0 : i32
          %dma_wait3A_220 = tpu.memref_slice %arg16[%run_scoped3A, %dma_wait3A_218, %dma_wait3A_219] : memref<2x40x144xf32, #tpu.memory_space<vmem>> -> memref<1x40x144xf32, #tpu.memory_space<vmem>>
          %dma_wait3A_221 = tpu.memref_squeeze %dma_wait3A_220 : memref<1x40x144xf32, #tpu.memory_space<vmem>> -> memref<40x144xf32, #tpu.memory_space<vmem>>
          %dma_wait3A_222 = arith.constant 0 : i32
          %dma_wait3A_223 = tpu.memref_slice %arg18[%mul3A_204, %dma_wait3A_222] : memref<10000x144xf32, #tpu.memory_space<vmem_shared>> -> memref<40x144xf32, #tpu.memory_space<vmem_shared>>
          %dma_wait3A_224 = arith.constant 0 : i32
          %dma_wait3A_225 = tpu.memref_slice %arg18[%mul3A_204, %dma_wait3A_224] : memref<10000x144xf32, #tpu.memory_space<vmem_shared>> -> memref<40x144xf32, #tpu.memory_space<vmem_shared>>
          %dma_wait3A_226 = arith.constant 0 : i32
          %dma_wait3A_227 = arith.constant 0 : i32
          %dma_wait3A_228 = tpu.memref_slice %arg16[%run_scoped3A, %dma_wait3A_226, %dma_wait3A_227] : memref<2x40x144xf32, #tpu.memory_space<vmem>> -> memref<1x40x144xf32, #tpu.memory_space<vmem>>
          %dma_wait3A_229 = tpu.memref_squeeze %dma_wait3A_228 : memref<1x40x144xf32, #tpu.memory_space<vmem>> -> memref<40x144xf32, #tpu.memory_space<vmem>>
          tpu.wait_dma2 semaphore(%run_scoped3A_205 : memref<!tpu.dma_semaphore, #tpu.memory_space<semaphore_mem>>) src(%dma_wait3A_229 : memref<40x144xf32, #tpu.memory_space<vmem>>) dst(%dma_wait3A_225 : memref<40x144xf32, #tpu.memory_space<vmem_shared>>)
          tpu.yield
        }) : () -> ()
      } else {
      }
    }
    %scan3A_12 = arith.constant 16 : i32
    %barrier3A = arith.constant 0 : index
    tpu.barrier barrier_id(%barrier3A)
    "tpu.region"() ({
      %run_scoped3A = tpu.sem_alloc : memref<!tpu.dma_semaphore, #tpu.memory_space<semaphore_mem>>
      tpu.enqueue_dma source(%arg7 : memref<8x16xf32, #tpu.memory_space<hbm>>) target(%arg17 : memref<8x16xf32, #tpu.memory_space<vmem>>) target_semaphore(%run_scoped3A : memref<!tpu.dma_semaphore, #tpu.memory_space<semaphore_mem>>)
      tpu.wait_dma2 semaphore(%run_scoped3A : memref<!tpu.dma_semaphore, #tpu.memory_space<semaphore_mem>>) src(%arg7 : memref<8x16xf32, #tpu.memory_space<hbm>>) dst(%arg17 : memref<8x16xf32, #tpu.memory_space<vmem>>)
      tpu.yield
    }) : () -> ()
    %get3A = arith.constant 0 : i32
    %get3A_13 = arith.index_cast %get3A : i32 to index
    %get3A_14 = arith.constant 0 : index
    %get3A_15 = tpu.vector_load %arg17[%get3A_13, %get3A_14] {strides = array<i32>} : memref<8x16xf32, #tpu.memory_space<vmem>>, vector<16xf32>,
    %get3A_16 = arith.constant 1 : i32
    %get3A_17 = arith.index_cast %get3A_16 : i32 to index
    %get3A_18 = arith.constant 0 : index
    %get3A_19 = tpu.vector_load %arg17[%get3A_17, %get3A_18] {strides = array<i32>} : memref<8x16xf32, #tpu.memory_space<vmem>>, vector<16xf32>,
    %get3A_20 = arith.constant 2 : i32
    %get3A_21 = arith.index_cast %get3A_20 : i32 to index
    %get3A_22 = arith.constant 0 : index
    %get3A_23 = tpu.vector_load %arg17[%get3A_21, %get3A_22] {strides = array<i32>} : memref<8x16xf32, #tpu.memory_space<vmem>>, vector<16xf32>,
    %get3A_24 = arith.constant 3 : i32
    %get3A_25 = arith.index_cast %get3A_24 : i32 to index
    %get3A_26 = arith.constant 0 : index
    %get3A_27 = tpu.vector_load %arg17[%get3A_25, %get3A_26] {strides = array<i32>} : memref<8x16xf32, #tpu.memory_space<vmem>>, vector<16xf32>,
    %get3A_28 = arith.constant 4 : i32
    %get3A_29 = arith.index_cast %get3A_28 : i32 to index
    %get3A_30 = arith.constant 0 : index
    %get3A_31 = tpu.vector_load %arg17[%get3A_29, %get3A_30] {strides = array<i32>} : memref<8x16xf32, #tpu.memory_space<vmem>>, vector<16xf32>,
    %get3A_32 = arith.constant 5 : i32
    %get3A_33 = arith.index_cast %get3A_32 : i32 to index
    %get3A_34 = arith.constant 0 : index
    %get3A_35 = tpu.vector_load %arg17[%get3A_33, %get3A_34] {strides = array<i32>} : memref<8x16xf32, #tpu.memory_space<vmem>>, vector<16xf32>,
    %get3A_36 = arith.constant 6 : i32
    %get3A_37 = arith.index_cast %get3A_36 : i32 to index
    %get3A_38 = arith.constant 0 : index
    %get3A_39 = tpu.vector_load %arg17[%get3A_37, %get3A_38] {strides = array<i32>} : memref<8x16xf32, #tpu.memory_space<vmem>>, vector<16xf32>,
    %get3A_40 = arith.constant 7 : i32
    %get3A_41 = arith.index_cast %get3A_40 : i32 to index
    %get3A_42 = arith.constant 0 : index
    %get3A_43 = tpu.vector_load %arg17[%get3A_41, %get3A_42] {strides = array<i32>} : memref<8x16xf32, #tpu.memory_space<vmem>>, vector<16xf32>,
    %iota3A = tpu.iota {dimensions = array<i32: 0>} : vector<16xi32>
    %eq3A = arith.constant 0 : i32
    %eq3A_44 = vector.broadcast %eq3A : i32 to vector<16xi32>
    %eq3A_45 = arith.cmpi eq, %iota3A, %eq3A_44 : vector<16xi32>
    %eq3A_46 = arith.constant 1 : i32
    %eq3A_47 = vector.broadcast %eq3A_46 : i32 to vector<16xi32>
    %eq3A_48 = arith.cmpi eq, %iota3A, %eq3A_47 : vector<16xi32>
    %eq3A_49 = arith.constant 2 : i32
    %eq3A_50 = vector.broadcast %eq3A_49 : i32 to vector<16xi32>
    %eq3A_51 = arith.cmpi eq, %iota3A, %eq3A_50 : vector<16xi32>
    %eq3A_52 = arith.constant 3 : i32
    %eq3A_53 = vector.broadcast %eq3A_52 : i32 to vector<16xi32>
    %eq3A_54 = arith.cmpi eq, %iota3A, %eq3A_53 : vector<16xi32>
    %mul3A_55 = arith.constant 10000 : i32
    %mul3A_56 = arith.muli %add3A, %mul3A_55 : i32
    %add3A_57 = arith.constant 0 : i32
    %add3A_58 = arith.addi %mul3A_56, %add3A_57 : i32
    %dma_start3A = arith.constant 0 : i32
    %dma_start3A_59 = arith.constant 0 : i32
    %dma_start3A_60 = tpu.memref_slice %arg10[%dma_start3A, %dma_start3A_59] : memref<2x40xi32, #tpu.memory_space<vmem>> -> memref<1x40xi32, #tpu.memory_space<vmem>>
    %dma_start3A_61 = tpu.memref_squeeze %dma_start3A_60 : memref<1x40xi32, #tpu.memory_space<vmem>> -> memref<40xi32, #tpu.memory_space<vmem>>
    %dma_start3A_62 = tpu.memref_slice %arg2[%add3A_58] : memref<320000xi32, #tpu.memory_space<hbm>> -> memref<40xi32, #tpu.memory_space<hbm>>
    %dma_start3A_63 = arith.constant 0 : i32
    %dma_start3A_64 = tpu.memref_slice %arg10[%dma_start3A, %dma_start3A_63] : memref<2x40xi32, #tpu.memory_space<vmem>> -> memref<1x40xi32, #tpu.memory_space<vmem>>
    %dma_start3A_65 = tpu.memref_squeeze %dma_start3A_64 : memref<1x40xi32, #tpu.memory_space<vmem>> -> memref<40xi32, #tpu.memory_space<vmem>>
    %dma_start3A_66 = tpu.memref_slice %arg2[%add3A_58] : memref<320000xi32, #tpu.memory_space<hbm>> -> memref<40xi32, #tpu.memory_space<hbm>>
    tpu.enqueue_dma source(%dma_start3A_66 : memref<40xi32, #tpu.memory_space<hbm>>) target(%dma_start3A_65 : memref<40xi32, #tpu.memory_space<vmem>>) target_semaphore(%arg21 : memref<!tpu.dma_semaphore, #tpu.memory_space<semaphore_mem>>)
    %dma_start3A_67 = arith.constant 0 : i32
    %dma_start3A_68 = arith.constant 0 : i32
    %dma_start3A_69 = tpu.memref_slice %arg11[%dma_start3A_67, %dma_start3A_68] : memref<2x40xi32, #tpu.memory_space<vmem>> -> memref<1x40xi32, #tpu.memory_space<vmem>>
    %dma_start3A_70 = tpu.memref_squeeze %dma_start3A_69 : memref<1x40xi32, #tpu.memory_space<vmem>> -> memref<40xi32, #tpu.memory_space<vmem>>
    %dma_start3A_71 = tpu.memref_slice %arg3[%add3A_58] : memref<320000xi32, #tpu.memory_space<hbm>> -> memref<40xi32, #tpu.memory_space<hbm>>
    %dma_start3A_72 = arith.constant 0 : i32
    %dma_start3A_73 = tpu.memref_slice %arg11[%dma_start3A_67, %dma_start3A_72] : memref<2x40xi32, #tpu.memory_space<vmem>> -> memref<1x40xi32, #tpu.memory_space<vmem>>
    %dma_start3A_74 = tpu.memref_squeeze %dma_start3A_73 : memref<1x40xi32, #tpu.memory_space<vmem>> -> memref<40xi32, #tpu.memory_space<vmem>>
    %dma_start3A_75 = tpu.memref_slice %arg3[%add3A_58] : memref<320000xi32, #tpu.memory_space<hbm>> -> memref<40xi32, #tpu.memory_space<hbm>>
    tpu.enqueue_dma source(%dma_start3A_75 : memref<40xi32, #tpu.memory_space<hbm>>) target(%dma_start3A_74 : memref<40xi32, #tpu.memory_space<vmem>>) target_semaphore(%arg21 : memref<!tpu.dma_semaphore, #tpu.memory_space<semaphore_mem>>)
    %mul3A_76 = arith.constant 10000 : i32
    %mul3A_77 = arith.muli %add3A, %mul3A_76 : i32
    %add3A_78 = arith.constant 40 : i32
    %add3A_79 = arith.addi %mul3A_77, %add3A_78 : i32
    %dma_start3A_80 = arith.constant 1 : i32
    %dma_start3A_81 = arith.constant 0 : i32
    %dma_start3A_82 = tpu.memref_slice %arg10[%dma_start3A_80, %dma_start3A_81] : memref<2x40xi32, #tpu.memory_space<vmem>> -> memref<1x40xi32, #tpu.memory_space<vmem>>
    %dma_start3A_83 = tpu.memref_squeeze %dma_start3A_82 : memref<1x40xi32, #tpu.memory_space<vmem>> -> memref<40xi32, #tpu.memory_space<vmem>>
    %dma_start3A_84 = tpu.memref_slice %arg2[%add3A_79] : memref<320000xi32, #tpu.memory_space<hbm>> -> memref<40xi32, #tpu.memory_space<hbm>>
    %dma_start3A_85 = arith.constant 0 : i32
    %dma_start3A_86 = tpu.memref_slice %arg10[%dma_start3A_80, %dma_start3A_85] : memref<2x40xi32, #tpu.memory_space<vmem>> -> memref<1x40xi32, #tpu.memory_space<vmem>>
    %dma_start3A_87 = tpu.memref_squeeze %dma_start3A_86 : memref<1x40xi32, #tpu.memory_space<vmem>> -> memref<40xi32, #tpu.memory_space<vmem>>
    %dma_start3A_88 = tpu.memref_slice %arg2[%add3A_79] : memref<320000xi32, #tpu.memory_space<hbm>> -> memref<40xi32, #tpu.memory_space<hbm>>
    tpu.enqueue_dma source(%dma_start3A_88 : memref<40xi32, #tpu.memory_space<hbm>>) target(%dma_start3A_87 : memref<40xi32, #tpu.memory_space<vmem>>) target_semaphore(%arg22 : memref<!tpu.dma_semaphore, #tpu.memory_space<semaphore_mem>>)
    %dma_start3A_89 = arith.constant 1 : i32
    %dma_start3A_90 = arith.constant 0 : i32
    %dma_start3A_91 = tpu.memref_slice %arg11[%dma_start3A_89, %dma_start3A_90] : memref<2x40xi32, #tpu.memory_space<vmem>> -> memref<1x40xi32, #tpu.memory_space<vmem>>
    %dma_start3A_92 = tpu.memref_squeeze %dma_start3A_91 : memref<1x40xi32, #tpu.memory_space<vmem>> -> memref<40xi32, #tpu.memory_space<vmem>>
    %dma_start3A_93 = tpu.memref_slice %arg3[%add3A_79] : memref<320000xi32, #tpu.memory_space<hbm>> -> memref<40xi32, #tpu.memory_space<hbm>>
    %dma_start3A_94 = arith.constant 0 : i32
    %dma_start3A_95 = tpu.memref_slice %arg11[%dma_start3A_89, %dma_start3A_94] : memref<2x40xi32, #tpu.memory_space<vmem>> -> memref<1x40xi32, #tpu.memory_space<vmem>>
    %dma_start3A_96 = tpu.memref_squeeze %dma_start3A_95 : memref<1x40xi32, #tpu.memory_space<vmem>> -> memref<40xi32, #tpu.memory_space<vmem>>
    %dma_start3A_97 = tpu.memref_slice %arg3[%add3A_79] : memref<320000xi32, #tpu.memory_space<hbm>> -> memref<40xi32, #tpu.memory_space<hbm>>
    tpu.enqueue_dma source(%dma_start3A_97 : memref<40xi32, #tpu.memory_space<hbm>>) target(%dma_start3A_96 : memref<40xi32, #tpu.memory_space<vmem>>) target_semaphore(%arg22 : memref<!tpu.dma_semaphore, #tpu.memory_space<semaphore_mem>>)
    %dma_wait3A = arith.constant 0 : i32
    %dma_wait3A_98 = arith.constant 0 : i32
    %dma_wait3A_99 = tpu.memref_slice %arg10[%dma_wait3A, %dma_wait3A_98] : memref<2x40xi32, #tpu.memory_space<vmem>> -> memref<1x40xi32, #tpu.memory_space<vmem>>
    %dma_wait3A_100 = tpu.memref_squeeze %dma_wait3A_99 : memref<1x40xi32, #tpu.memory_space<vmem>> -> memref<40xi32, #tpu.memory_space<vmem>>
    %dma_wait3A_101 = arith.constant 0 : i32
    %dma_wait3A_102 = tpu.memref_slice %arg2[%dma_wait3A_101] : memref<320000xi32, #tpu.memory_space<hbm>> -> memref<40xi32, #tpu.memory_space<hbm>>
    %dma_wait3A_103 = arith.constant 0 : i32
    %dma_wait3A_104 = tpu.memref_slice %arg10[%dma_wait3A, %dma_wait3A_103] : memref<2x40xi32, #tpu.memory_space<vmem>> -> memref<1x40xi32, #tpu.memory_space<vmem>>
    %dma_wait3A_105 = tpu.memref_squeeze %dma_wait3A_104 : memref<1x40xi32, #tpu.memory_space<vmem>> -> memref<40xi32, #tpu.memory_space<vmem>>
    %dma_wait3A_106 = arith.constant 0 : i32
    %dma_wait3A_107 = tpu.memref_slice %arg2[%dma_wait3A_106] : memref<320000xi32, #tpu.memory_space<hbm>> -> memref<40xi32, #tpu.memory_space<hbm>>
    tpu.wait_dma2 semaphore(%arg21 : memref<!tpu.dma_semaphore, #tpu.memory_space<semaphore_mem>>) src(%dma_wait3A_107 : memref<40xi32, #tpu.memory_space<hbm>>) dst(%dma_wait3A_105 : memref<40xi32, #tpu.memory_space<vmem>>)
    %dma_wait3A_108 = arith.constant 0 : i32
    %dma_wait3A_109 = arith.constant 0 : i32
    %dma_wait3A_110 = tpu.memref_slice %arg11[%dma_wait3A_108, %dma_wait3A_109] : memref<2x40xi32, #tpu.memory_space<vmem>> -> memref<1x40xi32, #tpu.memory_space<vmem>>
    %dma_wait3A_111 = tpu.memref_squeeze %dma_wait3A_110 : memref<1x40xi32, #tpu.memory_space<vmem>> -> memref<40xi32, #tpu.memory_space<vmem>>
    %dma_wait3A_112 = arith.constant 0 : i32
    %dma_wait3A_113 = tpu.memref_slice %arg3[%dma_wait3A_112] : memref<320000xi32, #tpu.memory_space<hbm>> -> memref<40xi32, #tpu.memory_space<hbm>>
    %dma_wait3A_114 = arith.constant 0 : i32
    %dma_wait3A_115 = tpu.memref_slice %arg11[%dma_wait3A_108, %dma_wait3A_114] : memref<2x40xi32, #tpu.memory_space<vmem>> -> memref<1x40xi32, #tpu.memory_space<vmem>>
    %dma_wait3A_116 = tpu.memref_squeeze %dma_wait3A_115 : memref<1x40xi32, #tpu.memory_space<vmem>> -> memref<40xi32, #tpu.memory_space<vmem>>
    %dma_wait3A_117 = arith.constant 0 : i32
    %dma_wait3A_118 = tpu.memref_slice %arg3[%dma_wait3A_117] : memref<320000xi32, #tpu.memory_space<hbm>> -> memref<40xi32, #tpu.memory_space<hbm>>
    tpu.wait_dma2 semaphore(%arg21 : memref<!tpu.dma_semaphore, #tpu.memory_space<semaphore_mem>>) src(%dma_wait3A_118 : memref<40xi32, #tpu.memory_space<hbm>>) dst(%dma_wait3A_116 : memref<40xi32, #tpu.memory_space<vmem>>)
    %dma_start3A_119 = arith.constant 0 : i32
    %dma_start3A_120 = arith.constant 0 : i32
    %dma_start3A_121 = arith.constant 0 : i32
    %dma_start3A_122 = arith.constant 0 : i32
    %dma_start3A_123 = tpu.memref_slice %arg13[%dma_start3A_120, %dma_start3A_121, %dma_start3A_122] : memref<2x40x128xf32, #tpu.memory_space<vmem>> -> memref<1x40x128xf32, #tpu.memory_space<vmem>>
    %dma_start3A_124 = tpu.memref_squeeze %dma_start3A_123 : memref<1x40x128xf32, #tpu.memory_space<vmem>> -> memref<40x128xf32, #tpu.memory_space<vmem>>
    %dma_start3A_125 = arith.constant 0 : i32
    %dma_start3A_126 = tpu.memref_slice %arg10[%dma_start3A_119, %dma_start3A_125] : memref<2x40xi32, #tpu.memory_space<vmem>> -> memref<1x40xi32, #tpu.memory_space<vmem>>
    %dma_start3A_127 = tpu.memref_squeeze %dma_start3A_126 : memref<1x40xi32, #tpu.memory_space<vmem>> -> memref<40xi32, #tpu.memory_space<vmem>>
    %dma_start3A_128 = arith.constant 0 : i32
    %dma_start3A_129 = arith.constant 0 : i32
    %dma_start3A_130 = tpu.memref_slice %arg4[%dma_start3A_128, %dma_start3A_129] : memref<10000x128xf32, #tpu.memory_space<hbm>> -> memref<10000x128xf32, #tpu.memory_space<hbm>>
    tpu.enqueue_indirect_dma source(%dma_start3A_130 : memref<10000x128xf32, #tpu.memory_space<hbm>>) target(%dma_start3A_124 : memref<40x128xf32, #tpu.memory_space<vmem>>) offsets(%dma_start3A_127 : memref<40xi32, #tpu.memory_space<vmem>>) semaphore(%arg19 : memref<!tpu.dma_semaphore, #tpu.memory_space<semaphore_mem>>)
    %dma_start3A_131 = arith.constant 0 : i32
    %dma_start3A_132 = arith.constant 0 : i32
    %dma_start3A_133 = arith.constant 0 : i32
    %dma_start3A_134 = arith.constant 0 : i32
    %dma_start3A_135 = tpu.memref_slice %arg14[%dma_start3A_132, %dma_start3A_133, %dma_start3A_134] : memref<2x40x128xf32, #tpu.memory_space<vmem>> -> memref<1x40x128xf32, #tpu.memory_space<vmem>>
    %dma_start3A_136 = tpu.memref_squeeze %dma_start3A_135 : memref<1x40x128xf32, #tpu.memory_space<vmem>> -> memref<40x128xf32, #tpu.memory_space<vmem>>
    %dma_start3A_137 = arith.constant 0 : i32
    %dma_start3A_138 = tpu.memref_slice %arg11[%dma_start3A_131, %dma_start3A_137] : memref<2x40xi32, #tpu.memory_space<vmem>> -> memref<1x40xi32, #tpu.memory_space<vmem>>
    %dma_start3A_139 = tpu.memref_squeeze %dma_start3A_138 : memref<1x40xi32, #tpu.memory_space<vmem>> -> memref<40xi32, #tpu.memory_space<vmem>>
    %dma_start3A_140 = arith.constant 0 : i32
    %dma_start3A_141 = arith.constant 0 : i32
    %dma_start3A_142 = tpu.memref_slice %arg5[%dma_start3A_140, %dma_start3A_141] : memref<10000x128xf32, #tpu.memory_space<hbm>> -> memref<10000x128xf32, #tpu.memory_space<hbm>>
    tpu.enqueue_indirect_dma source(%dma_start3A_142 : memref<10000x128xf32, #tpu.memory_space<hbm>>) target(%dma_start3A_136 : memref<40x128xf32, #tpu.memory_space<vmem>>) offsets(%dma_start3A_139 : memref<40xi32, #tpu.memory_space<vmem>>) semaphore(%arg19 : memref<!tpu.dma_semaphore, #tpu.memory_space<semaphore_mem>>)
    %mul3A_143 = arith.constant 10000 : i32
    %mul3A_144 = arith.muli %arg1, %mul3A_143 : i32
    %add3A_145 = arith.constant 0 : i32
    %add3A_146 = arith.addi %mul3A_144, %add3A_145 : i32
    %mul3A_147 = arith.constant 64 : i32
    %mul3A_148 = arith.muli %arg0, %mul3A_147 : i32
    %dma_start3A_149 = arith.constant 0 : i32
    %dma_start3A_150 = arith.constant 0 : i32
    %dma_start3A_151 = arith.constant 0 : i32
    %dma_start3A_152 = tpu.memref_slice %arg15[%dma_start3A_149, %dma_start3A_150, %dma_start3A_151] : memref<2x40x64xi32, #tpu.memory_space<vmem>> -> memref<1x40x64xi32, #tpu.memory_space<vmem>>
    %dma_start3A_153 = tpu.memref_squeeze %dma_start3A_152 : memref<1x40x64xi32, #tpu.memory_space<vmem>> -> memref<40x64xi32, #tpu.memory_space<vmem>>
    %dma_start3A_154 = tpu.memref_slice %arg6[%add3A_146, %mul3A_148] : memref<160000x128xi32, #tpu.memory_space<hbm>> -> memref<40x64xi32, #tpu.memory_space<hbm>>
    %dma_start3A_155 = arith.constant 0 : i32
    %dma_start3A_156 = arith.constant 0 : i32
    %dma_start3A_157 = tpu.memref_slice %arg15[%dma_start3A_149, %dma_start3A_155, %dma_start3A_156] : memref<2x40x64xi32, #tpu.memory_space<vmem>> -> memref<1x40x64xi32, #tpu.memory_space<vmem>>
    %dma_start3A_158 = tpu.memref_squeeze %dma_start3A_157 : memref<1x40x64xi32, #tpu.memory_space<vmem>> -> memref<40x64xi32, #tpu.memory_space<vmem>>
    %dma_start3A_159 = tpu.memref_slice %arg6[%add3A_146, %mul3A_148] : memref<160000x128xi32, #tpu.memory_space<hbm>> -> memref<40x64xi32, #tpu.memory_space<hbm>>
    tpu.enqueue_dma source(%dma_start3A_159 : memref<40x64xi32, #tpu.memory_space<hbm>>) target(%dma_start3A_158 : memref<40x64xi32, #tpu.memory_space<vmem>>) target_semaphore(%arg19 : memref<!tpu.dma_semaphore, #tpu.memory_space<semaphore_mem>>)
    %scan3A_160 = arith.constant 0 : i32
    %scan3A_161 = arith.constant 0 : i32
    %scan3A_162 = arith.constant 250 : i32
    %scan3A_163 = arith.addi %scan3A_161, %scan3A_162 : i32
    %scan3A_164 = arith.constant 1 : i32
    scf.for %scan3A_197 = %scan3A_161 to %scan3A_163 step %scan3A_164  : i32 {
      %rem3A = arith.constant 2 : i32
      %rem3A_198 = arith.remsi %scan3A_197, %rem3A : i32
      %eq3A_199 = arith.constant 0 : i32
      %eq3A_200 = arith.cmpi eq, %rem3A_198, %eq3A_199 : i32
      %convert_element_type3A = arith.extui %eq3A_200 : i1 to i32
      %cond3A = arith.constant 0 : i32
      %cond3A_201 = arith.cmpi ne, %convert_element_type3A, %cond3A : i32
      scf.if %cond3A_201 {
        %add3A_209 = arith.constant 1 : i32
        %add3A_210 = arith.addi %scan3A_197, %add3A_209 : i32
        %lt3A = arith.constant 250 : i32
        %lt3A_211 = arith.cmpi slt, %add3A_210, %lt3A : i32
        %convert_element_type3A_212 = arith.extui %lt3A_211 : i1 to i32
        %cond3A_213 = arith.constant 0 : i32
        %cond3A_214 = arith.cmpi ne, %convert_element_type3A_212, %cond3A_213 : i32
        scf.if %cond3A_214 {
          %dma_wait3A_314 = arith.constant 1 : i32
          %dma_wait3A_315 = arith.constant 0 : i32
          %dma_wait3A_316 = tpu.memref_slice %arg10[%dma_wait3A_314, %dma_wait3A_315] : memref<2x40xi32, #tpu.memory_space<vmem>> -> memref<1x40xi32, #tpu.memory_space<vmem>>
          %dma_wait3A_317 = tpu.memref_squeeze %dma_wait3A_316 : memref<1x40xi32, #tpu.memory_space<vmem>> -> memref<40xi32, #tpu.memory_space<vmem>>
          %dma_wait3A_318 = arith.constant 0 : i32
          %dma_wait3A_319 = tpu.memref_slice %arg2[%dma_wait3A_318] : memref<320000xi32, #tpu.memory_space<hbm>> -> memref<40xi32, #tpu.memory_space<hbm>>
          %dma_wait3A_320 = arith.constant 0 : i32
          %dma_wait3A_321 = tpu.memref_slice %arg10[%dma_wait3A_314, %dma_wait3A_320] : memref<2x40xi32, #tpu.memory_space<vmem>> -> memref<1x40xi32, #tpu.memory_space<vmem>>
          %dma_wait3A_322 = tpu.memref_squeeze %dma_wait3A_321 : memref<1x40xi32, #tpu.memory_space<vmem>> -> memref<40xi32, #tpu.memory_space<vmem>>
          %dma_wait3A_323 = arith.constant 0 : i32
          %dma_wait3A_324 = tpu.memref_slice %arg2[%dma_wait3A_323] : memref<320000xi32, #tpu.memory_space<hbm>> -> memref<40xi32, #tpu.memory_space<hbm>>
          tpu.wait_dma2 semaphore(%arg22 : memref<!tpu.dma_semaphore, #tpu.memory_space<semaphore_mem>>) src(%dma_wait3A_324 : memref<40xi32, #tpu.memory_space<hbm>>) dst(%dma_wait3A_322 : memref<40xi32, #tpu.memory_space<vmem>>)
          %dma_wait3A_325 = arith.constant 1 : i32
          %dma_wait3A_326 = arith.constant 0 : i32
          %dma_wait3A_327 = tpu.memref_slice %arg11[%dma_wait3A_325, %dma_wait3A_326] : memref<2x40xi32, #tpu.memory_space<vmem>> -> memref<1x40xi32, #tpu.memory_space<vmem>>
          %dma_wait3A_328 = tpu.memref_squeeze %dma_wait3A_327 : memref<1x40xi32, #tpu.memory_space<vmem>> -> memref<40xi32, #tpu.memory_space<vmem>>
          %dma_wait3A_329 = arith.constant 0 : i32
          %dma_wait3A_330 = tpu.memref_slice %arg3[%dma_wait3A_329] : memref<320000xi32, #tpu.memory_space<hbm>> -> memref<40xi32, #tpu.memory_space<hbm>>
          %dma_wait3A_331 = arith.constant 0 : i32
          %dma_wait3A_332 = tpu.memref_slice %arg11[%dma_wait3A_325, %dma_wait3A_331] : memref<2x40xi32, #tpu.memory_space<vmem>> -> memref<1x40xi32, #tpu.memory_space<vmem>>
          %dma_wait3A_333 = tpu.memref_squeeze %dma_wait3A_332 : memref<1x40xi32, #tpu.memory_space<vmem>> -> memref<40xi32, #tpu.memory_space<vmem>>
          %dma_wait3A_334 = arith.constant 0 : i32
          %dma_wait3A_335 = tpu.memref_slice %arg3[%dma_wait3A_334] : memref<320000xi32, #tpu.memory_space<hbm>> -> memref<40xi32, #tpu.memory_space<hbm>>
          tpu.wait_dma2 semaphore(%arg22 : memref<!tpu.dma_semaphore, #tpu.memory_space<semaphore_mem>>) src(%dma_wait3A_335 : memref<40xi32, #tpu.memory_space<hbm>>) dst(%dma_wait3A_333 : memref<40xi32, #tpu.memory_space<vmem>>)
          %add3A_336 = arith.constant 1 : i32
          %add3A_337 = arith.addi %scan3A_197, %add3A_336 : i32
          %dma_start3A_338 = arith.constant 1 : i32
          %dma_start3A_339 = arith.constant 1 : i32
          %dma_start3A_340 = arith.constant 0 : i32
          %dma_start3A_341 = arith.constant 0 : i32
          %dma_start3A_342 = tpu.memref_slice %arg13[%dma_start3A_339, %dma_start3A_340, %dma_start3A_341] : memref<2x40x128xf32, #tpu.memory_space<vmem>> -> memref<1x40x128xf32, #tpu.memory_space<vmem>>
          %dma_start3A_343 = tpu.memref_squeeze %dma_start3A_342 : memref<1x40x128xf32, #tpu.memory_space<vmem>> -> memref<40x128xf32, #tpu.memory_space<vmem>>
          %dma_start3A_344 = arith.constant 0 : i32
          %dma_start3A_345 = tpu.memref_slice %arg10[%dma_start3A_338, %dma_start3A_344] : memref<2x40xi32, #tpu.memory_space<vmem>> -> memref<1x40xi32, #tpu.memory_space<vmem>>
          %dma_start3A_346 = tpu.memref_squeeze %dma_start3A_345 : memref<1x40xi32, #tpu.memory_space<vmem>> -> memref<40xi32, #tpu.memory_space<vmem>>
          %dma_start3A_347 = arith.constant 0 : i32
          %dma_start3A_348 = arith.constant 0 : i32
          %dma_start3A_349 = tpu.memref_slice %arg4[%dma_start3A_347, %dma_start3A_348] : memref<10000x128xf32, #tpu.memory_space<hbm>> -> memref<10000x128xf32, #tpu.memory_space<hbm>>
          tpu.enqueue_indirect_dma source(%dma_start3A_349 : memref<10000x128xf32, #tpu.memory_space<hbm>>) target(%dma_start3A_343 : memref<40x128xf32, #tpu.memory_space<vmem>>) offsets(%dma_start3A_346 : memref<40xi32, #tpu.memory_space<vmem>>) semaphore(%arg20 : memref<!tpu.dma_semaphore, #tpu.memory_space<semaphore_mem>>)
          %dma_start3A_350 = arith.constant 1 : i32
          %dma_start3A_351 = arith.constant 1 : i32
          %dma_start3A_352 = arith.constant 0 : i32
          %dma_start3A_353 = arith.constant 0 : i32
          %dma_start3A_354 = tpu.memref_slice %arg14[%dma_start3A_351, %dma_start3A_352, %dma_start3A_353] : memref<2x40x128xf32, #tpu.memory_space<vmem>> -> memref<1x40x128xf32, #tpu.memory_space<vmem>>
          %dma_start3A_355 = tpu.memref_squeeze %dma_start3A_354 : memref<1x40x128xf32, #tpu.memory_space<vmem>> -> memref<40x128xf32, #tpu.memory_space<vmem>>
          %dma_start3A_356 = arith.constant 0 : i32
          %dma_start3A_357 = tpu.memref_slice %arg11[%dma_start3A_350, %dma_start3A_356] : memref<2x40xi32, #tpu.memory_space<vmem>> -> memref<1x40xi32, #tpu.memory_space<vmem>>
          %dma_start3A_358 = tpu.memref_squeeze %dma_start3A_357 : memref<1x40xi32, #tpu.memory_space<vmem>> -> memref<40xi32, #tpu.memory_space<vmem>>
          %dma_start3A_359 = arith.constant 0 : i32
          %dma_start3A_360 = arith.constant 0 : i32
          %dma_start3A_361 = tpu.memref_slice %arg5[%dma_start3A_359, %dma_start3A_360] : memref<10000x128xf32, #tpu.memory_space<hbm>> -> memref<10000x128xf32, #tpu.memory_space<hbm>>
          tpu.enqueue_indirect_dma source(%dma_start3A_361 : memref<10000x128xf32, #tpu.memory_space<hbm>>) target(%dma_start3A_355 : memref<40x128xf32, #tpu.memory_space<vmem>>) offsets(%dma_start3A_358 : memref<40xi32, #tpu.memory_space<vmem>>) semaphore(%arg20 : memref<!tpu.dma_semaphore, #tpu.memory_space<semaphore_mem>>)
          %mul3A_362 = arith.constant 10000 : i32
          %mul3A_363 = arith.muli %arg1, %mul3A_362 : i32
          %mul3A_364 = arith.constant 40 : i32
          %mul3A_365 = arith.muli %add3A_337, %mul3A_364 : i32
          %add3A_366 = arith.addi %mul3A_363, %mul3A_365 : i32
          %mul3A_367 = arith.constant 64 : i32
          %mul3A_368 = arith.muli %arg0, %mul3A_367 : i32
          %dma_start3A_369 = arith.constant 1 : i32
          %dma_start3A_370 = arith.constant 0 : i32
          %dma_start3A_371 = arith.constant 0 : i32
          %dma_start3A_372 = tpu.memref_slice %arg15[%dma_start3A_369, %dma_start3A_370, %dma_start3A_371] : memref<2x40x64xi32, #tpu.memory_space<vmem>> -> memref<1x40x64xi32, #tpu.memory_space<vmem>>
          %dma_start3A_373 = tpu.memref_squeeze %dma_start3A_372 : memref<1x40x64xi32, #tpu.memory_space<vmem>> -> memref<40x64xi32, #tpu.memory_space<vmem>>
          %dma_start3A_374 = tpu.memref_slice %arg6[%add3A_366, %mul3A_368] : memref<160000x128xi32, #tpu.memory_space<hbm>> -> memref<40x64xi32, #tpu.memory_space<hbm>>
          %dma_start3A_375 = arith.constant 0 : i32
          %dma_start3A_376 = arith.constant 0 : i32
          %dma_start3A_377 = tpu.memref_slice %arg15[%dma_start3A_369, %dma_start3A_375, %dma_start3A_376] : memref<2x40x64xi32, #tpu.memory_space<vmem>> -> memref<1x40x64xi32, #tpu.memory_space<vmem>>
          %dma_start3A_378 = tpu.memref_squeeze %dma_start3A_377 : memref<1x40x64xi32, #tpu.memory_space<vmem>> -> memref<40x64xi32, #tpu.memory_space<vmem>>
          %dma_start3A_379 = tpu.memref_slice %arg6[%add3A_366, %mul3A_368] : memref<160000x128xi32, #tpu.memory_space<hbm>> -> memref<40x64xi32, #tpu.memory_space<hbm>>
          tpu.enqueue_dma source(%dma_start3A_379 : memref<40x64xi32, #tpu.memory_space<hbm>>) target(%dma_start3A_378 : memref<40x64xi32, #tpu.memory_space<vmem>>) target_semaphore(%arg20 : memref<!tpu.dma_semaphore, #tpu.memory_space<semaphore_mem>>)
        } else {
        }
        %dma_wait3A_215 = arith.constant 0 : i32
        %dma_wait3A_216 = arith.constant 0 : i32
        %dma_wait3A_217 = arith.constant 0 : i32
        %dma_wait3A_218 = tpu.memref_slice %arg13[%dma_wait3A_215, %dma_wait3A_216, %dma_wait3A_217] : memref<2x40x128xf32, #tpu.memory_space<vmem>> -> memref<1x40x128xf32, #tpu.memory_space<vmem>>
        %dma_wait3A_219 = tpu.memref_squeeze %dma_wait3A_218 : memref<1x40x128xf32, #tpu.memory_space<vmem>> -> memref<40x128xf32, #tpu.memory_space<vmem>>
        %dma_wait3A_220 = arith.constant 0 : i32
        %dma_wait3A_221 = arith.constant 0 : i32
        %dma_wait3A_222 = tpu.memref_slice %arg4[%dma_wait3A_220, %dma_wait3A_221] : memref<10000x128xf32, #tpu.memory_space<hbm>> -> memref<40x128xf32, #tpu.memory_space<hbm>>
        %dma_wait3A_223 = arith.constant 0 : i32
        %dma_wait3A_224 = arith.constant 0 : i32
        %dma_wait3A_225 = tpu.memref_slice %arg13[%dma_wait3A_215, %dma_wait3A_223, %dma_wait3A_224] : memref<2x40x128xf32, #tpu.memory_space<vmem>> -> memref<1x40x128xf32, #tpu.memory_space<vmem>>
        %dma_wait3A_226 = tpu.memref_squeeze %dma_wait3A_225 : memref<1x40x128xf32, #tpu.memory_space<vmem>> -> memref<40x128xf32, #tpu.memory_space<vmem>>
        %dma_wait3A_227 = arith.constant 0 : i32
        %dma_wait3A_228 = arith.constant 0 : i32
        %dma_wait3A_229 = tpu.memref_slice %arg4[%dma_wait3A_227, %dma_wait3A_228] : memref<10000x128xf32, #tpu.memory_space<hbm>> -> memref<40x128xf32, #tpu.memory_space<hbm>>
        tpu.wait_dma2 semaphore(%arg19 : memref<!tpu.dma_semaphore, #tpu.memory_space<semaphore_mem>>) src(%dma_wait3A_229 : memref<40x128xf32, #tpu.memory_space<hbm>>) dst(%dma_wait3A_226 : memref<40x128xf32, #tpu.memory_space<vmem>>)
        %dma_wait3A_230 = arith.constant 0 : i32
        %dma_wait3A_231 = arith.constant 0 : i32
        %dma_wait3A_232 = arith.constant 0 : i32
        %dma_wait3A_233 = tpu.memref_slice %arg14[%dma_wait3A_230, %dma_wait3A_231, %dma_wait3A_232] : memref<2x40x128xf32, #tpu.memory_space<vmem>> -> memref<1x40x128xf32, #tpu.memory_space<vmem>>
        %dma_wait3A_234 = tpu.memref_squeeze %dma_wait3A_233 : memref<1x40x128xf32, #tpu.memory_space<vmem>> -> memref<40x128xf32, #tpu.memory_space<vmem>>
        %dma_wait3A_235 = arith.constant 0 : i32
        %dma_wait3A_236 = arith.constant 0 : i32
        %dma_wait3A_237 = tpu.memref_slice %arg5[%dma_wait3A_235, %dma_wait3A_236] : memref<10000x128xf32, #tpu.memory_space<hbm>> -> memref<40x128xf32, #tpu.memory_space<hbm>>
        %dma_wait3A_238 = arith.constant 0 : i32
        %dma_wait3A_239 = arith.constant 0 : i32
        %dma_wait3A_240 = tpu.memref_slice %arg14[%dma_wait3A_230, %dma_wait3A_238, %dma_wait3A_239] : memref<2x40x128xf32, #tpu.memory_space<vmem>> -> memref<1x40x128xf32, #tpu.memory_space<vmem>>
        %dma_wait3A_241 = tpu.memref_squeeze %dma_wait3A_240 : memref<1x40x128xf32, #tpu.memory_space<vmem>> -> memref<40x128xf32, #tpu.memory_space<vmem>>
        %dma_wait3A_242 = arith.constant 0 : i32
        %dma_wait3A_243 = arith.constant 0 : i32
        %dma_wait3A_244 = tpu.memref_slice %arg5[%dma_wait3A_242, %dma_wait3A_243] : memref<10000x128xf32, #tpu.memory_space<hbm>> -> memref<40x128xf32, #tpu.memory_space<hbm>>
        tpu.wait_dma2 semaphore(%arg19 : memref<!tpu.dma_semaphore, #tpu.memory_space<semaphore_mem>>) src(%dma_wait3A_244 : memref<40x128xf32, #tpu.memory_space<hbm>>) dst(%dma_wait3A_241 : memref<40x128xf32, #tpu.memory_space<vmem>>)
        %dma_wait3A_245 = arith.constant 0 : i32
        %dma_wait3A_246 = arith.constant 0 : i32
        %dma_wait3A_247 = arith.constant 0 : i32
        %dma_wait3A_248 = tpu.memref_slice %arg15[%dma_wait3A_245, %dma_wait3A_246, %dma_wait3A_247] : memref<2x40x64xi32, #tpu.memory_space<vmem>> -> memref<1x40x64xi32, #tpu.memory_space<vmem>>
        %dma_wait3A_249 = tpu.memref_squeeze %dma_wait3A_248 : memref<1x40x64xi32, #tpu.memory_space<vmem>> -> memref<40x64xi32, #tpu.memory_space<vmem>>
        %dma_wait3A_250 = arith.constant 0 : i32
        %dma_wait3A_251 = arith.constant 0 : i32
        %dma_wait3A_252 = tpu.memref_slice %arg6[%dma_wait3A_250, %dma_wait3A_251] : memref<160000x128xi32, #tpu.memory_space<hbm>> -> memref<40x64xi32, #tpu.memory_space<hbm>>
        %dma_wait3A_253 = arith.constant 0 : i32
        %dma_wait3A_254 = arith.constant 0 : i32
        %dma_wait3A_255 = tpu.memref_slice %arg15[%dma_wait3A_245, %dma_wait3A_253, %dma_wait3A_254] : memref<2x40x64xi32, #tpu.memory_space<vmem>> -> memref<1x40x64xi32, #tpu.memory_space<vmem>>
        %dma_wait3A_256 = tpu.memref_squeeze %dma_wait3A_255 : memref<1x40x64xi32, #tpu.memory_space<vmem>> -> memref<40x64xi32, #tpu.memory_space<vmem>>
        %dma_wait3A_257 = arith.constant 0 : i32
        %dma_wait3A_258 = arith.constant 0 : i32
        %dma_wait3A_259 = tpu.memref_slice %arg6[%dma_wait3A_257, %dma_wait3A_258] : memref<160000x128xi32, #tpu.memory_space<hbm>> -> memref<40x64xi32, #tpu.memory_space<hbm>>
        tpu.wait_dma2 semaphore(%arg19 : memref<!tpu.dma_semaphore, #tpu.memory_space<semaphore_mem>>) src(%dma_wait3A_259 : memref<40x64xi32, #tpu.memory_space<hbm>>) dst(%dma_wait3A_256 : memref<40x64xi32, #tpu.memory_space<vmem>>)
        %ge3A = arith.constant 2 : i32
        %ge3A_260 = arith.cmpi sge, %scan3A_197, %ge3A : i32
        %convert_element_type3A_261 = arith.extui %ge3A_260 : i1 to i32
        %cond3A_262 = arith.constant 0 : i32
        %cond3A_263 = arith.cmpi ne, %convert_element_type3A_261, %cond3A_262 : i32
        scf.if %cond3A_263 {
          %dma_wait3A_314 = arith.constant 0 : i32
          %dma_wait3A_315 = arith.constant 0 : i32
          %dma_wait3A_316 = arith.constant 0 : i32
          %dma_wait3A_317 = arith.constant 0 : i32
          %dma_wait3A_318 = tpu.memref_slice %arg16[%dma_wait3A_314, %dma_wait3A_316, %dma_wait3A_317] : memref<2x40x144xf32, #tpu.memory_space<vmem>> -> memref<1x40x144xf32, #tpu.memory_space<vmem>>
          %dma_wait3A_319 = tpu.memref_squeeze %dma_wait3A_318 : memref<1x40x144xf32, #tpu.memory_space<vmem>> -> memref<40x144xf32, #tpu.memory_space<vmem>>
          %dma_wait3A_320 = arith.constant 0 : i32
          %dma_wait3A_321 = tpu.memref_slice %arg12[%dma_wait3A_315, %dma_wait3A_320] : memref<2x40xi32, #tpu.memory_space<vmem>> -> memref<1x40xi32, #tpu.memory_space<vmem>>
          %dma_wait3A_322 = tpu.memref_squeeze %dma_wait3A_321 : memref<1x40xi32, #tpu.memory_space<vmem>> -> memref<40xi32, #tpu.memory_space<vmem>>
          %dma_wait3A_323 = arith.constant 0 : i32
          %dma_wait3A_324 = arith.constant 0 : i32
          %dma_wait3A_325 = tpu.memref_slice %arg18[%dma_wait3A_323, %dma_wait3A_324] : memref<10000x144xf32, #tpu.memory_space<vmem_shared>> -> memref<10000x144xf32, #tpu.memory_space<vmem_shared>>
          tpu.wait_indirect_dma semaphore(%arg23 : memref<!tpu.dma_semaphore, #tpu.memory_space<semaphore_mem>>) src(%dma_wait3A_319 : memref<40x144xf32, #tpu.memory_space<vmem>>) dst(%dma_wait3A_325 : memref<10000x144xf32, #tpu.memory_space<vmem_shared>>)
        } else {
        }
        %add3A_264 = arith.constant 2 : i32
        %add3A_265 = arith.addi %scan3A_197, %add3A_264 : i32
        %lt3A_266 = arith.constant 250 : i32
        %lt3A_267 = arith.cmpi slt, %add3A_265, %lt3A_266 : i32
        %convert_element_type3A_268 = arith.extui %lt3A_267 : i1 to i32
        %cond3A_269 = arith.constant 0 : i32
        %cond3A_270 = arith.cmpi ne, %convert_element_type3A_268, %cond3A_269 : i32
        scf.if %cond3A_270 {
          %add3A_314 = arith.constant 2 : i32
          %add3A_315 = arith.addi %scan3A_197, %add3A_314 : i32
          %mul3A_316 = arith.constant 10000 : i32
          %mul3A_317 = arith.muli %add3A, %mul3A_316 : i32
          %mul3A_318 = arith.constant 40 : i32
          %mul3A_319 = arith.muli %add3A_315, %mul3A_318 : i32
          %add3A_320 = arith.addi %mul3A_317, %mul3A_319 : i32
          %dma_start3A_321 = arith.constant 0 : i32
          %dma_start3A_322 = arith.constant 0 : i32
          %dma_start3A_323 = tpu.memref_slice %arg10[%dma_start3A_321, %dma_start3A_322] : memref<2x40xi32, #tpu.memory_space<vmem>> -> memref<1x40xi32, #tpu.memory_space<vmem>>
          %dma_start3A_324 = tpu.memref_squeeze %dma_start3A_323 : memref<1x40xi32, #tpu.memory_space<vmem>> -> memref<40xi32, #tpu.memory_space<vmem>>
          %dma_start3A_325 = tpu.memref_slice %arg2[%add3A_320] : memref<320000xi32, #tpu.memory_space<hbm>> -> memref<40xi32, #tpu.memory_space<hbm>>
          %dma_start3A_326 = arith.constant 0 : i32
          %dma_start3A_327 = tpu.memref_slice %arg10[%dma_start3A_321, %dma_start3A_326] : memref<2x40xi32, #tpu.memory_space<vmem>> -> memref<1x40xi32, #tpu.memory_space<vmem>>
          %dma_start3A_328 = tpu.memref_squeeze %dma_start3A_327 : memref<1x40xi32, #tpu.memory_space<vmem>> -> memref<40xi32, #tpu.memory_space<vmem>>
          %dma_start3A_329 = tpu.memref_slice %arg2[%add3A_320] : memref<320000xi32, #tpu.memory_space<hbm>> -> memref<40xi32, #tpu.memory_space<hbm>>
          tpu.enqueue_dma source(%dma_start3A_329 : memref<40xi32, #tpu.memory_space<hbm>>) target(%dma_start3A_328 : memref<40xi32, #tpu.memory_space<vmem>>) target_semaphore(%arg21 : memref<!tpu.dma_semaphore, #tpu.memory_space<semaphore_mem>>)
          %dma_start3A_330 = arith.constant 0 : i32
          %dma_start3A_331 = arith.constant 0 : i32
          %dma_start3A_332 = tpu.memref_slice %arg11[%dma_start3A_330, %dma_start3A_331] : memref<2x40xi32, #tpu.memory_space<vmem>> -> memref<1x40xi32, #tpu.memory_space<vmem>>
          %dma_start3A_333 = tpu.memref_squeeze %dma_start3A_332 : memref<1x40xi32, #tpu.memory_space<vmem>> -> memref<40xi32, #tpu.memory_space<vmem>>
          %dma_start3A_334 = tpu.memref_slice %arg3[%add3A_320] : memref<320000xi32, #tpu.memory_space<hbm>> -> memref<40xi32, #tpu.memory_space<hbm>>
          %dma_start3A_335 = arith.constant 0 : i32
          %dma_start3A_336 = tpu.memref_slice %arg11[%dma_start3A_330, %dma_start3A_335] : memref<2x40xi32, #tpu.memory_space<vmem>> -> memref<1x40xi32, #tpu.memory_space<vmem>>
          %dma_start3A_337 = tpu.memref_squeeze %dma_start3A_336 : memref<1x40xi32, #tpu.memory_space<vmem>> -> memref<40xi32, #tpu.memory_space<vmem>>
          %dma_start3A_338 = tpu.memref_slice %arg3[%add3A_320] : memref<320000xi32, #tpu.memory_space<hbm>> -> memref<40xi32, #tpu.memory_space<hbm>>
          tpu.enqueue_dma source(%dma_start3A_338 : memref<40xi32, #tpu.memory_space<hbm>>) target(%dma_start3A_337 : memref<40xi32, #tpu.memory_space<vmem>>) target_semaphore(%arg21 : memref<!tpu.dma_semaphore, #tpu.memory_space<semaphore_mem>>)
        } else {
        }
        %mul3A_271 = arith.constant 10000 : i32
        %mul3A_272 = arith.muli %add3A, %mul3A_271 : i32
        %mul3A_273 = arith.constant 40 : i32
        %mul3A_274 = arith.muli %scan3A_197, %mul3A_273 : i32
        %add3A_275 = arith.addi %mul3A_272, %mul3A_274 : i32
        %dma_start3A_276 = arith.constant 0 : i32
        %dma_start3A_277 = arith.constant 0 : i32
        %dma_start3A_278 = tpu.memref_slice %arg12[%dma_start3A_276, %dma_start3A_277] : memref<2x40xi32, #tpu.memory_space<vmem>> -> memref<1x40xi32, #tpu.memory_space<vmem>>
        %dma_start3A_279 = tpu.memref_squeeze %dma_start3A_278 : memref<1x40xi32, #tpu.memory_space<vmem>> -> memref<40xi32, #tpu.memory_space<vmem>>
        %dma_start3A_280 = tpu.memref_slice %arg3[%add3A_275] : memref<320000xi32, #tpu.memory_space<hbm>> -> memref<40xi32, #tpu.memory_space<hbm>>
        %dma_start3A_281 = arith.constant 0 : i32
        %dma_start3A_282 = tpu.memref_slice %arg12[%dma_start3A_276, %dma_start3A_281] : memref<2x40xi32, #tpu.memory_space<vmem>> -> memref<1x40xi32, #tpu.memory_space<vmem>>
        %dma_start3A_283 = tpu.memref_squeeze %dma_start3A_282 : memref<1x40xi32, #tpu.memory_space<vmem>> -> memref<40xi32, #tpu.memory_space<vmem>>
        %dma_start3A_284 = tpu.memref_slice %arg3[%add3A_275] : memref<320000xi32, #tpu.memory_space<hbm>> -> memref<40xi32, #tpu.memory_space<hbm>>
        tpu.enqueue_dma source(%dma_start3A_284 : memref<40xi32, #tpu.memory_space<hbm>>) target(%dma_start3A_283 : memref<40xi32, #tpu.memory_space<vmem>>) target_semaphore(%arg25 : memref<!tpu.dma_semaphore, #tpu.memory_space<semaphore_mem>>)
        %scan3A_285 = arith.constant 0 : i32
        %scan3A_286 = arith.constant 0 : i32
        %scan3A_287 = arith.constant 10 : i32
        %scan3A_288 = arith.addi %scan3A_286, %scan3A_287 : i32
        %scan3A_289 = arith.constant 1 : i32
        scf.for %scan3A_314 = %scan3A_286 to %scan3A_288 step %scan3A_289  : i32 {
          %mul3A_315 = arith.constant 4 : i32
          %mul3A_316 = arith.muli %scan3A_314, %mul3A_315 : i32
          %add3A_317 = arith.constant 0 : i32
          %add3A_318 = arith.addi %mul3A_316, %add3A_317 : i32
          %get3A_319 = arith.constant 0 : i32
          %get3A_320 = arith.index_cast %get3A_319 : i32 to index
          %get3A_321 = arith.index_cast %add3A_318 : i32 to index
          %get3A_322 = arith.constant 0 : index
          %get3A_323 = tpu.vector_load %arg13[%get3A_320, %get3A_321, %get3A_322] {strides = array<i32>} : memref<2x40x128xf32, #tpu.memory_space<vmem>>, vector<16xf32>,
          %get3A_324 = arith.constant 0 : i32
          %get3A_325 = arith.index_cast %get3A_324 : i32 to index
          %get3A_326 = arith.index_cast %add3A_318 : i32 to index
          %get3A_327 = arith.constant 16 : index
          %get3A_328 = tpu.vector_load %arg13[%get3A_325, %get3A_326, %get3A_327] {strides = array<i32>} : memref<2x40x128xf32, #tpu.memory_space<vmem>>, vector<16xf32>,
          %get3A_329 = arith.constant 0 : i32
          %get3A_330 = arith.index_cast %get3A_329 : i32 to index
          %get3A_331 = arith.index_cast %add3A_318 : i32 to index
          %get3A_332 = arith.constant 32 : index
          %get3A_333 = tpu.vector_load %arg13[%get3A_330, %get3A_331, %get3A_332] {strides = array<i32>} : memref<2x40x128xf32, #tpu.memory_space<vmem>>, vector<16xf32>,
          %get3A_334 = arith.constant 0 : i32
          %get3A_335 = arith.index_cast %get3A_334 : i32 to index
          %get3A_336 = arith.index_cast %add3A_318 : i32 to index
          %get3A_337 = arith.constant 48 : index
          %get3A_338 = tpu.vector_load %arg13[%get3A_335, %get3A_336, %get3A_337] {strides = array<i32>} : memref<2x40x128xf32, #tpu.memory_space<vmem>>, vector<16xf32>,
          %get3A_339 = arith.constant 0 : i32
          %get3A_340 = arith.index_cast %get3A_339 : i32 to index
          %get3A_341 = arith.index_cast %add3A_318 : i32 to index
          %get3A_342 = arith.constant 64 : index
          %get3A_343 = tpu.vector_load %arg13[%get3A_340, %get3A_341, %get3A_342] {strides = array<i32>} : memref<2x40x128xf32, #tpu.memory_space<vmem>>, vector<16xf32>,
          %get3A_344 = arith.constant 0 : i32
          %get3A_345 = arith.index_cast %get3A_344 : i32 to index
          %get3A_346 = arith.index_cast %add3A_318 : i32 to index
          %get3A_347 = arith.constant 80 : index
          %get3A_348 = tpu.vector_load %arg13[%get3A_345, %get3A_346, %get3A_347] {strides = array<i32>} : memref<2x40x128xf32, #tpu.memory_space<vmem>>, vector<16xf32>,
          %get3A_349 = arith.constant 0 : i32
          %get3A_350 = arith.index_cast %get3A_349 : i32 to index
          %get3A_351 = arith.index_cast %add3A_318 : i32 to index
          %get3A_352 = arith.constant 96 : index
          %get3A_353 = tpu.vector_load %arg13[%get3A_350, %get3A_351, %get3A_352] {strides = array<i32>} : memref<2x40x128xf32, #tpu.memory_space<vmem>>, vector<16xf32>,
          %get3A_354 = arith.constant 0 : i32
          %get3A_355 = arith.index_cast %get3A_354 : i32 to index
          %get3A_356 = arith.index_cast %add3A_318 : i32 to index
          %get3A_357 = arith.constant 112 : index
          %get3A_358 = tpu.vector_load %arg13[%get3A_355, %get3A_356, %get3A_357] {strides = array<i32>} : memref<2x40x128xf32, #tpu.memory_space<vmem>>, vector<16xf32>,
          %get3A_359 = arith.constant 0 : i32
          %get3A_360 = arith.index_cast %get3A_359 : i32 to index
          %get3A_361 = arith.index_cast %add3A_318 : i32 to index
          %get3A_362 = arith.constant 0 : index
          %get3A_363 = tpu.vector_load %arg15[%get3A_360, %get3A_361, %get3A_362] {strides = array<i32>} : memref<2x40x64xi32, #tpu.memory_space<vmem>>, vector<16xi32>,
          %bitcast3A = vector.bitcast %get3A_363 : vector<16xi32> to vector<32xbf16>
          %unpack3A = tpu.unpack_subelements %bitcast3A, 0 {pack_format = #tpu.pack_format<interleaved>} : vector<32xbf16> -> vector<16xf32>
          %unpack3A_364 = tpu.unpack_subelements %bitcast3A, 1 {pack_format = #tpu.pack_format<interleaved>} : vector<32xbf16> -> vector<16xf32>
          %get3A_365 = arith.constant 0 : i32
          %get3A_366 = arith.index_cast %get3A_365 : i32 to index
          %get3A_367 = arith.index_cast %add3A_318 : i32 to index
          %get3A_368 = arith.constant 0 : index
          %get3A_369 = tpu.vector_load %arg14[%get3A_366, %get3A_367, %get3A_368] {strides = array<i32>} : memref<2x40x128xf32, #tpu.memory_space<vmem>>, vector<16xf32>,
          %add3A_370 = arith.addf %get3A_323, %get3A_369 : vector<16xf32>
          %add3A_371 = arith.addf %add3A_370, %unpack3A : vector<16xf32>
          %mul3A_372 = arith.constant 2.000000e-01 : f32
          %mul3A_373 = vector.broadcast %mul3A_372 : f32 to vector<16xf32>
          %mul3A_374 = arith.mulf %add3A_371, %mul3A_373 : vector<16xf32>
          %max3A = arith.maximumf %add3A_371, %mul3A_374 : vector<16xf32>
          %mul3A_375 = arith.mulf %max3A, %get3A_15 : vector<16xf32>
          %get3A_376 = arith.constant 0 : i32
          %get3A_377 = arith.index_cast %get3A_376 : i32 to index
          %get3A_378 = arith.index_cast %add3A_318 : i32 to index
          %get3A_379 = arith.constant 16 : index
          %get3A_380 = tpu.vector_load %arg14[%get3A_377, %get3A_378, %get3A_379] {strides = array<i32>} : memref<2x40x128xf32, #tpu.memory_space<vmem>>, vector<16xf32>,
          %add3A_381 = arith.addf %get3A_328, %get3A_380 : vector<16xf32>
          %add3A_382 = arith.addf %add3A_381, %unpack3A_364 : vector<16xf32>
          %mul3A_383 = arith.constant 2.000000e-01 : f32
          %mul3A_384 = vector.broadcast %mul3A_383 : f32 to vector<16xf32>
          %mul3A_385 = arith.mulf %add3A_382, %mul3A_384 : vector<16xf32>
          %max3A_386 = arith.maximumf %add3A_382, %mul3A_385 : vector<16xf32>
          %mul3A_387 = arith.mulf %max3A_386, %get3A_19 : vector<16xf32>
          %add3A_388 = arith.addf %mul3A_375, %mul3A_387 : vector<16xf32>
          %broadcast_in_dim3A_389 = arith.constant true
          %broadcast_in_dim3A_390 = vector.broadcast %broadcast_in_dim3A_389 : i1 to vector<16xi1>
          %masked_cumsum3A = tpu.scan <sum>, %add3A_388 masked %broadcast_in_dim3A_390 : vector<16xf32>, vector<16xi1> -> vector<16xf32>
          %slice3A = vector.extract_strided_slice %masked_cumsum3A {offsets = [15], sizes = [1], strides = [1]} : vector<16xf32> to vector<1xf32>
          %squeeze3A = vector.extract %slice3A[0] : f32 from vector<1xf32>
          %broadcast_in_dim3A_391 = vector.broadcast %squeeze3A : f32 to vector<16xf32>
          %exp3A = math.exp %broadcast_in_dim3A_391 : vector<16xf32>
          %get3A_392 = arith.constant 0 : i32
          %get3A_393 = arith.index_cast %get3A_392 : i32 to index
          %get3A_394 = arith.index_cast %add3A_318 : i32 to index
          %get3A_395 = arith.constant 16 : index
          %get3A_396 = tpu.vector_load %arg15[%get3A_393, %get3A_394, %get3A_395] {strides = array<i32>} : memref<2x40x64xi32, #tpu.memory_space<vmem>>, vector<16xi32>,
          %bitcast3A_397 = vector.bitcast %get3A_396 : vector<16xi32> to vector<32xbf16>
          %unpack3A_398 = tpu.unpack_subelements %bitcast3A_397, 0 {pack_format = #tpu.pack_format<interleaved>} : vector<32xbf16> -> vector<16xf32>
          %unpack3A_399 = tpu.unpack_subelements %bitcast3A_397, 1 {pack_format = #tpu.pack_format<interleaved>} : vector<32xbf16> -> vector<16xf32>
          %get3A_400 = arith.constant 0 : i32
          %get3A_401 = arith.index_cast %get3A_400 : i32 to index
          %get3A_402 = arith.index_cast %add3A_318 : i32 to index
          %get3A_403 = arith.constant 32 : index
          %get3A_404 = tpu.vector_load %arg14[%get3A_401, %get3A_402, %get3A_403] {strides = array<i32>} : memref<2x40x128xf32, #tpu.memory_space<vmem>>, vector<16xf32>,
          %add3A_405 = arith.addf %get3A_333, %get3A_404 : vector<16xf32>
          %add3A_406 = arith.addf %add3A_405, %unpack3A_398 : vector<16xf32>
          %mul3A_407 = arith.constant 2.000000e-01 : f32
          %mul3A_408 = vector.broadcast %mul3A_407 : f32 to vector<16xf32>
          %mul3A_409 = arith.mulf %add3A_406, %mul3A_408 : vector<16xf32>
          %max3A_410 = arith.maximumf %add3A_406, %mul3A_409 : vector<16xf32>
          %mul3A_411 = arith.mulf %max3A_410, %get3A_23 : vector<16xf32>
          %get3A_412 = arith.constant 0 : i32
          %get3A_413 = arith.index_cast %get3A_412 : i32 to index
          %get3A_414 = arith.index_cast %add3A_318 : i32 to index
          %get3A_415 = arith.constant 48 : index
          %get3A_416 = tpu.vector_load %arg14[%get3A_413, %get3A_414, %get3A_415] {strides = array<i32>} : memref<2x40x128xf32, #tpu.memory_space<vmem>>, vector<16xf32>,
          %add3A_417 = arith.addf %get3A_338, %get3A_416 : vector<16xf32>
          %add3A_418 = arith.addf %add3A_417, %unpack3A_399 : vector<16xf32>
          %mul3A_419 = arith.constant 2.000000e-01 : f32
          %mul3A_420 = vector.broadcast %mul3A_419 : f32 to vector<16xf32>
          %mul3A_421 = arith.mulf %add3A_418, %mul3A_420 : vector<16xf32>
          %max3A_422 = arith.maximumf %add3A_418, %mul3A_421 : vector<16xf32>
          %mul3A_423 = arith.mulf %max3A_422, %get3A_27 : vector<16xf32>
          %add3A_424 = arith.addf %mul3A_411, %mul3A_423 : vector<16xf32>
          %broadcast_in_dim3A_425 = arith.constant true
          %broadcast_in_dim3A_426 = vector.broadcast %broadcast_in_dim3A_425 : i1 to vector<16xi1>
          %masked_cumsum3A_427 = tpu.scan <sum>, %add3A_424 masked %broadcast_in_dim3A_426 : vector<16xf32>, vector<16xi1> -> vector<16xf32>
          %slice3A_428 = vector.extract_strided_slice %masked_cumsum3A_427 {offsets = [15], sizes = [1], strides = [1]} : vector<16xf32> to vector<1xf32>
          %squeeze3A_429 = vector.extract %slice3A_428[0] : f32 from vector<1xf32>
          %broadcast_in_dim3A_430 = vector.broadcast %squeeze3A_429 : f32 to vector<16xf32>
          %exp3A_431 = math.exp %broadcast_in_dim3A_430 : vector<16xf32>
          %get3A_432 = arith.constant 0 : i32
          %get3A_433 = arith.index_cast %get3A_432 : i32 to index
          %get3A_434 = arith.index_cast %add3A_318 : i32 to index
          %get3A_435 = arith.constant 32 : index
          %get3A_436 = tpu.vector_load %arg15[%get3A_433, %get3A_434, %get3A_435] {strides = array<i32>} : memref<2x40x64xi32, #tpu.memory_space<vmem>>, vector<16xi32>,
          %bitcast3A_437 = vector.bitcast %get3A_436 : vector<16xi32> to vector<32xbf16>
          %unpack3A_438 = tpu.unpack_subelements %bitcast3A_437, 0 {pack_format = #tpu.pack_format<interleaved>} : vector<32xbf16> -> vector<16xf32>
          %unpack3A_439 = tpu.unpack_subelements %bitcast3A_437, 1 {pack_format = #tpu.pack_format<interleaved>} : vector<32xbf16> -> vector<16xf32>
          %get3A_440 = arith.constant 0 : i32
          %get3A_441 = arith.index_cast %get3A_440 : i32 to index
          %get3A_442 = arith.index_cast %add3A_318 : i32 to index
          %get3A_443 = arith.constant 64 : index
          %get3A_444 = tpu.vector_load %arg14[%get3A_441, %get3A_442, %get3A_443] {strides = array<i32>} : memref<2x40x128xf32, #tpu.memory_space<vmem>>, vector<16xf32>,
          %add3A_445 = arith.addf %get3A_343, %get3A_444 : vector<16xf32>
          %add3A_446 = arith.addf %add3A_445, %unpack3A_438 : vector<16xf32>
          %mul3A_447 = arith.constant 2.000000e-01 : f32
          %mul3A_448 = vector.broadcast %mul3A_447 : f32 to vector<16xf32>
          %mul3A_449 = arith.mulf %add3A_446, %mul3A_448 : vector<16xf32>
          %max3A_450 = arith.maximumf %add3A_446, %mul3A_449 : vector<16xf32>
          %mul3A_451 = arith.mulf %max3A_450, %get3A_31 : vector<16xf32>
          %get3A_452 = arith.constant 0 : i32
          %get3A_453 = arith.index_cast %get3A_452 : i32 to index
          %get3A_454 = arith.index_cast %add3A_318 : i32 to index
          %get3A_455 = arith.constant 80 : index
          %get3A_456 = tpu.vector_load %arg14[%get3A_453, %get3A_454, %get3A_455] {strides = array<i32>} : memref<2x40x128xf32, #tpu.memory_space<vmem>>, vector<16xf32>,
          %add3A_457 = arith.addf %get3A_348, %get3A_456 : vector<16xf32>
          %add3A_458 = arith.addf %add3A_457, %unpack3A_439 : vector<16xf32>
          %mul3A_459 = arith.constant 2.000000e-01 : f32
          %mul3A_460 = vector.broadcast %mul3A_459 : f32 to vector<16xf32>
          %mul3A_461 = arith.mulf %add3A_458, %mul3A_460 : vector<16xf32>
          %max3A_462 = arith.maximumf %add3A_458, %mul3A_461 : vector<16xf32>
          %mul3A_463 = arith.mulf %max3A_462, %get3A_35 : vector<16xf32>
          %add3A_464 = arith.addf %mul3A_451, %mul3A_463 : vector<16xf32>
          %broadcast_in_dim3A_465 = arith.constant true
          %broadcast_in_dim3A_466 = vector.broadcast %broadcast_in_dim3A_465 : i1 to vector<16xi1>
          %masked_cumsum3A_467 = tpu.scan <sum>, %add3A_464 masked %broadcast_in_dim3A_466 : vector<16xf32>, vector<16xi1> -> vector<16xf32>
          %slice3A_468 = vector.extract_strided_slice %masked_cumsum3A_467 {offsets = [15], sizes = [1], strides = [1]} : vector<16xf32> to vector<1xf32>
          %squeeze3A_469 = vector.extract %slice3A_468[0] : f32 from vector<1xf32>
          %broadcast_in_dim3A_470 = vector.broadcast %squeeze3A_469 : f32 to vector<16xf32>
          %exp3A_471 = math.exp %broadcast_in_dim3A_470 : vector<16xf32>
          %get3A_472 = arith.constant 0 : i32
          %get3A_473 = arith.index_cast %get3A_472 : i32 to index
          %get3A_474 = arith.index_cast %add3A_318 : i32 to index
          %get3A_475 = arith.constant 48 : index
          %get3A_476 = tpu.vector_load %arg15[%get3A_473, %get3A_474, %get3A_475] {strides = array<i32>} : memref<2x40x64xi32, #tpu.memory_space<vmem>>, vector<16xi32>,
          %bitcast3A_477 = vector.bitcast %get3A_476 : vector<16xi32> to vector<32xbf16>
          %unpack3A_478 = tpu.unpack_subelements %bitcast3A_477, 0 {pack_format = #tpu.pack_format<interleaved>} : vector<32xbf16> -> vector<16xf32>
          %unpack3A_479 = tpu.unpack_subelements %bitcast3A_477, 1 {pack_format = #tpu.pack_format<interleaved>} : vector<32xbf16> -> vector<16xf32>
          %get3A_480 = arith.constant 0 : i32
          %get3A_481 = arith.index_cast %get3A_480 : i32 to index
          %get3A_482 = arith.index_cast %add3A_318 : i32 to index
          %get3A_483 = arith.constant 96 : index
          %get3A_484 = tpu.vector_load %arg14[%get3A_481, %get3A_482, %get3A_483] {strides = array<i32>} : memref<2x40x128xf32, #tpu.memory_space<vmem>>, vector<16xf32>,
          %add3A_485 = arith.addf %get3A_353, %get3A_484 : vector<16xf32>
          %add3A_486 = arith.addf %add3A_485, %unpack3A_478 : vector<16xf32>
          %mul3A_487 = arith.constant 2.000000e-01 : f32
          %mul3A_488 = vector.broadcast %mul3A_487 : f32 to vector<16xf32>
          %mul3A_489 = arith.mulf %add3A_486, %mul3A_488 : vector<16xf32>
          %max3A_490 = arith.maximumf %add3A_486, %mul3A_489 : vector<16xf32>
          %mul3A_491 = arith.mulf %max3A_490, %get3A_39 : vector<16xf32>
          %get3A_492 = arith.constant 0 : i32
          %get3A_493 = arith.index_cast %get3A_492 : i32 to index
          %get3A_494 = arith.index_cast %add3A_318 : i32 to index
          %get3A_495 = arith.constant 112 : index
          %get3A_496 = tpu.vector_load %arg14[%get3A_493, %get3A_494, %get3A_495] {strides = array<i32>} : memref<2x40x128xf32, #tpu.memory_space<vmem>>, vector<16xf32>,
          %add3A_497 = arith.addf %get3A_358, %get3A_496 : vector<16xf32>
          %add3A_498 = arith.addf %add3A_497, %unpack3A_479 : vector<16xf32>
          %mul3A_499 = arith.constant 2.000000e-01 : f32
          %mul3A_500 = vector.broadcast %mul3A_499 : f32 to vector<16xf32>
          %mul3A_501 = arith.mulf %add3A_498, %mul3A_500 : vector<16xf32>
          %max3A_502 = arith.maximumf %add3A_498, %mul3A_501 : vector<16xf32>
          %mul3A_503 = arith.mulf %max3A_502, %get3A_43 : vector<16xf32>
          %add3A_504 = arith.addf %mul3A_491, %mul3A_503 : vector<16xf32>
          %broadcast_in_dim3A_505 = arith.constant true
          %broadcast_in_dim3A_506 = vector.broadcast %broadcast_in_dim3A_505 : i1 to vector<16xi1>
          %masked_cumsum3A_507 = tpu.scan <sum>, %add3A_504 masked %broadcast_in_dim3A_506 : vector<16xf32>, vector<16xi1> -> vector<16xf32>
          %slice3A_508 = vector.extract_strided_slice %masked_cumsum3A_507 {offsets = [15], sizes = [1], strides = [1]} : vector<16xf32> to vector<1xf32>
          %squeeze3A_509 = vector.extract %slice3A_508[0] : f32 from vector<1xf32>
          %broadcast_in_dim3A_510 = vector.broadcast %squeeze3A_509 : f32 to vector<16xf32>
          %exp3A_511 = math.exp %broadcast_in_dim3A_510 : vector<16xf32>
          %mul3A_512 = arith.mulf %get3A_323, %exp3A : vector<16xf32>
          %swap3A = arith.constant 0 : i32
          %swap3A_513 = arith.index_cast %swap3A : i32 to index
          %swap3A_514 = arith.index_cast %add3A_318 : i32 to index
          %swap3A_515 = arith.constant 0 : index
          %swap3A_516 = tpu.vector_load %arg16[%swap3A_513, %swap3A_514, %swap3A_515] {strides = array<i32>} : memref<2x40x144xf32, #tpu.memory_space<vmem>>, vector<16xf32>,
          tpu.vector_store %arg16[%swap3A_513, %swap3A_514, %swap3A_515], %mul3A_512 {strides = array<i32>} : memref<2x40x144xf32, #tpu.memory_space<vmem>>, vector<16xf32>,
          %mul3A_517 = arith.mulf %get3A_328, %exp3A : vector<16xf32>
          %swap3A_518 = arith.constant 0 : i32
          %swap3A_519 = arith.index_cast %swap3A_518 : i32 to index
          %swap3A_520 = arith.index_cast %add3A_318 : i32 to index
          %swap3A_521 = arith.constant 16 : index
          %swap3A_522 = tpu.vector_load %arg16[%swap3A_519, %swap3A_520, %swap3A_521] {strides = array<i32>} : memref<2x40x144xf32, #tpu.memory_space<vmem>>, vector<16xf32>,
          tpu.vector_store %arg16[%swap3A_519, %swap3A_520, %swap3A_521], %mul3A_517 {strides = array<i32>} : memref<2x40x144xf32, #tpu.memory_space<vmem>>, vector<16xf32>,
          %mul3A_523 = arith.mulf %get3A_333, %exp3A_431 : vector<16xf32>
          %swap3A_524 = arith.constant 0 : i32
          %swap3A_525 = arith.index_cast %swap3A_524 : i32 to index
          %swap3A_526 = arith.index_cast %add3A_318 : i32 to index
          %swap3A_527 = arith.constant 32 : index
          %swap3A_528 = tpu.vector_load %arg16[%swap3A_525, %swap3A_526, %swap3A_527] {strides = array<i32>} : memref<2x40x144xf32, #tpu.memory_space<vmem>>, vector<16xf32>,
          tpu.vector_store %arg16[%swap3A_525, %swap3A_526, %swap3A_527], %mul3A_523 {strides = array<i32>} : memref<2x40x144xf32, #tpu.memory_space<vmem>>, vector<16xf32>,
          %mul3A_529 = arith.mulf %get3A_338, %exp3A_431 : vector<16xf32>
          %swap3A_530 = arith.constant 0 : i32
          %swap3A_531 = arith.index_cast %swap3A_530 : i32 to index
          %swap3A_532 = arith.index_cast %add3A_318 : i32 to index
          %swap3A_533 = arith.constant 48 : index
          %swap3A_534 = tpu.vector_load %arg16[%swap3A_531, %swap3A_532, %swap3A_533] {strides = array<i32>} : memref<2x40x144xf32, #tpu.memory_space<vmem>>, vector<16xf32>,
          tpu.vector_store %arg16[%swap3A_531, %swap3A_532, %swap3A_533], %mul3A_529 {strides = array<i32>} : memref<2x40x144xf32, #tpu.memory_space<vmem>>, vector<16xf32>,
          %mul3A_535 = arith.mulf %get3A_343, %exp3A_471 : vector<16xf32>
          %swap3A_536 = arith.constant 0 : i32
          %swap3A_537 = arith.index_cast %swap3A_536 : i32 to index
          %swap3A_538 = arith.index_cast %add3A_318 : i32 to index
          %swap3A_539 = arith.constant 64 : index
          %swap3A_540 = tpu.vector_load %arg16[%swap3A_537, %swap3A_538, %swap3A_539] {strides = array<i32>} : memref<2x40x144xf32, #tpu.memory_space<vmem>>, vector<16xf32>,
          tpu.vector_store %arg16[%swap3A_537, %swap3A_538, %swap3A_539], %mul3A_535 {strides = array<i32>} : memref<2x40x144xf32, #tpu.memory_space<vmem>>, vector<16xf32>,
          %mul3A_541 = arith.mulf %get3A_348, %exp3A_471 : vector<16xf32>
          %swap3A_542 = arith.constant 0 : i32
          %swap3A_543 = arith.index_cast %swap3A_542 : i32 to index
          %swap3A_544 = arith.index_cast %add3A_318 : i32 to index
          %swap3A_545 = arith.constant 80 : index
          %swap3A_546 = tpu.vector_load %arg16[%swap3A_543, %swap3A_544, %swap3A_545] {strides = array<i32>} : memref<2x40x144xf32, #tpu.memory_space<vmem>>, vector<16xf32>,
          tpu.vector_store %arg16[%swap3A_543, %swap3A_544, %swap3A_545], %mul3A_541 {strides = array<i32>} : memref<2x40x144xf32, #tpu.memory_space<vmem>>, vector<16xf32>,
          %mul3A_547 = arith.mulf %get3A_353, %exp3A_511 : vector<16xf32>
          %swap3A_548 = arith.constant 0 : i32
          %swap3A_549 = arith.index_cast %swap3A_548 : i32 to index
          %swap3A_550 = arith.index_cast %add3A_318 : i32 to index
          %swap3A_551 = arith.constant 96 : index
          %swap3A_552 = tpu.vector_load %arg16[%swap3A_549, %swap3A_550, %swap3A_551] {strides = array<i32>} : memref<2x40x144xf32, #tpu.memory_space<vmem>>, vector<16xf32>,
          tpu.vector_store %arg16[%swap3A_549, %swap3A_550, %swap3A_551], %mul3A_547 {strides = array<i32>} : memref<2x40x144xf32, #tpu.memory_space<vmem>>, vector<16xf32>,
          %mul3A_553 = arith.mulf %get3A_358, %exp3A_511 : vector<16xf32>
          %swap3A_554 = arith.constant 0 : i32
          %swap3A_555 = arith.index_cast %swap3A_554 : i32 to index
          %swap3A_556 = arith.index_cast %add3A_318 : i32 to index
          %swap3A_557 = arith.constant 112 : index
          %swap3A_558 = tpu.vector_load %arg16[%swap3A_555, %swap3A_556, %swap3A_557] {strides = array<i32>} : memref<2x40x144xf32, #tpu.memory_space<vmem>>, vector<16xf32>,
          tpu.vector_store %arg16[%swap3A_555, %swap3A_556, %swap3A_557], %mul3A_553 {strides = array<i32>} : memref<2x40x144xf32, #tpu.memory_space<vmem>>, vector<16xf32>,
          %jit3A = arith.constant 0.000000e+00 : f32
          %broadcast_in_dim3A_559 = vector.broadcast %jit3A : f32 to vector<16xf32>
          %select_n3A = arith.select %eq3A_54, %exp3A_511, %broadcast_in_dim3A_559 : vector<16xi1>, vector<16xf32>
          %select_n3A_560 = arith.select %eq3A_51, %exp3A_471, %select_n3A : vector<16xi1>, vector<16xf32>
          %select_n3A_561 = arith.select %eq3A_48, %exp3A_431, %select_n3A_560 : vector<16xi1>, vector<16xf32>
          %select_n3A_562 = arith.select %eq3A_45, %exp3A, %select_n3A_561 : vector<16xi1>, vector<16xf32>
          %swap3A_563 = arith.constant 0 : i32
          %swap3A_564 = arith.index_cast %swap3A_563 : i32 to index
          %swap3A_565 = arith.index_cast %add3A_318 : i32 to index
          %swap3A_566 = arith.constant 128 : index
          %swap3A_567 = tpu.vector_load %arg16[%swap3A_564, %swap3A_565, %swap3A_566] {strides = array<i32>} : memref<2x40x144xf32, #tpu.memory_space<vmem>>, vector<16xf32>,
          tpu.vector_store %arg16[%swap3A_564, %swap3A_565, %swap3A_566], %select_n3A_562 {strides = array<i32>} : memref<2x40x144xf32, #tpu.memory_space<vmem>>, vector<16xf32>,
          %mul3A_568 = arith.constant 4 : i32
          %mul3A_569 = arith.muli %scan3A_314, %mul3A_568 : i32
          %add3A_570 = arith.constant 1 : i32
          %add3A_571 = arith.addi %mul3A_569, %add3A_570 : i32
          %get3A_572 = arith.constant 0 : i32
          %get3A_573 = arith.index_cast %get3A_572 : i32 to index
          %get3A_574 = arith.index_cast %add3A_571 : i32 to index
          %get3A_575 = arith.constant 0 : index
          %get3A_576 = tpu.vector_load %arg13[%get3A_573, %get3A_574, %get3A_575] {strides = array<i32>} : memref<2x40x128xf32, #tpu.memory_space<vmem>>, vector<16xf32>,
          %get3A_577 = arith.constant 0 : i32
          %get3A_578 = arith.index_cast %get3A_577 : i32 to index
          %get3A_579 = arith.index_cast %add3A_571 : i32 to index
          %get3A_580 = arith.constant 16 : index
          %get3A_581 = tpu.vector_load %arg13[%get3A_578, %get3A_579, %get3A_580] {strides = array<i32>} : memref<2x40x128xf32, #tpu.memory_space<vmem>>, vector<16xf32>,
          %get3A_582 = arith.constant 0 : i32
          %get3A_583 = arith.index_cast %get3A_582 : i32 to index
          %get3A_584 = arith.index_cast %add3A_571 : i32 to index
          %get3A_585 = arith.constant 32 : index
          %get3A_586 = tpu.vector_load %arg13[%get3A_583, %get3A_584, %get3A_585] {strides = array<i32>} : memref<2x40x128xf32, #tpu.memory_space<vmem>>, vector<16xf32>,
          %get3A_587 = arith.constant 0 : i32
          %get3A_588 = arith.index_cast %get3A_587 : i32 to index
          %get3A_589 = arith.index_cast %add3A_571 : i32 to index
          %get3A_590 = arith.constant 48 : index
          %get3A_591 = tpu.vector_load %arg13[%get3A_588, %get3A_589, %get3A_590] {strides = array<i32>} : memref<2x40x128xf32, #tpu.memory_space<vmem>>, vector<16xf32>,
          %get3A_592 = arith.constant 0 : i32
          %get3A_593 = arith.index_cast %get3A_592 : i32 to index
          %get3A_594 = arith.index_cast %add3A_571 : i32 to index
          %get3A_595 = arith.constant 64 : index
          %get3A_596 = tpu.vector_load %arg13[%get3A_593, %get3A_594, %get3A_595] {strides = array<i32>} : memref<2x40x128xf32, #tpu.memory_space<vmem>>, vector<16xf32>,
          %get3A_597 = arith.constant 0 : i32
          %get3A_598 = arith.index_cast %get3A_597 : i32 to index
          %get3A_599 = arith.index_cast %add3A_571 : i32 to index
          %get3A_600 = arith.constant 80 : index
          %get3A_601 = tpu.vector_load %arg13[%get3A_598, %get3A_599, %get3A_600] {strides = array<i32>} : memref<2x40x128xf32, #tpu.memory_space<vmem>>, vector<16xf32>,
          %get3A_602 = arith.constant 0 : i32
          %get3A_603 = arith.index_cast %get3A_602 : i32 to index
          %get3A_604 = arith.index_cast %add3A_571 : i32 to index
          %get3A_605 = arith.constant 96 : index
          %get3A_606 = tpu.vector_load %arg13[%get3A_603, %get3A_604, %get3A_605] {strides = array<i32>} : memref<2x40x128xf32, #tpu.memory_space<vmem>>, vector<16xf32>,
          %get3A_607 = arith.constant 0 : i32
          %get3A_608 = arith.index_cast %get3A_607 : i32 to index
          %get3A_609 = arith.index_cast %add3A_571 : i32 to index
          %get3A_610 = arith.constant 112 : index
          %get3A_611 = tpu.vector_load %arg13[%get3A_608, %get3A_609, %get3A_610] {strides = array<i32>} : memref<2x40x128xf32, #tpu.memory_space<vmem>>, vector<16xf32>,
          %get3A_612 = arith.constant 0 : i32
          %get3A_613 = arith.index_cast %get3A_612 : i32 to index
          %get3A_614 = arith.index_cast %add3A_571 : i32 to index
          %get3A_615 = arith.constant 0 : index
          %get3A_616 = tpu.vector_load %arg15[%get3A_613, %get3A_614, %get3A_615] {strides = array<i32>} : memref<2x40x64xi32, #tpu.memory_space<vmem>>, vector<16xi32>,
          %bitcast3A_617 = vector.bitcast %get3A_616 : vector<16xi32> to vector<32xbf16>
          %unpack3A_618 = tpu.unpack_subelements %bitcast3A_617, 0 {pack_format = #tpu.pack_format<interleaved>} : vector<32xbf16> -> vector<16xf32>
          %unpack3A_619 = tpu.unpack_subelements %bitcast3A_617, 1 {pack_format = #tpu.pack_format<interleaved>} : vector<32xbf16> -> vector<16xf32>
          %get3A_620 = arith.constant 0 : i32
          %get3A_621 = arith.index_cast %get3A_620 : i32 to index
          %get3A_622 = arith.index_cast %add3A_571 : i32 to index
          %get3A_623 = arith.constant 0 : index
          %get3A_624 = tpu.vector_load %arg14[%get3A_621, %get3A_622, %get3A_623] {strides = array<i32>} : memref<2x40x128xf32, #tpu.memory_space<vmem>>, vector<16xf32>,
          %add3A_625 = arith.addf %get3A_576, %get3A_624 : vector<16xf32>
          %add3A_626 = arith.addf %add3A_625, %unpack3A_618 : vector<16xf32>
          %mul3A_627 = arith.constant 2.000000e-01 : f32
          %mul3A_628 = vector.broadcast %mul3A_627 : f32 to vector<16xf32>
          %mul3A_629 = arith.mulf %add3A_626, %mul3A_628 : vector<16xf32>
          %max3A_630 = arith.maximumf %add3A_626, %mul3A_629 : vector<16xf32>
          %mul3A_631 = arith.mulf %max3A_630, %get3A_15 : vector<16xf32>
          %get3A_632 = arith.constant 0 : i32
          %get3A_633 = arith.index_cast %get3A_632 : i32 to index
          %get3A_634 = arith.index_cast %add3A_571 : i32 to index
          %get3A_635 = arith.constant 16 : index
          %get3A_636 = tpu.vector_load %arg14[%get3A_633, %get3A_634, %get3A_635] {strides = array<i32>} : memref<2x40x128xf32, #tpu.memory_space<vmem>>, vector<16xf32>,
          %add3A_637 = arith.addf %get3A_581, %get3A_636 : vector<16xf32>
          %add3A_638 = arith.addf %add3A_637, %unpack3A_619 : vector<16xf32>
          %mul3A_639 = arith.constant 2.000000e-01 : f32
          %mul3A_640 = vector.broadcast %mul3A_639 : f32 to vector<16xf32>
          %mul3A_641 = arith.mulf %add3A_638, %mul3A_640 : vector<16xf32>
          %max3A_642 = arith.maximumf %add3A_638, %mul3A_641 : vector<16xf32>
          %mul3A_643 = arith.mulf %max3A_642, %get3A_19 : vector<16xf32>
          %add3A_644 = arith.addf %mul3A_631, %mul3A_643 : vector<16xf32>
          %broadcast_in_dim3A_645 = arith.constant true
          %broadcast_in_dim3A_646 = vector.broadcast %broadcast_in_dim3A_645 : i1 to vector<16xi1>
          %masked_cumsum3A_647 = tpu.scan <sum>, %add3A_644 masked %broadcast_in_dim3A_646 : vector<16xf32>, vector<16xi1> -> vector<16xf32>
          %slice3A_648 = vector.extract_strided_slice %masked_cumsum3A_647 {offsets = [15], sizes = [1], strides = [1]} : vector<16xf32> to vector<1xf32>
          %squeeze3A_649 = vector.extract %slice3A_648[0] : f32 from vector<1xf32>
          %broadcast_in_dim3A_650 = vector.broadcast %squeeze3A_649 : f32 to vector<16xf32>
          %exp3A_651 = math.exp %broadcast_in_dim3A_650 : vector<16xf32>
          %get3A_652 = arith.constant 0 : i32
          %get3A_653 = arith.index_cast %get3A_652 : i32 to index
          %get3A_654 = arith.index_cast %add3A_571 : i32 to index
          %get3A_655 = arith.constant 16 : index
          %get3A_656 = tpu.vector_load %arg15[%get3A_653, %get3A_654, %get3A_655] {strides = array<i32>} : memref<2x40x64xi32, #tpu.memory_space<vmem>>, vector<16xi32>,
          %bitcast3A_657 = vector.bitcast %get3A_656 : vector<16xi32> to vector<32xbf16>
          %unpack3A_658 = tpu.unpack_subelements %bitcast3A_657, 0 {pack_format = #tpu.pack_format<interleaved>} : vector<32xbf16> -> vector<16xf32>
          %unpack3A_659 = tpu.unpack_subelements %bitcast3A_657, 1 {pack_format = #tpu.pack_format<interleaved>} : vector<32xbf16> -> vector<16xf32>
          %get3A_660 = arith.constant 0 : i32
          %get3A_661 = arith.index_cast %get3A_660 : i32 to index
          %get3A_662 = arith.index_cast %add3A_571 : i32 to index
          %get3A_663 = arith.constant 32 : index
          %get3A_664 = tpu.vector_load %arg14[%get3A_661, %get3A_662, %get3A_663] {strides = array<i32>} : memref<2x40x128xf32, #tpu.memory_space<vmem>>, vector<16xf32>,
          %add3A_665 = arith.addf %get3A_586, %get3A_664 : vector<16xf32>
          %add3A_666 = arith.addf %add3A_665, %unpack3A_658 : vector<16xf32>
          %mul3A_667 = arith.constant 2.000000e-01 : f32
          %mul3A_668 = vector.broadcast %mul3A_667 : f32 to vector<16xf32>
          %mul3A_669 = arith.mulf %add3A_666, %mul3A_668 : vector<16xf32>
          %max3A_670 = arith.maximumf %add3A_666, %mul3A_669 : vector<16xf32>
          %mul3A_671 = arith.mulf %max3A_670, %get3A_23 : vector<16xf32>
          %get3A_672 = arith.constant 0 : i32
          %get3A_673 = arith.index_cast %get3A_672 : i32 to index
          %get3A_674 = arith.index_cast %add3A_571 : i32 to index
          %get3A_675 = arith.constant 48 : index
          %get3A_676 = tpu.vector_load %arg14[%get3A_673, %get3A_674, %get3A_675] {strides = array<i32>} : memref<2x40x128xf32, #tpu.memory_space<vmem>>, vector<16xf32>,
          %add3A_677 = arith.addf %get3A_591, %get3A_676 : vector<16xf32>
          %add3A_678 = arith.addf %add3A_677, %unpack3A_659 : vector<16xf32>
          %mul3A_679 = arith.constant 2.000000e-01 : f32
          %mul3A_680 = vector.broadcast %mul3A_679 : f32 to vector<16xf32>
          %mul3A_681 = arith.mulf %add3A_678, %mul3A_680 : vector<16xf32>
          %max3A_682 = arith.maximumf %add3A_678, %mul3A_681 : vector<16xf32>
          %mul3A_683 = arith.mulf %max3A_682, %get3A_27 : vector<16xf32>
          %add3A_684 = arith.addf %mul3A_671, %mul3A_683 : vector<16xf32>
          %broadcast_in_dim3A_685 = arith.constant true
          %broadcast_in_dim3A_686 = vector.broadcast %broadcast_in_dim3A_685 : i1 to vector<16xi1>
          %masked_cumsum3A_687 = tpu.scan <sum>, %add3A_684 masked %broadcast_in_dim3A_686 : vector<16xf32>, vector<16xi1> -> vector<16xf32>
          %slice3A_688 = vector.extract_strided_slice %masked_cumsum3A_687 {offsets = [15], sizes = [1], strides = [1]} : vector<16xf32> to vector<1xf32>
          %squeeze3A_689 = vector.extract %slice3A_688[0] : f32 from vector<1xf32>
          %broadcast_in_dim3A_690 = vector.broadcast %squeeze3A_689 : f32 to vector<16xf32>
          %exp3A_691 = math.exp %broadcast_in_dim3A_690 : vector<16xf32>
          %get3A_692 = arith.constant 0 : i32
          %get3A_693 = arith.index_cast %get3A_692 : i32 to index
          %get3A_694 = arith.index_cast %add3A_571 : i32 to index
          %get3A_695 = arith.constant 32 : index
          %get3A_696 = tpu.vector_load %arg15[%get3A_693, %get3A_694, %get3A_695] {strides = array<i32>} : memref<2x40x64xi32, #tpu.memory_space<vmem>>, vector<16xi32>,
          %bitcast3A_697 = vector.bitcast %get3A_696 : vector<16xi32> to vector<32xbf16>
          %unpack3A_698 = tpu.unpack_subelements %bitcast3A_697, 0 {pack_format = #tpu.pack_format<interleaved>} : vector<32xbf16> -> vector<16xf32>
          %unpack3A_699 = tpu.unpack_subelements %bitcast3A_697, 1 {pack_format = #tpu.pack_format<interleaved>} : vector<32xbf16> -> vector<16xf32>
          %get3A_700 = arith.constant 0 : i32
          %get3A_701 = arith.index_cast %get3A_700 : i32 to index
          %get3A_702 = arith.index_cast %add3A_571 : i32 to index
          %get3A_703 = arith.constant 64 : index
          %get3A_704 = tpu.vector_load %arg14[%get3A_701, %get3A_702, %get3A_703] {strides = array<i32>} : memref<2x40x128xf32, #tpu.memory_space<vmem>>, vector<16xf32>,
          %add3A_705 = arith.addf %get3A_596, %get3A_704 : vector<16xf32>
          %add3A_706 = arith.addf %add3A_705, %unpack3A_698 : vector<16xf32>
          %mul3A_707 = arith.constant 2.000000e-01 : f32
          %mul3A_708 = vector.broadcast %mul3A_707 : f32 to vector<16xf32>
          %mul3A_709 = arith.mulf %add3A_706, %mul3A_708 : vector<16xf32>
          %max3A_710 = arith.maximumf %add3A_706, %mul3A_709 : vector<16xf32>
          %mul3A_711 = arith.mulf %max3A_710, %get3A_31 : vector<16xf32>
          %get3A_712 = arith.constant 0 : i32
          %get3A_713 = arith.index_cast %get3A_712 : i32 to index
          %get3A_714 = arith.index_cast %add3A_571 : i32 to index
          %get3A_715 = arith.constant 80 : index
          %get3A_716 = tpu.vector_load %arg14[%get3A_713, %get3A_714, %get3A_715] {strides = array<i32>} : memref<2x40x128xf32, #tpu.memory_space<vmem>>, vector<16xf32>,
          %add3A_717 = arith.addf %get3A_601, %get3A_716 : vector<16xf32>
          %add3A_718 = arith.addf %add3A_717, %unpack3A_699 : vector<16xf32>
          %mul3A_719 = arith.constant 2.000000e-01 : f32
          %mul3A_720 = vector.broadcast %mul3A_719 : f32 to vector<16xf32>
          %mul3A_721 = arith.mulf %add3A_718, %mul3A_720 : vector<16xf32>
          %max3A_722 = arith.maximumf %add3A_718, %mul3A_721 : vector<16xf32>
          %mul3A_723 = arith.mulf %max3A_722, %get3A_35 : vector<16xf32>
          %add3A_724 = arith.addf %mul3A_711, %mul3A_723 : vector<16xf32>
          %broadcast_in_dim3A_725 = arith.constant true
          %broadcast_in_dim3A_726 = vector.broadcast %broadcast_in_dim3A_725 : i1 to vector<16xi1>
          %masked_cumsum3A_727 = tpu.scan <sum>, %add3A_724 masked %broadcast_in_dim3A_726 : vector<16xf32>, vector<16xi1> -> vector<16xf32>
          %slice3A_728 = vector.extract_strided_slice %masked_cumsum3A_727 {offsets = [15], sizes = [1], strides = [1]} : vector<16xf32> to vector<1xf32>
          %squeeze3A_729 = vector.extract %slice3A_728[0] : f32 from vector<1xf32>
          %broadcast_in_dim3A_730 = vector.broadcast %squeeze3A_729 : f32 to vector<16xf32>
          %exp3A_731 = math.exp %broadcast_in_dim3A_730 : vector<16xf32>
          %get3A_732 = arith.constant 0 : i32
          %get3A_733 = arith.index_cast %get3A_732 : i32 to index
          %get3A_734 = arith.index_cast %add3A_571 : i32 to index
          %get3A_735 = arith.constant 48 : index
          %get3A_736 = tpu.vector_load %arg15[%get3A_733, %get3A_734, %get3A_735] {strides = array<i32>} : memref<2x40x64xi32, #tpu.memory_space<vmem>>, vector<16xi32>,
          %bitcast3A_737 = vector.bitcast %get3A_736 : vector<16xi32> to vector<32xbf16>
          %unpack3A_738 = tpu.unpack_subelements %bitcast3A_737, 0 {pack_format = #tpu.pack_format<interleaved>} : vector<32xbf16> -> vector<16xf32>
          %unpack3A_739 = tpu.unpack_subelements %bitcast3A_737, 1 {pack_format = #tpu.pack_format<interleaved>} : vector<32xbf16> -> vector<16xf32>
          %get3A_740 = arith.constant 0 : i32
          %get3A_741 = arith.index_cast %get3A_740 : i32 to index
          %get3A_742 = arith.index_cast %add3A_571 : i32 to index
          %get3A_743 = arith.constant 96 : index
          %get3A_744 = tpu.vector_load %arg14[%get3A_741, %get3A_742, %get3A_743] {strides = array<i32>} : memref<2x40x128xf32, #tpu.memory_space<vmem>>, vector<16xf32>,
          %add3A_745 = arith.addf %get3A_606, %get3A_744 : vector<16xf32>
          %add3A_746 = arith.addf %add3A_745, %unpack3A_738 : vector<16xf32>
          %mul3A_747 = arith.constant 2.000000e-01 : f32
          %mul3A_748 = vector.broadcast %mul3A_747 : f32 to vector<16xf32>
          %mul3A_749 = arith.mulf %add3A_746, %mul3A_748 : vector<16xf32>
          %max3A_750 = arith.maximumf %add3A_746, %mul3A_749 : vector<16xf32>
          %mul3A_751 = arith.mulf %max3A_750, %get3A_39 : vector<16xf32>
          %get3A_752 = arith.constant 0 : i32
          %get3A_753 = arith.index_cast %get3A_752 : i32 to index
          %get3A_754 = arith.index_cast %add3A_571 : i32 to index
          %get3A_755 = arith.constant 112 : index
          %get3A_756 = tpu.vector_load %arg14[%get3A_753, %get3A_754, %get3A_755] {strides = array<i32>} : memref<2x40x128xf32, #tpu.memory_space<vmem>>, vector<16xf32>,
          %add3A_757 = arith.addf %get3A_611, %get3A_756 : vector<16xf32>
          %add3A_758 = arith.addf %add3A_757, %unpack3A_739 : vector<16xf32>
          %mul3A_759 = arith.constant 2.000000e-01 : f32
          %mul3A_760 = vector.broadcast %mul3A_759 : f32 to vector<16xf32>
          %mul3A_761 = arith.mulf %add3A_758, %mul3A_760 : vector<16xf32>
          %max3A_762 = arith.maximumf %add3A_758, %mul3A_761 : vector<16xf32>
          %mul3A_763 = arith.mulf %max3A_762, %get3A_43 : vector<16xf32>
          %add3A_764 = arith.addf %mul3A_751, %mul3A_763 : vector<16xf32>
          %broadcast_in_dim3A_765 = arith.constant true
          %broadcast_in_dim3A_766 = vector.broadcast %broadcast_in_dim3A_765 : i1 to vector<16xi1>
          %masked_cumsum3A_767 = tpu.scan <sum>, %add3A_764 masked %broadcast_in_dim3A_766 : vector<16xf32>, vector<16xi1> -> vector<16xf32>
          %slice3A_768 = vector.extract_strided_slice %masked_cumsum3A_767 {offsets = [15], sizes = [1], strides = [1]} : vector<16xf32> to vector<1xf32>
          %squeeze3A_769 = vector.extract %slice3A_768[0] : f32 from vector<1xf32>
          %broadcast_in_dim3A_770 = vector.broadcast %squeeze3A_769 : f32 to vector<16xf32>
          %exp3A_771 = math.exp %broadcast_in_dim3A_770 : vector<16xf32>
          %mul3A_772 = arith.mulf %get3A_576, %exp3A_651 : vector<16xf32>
          %swap3A_773 = arith.constant 0 : i32
          %swap3A_774 = arith.index_cast %swap3A_773 : i32 to index
          %swap3A_775 = arith.index_cast %add3A_571 : i32 to index
          %swap3A_776 = arith.constant 0 : index
          %swap3A_777 = tpu.vector_load %arg16[%swap3A_774, %swap3A_775, %swap3A_776] {strides = array<i32>} : memref<2x40x144xf32, #tpu.memory_space<vmem>>, vector<16xf32>,
          tpu.vector_store %arg16[%swap3A_774, %swap3A_775, %swap3A_776], %mul3A_772 {strides = array<i32>} : memref<2x40x144xf32, #tpu.memory_space<vmem>>, vector<16xf32>,
          %mul3A_778 = arith.mulf %get3A_581, %exp3A_651 : vector<16xf32>
          %swap3A_779 = arith.constant 0 : i32
          %swap3A_780 = arith.index_cast %swap3A_779 : i32 to index
          %swap3A_781 = arith.index_cast %add3A_571 : i32 to index
          %swap3A_782 = arith.constant 16 : index
          %swap3A_783 = tpu.vector_load %arg16[%swap3A_780, %swap3A_781, %swap3A_782] {strides = array<i32>} : memref<2x40x144xf32, #tpu.memory_space<vmem>>, vector<16xf32>,
          tpu.vector_store %arg16[%swap3A_780, %swap3A_781, %swap3A_782], %mul3A_778 {strides = array<i32>} : memref<2x40x144xf32, #tpu.memory_space<vmem>>, vector<16xf32>,
          %mul3A_784 = arith.mulf %get3A_586, %exp3A_691 : vector<16xf32>
          %swap3A_785 = arith.constant 0 : i32
          %swap3A_786 = arith.index_cast %swap3A_785 : i32 to index
          %swap3A_787 = arith.index_cast %add3A_571 : i32 to index
          %swap3A_788 = arith.constant 32 : index
          %swap3A_789 = tpu.vector_load %arg16[%swap3A_786, %swap3A_787, %swap3A_788] {strides = array<i32>} : memref<2x40x144xf32, #tpu.memory_space<vmem>>, vector<16xf32>,
          tpu.vector_store %arg16[%swap3A_786, %swap3A_787, %swap3A_788], %mul3A_784 {strides = array<i32>} : memref<2x40x144xf32, #tpu.memory_space<vmem>>, vector<16xf32>,
          %mul3A_790 = arith.mulf %get3A_591, %exp3A_691 : vector<16xf32>
          %swap3A_791 = arith.constant 0 : i32
          %swap3A_792 = arith.index_cast %swap3A_791 : i32 to index
          %swap3A_793 = arith.index_cast %add3A_571 : i32 to index
          %swap3A_794 = arith.constant 48 : index
          %swap3A_795 = tpu.vector_load %arg16[%swap3A_792, %swap3A_793, %swap3A_794] {strides = array<i32>} : memref<2x40x144xf32, #tpu.memory_space<vmem>>, vector<16xf32>,
          tpu.vector_store %arg16[%swap3A_792, %swap3A_793, %swap3A_794], %mul3A_790 {strides = array<i32>} : memref<2x40x144xf32, #tpu.memory_space<vmem>>, vector<16xf32>,
          %mul3A_796 = arith.mulf %get3A_596, %exp3A_731 : vector<16xf32>
          %swap3A_797 = arith.constant 0 : i32
          %swap3A_798 = arith.index_cast %swap3A_797 : i32 to index
          %swap3A_799 = arith.index_cast %add3A_571 : i32 to index
          %swap3A_800 = arith.constant 64 : index
          %swap3A_801 = tpu.vector_load %arg16[%swap3A_798, %swap3A_799, %swap3A_800] {strides = array<i32>} : memref<2x40x144xf32, #tpu.memory_space<vmem>>, vector<16xf32>,
          tpu.vector_store %arg16[%swap3A_798, %swap3A_799, %swap3A_800], %mul3A_796 {strides = array<i32>} : memref<2x40x144xf32, #tpu.memory_space<vmem>>, vector<16xf32>,
          %mul3A_802 = arith.mulf %get3A_601, %exp3A_731 : vector<16xf32>
          %swap3A_803 = arith.constant 0 : i32
          %swap3A_804 = arith.index_cast %swap3A_803 : i32 to index
          %swap3A_805 = arith.index_cast %add3A_571 : i32 to index
          %swap3A_806 = arith.constant 80 : index
          %swap3A_807 = tpu.vector_load %arg16[%swap3A_804, %swap3A_805, %swap3A_806] {strides = array<i32>} : memref<2x40x144xf32, #tpu.memory_space<vmem>>, vector<16xf32>,
          tpu.vector_store %arg16[%swap3A_804, %swap3A_805, %swap3A_806], %mul3A_802 {strides = array<i32>} : memref<2x40x144xf32, #tpu.memory_space<vmem>>, vector<16xf32>,
          %mul3A_808 = arith.mulf %get3A_606, %exp3A_771 : vector<16xf32>
          %swap3A_809 = arith.constant 0 : i32
          %swap3A_810 = arith.index_cast %swap3A_809 : i32 to index
          %swap3A_811 = arith.index_cast %add3A_571 : i32 to index
          %swap3A_812 = arith.constant 96 : index
          %swap3A_813 = tpu.vector_load %arg16[%swap3A_810, %swap3A_811, %swap3A_812] {strides = array<i32>} : memref<2x40x144xf32, #tpu.memory_space<vmem>>, vector<16xf32>,
          tpu.vector_store %arg16[%swap3A_810, %swap3A_811, %swap3A_812], %mul3A_808 {strides = array<i32>} : memref<2x40x144xf32, #tpu.memory_space<vmem>>, vector<16xf32>,
          %mul3A_814 = arith.mulf %get3A_611, %exp3A_771 : vector<16xf32>
          %swap3A_815 = arith.constant 0 : i32
          %swap3A_816 = arith.index_cast %swap3A_815 : i32 to index
          %swap3A_817 = arith.index_cast %add3A_571 : i32 to index
          %swap3A_818 = arith.constant 112 : index
          %swap3A_819 = tpu.vector_load %arg16[%swap3A_816, %swap3A_817, %swap3A_818] {strides = array<i32>} : memref<2x40x144xf32, #tpu.memory_space<vmem>>, vector<16xf32>,
          tpu.vector_store %arg16[%swap3A_816, %swap3A_817, %swap3A_818], %mul3A_814 {strides = array<i32>} : memref<2x40x144xf32, #tpu.memory_space<vmem>>, vector<16xf32>,
          %jit3A_820 = arith.constant 0.000000e+00 : f32
          %broadcast_in_dim3A_821 = vector.broadcast %jit3A_820 : f32 to vector<16xf32>
          %select_n3A_822 = arith.select %eq3A_54, %exp3A_771, %broadcast_in_dim3A_821 : vector<16xi1>, vector<16xf32>
          %select_n3A_823 = arith.select %eq3A_51, %exp3A_731, %select_n3A_822 : vector<16xi1>, vector<16xf32>
          %select_n3A_824 = arith.select %eq3A_48, %exp3A_691, %select_n3A_823 : vector<16xi1>, vector<16xf32>
          %select_n3A_825 = arith.select %eq3A_45, %exp3A_651, %select_n3A_824 : vector<16xi1>, vector<16xf32>
          %swap3A_826 = arith.constant 0 : i32
          %swap3A_827 = arith.index_cast %swap3A_826 : i32 to index
          %swap3A_828 = arith.index_cast %add3A_571 : i32 to index
          %swap3A_829 = arith.constant 128 : index
          %swap3A_830 = tpu.vector_load %arg16[%swap3A_827, %swap3A_828, %swap3A_829] {strides = array<i32>} : memref<2x40x144xf32, #tpu.memory_space<vmem>>, vector<16xf32>,
          tpu.vector_store %arg16[%swap3A_827, %swap3A_828, %swap3A_829], %select_n3A_825 {strides = array<i32>} : memref<2x40x144xf32, #tpu.memory_space<vmem>>, vector<16xf32>,
          %mul3A_831 = arith.constant 4 : i32
          %mul3A_832 = arith.muli %scan3A_314, %mul3A_831 : i32
          %add3A_833 = arith.constant 2 : i32
          %add3A_834 = arith.addi %mul3A_832, %add3A_833 : i32
          %get3A_835 = arith.constant 0 : i32
          %get3A_836 = arith.index_cast %get3A_835 : i32 to index
          %get3A_837 = arith.index_cast %add3A_834 : i32 to index
          %get3A_838 = arith.constant 0 : index
          %get3A_839 = tpu.vector_load %arg13[%get3A_836, %get3A_837, %get3A_838] {strides = array<i32>} : memref<2x40x128xf32, #tpu.memory_space<vmem>>, vector<16xf32>,
          %get3A_840 = arith.constant 0 : i32
          %get3A_841 = arith.index_cast %get3A_840 : i32 to index
          %get3A_842 = arith.index_cast %add3A_834 : i32 to index
          %get3A_843 = arith.constant 16 : index
          %get3A_844 = tpu.vector_load %arg13[%get3A_841, %get3A_842, %get3A_843] {strides = array<i32>} : memref<2x40x128xf32, #tpu.memory_space<vmem>>, vector<16xf32>,
          %get3A_845 = arith.constant 0 : i32
          %get3A_846 = arith.index_cast %get3A_845 : i32 to index
          %get3A_847 = arith.index_cast %add3A_834 : i32 to index
          %get3A_848 = arith.constant 32 : index
          %get3A_849 = tpu.vector_load %arg13[%get3A_846, %get3A_847, %get3A_848] {strides = array<i32>} : memref<2x40x128xf32, #tpu.memory_space<vmem>>, vector<16xf32>,
          %get3A_850 = arith.constant 0 : i32
          %get3A_851 = arith.index_cast %get3A_850 : i32 to index
          %get3A_852 = arith.index_cast %add3A_834 : i32 to index
          %get3A_853 = arith.constant 48 : index
          %get3A_854 = tpu.vector_load %arg13[%get3A_851, %get3A_852, %get3A_853] {strides = array<i32>} : memref<2x40x128xf32, #tpu.memory_space<vmem>>, vector<16xf32>,
          %get3A_855 = arith.constant 0 : i32
          %get3A_856 = arith.index_cast %get3A_855 : i32 to index
          %get3A_857 = arith.index_cast %add3A_834 : i32 to index
          %get3A_858 = arith.constant 64 : index
          %get3A_859 = tpu.vector_load %arg13[%get3A_856, %get3A_857, %get3A_858] {strides = array<i32>} : memref<2x40x128xf32, #tpu.memory_space<vmem>>, vector<16xf32>,
          %get3A_860 = arith.constant 0 : i32
          %get3A_861 = arith.index_cast %get3A_860 : i32 to index
          %get3A_862 = arith.index_cast %add3A_834 : i32 to index
          %get3A_863 = arith.constant 80 : index
          %get3A_864 = tpu.vector_load %arg13[%get3A_861, %get3A_862, %get3A_863] {strides = array<i32>} : memref<2x40x128xf32, #tpu.memory_space<vmem>>, vector<16xf32>,
          %get3A_865 = arith.constant 0 : i32
          %get3A_866 = arith.index_cast %get3A_865 : i32 to index
          %get3A_867 = arith.index_cast %add3A_834 : i32 to index
          %get3A_868 = arith.constant 96 : index
          %get3A_869 = tpu.vector_load %arg13[%get3A_866, %get3A_867, %get3A_868] {strides = array<i32>} : memref<2x40x128xf32, #tpu.memory_space<vmem>>, vector<16xf32>,
          %get3A_870 = arith.constant 0 : i32
          %get3A_871 = arith.index_cast %get3A_870 : i32 to index
          %get3A_872 = arith.index_cast %add3A_834 : i32 to index
          %get3A_873 = arith.constant 112 : index
          %get3A_874 = tpu.vector_load %arg13[%get3A_871, %get3A_872, %get3A_873] {strides = array<i32>} : memref<2x40x128xf32, #tpu.memory_space<vmem>>, vector<16xf32>,
          %get3A_875 = arith.constant 0 : i32
          %get3A_876 = arith.index_cast %get3A_875 : i32 to index
          %get3A_877 = arith.index_cast %add3A_834 : i32 to index
          %get3A_878 = arith.constant 0 : index
          %get3A_879 = tpu.vector_load %arg15[%get3A_876, %get3A_877, %get3A_878] {strides = array<i32>} : memref<2x40x64xi32, #tpu.memory_space<vmem>>, vector<16xi32>,
          %bitcast3A_880 = vector.bitcast %get3A_879 : vector<16xi32> to vector<32xbf16>
          %unpack3A_881 = tpu.unpack_subelements %bitcast3A_880, 0 {pack_format = #tpu.pack_format<interleaved>} : vector<32xbf16> -> vector<16xf32>
          %unpack3A_882 = tpu.unpack_subelements %bitcast3A_880, 1 {pack_format = #tpu.pack_format<interleaved>} : vector<32xbf16> -> vector<16xf32>
          %get3A_883 = arith.constant 0 : i32
          %get3A_884 = arith.index_cast %get3A_883 : i32 to index
          %get3A_885 = arith.index_cast %add3A_834 : i32 to index
          %get3A_886 = arith.constant 0 : index
          %get3A_887 = tpu.vector_load %arg14[%get3A_884, %get3A_885, %get3A_886] {strides = array<i32>} : memref<2x40x128xf32, #tpu.memory_space<vmem>>, vector<16xf32>,
          %add3A_888 = arith.addf %get3A_839, %get3A_887 : vector<16xf32>
          %add3A_889 = arith.addf %add3A_888, %unpack3A_881 : vector<16xf32>
          %mul3A_890 = arith.constant 2.000000e-01 : f32
          %mul3A_891 = vector.broadcast %mul3A_890 : f32 to vector<16xf32>
          %mul3A_892 = arith.mulf %add3A_889, %mul3A_891 : vector<16xf32>
          %max3A_893 = arith.maximumf %add3A_889, %mul3A_892 : vector<16xf32>
          %mul3A_894 = arith.mulf %max3A_893, %get3A_15 : vector<16xf32>
          %get3A_895 = arith.constant 0 : i32
          %get3A_896 = arith.index_cast %get3A_895 : i32 to index
          %get3A_897 = arith.index_cast %add3A_834 : i32 to index
          %get3A_898 = arith.constant 16 : index
          %get3A_899 = tpu.vector_load %arg14[%get3A_896, %get3A_897, %get3A_898] {strides = array<i32>} : memref<2x40x128xf32, #tpu.memory_space<vmem>>, vector<16xf32>,
          %add3A_900 = arith.addf %get3A_844, %get3A_899 : vector<16xf32>
          %add3A_901 = arith.addf %add3A_900, %unpack3A_882 : vector<16xf32>
          %mul3A_902 = arith.constant 2.000000e-01 : f32
          %mul3A_903 = vector.broadcast %mul3A_902 : f32 to vector<16xf32>
          %mul3A_904 = arith.mulf %add3A_901, %mul3A_903 : vector<16xf32>
          %max3A_905 = arith.maximumf %add3A_901, %mul3A_904 : vector<16xf32>
          %mul3A_906 = arith.mulf %max3A_905, %get3A_19 : vector<16xf32>
          %add3A_907 = arith.addf %mul3A_894, %mul3A_906 : vector<16xf32>
          %broadcast_in_dim3A_908 = arith.constant true
          %broadcast_in_dim3A_909 = vector.broadcast %broadcast_in_dim3A_908 : i1 to vector<16xi1>
          %masked_cumsum3A_910 = tpu.scan <sum>, %add3A_907 masked %broadcast_in_dim3A_909 : vector<16xf32>, vector<16xi1> -> vector<16xf32>
          %slice3A_911 = vector.extract_strided_slice %masked_cumsum3A_910 {offsets = [15], sizes = [1], strides = [1]} : vector<16xf32> to vector<1xf32>
          %squeeze3A_912 = vector.extract %slice3A_911[0] : f32 from vector<1xf32>
          %broadcast_in_dim3A_913 = vector.broadcast %squeeze3A_912 : f32 to vector<16xf32>
          %exp3A_914 = math.exp %broadcast_in_dim3A_913 : vector<16xf32>
          %get3A_915 = arith.constant 0 : i32
          %get3A_916 = arith.index_cast %get3A_915 : i32 to index
          %get3A_917 = arith.index_cast %add3A_834 : i32 to index
          %get3A_918 = arith.constant 16 : index
          %get3A_919 = tpu.vector_load %arg15[%get3A_916, %get3A_917, %get3A_918] {strides = array<i32>} : memref<2x40x64xi32, #tpu.memory_space<vmem>>, vector<16xi32>,
          %bitcast3A_920 = vector.bitcast %get3A_919 : vector<16xi32> to vector<32xbf16>
          %unpack3A_921 = tpu.unpack_subelements %bitcast3A_920, 0 {pack_format = #tpu.pack_format<interleaved>} : vector<32xbf16> -> vector<16xf32>
          %unpack3A_922 = tpu.unpack_subelements %bitcast3A_920, 1 {pack_format = #tpu.pack_format<interleaved>} : vector<32xbf16> -> vector<16xf32>
          %get3A_923 = arith.constant 0 : i32
          %get3A_924 = arith.index_cast %get3A_923 : i32 to index
          %get3A_925 = arith.index_cast %add3A_834 : i32 to index
          %get3A_926 = arith.constant 32 : index
          %get3A_927 = tpu.vector_load %arg14[%get3A_924, %get3A_925, %get3A_926] {strides = array<i32>} : memref<2x40x128xf32, #tpu.memory_space<vmem>>, vector<16xf32>,
          %add3A_928 = arith.addf %get3A_849, %get3A_927 : vector<16xf32>
          %add3A_929 = arith.addf %add3A_928, %unpack3A_921 : vector<16xf32>
          %mul3A_930 = arith.constant 2.000000e-01 : f32
          %mul3A_931 = vector.broadcast %mul3A_930 : f32 to vector<16xf32>
          %mul3A_932 = arith.mulf %add3A_929, %mul3A_931 : vector<16xf32>
          %max3A_933 = arith.maximumf %add3A_929, %mul3A_932 : vector<16xf32>
          %mul3A_934 = arith.mulf %max3A_933, %get3A_23 : vector<16xf32>
          %get3A_935 = arith.constant 0 : i32
          %get3A_936 = arith.index_cast %get3A_935 : i32 to index
          %get3A_937 = arith.index_cast %add3A_834 : i32 to index
          %get3A_938 = arith.constant 48 : index
          %get3A_939 = tpu.vector_load %arg14[%get3A_936, %get3A_937, %get3A_938] {strides = array<i32>} : memref<2x40x128xf32, #tpu.memory_space<vmem>>, vector<16xf32>,
          %add3A_940 = arith.addf %get3A_854, %get3A_939 : vector<16xf32>
          %add3A_941 = arith.addf %add3A_940, %unpack3A_922 : vector<16xf32>
          %mul3A_942 = arith.constant 2.000000e-01 : f32
          %mul3A_943 = vector.broadcast %mul3A_942 : f32 to vector<16xf32>
          %mul3A_944 = arith.mulf %add3A_941, %mul3A_943 : vector<16xf32>
          %max3A_945 = arith.maximumf %add3A_941, %mul3A_944 : vector<16xf32>
          %mul3A_946 = arith.mulf %max3A_945, %get3A_27 : vector<16xf32>
          %add3A_947 = arith.addf %mul3A_934, %mul3A_946 : vector<16xf32>
          %broadcast_in_dim3A_948 = arith.constant true
          %broadcast_in_dim3A_949 = vector.broadcast %broadcast_in_dim3A_948 : i1 to vector<16xi1>
          %masked_cumsum3A_950 = tpu.scan <sum>, %add3A_947 masked %broadcast_in_dim3A_949 : vector<16xf32>, vector<16xi1> -> vector<16xf32>
          %slice3A_951 = vector.extract_strided_slice %masked_cumsum3A_950 {offsets = [15], sizes = [1], strides = [1]} : vector<16xf32> to vector<1xf32>
          %squeeze3A_952 = vector.extract %slice3A_951[0] : f32 from vector<1xf32>
          %broadcast_in_dim3A_953 = vector.broadcast %squeeze3A_952 : f32 to vector<16xf32>
          %exp3A_954 = math.exp %broadcast_in_dim3A_953 : vector<16xf32>
          %get3A_955 = arith.constant 0 : i32
          %get3A_956 = arith.index_cast %get3A_955 : i32 to index
          %get3A_957 = arith.index_cast %add3A_834 : i32 to index
          %get3A_958 = arith.constant 32 : index
          %get3A_959 = tpu.vector_load %arg15[%get3A_956, %get3A_957, %get3A_958] {strides = array<i32>} : memref<2x40x64xi32, #tpu.memory_space<vmem>>, vector<16xi32>,
          %bitcast3A_960 = vector.bitcast %get3A_959 : vector<16xi32> to vector<32xbf16>
          %unpack3A_961 = tpu.unpack_subelements %bitcast3A_960, 0 {pack_format = #tpu.pack_format<interleaved>} : vector<32xbf16> -> vector<16xf32>
          %unpack3A_962 = tpu.unpack_subelements %bitcast3A_960, 1 {pack_format = #tpu.pack_format<interleaved>} : vector<32xbf16> -> vector<16xf32>
          %get3A_963 = arith.constant 0 : i32
          %get3A_964 = arith.index_cast %get3A_963 : i32 to index
          %get3A_965 = arith.index_cast %add3A_834 : i32 to index
          %get3A_966 = arith.constant 64 : index
          %get3A_967 = tpu.vector_load %arg14[%get3A_964, %get3A_965, %get3A_966] {strides = array<i32>} : memref<2x40x128xf32, #tpu.memory_space<vmem>>, vector<16xf32>,
          %add3A_968 = arith.addf %get3A_859, %get3A_967 : vector<16xf32>
          %add3A_969 = arith.addf %add3A_968, %unpack3A_961 : vector<16xf32>
          %mul3A_970 = arith.constant 2.000000e-01 : f32
          %mul3A_971 = vector.broadcast %mul3A_970 : f32 to vector<16xf32>
          %mul3A_972 = arith.mulf %add3A_969, %mul3A_971 : vector<16xf32>
          %max3A_973 = arith.maximumf %add3A_969, %mul3A_972 : vector<16xf32>
          %mul3A_974 = arith.mulf %max3A_973, %get3A_31 : vector<16xf32>
          %get3A_975 = arith.constant 0 : i32
          %get3A_976 = arith.index_cast %get3A_975 : i32 to index
          %get3A_977 = arith.index_cast %add3A_834 : i32 to index
          %get3A_978 = arith.constant 80 : index
          %get3A_979 = tpu.vector_load %arg14[%get3A_976, %get3A_977, %get3A_978] {strides = array<i32>} : memref<2x40x128xf32, #tpu.memory_space<vmem>>, vector<16xf32>,
          %add3A_980 = arith.addf %get3A_864, %get3A_979 : vector<16xf32>
          %add3A_981 = arith.addf %add3A_980, %unpack3A_962 : vector<16xf32>
          %mul3A_982 = arith.constant 2.000000e-01 : f32
          %mul3A_983 = vector.broadcast %mul3A_982 : f32 to vector<16xf32>
          %mul3A_984 = arith.mulf %add3A_981, %mul3A_983 : vector<16xf32>
          %max3A_985 = arith.maximumf %add3A_981, %mul3A_984 : vector<16xf32>
          %mul3A_986 = arith.mulf %max3A_985, %get3A_35 : vector<16xf32>
          %add3A_987 = arith.addf %mul3A_974, %mul3A_986 : vector<16xf32>
          %broadcast_in_dim3A_988 = arith.constant true
          %broadcast_in_dim3A_989 = vector.broadcast %broadcast_in_dim3A_988 : i1 to vector<16xi1>
          %masked_cumsum3A_990 = tpu.scan <sum>, %add3A_987 masked %broadcast_in_dim3A_989 : vector<16xf32>, vector<16xi1> -> vector<16xf32>
          %slice3A_991 = vector.extract_strided_slice %masked_cumsum3A_990 {offsets = [15], sizes = [1], strides = [1]} : vector<16xf32> to vector<1xf32>
          %squeeze3A_992 = vector.extract %slice3A_991[0] : f32 from vector<1xf32>
          %broadcast_in_dim3A_993 = vector.broadcast %squeeze3A_992 : f32 to vector<16xf32>
          %exp3A_994 = math.exp %broadcast_in_dim3A_993 : vector<16xf32>
          %get3A_995 = arith.constant 0 : i32
          %get3A_996 = arith.index_cast %get3A_995 : i32 to index
          %get3A_997 = arith.index_cast %add3A_834 : i32 to index
          %get3A_998 = arith.constant 48 : index
          %get3A_999 = tpu.vector_load %arg15[%get3A_996, %get3A_997, %get3A_998] {strides = array<i32>} : memref<2x40x64xi32, #tpu.memory_space<vmem>>, vector<16xi32>,
          %bitcast3A_1000 = vector.bitcast %get3A_999 : vector<16xi32> to vector<32xbf16>
          %unpack3A_1001 = tpu.unpack_subelements %bitcast3A_1000, 0 {pack_format = #tpu.pack_format<interleaved>} : vector<32xbf16> -> vector<16xf32>
          %unpack3A_1002 = tpu.unpack_subelements %bitcast3A_1000, 1 {pack_format = #tpu.pack_format<interleaved>} : vector<32xbf16> -> vector<16xf32>
          %get3A_1003 = arith.constant 0 : i32
          %get3A_1004 = arith.index_cast %get3A_1003 : i32 to index
          %get3A_1005 = arith.index_cast %add3A_834 : i32 to index
          %get3A_1006 = arith.constant 96 : index
          %get3A_1007 = tpu.vector_load %arg14[%get3A_1004, %get3A_1005, %get3A_1006] {strides = array<i32>} : memref<2x40x128xf32, #tpu.memory_space<vmem>>, vector<16xf32>,
          %add3A_1008 = arith.addf %get3A_869, %get3A_1007 : vector<16xf32>
          %add3A_1009 = arith.addf %add3A_1008, %unpack3A_1001 : vector<16xf32>
          %mul3A_1010 = arith.constant 2.000000e-01 : f32
          %mul3A_1011 = vector.broadcast %mul3A_1010 : f32 to vector<16xf32>
          %mul3A_1012 = arith.mulf %add3A_1009, %mul3A_1011 : vector<16xf32>
          %max3A_1013 = arith.maximumf %add3A_1009, %mul3A_1012 : vector<16xf32>
          %mul3A_1014 = arith.mulf %max3A_1013, %get3A_39 : vector<16xf32>
          %get3A_1015 = arith.constant 0 : i32
          %get3A_1016 = arith.index_cast %get3A_1015 : i32 to index
          %get3A_1017 = arith.index_cast %add3A_834 : i32 to index
          %get3A_1018 = arith.constant 112 : index
          %get3A_1019 = tpu.vector_load %arg14[%get3A_1016, %get3A_1017, %get3A_1018] {strides = array<i32>} : memref<2x40x128xf32, #tpu.memory_space<vmem>>, vector<16xf32>,
          %add3A_1020 = arith.addf %get3A_874, %get3A_1019 : vector<16xf32>
          %add3A_1021 = arith.addf %add3A_1020, %unpack3A_1002 : vector<16xf32>
          %mul3A_1022 = arith.constant 2.000000e-01 : f32
          %mul3A_1023 = vector.broadcast %mul3A_1022 : f32 to vector<16xf32>
          %mul3A_1024 = arith.mulf %add3A_1021, %mul3A_1023 : vector<16xf32>
          %max3A_1025 = arith.maximumf %add3A_1021, %mul3A_1024 : vector<16xf32>
          %mul3A_1026 = arith.mulf %max3A_1025, %get3A_43 : vector<16xf32>
          %add3A_1027 = arith.addf %mul3A_1014, %mul3A_1026 : vector<16xf32>
          %broadcast_in_dim3A_1028 = arith.constant true
          %broadcast_in_dim3A_1029 = vector.broadcast %broadcast_in_dim3A_1028 : i1 to vector<16xi1>
          %masked_cumsum3A_1030 = tpu.scan <sum>, %add3A_1027 masked %broadcast_in_dim3A_1029 : vector<16xf32>, vector<16xi1> -> vector<16xf32>
          %slice3A_1031 = vector.extract_strided_slice %masked_cumsum3A_1030 {offsets = [15], sizes = [1], strides = [1]} : vector<16xf32> to vector<1xf32>
          %squeeze3A_1032 = vector.extract %slice3A_1031[0] : f32 from vector<1xf32>
          %broadcast_in_dim3A_1033 = vector.broadcast %squeeze3A_1032 : f32 to vector<16xf32>
          %exp3A_1034 = math.exp %broadcast_in_dim3A_1033 : vector<16xf32>
          %mul3A_1035 = arith.mulf %get3A_839, %exp3A_914 : vector<16xf32>
          %swap3A_1036 = arith.constant 0 : i32
          %swap3A_1037 = arith.index_cast %swap3A_1036 : i32 to index
          %swap3A_1038 = arith.index_cast %add3A_834 : i32 to index
          %swap3A_1039 = arith.constant 0 : index
          %swap3A_1040 = tpu.vector_load %arg16[%swap3A_1037, %swap3A_1038, %swap3A_1039] {strides = array<i32>} : memref<2x40x144xf32, #tpu.memory_space<vmem>>, vector<16xf32>,
          tpu.vector_store %arg16[%swap3A_1037, %swap3A_1038, %swap3A_1039], %mul3A_1035 {strides = array<i32>} : memref<2x40x144xf32, #tpu.memory_space<vmem>>, vector<16xf32>,
          %mul3A_1041 = arith.mulf %get3A_844, %exp3A_914 : vector<16xf32>
          %swap3A_1042 = arith.constant 0 : i32
          %swap3A_1043 = arith.index_cast %swap3A_1042 : i32 to index
          %swap3A_1044 = arith.index_cast %add3A_834 : i32 to index
          %swap3A_1045 = arith.constant 16 : index
          %swap3A_1046 = tpu.vector_load %arg16[%swap3A_1043, %swap3A_1044, %swap3A_1045] {strides = array<i32>} : memref<2x40x144xf32, #tpu.memory_space<vmem>>, vector<16xf32>,
          tpu.vector_store %arg16[%swap3A_1043, %swap3A_1044, %swap3A_1045], %mul3A_1041 {strides = array<i32>} : memref<2x40x144xf32, #tpu.memory_space<vmem>>, vector<16xf32>,
          %mul3A_1047 = arith.mulf %get3A_849, %exp3A_954 : vector<16xf32>
          %swap3A_1048 = arith.constant 0 : i32
          %swap3A_1049 = arith.index_cast %swap3A_1048 : i32 to index
          %swap3A_1050 = arith.index_cast %add3A_834 : i32 to index
          %swap3A_1051 = arith.constant 32 : index
          %swap3A_1052 = tpu.vector_load %arg16[%swap3A_1049, %swap3A_1050, %swap3A_1051] {strides = array<i32>} : memref<2x40x144xf32, #tpu.memory_space<vmem>>, vector<16xf32>,
          tpu.vector_store %arg16[%swap3A_1049, %swap3A_1050, %swap3A_1051], %mul3A_1047 {strides = array<i32>} : memref<2x40x144xf32, #tpu.memory_space<vmem>>, vector<16xf32>,
          %mul3A_1053 = arith.mulf %get3A_854, %exp3A_954 : vector<16xf32>
          %swap3A_1054 = arith.constant 0 : i32
          %swap3A_1055 = arith.index_cast %swap3A_1054 : i32 to index
          %swap3A_1056 = arith.index_cast %add3A_834 : i32 to index
          %swap3A_1057 = arith.constant 48 : index
          %swap3A_1058 = tpu.vector_load %arg16[%swap3A_1055, %swap3A_1056, %swap3A_1057] {strides = array<i32>} : memref<2x40x144xf32, #tpu.memory_space<vmem>>, vector<16xf32>,
          tpu.vector_store %arg16[%swap3A_1055, %swap3A_1056, %swap3A_1057], %mul3A_1053 {strides = array<i32>} : memref<2x40x144xf32, #tpu.memory_space<vmem>>, vector<16xf32>,
          %mul3A_1059 = arith.mulf %get3A_859, %exp3A_994 : vector<16xf32>
          %swap3A_1060 = arith.constant 0 : i32
          %swap3A_1061 = arith.index_cast %swap3A_1060 : i32 to index
          %swap3A_1062 = arith.index_cast %add3A_834 : i32 to index
          %swap3A_1063 = arith.constant 64 : index
          %swap3A_1064 = tpu.vector_load %arg16[%swap3A_1061, %swap3A_1062, %swap3A_1063] {strides = array<i32>} : memref<2x40x144xf32, #tpu.memory_space<vmem>>, vector<16xf32>,
          tpu.vector_store %arg16[%swap3A_1061, %swap3A_1062, %swap3A_1063], %mul3A_1059 {strides = array<i32>} : memref<2x40x144xf32, #tpu.memory_space<vmem>>, vector<16xf32>,
          %mul3A_1065 = arith.mulf %get3A_864, %exp3A_994 : vector<16xf32>
          %swap3A_1066 = arith.constant 0 : i32
          %swap3A_1067 = arith.index_cast %swap3A_1066 : i32 to index
          %swap3A_1068 = arith.index_cast %add3A_834 : i32 to index
          %swap3A_1069 = arith.constant 80 : index
          %swap3A_1070 = tpu.vector_load %arg16[%swap3A_1067, %swap3A_1068, %swap3A_1069] {strides = array<i32>} : memref<2x40x144xf32, #tpu.memory_space<vmem>>, vector<16xf32>,
          tpu.vector_store %arg16[%swap3A_1067, %swap3A_1068, %swap3A_1069], %mul3A_1065 {strides = array<i32>} : memref<2x40x144xf32, #tpu.memory_space<vmem>>, vector<16xf32>,
          %mul3A_1071 = arith.mulf %get3A_869, %exp3A_1034 : vector<16xf32>
          %swap3A_1072 = arith.constant 0 : i32
          %swap3A_1073 = arith.index_cast %swap3A_1072 : i32 to index
          %swap3A_1074 = arith.index_cast %add3A_834 : i32 to index
          %swap3A_1075 = arith.constant 96 : index
          %swap3A_1076 = tpu.vector_load %arg16[%swap3A_1073, %swap3A_1074, %swap3A_1075] {strides = array<i32>} : memref<2x40x144xf32, #tpu.memory_space<vmem>>, vector<16xf32>,
          tpu.vector_store %arg16[%swap3A_1073, %swap3A_1074, %swap3A_1075], %mul3A_1071 {strides = array<i32>} : memref<2x40x144xf32, #tpu.memory_space<vmem>>, vector<16xf32>,
          %mul3A_1077 = arith.mulf %get3A_874, %exp3A_1034 : vector<16xf32>
          %swap3A_1078 = arith.constant 0 : i32
          %swap3A_1079 = arith.index_cast %swap3A_1078 : i32 to index
          %swap3A_1080 = arith.index_cast %add3A_834 : i32 to index
          %swap3A_1081 = arith.constant 112 : index
          %swap3A_1082 = tpu.vector_load %arg16[%swap3A_1079, %swap3A_1080, %swap3A_1081] {strides = array<i32>} : memref<2x40x144xf32, #tpu.memory_space<vmem>>, vector<16xf32>,
          tpu.vector_store %arg16[%swap3A_1079, %swap3A_1080, %swap3A_1081], %mul3A_1077 {strides = array<i32>} : memref<2x40x144xf32, #tpu.memory_space<vmem>>, vector<16xf32>,
          %jit3A_1083 = arith.constant 0.000000e+00 : f32
          %broadcast_in_dim3A_1084 = vector.broadcast %jit3A_1083 : f32 to vector<16xf32>
          %select_n3A_1085 = arith.select %eq3A_54, %exp3A_1034, %broadcast_in_dim3A_1084 : vector<16xi1>, vector<16xf32>
          %select_n3A_1086 = arith.select %eq3A_51, %exp3A_994, %select_n3A_1085 : vector<16xi1>, vector<16xf32>
          %select_n3A_1087 = arith.select %eq3A_48, %exp3A_954, %select_n3A_1086 : vector<16xi1>, vector<16xf32>
          %select_n3A_1088 = arith.select %eq3A_45, %exp3A_914, %select_n3A_1087 : vector<16xi1>, vector<16xf32>
          %swap3A_1089 = arith.constant 0 : i32
          %swap3A_1090 = arith.index_cast %swap3A_1089 : i32 to index
          %swap3A_1091 = arith.index_cast %add3A_834 : i32 to index
          %swap3A_1092 = arith.constant 128 : index
          %swap3A_1093 = tpu.vector_load %arg16[%swap3A_1090, %swap3A_1091, %swap3A_1092] {strides = array<i32>} : memref<2x40x144xf32, #tpu.memory_space<vmem>>, vector<16xf32>,
          tpu.vector_store %arg16[%swap3A_1090, %swap3A_1091, %swap3A_1092], %select_n3A_1088 {strides = array<i32>} : memref<2x40x144xf32, #tpu.memory_space<vmem>>, vector<16xf32>,
          %mul3A_1094 = arith.constant 4 : i32
          %mul3A_1095 = arith.muli %scan3A_314, %mul3A_1094 : i32
          %add3A_1096 = arith.constant 3 : i32
          %add3A_1097 = arith.addi %mul3A_1095, %add3A_1096 : i32
          %get3A_1098 = arith.constant 0 : i32
          %get3A_1099 = arith.index_cast %get3A_1098 : i32 to index
          %get3A_1100 = arith.index_cast %add3A_1097 : i32 to index
          %get3A_1101 = arith.constant 0 : index
          %get3A_1102 = tpu.vector_load %arg13[%get3A_1099, %get3A_1100, %get3A_1101] {strides = array<i32>} : memref<2x40x128xf32, #tpu.memory_space<vmem>>, vector<16xf32>,
          %get3A_1103 = arith.constant 0 : i32
          %get3A_1104 = arith.index_cast %get3A_1103 : i32 to index
          %get3A_1105 = arith.index_cast %add3A_1097 : i32 to index
          %get3A_1106 = arith.constant 16 : index
          %get3A_1107 = tpu.vector_load %arg13[%get3A_1104, %get3A_1105, %get3A_1106] {strides = array<i32>} : memref<2x40x128xf32, #tpu.memory_space<vmem>>, vector<16xf32>,
          %get3A_1108 = arith.constant 0 : i32
          %get3A_1109 = arith.index_cast %get3A_1108 : i32 to index
          %get3A_1110 = arith.index_cast %add3A_1097 : i32 to index
          %get3A_1111 = arith.constant 32 : index
          %get3A_1112 = tpu.vector_load %arg13[%get3A_1109, %get3A_1110, %get3A_1111] {strides = array<i32>} : memref<2x40x128xf32, #tpu.memory_space<vmem>>, vector<16xf32>,
          %get3A_1113 = arith.constant 0 : i32
          %get3A_1114 = arith.index_cast %get3A_1113 : i32 to index
          %get3A_1115 = arith.index_cast %add3A_1097 : i32 to index
          %get3A_1116 = arith.constant 48 : index
          %get3A_1117 = tpu.vector_load %arg13[%get3A_1114, %get3A_1115, %get3A_1116] {strides = array<i32>} : memref<2x40x128xf32, #tpu.memory_space<vmem>>, vector<16xf32>,
          %get3A_1118 = arith.constant 0 : i32
          %get3A_1119 = arith.index_cast %get3A_1118 : i32 to index
          %get3A_1120 = arith.index_cast %add3A_1097 : i32 to index
          %get3A_1121 = arith.constant 64 : index
          %get3A_1122 = tpu.vector_load %arg13[%get3A_1119, %get3A_1120, %get3A_1121] {strides = array<i32>} : memref<2x40x128xf32, #tpu.memory_space<vmem>>, vector<16xf32>,
          %get3A_1123 = arith.constant 0 : i32
          %get3A_1124 = arith.index_cast %get3A_1123 : i32 to index
          %get3A_1125 = arith.index_cast %add3A_1097 : i32 to index
          %get3A_1126 = arith.constant 80 : index
          %get3A_1127 = tpu.vector_load %arg13[%get3A_1124, %get3A_1125, %get3A_1126] {strides = array<i32>} : memref<2x40x128xf32, #tpu.memory_space<vmem>>, vector<16xf32>,
          %get3A_1128 = arith.constant 0 : i32
          %get3A_1129 = arith.index_cast %get3A_1128 : i32 to index
          %get3A_1130 = arith.index_cast %add3A_1097 : i32 to index
          %get3A_1131 = arith.constant 96 : index
          %get3A_1132 = tpu.vector_load %arg13[%get3A_1129, %get3A_1130, %get3A_1131] {strides = array<i32>} : memref<2x40x128xf32, #tpu.memory_space<vmem>>, vector<16xf32>,
          %get3A_1133 = arith.constant 0 : i32
          %get3A_1134 = arith.index_cast %get3A_1133 : i32 to index
          %get3A_1135 = arith.index_cast %add3A_1097 : i32 to index
          %get3A_1136 = arith.constant 112 : index
          %get3A_1137 = tpu.vector_load %arg13[%get3A_1134, %get3A_1135, %get3A_1136] {strides = array<i32>} : memref<2x40x128xf32, #tpu.memory_space<vmem>>, vector<16xf32>,
          %get3A_1138 = arith.constant 0 : i32
          %get3A_1139 = arith.index_cast %get3A_1138 : i32 to index
          %get3A_1140 = arith.index_cast %add3A_1097 : i32 to index
          %get3A_1141 = arith.constant 0 : index
          %get3A_1142 = tpu.vector_load %arg15[%get3A_1139, %get3A_1140, %get3A_1141] {strides = array<i32>} : memref<2x40x64xi32, #tpu.memory_space<vmem>>, vector<16xi32>,
          %bitcast3A_1143 = vector.bitcast %get3A_1142 : vector<16xi32> to vector<32xbf16>
          %unpack3A_1144 = tpu.unpack_subelements %bitcast3A_1143, 0 {pack_format = #tpu.pack_format<interleaved>} : vector<32xbf16> -> vector<16xf32>
          %unpack3A_1145 = tpu.unpack_subelements %bitcast3A_1143, 1 {pack_format = #tpu.pack_format<interleaved>} : vector<32xbf16> -> vector<16xf32>
          %get3A_1146 = arith.constant 0 : i32
          %get3A_1147 = arith.index_cast %get3A_1146 : i32 to index
          %get3A_1148 = arith.index_cast %add3A_1097 : i32 to index
          %get3A_1149 = arith.constant 0 : index
          %get3A_1150 = tpu.vector_load %arg14[%get3A_1147, %get3A_1148, %get3A_1149] {strides = array<i32>} : memref<2x40x128xf32, #tpu.memory_space<vmem>>, vector<16xf32>,
          %add3A_1151 = arith.addf %get3A_1102, %get3A_1150 : vector<16xf32>
          %add3A_1152 = arith.addf %add3A_1151, %unpack3A_1144 : vector<16xf32>
          %mul3A_1153 = arith.constant 2.000000e-01 : f32
          %mul3A_1154 = vector.broadcast %mul3A_1153 : f32 to vector<16xf32>
          %mul3A_1155 = arith.mulf %add3A_1152, %mul3A_1154 : vector<16xf32>
          %max3A_1156 = arith.maximumf %add3A_1152, %mul3A_1155 : vector<16xf32>
          %mul3A_1157 = arith.mulf %max3A_1156, %get3A_15 : vector<16xf32>
          %get3A_1158 = arith.constant 0 : i32
          %get3A_1159 = arith.index_cast %get3A_1158 : i32 to index
          %get3A_1160 = arith.index_cast %add3A_1097 : i32 to index
          %get3A_1161 = arith.constant 16 : index
          %get3A_1162 = tpu.vector_load %arg14[%get3A_1159, %get3A_1160, %get3A_1161] {strides = array<i32>} : memref<2x40x128xf32, #tpu.memory_space<vmem>>, vector<16xf32>,
          %add3A_1163 = arith.addf %get3A_1107, %get3A_1162 : vector<16xf32>
          %add3A_1164 = arith.addf %add3A_1163, %unpack3A_1145 : vector<16xf32>
          %mul3A_1165 = arith.constant 2.000000e-01 : f32
          %mul3A_1166 = vector.broadcast %mul3A_1165 : f32 to vector<16xf32>
          %mul3A_1167 = arith.mulf %add3A_1164, %mul3A_1166 : vector<16xf32>
          %max3A_1168 = arith.maximumf %add3A_1164, %mul3A_1167 : vector<16xf32>
          %mul3A_1169 = arith.mulf %max3A_1168, %get3A_19 : vector<16xf32>
          %add3A_1170 = arith.addf %mul3A_1157, %mul3A_1169 : vector<16xf32>
          %broadcast_in_dim3A_1171 = arith.constant true
          %broadcast_in_dim3A_1172 = vector.broadcast %broadcast_in_dim3A_1171 : i1 to vector<16xi1>
          %masked_cumsum3A_1173 = tpu.scan <sum>, %add3A_1170 masked %broadcast_in_dim3A_1172 : vector<16xf32>, vector<16xi1> -> vector<16xf32>
          %slice3A_1174 = vector.extract_strided_slice %masked_cumsum3A_1173 {offsets = [15], sizes = [1], strides = [1]} : vector<16xf32> to vector<1xf32>
          %squeeze3A_1175 = vector.extract %slice3A_1174[0] : f32 from vector<1xf32>
          %broadcast_in_dim3A_1176 = vector.broadcast %squeeze3A_1175 : f32 to vector<16xf32>
          %exp3A_1177 = math.exp %broadcast_in_dim3A_1176 : vector<16xf32>
          %get3A_1178 = arith.constant 0 : i32
          %get3A_1179 = arith.index_cast %get3A_1178 : i32 to index
          %get3A_1180 = arith.index_cast %add3A_1097 : i32 to index
          %get3A_1181 = arith.constant 16 : index
          %get3A_1182 = tpu.vector_load %arg15[%get3A_1179, %get3A_1180, %get3A_1181] {strides = array<i32>} : memref<2x40x64xi32, #tpu.memory_space<vmem>>, vector<16xi32>,
          %bitcast3A_1183 = vector.bitcast %get3A_1182 : vector<16xi32> to vector<32xbf16>
          %unpack3A_1184 = tpu.unpack_subelements %bitcast3A_1183, 0 {pack_format = #tpu.pack_format<interleaved>} : vector<32xbf16> -> vector<16xf32>
          %unpack3A_1185 = tpu.unpack_subelements %bitcast3A_1183, 1 {pack_format = #tpu.pack_format<interleaved>} : vector<32xbf16> -> vector<16xf32>
          %get3A_1186 = arith.constant 0 : i32
          %get3A_1187 = arith.index_cast %get3A_1186 : i32 to index
          %get3A_1188 = arith.index_cast %add3A_1097 : i32 to index
          %get3A_1189 = arith.constant 32 : index
          %get3A_1190 = tpu.vector_load %arg14[%get3A_1187, %get3A_1188, %get3A_1189] {strides = array<i32>} : memref<2x40x128xf32, #tpu.memory_space<vmem>>, vector<16xf32>,
          %add3A_1191 = arith.addf %get3A_1112, %get3A_1190 : vector<16xf32>
          %add3A_1192 = arith.addf %add3A_1191, %unpack3A_1184 : vector<16xf32>
          %mul3A_1193 = arith.constant 2.000000e-01 : f32
          %mul3A_1194 = vector.broadcast %mul3A_1193 : f32 to vector<16xf32>
          %mul3A_1195 = arith.mulf %add3A_1192, %mul3A_1194 : vector<16xf32>
          %max3A_1196 = arith.maximumf %add3A_1192, %mul3A_1195 : vector<16xf32>
          %mul3A_1197 = arith.mulf %max3A_1196, %get3A_23 : vector<16xf32>
          %get3A_1198 = arith.constant 0 : i32
          %get3A_1199 = arith.index_cast %get3A_1198 : i32 to index
          %get3A_1200 = arith.index_cast %add3A_1097 : i32 to index
          %get3A_1201 = arith.constant 48 : index
          %get3A_1202 = tpu.vector_load %arg14[%get3A_1199, %get3A_1200, %get3A_1201] {strides = array<i32>} : memref<2x40x128xf32, #tpu.memory_space<vmem>>, vector<16xf32>,
          %add3A_1203 = arith.addf %get3A_1117, %get3A_1202 : vector<16xf32>
          %add3A_1204 = arith.addf %add3A_1203, %unpack3A_1185 : vector<16xf32>
          %mul3A_1205 = arith.constant 2.000000e-01 : f32
          %mul3A_1206 = vector.broadcast %mul3A_1205 : f32 to vector<16xf32>
          %mul3A_1207 = arith.mulf %add3A_1204, %mul3A_1206 : vector<16xf32>
          %max3A_1208 = arith.maximumf %add3A_1204, %mul3A_1207 : vector<16xf32>
          %mul3A_1209 = arith.mulf %max3A_1208, %get3A_27 : vector<16xf32>
          %add3A_1210 = arith.addf %mul3A_1197, %mul3A_1209 : vector<16xf32>
          %broadcast_in_dim3A_1211 = arith.constant true
          %broadcast_in_dim3A_1212 = vector.broadcast %broadcast_in_dim3A_1211 : i1 to vector<16xi1>
          %masked_cumsum3A_1213 = tpu.scan <sum>, %add3A_1210 masked %broadcast_in_dim3A_1212 : vector<16xf32>, vector<16xi1> -> vector<16xf32>
          %slice3A_1214 = vector.extract_strided_slice %masked_cumsum3A_1213 {offsets = [15], sizes = [1], strides = [1]} : vector<16xf32> to vector<1xf32>
          %squeeze3A_1215 = vector.extract %slice3A_1214[0] : f32 from vector<1xf32>
          %broadcast_in_dim3A_1216 = vector.broadcast %squeeze3A_1215 : f32 to vector<16xf32>
          %exp3A_1217 = math.exp %broadcast_in_dim3A_1216 : vector<16xf32>
          %get3A_1218 = arith.constant 0 : i32
          %get3A_1219 = arith.index_cast %get3A_1218 : i32 to index
          %get3A_1220 = arith.index_cast %add3A_1097 : i32 to index
          %get3A_1221 = arith.constant 32 : index
          %get3A_1222 = tpu.vector_load %arg15[%get3A_1219, %get3A_1220, %get3A_1221] {strides = array<i32>} : memref<2x40x64xi32, #tpu.memory_space<vmem>>, vector<16xi32>,
          %bitcast3A_1223 = vector.bitcast %get3A_1222 : vector<16xi32> to vector<32xbf16>
          %unpack3A_1224 = tpu.unpack_subelements %bitcast3A_1223, 0 {pack_format = #tpu.pack_format<interleaved>} : vector<32xbf16> -> vector<16xf32>
          %unpack3A_1225 = tpu.unpack_subelements %bitcast3A_1223, 1 {pack_format = #tpu.pack_format<interleaved>} : vector<32xbf16> -> vector<16xf32>
          %get3A_1226 = arith.constant 0 : i32
          %get3A_1227 = arith.index_cast %get3A_1226 : i32 to index
          %get3A_1228 = arith.index_cast %add3A_1097 : i32 to index
          %get3A_1229 = arith.constant 64 : index
          %get3A_1230 = tpu.vector_load %arg14[%get3A_1227, %get3A_1228, %get3A_1229] {strides = array<i32>} : memref<2x40x128xf32, #tpu.memory_space<vmem>>, vector<16xf32>,
          %add3A_1231 = arith.addf %get3A_1122, %get3A_1230 : vector<16xf32>
          %add3A_1232 = arith.addf %add3A_1231, %unpack3A_1224 : vector<16xf32>
          %mul3A_1233 = arith.constant 2.000000e-01 : f32
          %mul3A_1234 = vector.broadcast %mul3A_1233 : f32 to vector<16xf32>
          %mul3A_1235 = arith.mulf %add3A_1232, %mul3A_1234 : vector<16xf32>
          %max3A_1236 = arith.maximumf %add3A_1232, %mul3A_1235 : vector<16xf32>
          %mul3A_1237 = arith.mulf %max3A_1236, %get3A_31 : vector<16xf32>
          %get3A_1238 = arith.constant 0 : i32
          %get3A_1239 = arith.index_cast %get3A_1238 : i32 to index
          %get3A_1240 = arith.index_cast %add3A_1097 : i32 to index
          %get3A_1241 = arith.constant 80 : index
          %get3A_1242 = tpu.vector_load %arg14[%get3A_1239, %get3A_1240, %get3A_1241] {strides = array<i32>} : memref<2x40x128xf32, #tpu.memory_space<vmem>>, vector<16xf32>,
          %add3A_1243 = arith.addf %get3A_1127, %get3A_1242 : vector<16xf32>
          %add3A_1244 = arith.addf %add3A_1243, %unpack3A_1225 : vector<16xf32>
          %mul3A_1245 = arith.constant 2.000000e-01 : f32
          %mul3A_1246 = vector.broadcast %mul3A_1245 : f32 to vector<16xf32>
          %mul3A_1247 = arith.mulf %add3A_1244, %mul3A_1246 : vector<16xf32>
          %max3A_1248 = arith.maximumf %add3A_1244, %mul3A_1247 : vector<16xf32>
          %mul3A_1249 = arith.mulf %max3A_1248, %get3A_35 : vector<16xf32>
          %add3A_1250 = arith.addf %mul3A_1237, %mul3A_1249 : vector<16xf32>
          %broadcast_in_dim3A_1251 = arith.constant true
          %broadcast_in_dim3A_1252 = vector.broadcast %broadcast_in_dim3A_1251 : i1 to vector<16xi1>
          %masked_cumsum3A_1253 = tpu.scan <sum>, %add3A_1250 masked %broadcast_in_dim3A_1252 : vector<16xf32>, vector<16xi1> -> vector<16xf32>
          %slice3A_1254 = vector.extract_strided_slice %masked_cumsum3A_1253 {offsets = [15], sizes = [1], strides = [1]} : vector<16xf32> to vector<1xf32>
          %squeeze3A_1255 = vector.extract %slice3A_1254[0] : f32 from vector<1xf32>
          %broadcast_in_dim3A_1256 = vector.broadcast %squeeze3A_1255 : f32 to vector<16xf32>
          %exp3A_1257 = math.exp %broadcast_in_dim3A_1256 : vector<16xf32>
          %get3A_1258 = arith.constant 0 : i32
          %get3A_1259 = arith.index_cast %get3A_1258 : i32 to index
          %get3A_1260 = arith.index_cast %add3A_1097 : i32 to index
          %get3A_1261 = arith.constant 48 : index
          %get3A_1262 = tpu.vector_load %arg15[%get3A_1259, %get3A_1260, %get3A_1261] {strides = array<i32>} : memref<2x40x64xi32, #tpu.memory_space<vmem>>, vector<16xi32>,
          %bitcast3A_1263 = vector.bitcast %get3A_1262 : vector<16xi32> to vector<32xbf16>
          %unpack3A_1264 = tpu.unpack_subelements %bitcast3A_1263, 0 {pack_format = #tpu.pack_format<interleaved>} : vector<32xbf16> -> vector<16xf32>
          %unpack3A_1265 = tpu.unpack_subelements %bitcast3A_1263, 1 {pack_format = #tpu.pack_format<interleaved>} : vector<32xbf16> -> vector<16xf32>
          %get3A_1266 = arith.constant 0 : i32
          %get3A_1267 = arith.index_cast %get3A_1266 : i32 to index
          %get3A_1268 = arith.index_cast %add3A_1097 : i32 to index
          %get3A_1269 = arith.constant 96 : index
          %get3A_1270 = tpu.vector_load %arg14[%get3A_1267, %get3A_1268, %get3A_1269] {strides = array<i32>} : memref<2x40x128xf32, #tpu.memory_space<vmem>>, vector<16xf32>,
          %add3A_1271 = arith.addf %get3A_1132, %get3A_1270 : vector<16xf32>
          %add3A_1272 = arith.addf %add3A_1271, %unpack3A_1264 : vector<16xf32>
          %mul3A_1273 = arith.constant 2.000000e-01 : f32
          %mul3A_1274 = vector.broadcast %mul3A_1273 : f32 to vector<16xf32>
          %mul3A_1275 = arith.mulf %add3A_1272, %mul3A_1274 : vector<16xf32>
          %max3A_1276 = arith.maximumf %add3A_1272, %mul3A_1275 : vector<16xf32>
          %mul3A_1277 = arith.mulf %max3A_1276, %get3A_39 : vector<16xf32>
          %get3A_1278 = arith.constant 0 : i32
          %get3A_1279 = arith.index_cast %get3A_1278 : i32 to index
          %get3A_1280 = arith.index_cast %add3A_1097 : i32 to index
          %get3A_1281 = arith.constant 112 : index
          %get3A_1282 = tpu.vector_load %arg14[%get3A_1279, %get3A_1280, %get3A_1281] {strides = array<i32>} : memref<2x40x128xf32, #tpu.memory_space<vmem>>, vector<16xf32>,
          %add3A_1283 = arith.addf %get3A_1137, %get3A_1282 : vector<16xf32>
          %add3A_1284 = arith.addf %add3A_1283, %unpack3A_1265 : vector<16xf32>
          %mul3A_1285 = arith.constant 2.000000e-01 : f32
          %mul3A_1286 = vector.broadcast %mul3A_1285 : f32 to vector<16xf32>
          %mul3A_1287 = arith.mulf %add3A_1284, %mul3A_1286 : vector<16xf32>
          %max3A_1288 = arith.maximumf %add3A_1284, %mul3A_1287 : vector<16xf32>
          %mul3A_1289 = arith.mulf %max3A_1288, %get3A_43 : vector<16xf32>
          %add3A_1290 = arith.addf %mul3A_1277, %mul3A_1289 : vector<16xf32>
          %broadcast_in_dim3A_1291 = arith.constant true
          %broadcast_in_dim3A_1292 = vector.broadcast %broadcast_in_dim3A_1291 : i1 to vector<16xi1>
          %masked_cumsum3A_1293 = tpu.scan <sum>, %add3A_1290 masked %broadcast_in_dim3A_1292 : vector<16xf32>, vector<16xi1> -> vector<16xf32>
          %slice3A_1294 = vector.extract_strided_slice %masked_cumsum3A_1293 {offsets = [15], sizes = [1], strides = [1]} : vector<16xf32> to vector<1xf32>
          %squeeze3A_1295 = vector.extract %slice3A_1294[0] : f32 from vector<1xf32>
          %broadcast_in_dim3A_1296 = vector.broadcast %squeeze3A_1295 : f32 to vector<16xf32>
          %exp3A_1297 = math.exp %broadcast_in_dim3A_1296 : vector<16xf32>
          %mul3A_1298 = arith.mulf %get3A_1102, %exp3A_1177 : vector<16xf32>
          %swap3A_1299 = arith.constant 0 : i32
          %swap3A_1300 = arith.index_cast %swap3A_1299 : i32 to index
          %swap3A_1301 = arith.index_cast %add3A_1097 : i32 to index
          %swap3A_1302 = arith.constant 0 : index
          %swap3A_1303 = tpu.vector_load %arg16[%swap3A_1300, %swap3A_1301, %swap3A_1302] {strides = array<i32>} : memref<2x40x144xf32, #tpu.memory_space<vmem>>, vector<16xf32>,
          tpu.vector_store %arg16[%swap3A_1300, %swap3A_1301, %swap3A_1302], %mul3A_1298 {strides = array<i32>} : memref<2x40x144xf32, #tpu.memory_space<vmem>>, vector<16xf32>,
          %mul3A_1304 = arith.mulf %get3A_1107, %exp3A_1177 : vector<16xf32>
          %swap3A_1305 = arith.constant 0 : i32
          %swap3A_1306 = arith.index_cast %swap3A_1305 : i32 to index
          %swap3A_1307 = arith.index_cast %add3A_1097 : i32 to index
          %swap3A_1308 = arith.constant 16 : index
          %swap3A_1309 = tpu.vector_load %arg16[%swap3A_1306, %swap3A_1307, %swap3A_1308] {strides = array<i32>} : memref<2x40x144xf32, #tpu.memory_space<vmem>>, vector<16xf32>,
          tpu.vector_store %arg16[%swap3A_1306, %swap3A_1307, %swap3A_1308], %mul3A_1304 {strides = array<i32>} : memref<2x40x144xf32, #tpu.memory_space<vmem>>, vector<16xf32>,
          %mul3A_1310 = arith.mulf %get3A_1112, %exp3A_1217 : vector<16xf32>
          %swap3A_1311 = arith.constant 0 : i32
          %swap3A_1312 = arith.index_cast %swap3A_1311 : i32 to index
          %swap3A_1313 = arith.index_cast %add3A_1097 : i32 to index
          %swap3A_1314 = arith.constant 32 : index
          %swap3A_1315 = tpu.vector_load %arg16[%swap3A_1312, %swap3A_1313, %swap3A_1314] {strides = array<i32>} : memref<2x40x144xf32, #tpu.memory_space<vmem>>, vector<16xf32>,
          tpu.vector_store %arg16[%swap3A_1312, %swap3A_1313, %swap3A_1314], %mul3A_1310 {strides = array<i32>} : memref<2x40x144xf32, #tpu.memory_space<vmem>>, vector<16xf32>,
          %mul3A_1316 = arith.mulf %get3A_1117, %exp3A_1217 : vector<16xf32>
          %swap3A_1317 = arith.constant 0 : i32
          %swap3A_1318 = arith.index_cast %swap3A_1317 : i32 to index
          %swap3A_1319 = arith.index_cast %add3A_1097 : i32 to index
          %swap3A_1320 = arith.constant 48 : index
          %swap3A_1321 = tpu.vector_load %arg16[%swap3A_1318, %swap3A_1319, %swap3A_1320] {strides = array<i32>} : memref<2x40x144xf32, #tpu.memory_space<vmem>>, vector<16xf32>,
          tpu.vector_store %arg16[%swap3A_1318, %swap3A_1319, %swap3A_1320], %mul3A_1316 {strides = array<i32>} : memref<2x40x144xf32, #tpu.memory_space<vmem>>, vector<16xf32>,
          %mul3A_1322 = arith.mulf %get3A_1122, %exp3A_1257 : vector<16xf32>
          %swap3A_1323 = arith.constant 0 : i32
          %swap3A_1324 = arith.index_cast %swap3A_1323 : i32 to index
          %swap3A_1325 = arith.index_cast %add3A_1097 : i32 to index
          %swap3A_1326 = arith.constant 64 : index
          %swap3A_1327 = tpu.vector_load %arg16[%swap3A_1324, %swap3A_1325, %swap3A_1326] {strides = array<i32>} : memref<2x40x144xf32, #tpu.memory_space<vmem>>, vector<16xf32>,
          tpu.vector_store %arg16[%swap3A_1324, %swap3A_1325, %swap3A_1326], %mul3A_1322 {strides = array<i32>} : memref<2x40x144xf32, #tpu.memory_space<vmem>>, vector<16xf32>,
          %mul3A_1328 = arith.mulf %get3A_1127, %exp3A_1257 : vector<16xf32>
          %swap3A_1329 = arith.constant 0 : i32
          %swap3A_1330 = arith.index_cast %swap3A_1329 : i32 to index
          %swap3A_1331 = arith.index_cast %add3A_1097 : i32 to index
          %swap3A_1332 = arith.constant 80 : index
          %swap3A_1333 = tpu.vector_load %arg16[%swap3A_1330, %swap3A_1331, %swap3A_1332] {strides = array<i32>} : memref<2x40x144xf32, #tpu.memory_space<vmem>>, vector<16xf32>,
          tpu.vector_store %arg16[%swap3A_1330, %swap3A_1331, %swap3A_1332], %mul3A_1328 {strides = array<i32>} : memref<2x40x144xf32, #tpu.memory_space<vmem>>, vector<16xf32>,
          %mul3A_1334 = arith.mulf %get3A_1132, %exp3A_1297 : vector<16xf32>
          %swap3A_1335 = arith.constant 0 : i32
          %swap3A_1336 = arith.index_cast %swap3A_1335 : i32 to index
          %swap3A_1337 = arith.index_cast %add3A_1097 : i32 to index
          %swap3A_1338 = arith.constant 96 : index
          %swap3A_1339 = tpu.vector_load %arg16[%swap3A_1336, %swap3A_1337, %swap3A_1338] {strides = array<i32>} : memref<2x40x144xf32, #tpu.memory_space<vmem>>, vector<16xf32>,
          tpu.vector_store %arg16[%swap3A_1336, %swap3A_1337, %swap3A_1338], %mul3A_1334 {strides = array<i32>} : memref<2x40x144xf32, #tpu.memory_space<vmem>>, vector<16xf32>,
          %mul3A_1340 = arith.mulf %get3A_1137, %exp3A_1297 : vector<16xf32>
          %swap3A_1341 = arith.constant 0 : i32
          %swap3A_1342 = arith.index_cast %swap3A_1341 : i32 to index
          %swap3A_1343 = arith.index_cast %add3A_1097 : i32 to index
          %swap3A_1344 = arith.constant 112 : index
          %swap3A_1345 = tpu.vector_load %arg16[%swap3A_1342, %swap3A_1343, %swap3A_1344] {strides = array<i32>} : memref<2x40x144xf32, #tpu.memory_space<vmem>>, vector<16xf32>,
          tpu.vector_store %arg16[%swap3A_1342, %swap3A_1343, %swap3A_1344], %mul3A_1340 {strides = array<i32>} : memref<2x40x144xf32, #tpu.memory_space<vmem>>, vector<16xf32>,
          %jit3A_1346 = arith.constant 0.000000e+00 : f32
          %broadcast_in_dim3A_1347 = vector.broadcast %jit3A_1346 : f32 to vector<16xf32>
          %select_n3A_1348 = arith.select %eq3A_54, %exp3A_1297, %broadcast_in_dim3A_1347 : vector<16xi1>, vector<16xf32>
          %select_n3A_1349 = arith.select %eq3A_51, %exp3A_1257, %select_n3A_1348 : vector<16xi1>, vector<16xf32>
          %select_n3A_1350 = arith.select %eq3A_48, %exp3A_1217, %select_n3A_1349 : vector<16xi1>, vector<16xf32>
          %select_n3A_1351 = arith.select %eq3A_45, %exp3A_1177, %select_n3A_1350 : vector<16xi1>, vector<16xf32>
          %swap3A_1352 = arith.constant 0 : i32
          %swap3A_1353 = arith.index_cast %swap3A_1352 : i32 to index
          %swap3A_1354 = arith.index_cast %add3A_1097 : i32 to index
          %swap3A_1355 = arith.constant 128 : index
          %swap3A_1356 = tpu.vector_load %arg16[%swap3A_1353, %swap3A_1354, %swap3A_1355] {strides = array<i32>} : memref<2x40x144xf32, #tpu.memory_space<vmem>>, vector<16xf32>,
          tpu.vector_store %arg16[%swap3A_1353, %swap3A_1354, %swap3A_1355], %select_n3A_1351 {strides = array<i32>} : memref<2x40x144xf32, #tpu.memory_space<vmem>>, vector<16xf32>,
        }
        %scan3A_290 = arith.constant 10 : i32
        %dma_wait3A_291 = arith.constant 0 : i32
        %dma_wait3A_292 = arith.constant 0 : i32
        %dma_wait3A_293 = tpu.memref_slice %arg12[%dma_wait3A_291, %dma_wait3A_292] : memref<2x40xi32, #tpu.memory_space<vmem>> -> memref<1x40xi32, #tpu.memory_space<vmem>>
        %dma_wait3A_294 = tpu.memref_squeeze %dma_wait3A_293 : memref<1x40xi32, #tpu.memory_space<vmem>> -> memref<40xi32, #tpu.memory_space<vmem>>
        %dma_wait3A_295 = arith.constant 0 : i32
        %dma_wait3A_296 = tpu.memref_slice %arg3[%dma_wait3A_295] : memref<320000xi32, #tpu.memory_space<hbm>> -> memref<40xi32, #tpu.memory_space<hbm>>
        %dma_wait3A_297 = arith.constant 0 : i32
        %dma_wait3A_298 = tpu.memref_slice %arg12[%dma_wait3A_291, %dma_wait3A_297] : memref<2x40xi32, #tpu.memory_space<vmem>> -> memref<1x40xi32, #tpu.memory_space<vmem>>
        %dma_wait3A_299 = tpu.memref_squeeze %dma_wait3A_298 : memref<1x40xi32, #tpu.memory_space<vmem>> -> memref<40xi32, #tpu.memory_space<vmem>>
        %dma_wait3A_300 = arith.constant 0 : i32
        %dma_wait3A_301 = tpu.memref_slice %arg3[%dma_wait3A_300] : memref<320000xi32, #tpu.memory_space<hbm>> -> memref<40xi32, #tpu.memory_space<hbm>>
        tpu.wait_dma2 semaphore(%arg25 : memref<!tpu.dma_semaphore, #tpu.memory_space<semaphore_mem>>) src(%dma_wait3A_301 : memref<40xi32, #tpu.memory_space<hbm>>) dst(%dma_wait3A_299 : memref<40xi32, #tpu.memory_space<vmem>>)
        %dma_start3A_302 = arith.constant 0 : i32
        %dma_start3A_303 = arith.constant 0 : i32
        %dma_start3A_304 = arith.constant 0 : i32
        %dma_start3A_305 = arith.constant 0 : i32
        %dma_start3A_306 = tpu.memref_slice %arg16[%dma_start3A_302, %dma_start3A_304, %dma_start3A_305] : memref<2x40x144xf32, #tpu.memory_space<vmem>> -> memref<1x40x144xf32, #tpu.memory_space<vmem>>
        %dma_start3A_307 = tpu.memref_squeeze %dma_start3A_306 : memref<1x40x144xf32, #tpu.memory_space<vmem>> -> memref<40x144xf32, #tpu.memory_space<vmem>>
        %dma_start3A_308 = arith.constant 0 : i32
        %dma_start3A_309 = tpu.memref_slice %arg12[%dma_start3A_303, %dma_start3A_308] : memref<2x40xi32, #tpu.memory_space<vmem>> -> memref<1x40xi32, #tpu.memory_space<vmem>>
        %dma_start3A_310 = tpu.memref_squeeze %dma_start3A_309 : memref<1x40xi32, #tpu.memory_space<vmem>> -> memref<40xi32, #tpu.memory_space<vmem>>
        %dma_start3A_311 = arith.constant 0 : i32
        %dma_start3A_312 = arith.constant 0 : i32
        %dma_start3A_313 = tpu.memref_slice %arg18[%dma_start3A_311, %dma_start3A_312] : memref<10000x144xf32, #tpu.memory_space<vmem_shared>> -> memref<10000x144xf32, #tpu.memory_space<vmem_shared>>
        tpu.enqueue_indirect_dma source(%dma_start3A_307 : memref<40x144xf32, #tpu.memory_space<vmem>>) target(%dma_start3A_313 : memref<10000x144xf32, #tpu.memory_space<vmem_shared>>) offsets(%dma_start3A_310 : memref<40xi32, #tpu.memory_space<vmem>>) semaphore(%arg23 : memref<!tpu.dma_semaphore, #tpu.memory_space<semaphore_mem>>) {add = true}
      } else {
      }
      %rem3A_202 = arith.constant 2 : i32
      %rem3A_203 = arith.remsi %scan3A_197, %rem3A_202 : i32
      %eq3A_204 = arith.constant 1 : i32
      %eq3A_205 = arith.cmpi eq, %rem3A_203, %eq3A_204 : i32
      %convert_element_type3A_206 = arith.extui %eq3A_205 : i1 to i32
      %cond3A_207 = arith.constant 0 : i32
      %cond3A_208 = arith.cmpi ne, %convert_element_type3A_206, %cond3A_207 : i32
      scf.if %cond3A_208 {
        %add3A_209 = arith.constant 1 : i32
        %add3A_210 = arith.addi %scan3A_197, %add3A_209 : i32
        %lt3A = arith.constant 250 : i32
        %lt3A_211 = arith.cmpi slt, %add3A_210, %lt3A : i32
        %convert_element_type3A_212 = arith.extui %lt3A_211 : i1 to i32
        %cond3A_213 = arith.constant 0 : i32
        %cond3A_214 = arith.cmpi ne, %convert_element_type3A_212, %cond3A_213 : i32
        scf.if %cond3A_214 {
          %dma_wait3A_314 = arith.constant 0 : i32
          %dma_wait3A_315 = arith.constant 0 : i32
          %dma_wait3A_316 = tpu.memref_slice %arg10[%dma_wait3A_314, %dma_wait3A_315] : memref<2x40xi32, #tpu.memory_space<vmem>> -> memref<1x40xi32, #tpu.memory_space<vmem>>
          %dma_wait3A_317 = tpu.memref_squeeze %dma_wait3A_316 : memref<1x40xi32, #tpu.memory_space<vmem>> -> memref<40xi32, #tpu.memory_space<vmem>>
          %dma_wait3A_318 = arith.constant 0 : i32
          %dma_wait3A_319 = tpu.memref_slice %arg2[%dma_wait3A_318] : memref<320000xi32, #tpu.memory_space<hbm>> -> memref<40xi32, #tpu.memory_space<hbm>>
          %dma_wait3A_320 = arith.constant 0 : i32
          %dma_wait3A_321 = tpu.memref_slice %arg10[%dma_wait3A_314, %dma_wait3A_320] : memref<2x40xi32, #tpu.memory_space<vmem>> -> memref<1x40xi32, #tpu.memory_space<vmem>>
          %dma_wait3A_322 = tpu.memref_squeeze %dma_wait3A_321 : memref<1x40xi32, #tpu.memory_space<vmem>> -> memref<40xi32, #tpu.memory_space<vmem>>
          %dma_wait3A_323 = arith.constant 0 : i32
          %dma_wait3A_324 = tpu.memref_slice %arg2[%dma_wait3A_323] : memref<320000xi32, #tpu.memory_space<hbm>> -> memref<40xi32, #tpu.memory_space<hbm>>
          tpu.wait_dma2 semaphore(%arg21 : memref<!tpu.dma_semaphore, #tpu.memory_space<semaphore_mem>>) src(%dma_wait3A_324 : memref<40xi32, #tpu.memory_space<hbm>>) dst(%dma_wait3A_322 : memref<40xi32, #tpu.memory_space<vmem>>)
          %dma_wait3A_325 = arith.constant 0 : i32
          %dma_wait3A_326 = arith.constant 0 : i32
          %dma_wait3A_327 = tpu.memref_slice %arg11[%dma_wait3A_325, %dma_wait3A_326] : memref<2x40xi32, #tpu.memory_space<vmem>> -> memref<1x40xi32, #tpu.memory_space<vmem>>
          %dma_wait3A_328 = tpu.memref_squeeze %dma_wait3A_327 : memref<1x40xi32, #tpu.memory_space<vmem>> -> memref<40xi32, #tpu.memory_space<vmem>>
          %dma_wait3A_329 = arith.constant 0 : i32
          %dma_wait3A_330 = tpu.memref_slice %arg3[%dma_wait3A_329] : memref<320000xi32, #tpu.memory_space<hbm>> -> memref<40xi32, #tpu.memory_space<hbm>>
          %dma_wait3A_331 = arith.constant 0 : i32
          %dma_wait3A_332 = tpu.memref_slice %arg11[%dma_wait3A_325, %dma_wait3A_331] : memref<2x40xi32, #tpu.memory_space<vmem>> -> memref<1x40xi32, #tpu.memory_space<vmem>>
          %dma_wait3A_333 = tpu.memref_squeeze %dma_wait3A_332 : memref<1x40xi32, #tpu.memory_space<vmem>> -> memref<40xi32, #tpu.memory_space<vmem>>
          %dma_wait3A_334 = arith.constant 0 : i32
          %dma_wait3A_335 = tpu.memref_slice %arg3[%dma_wait3A_334] : memref<320000xi32, #tpu.memory_space<hbm>> -> memref<40xi32, #tpu.memory_space<hbm>>
          tpu.wait_dma2 semaphore(%arg21 : memref<!tpu.dma_semaphore, #tpu.memory_space<semaphore_mem>>) src(%dma_wait3A_335 : memref<40xi32, #tpu.memory_space<hbm>>) dst(%dma_wait3A_333 : memref<40xi32, #tpu.memory_space<vmem>>)
          %add3A_336 = arith.constant 1 : i32
          %add3A_337 = arith.addi %scan3A_197, %add3A_336 : i32
          %dma_start3A_338 = arith.constant 0 : i32
          %dma_start3A_339 = arith.constant 0 : i32
          %dma_start3A_340 = arith.constant 0 : i32
          %dma_start3A_341 = arith.constant 0 : i32
          %dma_start3A_342 = tpu.memref_slice %arg13[%dma_start3A_339, %dma_start3A_340, %dma_start3A_341] : memref<2x40x128xf32, #tpu.memory_space<vmem>> -> memref<1x40x128xf32, #tpu.memory_space<vmem>>
          %dma_start3A_343 = tpu.memref_squeeze %dma_start3A_342 : memref<1x40x128xf32, #tpu.memory_space<vmem>> -> memref<40x128xf32, #tpu.memory_space<vmem>>
          %dma_start3A_344 = arith.constant 0 : i32
          %dma_start3A_345 = tpu.memref_slice %arg10[%dma_start3A_338, %dma_start3A_344] : memref<2x40xi32, #tpu.memory_space<vmem>> -> memref<1x40xi32, #tpu.memory_space<vmem>>
          %dma_start3A_346 = tpu.memref_squeeze %dma_start3A_345 : memref<1x40xi32, #tpu.memory_space<vmem>> -> memref<40xi32, #tpu.memory_space<vmem>>
          %dma_start3A_347 = arith.constant 0 : i32
          %dma_start3A_348 = arith.constant 0 : i32
          %dma_start3A_349 = tpu.memref_slice %arg4[%dma_start3A_347, %dma_start3A_348] : memref<10000x128xf32, #tpu.memory_space<hbm>> -> memref<10000x128xf32, #tpu.memory_space<hbm>>
          tpu.enqueue_indirect_dma source(%dma_start3A_349 : memref<10000x128xf32, #tpu.memory_space<hbm>>) target(%dma_start3A_343 : memref<40x128xf32, #tpu.memory_space<vmem>>) offsets(%dma_start3A_346 : memref<40xi32, #tpu.memory_space<vmem>>) semaphore(%arg19 : memref<!tpu.dma_semaphore, #tpu.memory_space<semaphore_mem>>)
          %dma_start3A_350 = arith.constant 0 : i32
          %dma_start3A_351 = arith.constant 0 : i32
          %dma_start3A_352 = arith.constant 0 : i32
          %dma_start3A_353 = arith.constant 0 : i32
          %dma_start3A_354 = tpu.memref_slice %arg14[%dma_start3A_351, %dma_start3A_352, %dma_start3A_353] : memref<2x40x128xf32, #tpu.memory_space<vmem>> -> memref<1x40x128xf32, #tpu.memory_space<vmem>>
          %dma_start3A_355 = tpu.memref_squeeze %dma_start3A_354 : memref<1x40x128xf32, #tpu.memory_space<vmem>> -> memref<40x128xf32, #tpu.memory_space<vmem>>
          %dma_start3A_356 = arith.constant 0 : i32
          %dma_start3A_357 = tpu.memref_slice %arg11[%dma_start3A_350, %dma_start3A_356] : memref<2x40xi32, #tpu.memory_space<vmem>> -> memref<1x40xi32, #tpu.memory_space<vmem>>
          %dma_start3A_358 = tpu.memref_squeeze %dma_start3A_357 : memref<1x40xi32, #tpu.memory_space<vmem>> -> memref<40xi32, #tpu.memory_space<vmem>>
          %dma_start3A_359 = arith.constant 0 : i32
          %dma_start3A_360 = arith.constant 0 : i32
          %dma_start3A_361 = tpu.memref_slice %arg5[%dma_start3A_359, %dma_start3A_360] : memref<10000x128xf32, #tpu.memory_space<hbm>> -> memref<10000x128xf32, #tpu.memory_space<hbm>>
          tpu.enqueue_indirect_dma source(%dma_start3A_361 : memref<10000x128xf32, #tpu.memory_space<hbm>>) target(%dma_start3A_355 : memref<40x128xf32, #tpu.memory_space<vmem>>) offsets(%dma_start3A_358 : memref<40xi32, #tpu.memory_space<vmem>>) semaphore(%arg19 : memref<!tpu.dma_semaphore, #tpu.memory_space<semaphore_mem>>)
          %mul3A_362 = arith.constant 10000 : i32
          %mul3A_363 = arith.muli %arg1, %mul3A_362 : i32
          %mul3A_364 = arith.constant 40 : i32
          %mul3A_365 = arith.muli %add3A_337, %mul3A_364 : i32
          %add3A_366 = arith.addi %mul3A_363, %mul3A_365 : i32
          %mul3A_367 = arith.constant 64 : i32
          %mul3A_368 = arith.muli %arg0, %mul3A_367 : i32
          %dma_start3A_369 = arith.constant 0 : i32
          %dma_start3A_370 = arith.constant 0 : i32
          %dma_start3A_371 = arith.constant 0 : i32
          %dma_start3A_372 = tpu.memref_slice %arg15[%dma_start3A_369, %dma_start3A_370, %dma_start3A_371] : memref<2x40x64xi32, #tpu.memory_space<vmem>> -> memref<1x40x64xi32, #tpu.memory_space<vmem>>
          %dma_start3A_373 = tpu.memref_squeeze %dma_start3A_372 : memref<1x40x64xi32, #tpu.memory_space<vmem>> -> memref<40x64xi32, #tpu.memory_space<vmem>>
          %dma_start3A_374 = tpu.memref_slice %arg6[%add3A_366, %mul3A_368] : memref<160000x128xi32, #tpu.memory_space<hbm>> -> memref<40x64xi32, #tpu.memory_space<hbm>>
          %dma_start3A_375 = arith.constant 0 : i32
          %dma_start3A_376 = arith.constant 0 : i32
          %dma_start3A_377 = tpu.memref_slice %arg15[%dma_start3A_369, %dma_start3A_375, %dma_start3A_376] : memref<2x40x64xi32, #tpu.memory_space<vmem>> -> memref<1x40x64xi32, #tpu.memory_space<vmem>>
          %dma_start3A_378 = tpu.memref_squeeze %dma_start3A_377 : memref<1x40x64xi32, #tpu.memory_space<vmem>> -> memref<40x64xi32, #tpu.memory_space<vmem>>
          %dma_start3A_379 = tpu.memref_slice %arg6[%add3A_366, %mul3A_368] : memref<160000x128xi32, #tpu.memory_space<hbm>> -> memref<40x64xi32, #tpu.memory_space<hbm>>
          tpu.enqueue_dma source(%dma_start3A_379 : memref<40x64xi32, #tpu.memory_space<hbm>>) target(%dma_start3A_378 : memref<40x64xi32, #tpu.memory_space<vmem>>) target_semaphore(%arg19 : memref<!tpu.dma_semaphore, #tpu.memory_space<semaphore_mem>>)
        } else {
        }
        %dma_wait3A_215 = arith.constant 1 : i32
        %dma_wait3A_216 = arith.constant 0 : i32
        %dma_wait3A_217 = arith.constant 0 : i32
        %dma_wait3A_218 = tpu.memref_slice %arg13[%dma_wait3A_215, %dma_wait3A_216, %dma_wait3A_217] : memref<2x40x128xf32, #tpu.memory_space<vmem>> -> memref<1x40x128xf32, #tpu.memory_space<vmem>>
        %dma_wait3A_219 = tpu.memref_squeeze %dma_wait3A_218 : memref<1x40x128xf32, #tpu.memory_space<vmem>> -> memref<40x128xf32, #tpu.memory_space<vmem>>
        %dma_wait3A_220 = arith.constant 0 : i32
        %dma_wait3A_221 = arith.constant 0 : i32
        %dma_wait3A_222 = tpu.memref_slice %arg4[%dma_wait3A_220, %dma_wait3A_221] : memref<10000x128xf32, #tpu.memory_space<hbm>> -> memref<40x128xf32, #tpu.memory_space<hbm>>
        %dma_wait3A_223 = arith.constant 0 : i32
        %dma_wait3A_224 = arith.constant 0 : i32
        %dma_wait3A_225 = tpu.memref_slice %arg13[%dma_wait3A_215, %dma_wait3A_223, %dma_wait3A_224] : memref<2x40x128xf32, #tpu.memory_space<vmem>> -> memref<1x40x128xf32, #tpu.memory_space<vmem>>
        %dma_wait3A_226 = tpu.memref_squeeze %dma_wait3A_225 : memref<1x40x128xf32, #tpu.memory_space<vmem>> -> memref<40x128xf32, #tpu.memory_space<vmem>>
        %dma_wait3A_227 = arith.constant 0 : i32
        %dma_wait3A_228 = arith.constant 0 : i32
        %dma_wait3A_229 = tpu.memref_slice %arg4[%dma_wait3A_227, %dma_wait3A_228] : memref<10000x128xf32, #tpu.memory_space<hbm>> -> memref<40x128xf32, #tpu.memory_space<hbm>>
        tpu.wait_dma2 semaphore(%arg20 : memref<!tpu.dma_semaphore, #tpu.memory_space<semaphore_mem>>) src(%dma_wait3A_229 : memref<40x128xf32, #tpu.memory_space<hbm>>) dst(%dma_wait3A_226 : memref<40x128xf32, #tpu.memory_space<vmem>>)
        %dma_wait3A_230 = arith.constant 1 : i32
        %dma_wait3A_231 = arith.constant 0 : i32
        %dma_wait3A_232 = arith.constant 0 : i32
        %dma_wait3A_233 = tpu.memref_slice %arg14[%dma_wait3A_230, %dma_wait3A_231, %dma_wait3A_232] : memref<2x40x128xf32, #tpu.memory_space<vmem>> -> memref<1x40x128xf32, #tpu.memory_space<vmem>>
        %dma_wait3A_234 = tpu.memref_squeeze %dma_wait3A_233 : memref<1x40x128xf32, #tpu.memory_space<vmem>> -> memref<40x128xf32, #tpu.memory_space<vmem>>
        %dma_wait3A_235 = arith.constant 0 : i32
        %dma_wait3A_236 = arith.constant 0 : i32
        %dma_wait3A_237 = tpu.memref_slice %arg5[%dma_wait3A_235, %dma_wait3A_236] : memref<10000x128xf32, #tpu.memory_space<hbm>> -> memref<40x128xf32, #tpu.memory_space<hbm>>
        %dma_wait3A_238 = arith.constant 0 : i32
        %dma_wait3A_239 = arith.constant 0 : i32
        %dma_wait3A_240 = tpu.memref_slice %arg14[%dma_wait3A_230, %dma_wait3A_238, %dma_wait3A_239] : memref<2x40x128xf32, #tpu.memory_space<vmem>> -> memref<1x40x128xf32, #tpu.memory_space<vmem>>
        %dma_wait3A_241 = tpu.memref_squeeze %dma_wait3A_240 : memref<1x40x128xf32, #tpu.memory_space<vmem>> -> memref<40x128xf32, #tpu.memory_space<vmem>>
        %dma_wait3A_242 = arith.constant 0 : i32
        %dma_wait3A_243 = arith.constant 0 : i32
        %dma_wait3A_244 = tpu.memref_slice %arg5[%dma_wait3A_242, %dma_wait3A_243] : memref<10000x128xf32, #tpu.memory_space<hbm>> -> memref<40x128xf32, #tpu.memory_space<hbm>>
        tpu.wait_dma2 semaphore(%arg20 : memref<!tpu.dma_semaphore, #tpu.memory_space<semaphore_mem>>) src(%dma_wait3A_244 : memref<40x128xf32, #tpu.memory_space<hbm>>) dst(%dma_wait3A_241 : memref<40x128xf32, #tpu.memory_space<vmem>>)
        %dma_wait3A_245 = arith.constant 1 : i32
        %dma_wait3A_246 = arith.constant 0 : i32
        %dma_wait3A_247 = arith.constant 0 : i32
        %dma_wait3A_248 = tpu.memref_slice %arg15[%dma_wait3A_245, %dma_wait3A_246, %dma_wait3A_247] : memref<2x40x64xi32, #tpu.memory_space<vmem>> -> memref<1x40x64xi32, #tpu.memory_space<vmem>>
        %dma_wait3A_249 = tpu.memref_squeeze %dma_wait3A_248 : memref<1x40x64xi32, #tpu.memory_space<vmem>> -> memref<40x64xi32, #tpu.memory_space<vmem>>
        %dma_wait3A_250 = arith.constant 0 : i32
        %dma_wait3A_251 = arith.constant 0 : i32
        %dma_wait3A_252 = tpu.memref_slice %arg6[%dma_wait3A_250, %dma_wait3A_251] : memref<160000x128xi32, #tpu.memory_space<hbm>> -> memref<40x64xi32, #tpu.memory_space<hbm>>
        %dma_wait3A_253 = arith.constant 0 : i32
        %dma_wait3A_254 = arith.constant 0 : i32
        %dma_wait3A_255 = tpu.memref_slice %arg15[%dma_wait3A_245, %dma_wait3A_253, %dma_wait3A_254] : memref<2x40x64xi32, #tpu.memory_space<vmem>> -> memref<1x40x64xi32, #tpu.memory_space<vmem>>
        %dma_wait3A_256 = tpu.memref_squeeze %dma_wait3A_255 : memref<1x40x64xi32, #tpu.memory_space<vmem>> -> memref<40x64xi32, #tpu.memory_space<vmem>>
        %dma_wait3A_257 = arith.constant 0 : i32
        %dma_wait3A_258 = arith.constant 0 : i32
        %dma_wait3A_259 = tpu.memref_slice %arg6[%dma_wait3A_257, %dma_wait3A_258] : memref<160000x128xi32, #tpu.memory_space<hbm>> -> memref<40x64xi32, #tpu.memory_space<hbm>>
        tpu.wait_dma2 semaphore(%arg20 : memref<!tpu.dma_semaphore, #tpu.memory_space<semaphore_mem>>) src(%dma_wait3A_259 : memref<40x64xi32, #tpu.memory_space<hbm>>) dst(%dma_wait3A_256 : memref<40x64xi32, #tpu.memory_space<vmem>>)
        %ge3A = arith.constant 2 : i32
        %ge3A_260 = arith.cmpi sge, %scan3A_197, %ge3A : i32
        %convert_element_type3A_261 = arith.extui %ge3A_260 : i1 to i32
        %cond3A_262 = arith.constant 0 : i32
        %cond3A_263 = arith.cmpi ne, %convert_element_type3A_261, %cond3A_262 : i32
        scf.if %cond3A_263 {
          %dma_wait3A_314 = arith.constant 1 : i32
          %dma_wait3A_315 = arith.constant 1 : i32
          %dma_wait3A_316 = arith.constant 0 : i32
          %dma_wait3A_317 = arith.constant 0 : i32
          %dma_wait3A_318 = tpu.memref_slice %arg16[%dma_wait3A_314, %dma_wait3A_316, %dma_wait3A_317] : memref<2x40x144xf32, #tpu.memory_space<vmem>> -> memref<1x40x144xf32, #tpu.memory_space<vmem>>
          %dma_wait3A_319 = tpu.memref_squeeze %dma_wait3A_318 : memref<1x40x144xf32, #tpu.memory_space<vmem>> -> memref<40x144xf32, #tpu.memory_space<vmem>>
          %dma_wait3A_320 = arith.constant 0 : i32
          %dma_wait3A_321 = tpu.memref_slice %arg12[%dma_wait3A_315, %dma_wait3A_320] : memref<2x40xi32, #tpu.memory_space<vmem>> -> memref<1x40xi32, #tpu.memory_space<vmem>>
          %dma_wait3A_322 = tpu.memref_squeeze %dma_wait3A_321 : memref<1x40xi32, #tpu.memory_space<vmem>> -> memref<40xi32, #tpu.memory_space<vmem>>
          %dma_wait3A_323 = arith.constant 0 : i32
          %dma_wait3A_324 = arith.constant 0 : i32
          %dma_wait3A_325 = tpu.memref_slice %arg18[%dma_wait3A_323, %dma_wait3A_324] : memref<10000x144xf32, #tpu.memory_space<vmem_shared>> -> memref<10000x144xf32, #tpu.memory_space<vmem_shared>>
          tpu.wait_indirect_dma semaphore(%arg24 : memref<!tpu.dma_semaphore, #tpu.memory_space<semaphore_mem>>) src(%dma_wait3A_319 : memref<40x144xf32, #tpu.memory_space<vmem>>) dst(%dma_wait3A_325 : memref<10000x144xf32, #tpu.memory_space<vmem_shared>>)
        } else {
        }
        %add3A_264 = arith.constant 2 : i32
        %add3A_265 = arith.addi %scan3A_197, %add3A_264 : i32
        %lt3A_266 = arith.constant 250 : i32
        %lt3A_267 = arith.cmpi slt, %add3A_265, %lt3A_266 : i32
        %convert_element_type3A_268 = arith.extui %lt3A_267 : i1 to i32
        %cond3A_269 = arith.constant 0 : i32
        %cond3A_270 = arith.cmpi ne, %convert_element_type3A_268, %cond3A_269 : i32
        scf.if %cond3A_270 {
          %add3A_314 = arith.constant 2 : i32
          %add3A_315 = arith.addi %scan3A_197, %add3A_314 : i32
          %mul3A_316 = arith.constant 10000 : i32
          %mul3A_317 = arith.muli %add3A, %mul3A_316 : i32
          %mul3A_318 = arith.constant 40 : i32
          %mul3A_319 = arith.muli %add3A_315, %mul3A_318 : i32
          %add3A_320 = arith.addi %mul3A_317, %mul3A_319 : i32
          %dma_start3A_321 = arith.constant 1 : i32
          %dma_start3A_322 = arith.constant 0 : i32
          %dma_start3A_323 = tpu.memref_slice %arg10[%dma_start3A_321, %dma_start3A_322] : memref<2x40xi32, #tpu.memory_space<vmem>> -> memref<1x40xi32, #tpu.memory_space<vmem>>
          %dma_start3A_324 = tpu.memref_squeeze %dma_start3A_323 : memref<1x40xi32, #tpu.memory_space<vmem>> -> memref<40xi32, #tpu.memory_space<vmem>>
          %dma_start3A_325 = tpu.memref_slice %arg2[%add3A_320] : memref<320000xi32, #tpu.memory_space<hbm>> -> memref<40xi32, #tpu.memory_space<hbm>>
          %dma_start3A_326 = arith.constant 0 : i32
          %dma_start3A_327 = tpu.memref_slice %arg10[%dma_start3A_321, %dma_start3A_326] : memref<2x40xi32, #tpu.memory_space<vmem>> -> memref<1x40xi32, #tpu.memory_space<vmem>>
          %dma_start3A_328 = tpu.memref_squeeze %dma_start3A_327 : memref<1x40xi32, #tpu.memory_space<vmem>> -> memref<40xi32, #tpu.memory_space<vmem>>
          %dma_start3A_329 = tpu.memref_slice %arg2[%add3A_320] : memref<320000xi32, #tpu.memory_space<hbm>> -> memref<40xi32, #tpu.memory_space<hbm>>
          tpu.enqueue_dma source(%dma_start3A_329 : memref<40xi32, #tpu.memory_space<hbm>>) target(%dma_start3A_328 : memref<40xi32, #tpu.memory_space<vmem>>) target_semaphore(%arg22 : memref<!tpu.dma_semaphore, #tpu.memory_space<semaphore_mem>>)
          %dma_start3A_330 = arith.constant 1 : i32
          %dma_start3A_331 = arith.constant 0 : i32
          %dma_start3A_332 = tpu.memref_slice %arg11[%dma_start3A_330, %dma_start3A_331] : memref<2x40xi32, #tpu.memory_space<vmem>> -> memref<1x40xi32, #tpu.memory_space<vmem>>
          %dma_start3A_333 = tpu.memref_squeeze %dma_start3A_332 : memref<1x40xi32, #tpu.memory_space<vmem>> -> memref<40xi32, #tpu.memory_space<vmem>>
          %dma_start3A_334 = tpu.memref_slice %arg3[%add3A_320] : memref<320000xi32, #tpu.memory_space<hbm>> -> memref<40xi32, #tpu.memory_space<hbm>>
          %dma_start3A_335 = arith.constant 0 : i32
          %dma_start3A_336 = tpu.memref_slice %arg11[%dma_start3A_330, %dma_start3A_335] : memref<2x40xi32, #tpu.memory_space<vmem>> -> memref<1x40xi32, #tpu.memory_space<vmem>>
          %dma_start3A_337 = tpu.memref_squeeze %dma_start3A_336 : memref<1x40xi32, #tpu.memory_space<vmem>> -> memref<40xi32, #tpu.memory_space<vmem>>
          %dma_start3A_338 = tpu.memref_slice %arg3[%add3A_320] : memref<320000xi32, #tpu.memory_space<hbm>> -> memref<40xi32, #tpu.memory_space<hbm>>
          tpu.enqueue_dma source(%dma_start3A_338 : memref<40xi32, #tpu.memory_space<hbm>>) target(%dma_start3A_337 : memref<40xi32, #tpu.memory_space<vmem>>) target_semaphore(%arg22 : memref<!tpu.dma_semaphore, #tpu.memory_space<semaphore_mem>>)
        } else {
        }
        %mul3A_271 = arith.constant 10000 : i32
        %mul3A_272 = arith.muli %add3A, %mul3A_271 : i32
        %mul3A_273 = arith.constant 40 : i32
        %mul3A_274 = arith.muli %scan3A_197, %mul3A_273 : i32
        %add3A_275 = arith.addi %mul3A_272, %mul3A_274 : i32
        %dma_start3A_276 = arith.constant 1 : i32
        %dma_start3A_277 = arith.constant 0 : i32
        %dma_start3A_278 = tpu.memref_slice %arg12[%dma_start3A_276, %dma_start3A_277] : memref<2x40xi32, #tpu.memory_space<vmem>> -> memref<1x40xi32, #tpu.memory_space<vmem>>
        %dma_start3A_279 = tpu.memref_squeeze %dma_start3A_278 : memref<1x40xi32, #tpu.memory_space<vmem>> -> memref<40xi32, #tpu.memory_space<vmem>>
        %dma_start3A_280 = tpu.memref_slice %arg3[%add3A_275] : memref<320000xi32, #tpu.memory_space<hbm>> -> memref<40xi32, #tpu.memory_space<hbm>>
        %dma_start3A_281 = arith.constant 0 : i32
        %dma_start3A_282 = tpu.memref_slice %arg12[%dma_start3A_276, %dma_start3A_281] : memref<2x40xi32, #tpu.memory_space<vmem>> -> memref<1x40xi32, #tpu.memory_space<vmem>>
        %dma_start3A_283 = tpu.memref_squeeze %dma_start3A_282 : memref<1x40xi32, #tpu.memory_space<vmem>> -> memref<40xi32, #tpu.memory_space<vmem>>
        %dma_start3A_284 = tpu.memref_slice %arg3[%add3A_275] : memref<320000xi32, #tpu.memory_space<hbm>> -> memref<40xi32, #tpu.memory_space<hbm>>
        tpu.enqueue_dma source(%dma_start3A_284 : memref<40xi32, #tpu.memory_space<hbm>>) target(%dma_start3A_283 : memref<40xi32, #tpu.memory_space<vmem>>) target_semaphore(%arg26 : memref<!tpu.dma_semaphore, #tpu.memory_space<semaphore_mem>>)
        %scan3A_285 = arith.constant 0 : i32
        %scan3A_286 = arith.constant 0 : i32
        %scan3A_287 = arith.constant 10 : i32
        %scan3A_288 = arith.addi %scan3A_286, %scan3A_287 : i32
        %scan3A_289 = arith.constant 1 : i32
        scf.for %scan3A_314 = %scan3A_286 to %scan3A_288 step %scan3A_289  : i32 {
          %mul3A_315 = arith.constant 4 : i32
          %mul3A_316 = arith.muli %scan3A_314, %mul3A_315 : i32
          %add3A_317 = arith.constant 0 : i32
          %add3A_318 = arith.addi %mul3A_316, %add3A_317 : i32
          %get3A_319 = arith.constant 1 : i32
          %get3A_320 = arith.index_cast %get3A_319 : i32 to index
          %get3A_321 = arith.index_cast %add3A_318 : i32 to index
          %get3A_322 = arith.constant 0 : index
          %get3A_323 = tpu.vector_load %arg13[%get3A_320, %get3A_321, %get3A_322] {strides = array<i32>} : memref<2x40x128xf32, #tpu.memory_space<vmem>>, vector<16xf32>,
          %get3A_324 = arith.constant 1 : i32
          %get3A_325 = arith.index_cast %get3A_324 : i32 to index
          %get3A_326 = arith.index_cast %add3A_318 : i32 to index
          %get3A_327 = arith.constant 16 : index
          %get3A_328 = tpu.vector_load %arg13[%get3A_325, %get3A_326, %get3A_327] {strides = array<i32>} : memref<2x40x128xf32, #tpu.memory_space<vmem>>, vector<16xf32>,
          %get3A_329 = arith.constant 1 : i32
          %get3A_330 = arith.index_cast %get3A_329 : i32 to index
          %get3A_331 = arith.index_cast %add3A_318 : i32 to index
          %get3A_332 = arith.constant 32 : index
          %get3A_333 = tpu.vector_load %arg13[%get3A_330, %get3A_331, %get3A_332] {strides = array<i32>} : memref<2x40x128xf32, #tpu.memory_space<vmem>>, vector<16xf32>,
          %get3A_334 = arith.constant 1 : i32
          %get3A_335 = arith.index_cast %get3A_334 : i32 to index
          %get3A_336 = arith.index_cast %add3A_318 : i32 to index
          %get3A_337 = arith.constant 48 : index
          %get3A_338 = tpu.vector_load %arg13[%get3A_335, %get3A_336, %get3A_337] {strides = array<i32>} : memref<2x40x128xf32, #tpu.memory_space<vmem>>, vector<16xf32>,
          %get3A_339 = arith.constant 1 : i32
          %get3A_340 = arith.index_cast %get3A_339 : i32 to index
          %get3A_341 = arith.index_cast %add3A_318 : i32 to index
          %get3A_342 = arith.constant 64 : index
          %get3A_343 = tpu.vector_load %arg13[%get3A_340, %get3A_341, %get3A_342] {strides = array<i32>} : memref<2x40x128xf32, #tpu.memory_space<vmem>>, vector<16xf32>,
          %get3A_344 = arith.constant 1 : i32
          %get3A_345 = arith.index_cast %get3A_344 : i32 to index
          %get3A_346 = arith.index_cast %add3A_318 : i32 to index
          %get3A_347 = arith.constant 80 : index
          %get3A_348 = tpu.vector_load %arg13[%get3A_345, %get3A_346, %get3A_347] {strides = array<i32>} : memref<2x40x128xf32, #tpu.memory_space<vmem>>, vector<16xf32>,
          %get3A_349 = arith.constant 1 : i32
          %get3A_350 = arith.index_cast %get3A_349 : i32 to index
          %get3A_351 = arith.index_cast %add3A_318 : i32 to index
          %get3A_352 = arith.constant 96 : index
          %get3A_353 = tpu.vector_load %arg13[%get3A_350, %get3A_351, %get3A_352] {strides = array<i32>} : memref<2x40x128xf32, #tpu.memory_space<vmem>>, vector<16xf32>,
          %get3A_354 = arith.constant 1 : i32
          %get3A_355 = arith.index_cast %get3A_354 : i32 to index
          %get3A_356 = arith.index_cast %add3A_318 : i32 to index
          %get3A_357 = arith.constant 112 : index
          %get3A_358 = tpu.vector_load %arg13[%get3A_355, %get3A_356, %get3A_357] {strides = array<i32>} : memref<2x40x128xf32, #tpu.memory_space<vmem>>, vector<16xf32>,
          %get3A_359 = arith.constant 1 : i32
          %get3A_360 = arith.index_cast %get3A_359 : i32 to index
          %get3A_361 = arith.index_cast %add3A_318 : i32 to index
          %get3A_362 = arith.constant 0 : index
          %get3A_363 = tpu.vector_load %arg15[%get3A_360, %get3A_361, %get3A_362] {strides = array<i32>} : memref<2x40x64xi32, #tpu.memory_space<vmem>>, vector<16xi32>,
          %bitcast3A = vector.bitcast %get3A_363 : vector<16xi32> to vector<32xbf16>
          %unpack3A = tpu.unpack_subelements %bitcast3A, 0 {pack_format = #tpu.pack_format<interleaved>} : vector<32xbf16> -> vector<16xf32>
          %unpack3A_364 = tpu.unpack_subelements %bitcast3A, 1 {pack_format = #tpu.pack_format<interleaved>} : vector<32xbf16> -> vector<16xf32>
          %get3A_365 = arith.constant 1 : i32
          %get3A_366 = arith.index_cast %get3A_365 : i32 to index
          %get3A_367 = arith.index_cast %add3A_318 : i32 to index
          %get3A_368 = arith.constant 0 : index
          %get3A_369 = tpu.vector_load %arg14[%get3A_366, %get3A_367, %get3A_368] {strides = array<i32>} : memref<2x40x128xf32, #tpu.memory_space<vmem>>, vector<16xf32>,
          %add3A_370 = arith.addf %get3A_323, %get3A_369 : vector<16xf32>
          %add3A_371 = arith.addf %add3A_370, %unpack3A : vector<16xf32>
          %mul3A_372 = arith.constant 2.000000e-01 : f32
          %mul3A_373 = vector.broadcast %mul3A_372 : f32 to vector<16xf32>
          %mul3A_374 = arith.mulf %add3A_371, %mul3A_373 : vector<16xf32>
          %max3A = arith.maximumf %add3A_371, %mul3A_374 : vector<16xf32>
          %mul3A_375 = arith.mulf %max3A, %get3A_15 : vector<16xf32>
          %get3A_376 = arith.constant 1 : i32
          %get3A_377 = arith.index_cast %get3A_376 : i32 to index
          %get3A_378 = arith.index_cast %add3A_318 : i32 to index
          %get3A_379 = arith.constant 16 : index
          %get3A_380 = tpu.vector_load %arg14[%get3A_377, %get3A_378, %get3A_379] {strides = array<i32>} : memref<2x40x128xf32, #tpu.memory_space<vmem>>, vector<16xf32>,
          %add3A_381 = arith.addf %get3A_328, %get3A_380 : vector<16xf32>
          %add3A_382 = arith.addf %add3A_381, %unpack3A_364 : vector<16xf32>
          %mul3A_383 = arith.constant 2.000000e-01 : f32
          %mul3A_384 = vector.broadcast %mul3A_383 : f32 to vector<16xf32>
          %mul3A_385 = arith.mulf %add3A_382, %mul3A_384 : vector<16xf32>
          %max3A_386 = arith.maximumf %add3A_382, %mul3A_385 : vector<16xf32>
          %mul3A_387 = arith.mulf %max3A_386, %get3A_19 : vector<16xf32>
          %add3A_388 = arith.addf %mul3A_375, %mul3A_387 : vector<16xf32>
          %broadcast_in_dim3A_389 = arith.constant true
          %broadcast_in_dim3A_390 = vector.broadcast %broadcast_in_dim3A_389 : i1 to vector<16xi1>
          %masked_cumsum3A = tpu.scan <sum>, %add3A_388 masked %broadcast_in_dim3A_390 : vector<16xf32>, vector<16xi1> -> vector<16xf32>
          %slice3A = vector.extract_strided_slice %masked_cumsum3A {offsets = [15], sizes = [1], strides = [1]} : vector<16xf32> to vector<1xf32>
          %squeeze3A = vector.extract %slice3A[0] : f32 from vector<1xf32>
          %broadcast_in_dim3A_391 = vector.broadcast %squeeze3A : f32 to vector<16xf32>
          %exp3A = math.exp %broadcast_in_dim3A_391 : vector<16xf32>
          %get3A_392 = arith.constant 1 : i32
          %get3A_393 = arith.index_cast %get3A_392 : i32 to index
          %get3A_394 = arith.index_cast %add3A_318 : i32 to index
          %get3A_395 = arith.constant 16 : index
          %get3A_396 = tpu.vector_load %arg15[%get3A_393, %get3A_394, %get3A_395] {strides = array<i32>} : memref<2x40x64xi32, #tpu.memory_space<vmem>>, vector<16xi32>,
          %bitcast3A_397 = vector.bitcast %get3A_396 : vector<16xi32> to vector<32xbf16>
          %unpack3A_398 = tpu.unpack_subelements %bitcast3A_397, 0 {pack_format = #tpu.pack_format<interleaved>} : vector<32xbf16> -> vector<16xf32>
          %unpack3A_399 = tpu.unpack_subelements %bitcast3A_397, 1 {pack_format = #tpu.pack_format<interleaved>} : vector<32xbf16> -> vector<16xf32>
          %get3A_400 = arith.constant 1 : i32
          %get3A_401 = arith.index_cast %get3A_400 : i32 to index
          %get3A_402 = arith.index_cast %add3A_318 : i32 to index
          %get3A_403 = arith.constant 32 : index
          %get3A_404 = tpu.vector_load %arg14[%get3A_401, %get3A_402, %get3A_403] {strides = array<i32>} : memref<2x40x128xf32, #tpu.memory_space<vmem>>, vector<16xf32>,
          %add3A_405 = arith.addf %get3A_333, %get3A_404 : vector<16xf32>
          %add3A_406 = arith.addf %add3A_405, %unpack3A_398 : vector<16xf32>
          %mul3A_407 = arith.constant 2.000000e-01 : f32
          %mul3A_408 = vector.broadcast %mul3A_407 : f32 to vector<16xf32>
          %mul3A_409 = arith.mulf %add3A_406, %mul3A_408 : vector<16xf32>
          %max3A_410 = arith.maximumf %add3A_406, %mul3A_409 : vector<16xf32>
          %mul3A_411 = arith.mulf %max3A_410, %get3A_23 : vector<16xf32>
          %get3A_412 = arith.constant 1 : i32
          %get3A_413 = arith.index_cast %get3A_412 : i32 to index
          %get3A_414 = arith.index_cast %add3A_318 : i32 to index
          %get3A_415 = arith.constant 48 : index
          %get3A_416 = tpu.vector_load %arg14[%get3A_413, %get3A_414, %get3A_415] {strides = array<i32>} : memref<2x40x128xf32, #tpu.memory_space<vmem>>, vector<16xf32>,
          %add3A_417 = arith.addf %get3A_338, %get3A_416 : vector<16xf32>
          %add3A_418 = arith.addf %add3A_417, %unpack3A_399 : vector<16xf32>
          %mul3A_419 = arith.constant 2.000000e-01 : f32
          %mul3A_420 = vector.broadcast %mul3A_419 : f32 to vector<16xf32>
          %mul3A_421 = arith.mulf %add3A_418, %mul3A_420 : vector<16xf32>
          %max3A_422 = arith.maximumf %add3A_418, %mul3A_421 : vector<16xf32>
          %mul3A_423 = arith.mulf %max3A_422, %get3A_27 : vector<16xf32>
          %add3A_424 = arith.addf %mul3A_411, %mul3A_423 : vector<16xf32>
          %broadcast_in_dim3A_425 = arith.constant true
          %broadcast_in_dim3A_426 = vector.broadcast %broadcast_in_dim3A_425 : i1 to vector<16xi1>
          %masked_cumsum3A_427 = tpu.scan <sum>, %add3A_424 masked %broadcast_in_dim3A_426 : vector<16xf32>, vector<16xi1> -> vector<16xf32>
          %slice3A_428 = vector.extract_strided_slice %masked_cumsum3A_427 {offsets = [15], sizes = [1], strides = [1]} : vector<16xf32> to vector<1xf32>
          %squeeze3A_429 = vector.extract %slice3A_428[0] : f32 from vector<1xf32>
          %broadcast_in_dim3A_430 = vector.broadcast %squeeze3A_429 : f32 to vector<16xf32>
          %exp3A_431 = math.exp %broadcast_in_dim3A_430 : vector<16xf32>
          %get3A_432 = arith.constant 1 : i32
          %get3A_433 = arith.index_cast %get3A_432 : i32 to index
          %get3A_434 = arith.index_cast %add3A_318 : i32 to index
          %get3A_435 = arith.constant 32 : index
          %get3A_436 = tpu.vector_load %arg15[%get3A_433, %get3A_434, %get3A_435] {strides = array<i32>} : memref<2x40x64xi32, #tpu.memory_space<vmem>>, vector<16xi32>,
          %bitcast3A_437 = vector.bitcast %get3A_436 : vector<16xi32> to vector<32xbf16>
          %unpack3A_438 = tpu.unpack_subelements %bitcast3A_437, 0 {pack_format = #tpu.pack_format<interleaved>} : vector<32xbf16> -> vector<16xf32>
          %unpack3A_439 = tpu.unpack_subelements %bitcast3A_437, 1 {pack_format = #tpu.pack_format<interleaved>} : vector<32xbf16> -> vector<16xf32>
          %get3A_440 = arith.constant 1 : i32
          %get3A_441 = arith.index_cast %get3A_440 : i32 to index
          %get3A_442 = arith.index_cast %add3A_318 : i32 to index
          %get3A_443 = arith.constant 64 : index
          %get3A_444 = tpu.vector_load %arg14[%get3A_441, %get3A_442, %get3A_443] {strides = array<i32>} : memref<2x40x128xf32, #tpu.memory_space<vmem>>, vector<16xf32>,
          %add3A_445 = arith.addf %get3A_343, %get3A_444 : vector<16xf32>
          %add3A_446 = arith.addf %add3A_445, %unpack3A_438 : vector<16xf32>
          %mul3A_447 = arith.constant 2.000000e-01 : f32
          %mul3A_448 = vector.broadcast %mul3A_447 : f32 to vector<16xf32>
          %mul3A_449 = arith.mulf %add3A_446, %mul3A_448 : vector<16xf32>
          %max3A_450 = arith.maximumf %add3A_446, %mul3A_449 : vector<16xf32>
          %mul3A_451 = arith.mulf %max3A_450, %get3A_31 : vector<16xf32>
          %get3A_452 = arith.constant 1 : i32
          %get3A_453 = arith.index_cast %get3A_452 : i32 to index
          %get3A_454 = arith.index_cast %add3A_318 : i32 to index
          %get3A_455 = arith.constant 80 : index
          %get3A_456 = tpu.vector_load %arg14[%get3A_453, %get3A_454, %get3A_455] {strides = array<i32>} : memref<2x40x128xf32, #tpu.memory_space<vmem>>, vector<16xf32>,
          %add3A_457 = arith.addf %get3A_348, %get3A_456 : vector<16xf32>
          %add3A_458 = arith.addf %add3A_457, %unpack3A_439 : vector<16xf32>
          %mul3A_459 = arith.constant 2.000000e-01 : f32
          %mul3A_460 = vector.broadcast %mul3A_459 : f32 to vector<16xf32>
          %mul3A_461 = arith.mulf %add3A_458, %mul3A_460 : vector<16xf32>
          %max3A_462 = arith.maximumf %add3A_458, %mul3A_461 : vector<16xf32>
          %mul3A_463 = arith.mulf %max3A_462, %get3A_35 : vector<16xf32>
          %add3A_464 = arith.addf %mul3A_451, %mul3A_463 : vector<16xf32>
          %broadcast_in_dim3A_465 = arith.constant true
          %broadcast_in_dim3A_466 = vector.broadcast %broadcast_in_dim3A_465 : i1 to vector<16xi1>
          %masked_cumsum3A_467 = tpu.scan <sum>, %add3A_464 masked %broadcast_in_dim3A_466 : vector<16xf32>, vector<16xi1> -> vector<16xf32>
          %slice3A_468 = vector.extract_strided_slice %masked_cumsum3A_467 {offsets = [15], sizes = [1], strides = [1]} : vector<16xf32> to vector<1xf32>
          %squeeze3A_469 = vector.extract %slice3A_468[0] : f32 from vector<1xf32>
          %broadcast_in_dim3A_470 = vector.broadcast %squeeze3A_469 : f32 to vector<16xf32>
          %exp3A_471 = math.exp %broadcast_in_dim3A_470 : vector<16xf32>
          %get3A_472 = arith.constant 1 : i32
          %get3A_473 = arith.index_cast %get3A_472 : i32 to index
          %get3A_474 = arith.index_cast %add3A_318 : i32 to index
          %get3A_475 = arith.constant 48 : index
          %get3A_476 = tpu.vector_load %arg15[%get3A_473, %get3A_474, %get3A_475] {strides = array<i32>} : memref<2x40x64xi32, #tpu.memory_space<vmem>>, vector<16xi32>,
          %bitcast3A_477 = vector.bitcast %get3A_476 : vector<16xi32> to vector<32xbf16>
          %unpack3A_478 = tpu.unpack_subelements %bitcast3A_477, 0 {pack_format = #tpu.pack_format<interleaved>} : vector<32xbf16> -> vector<16xf32>
          %unpack3A_479 = tpu.unpack_subelements %bitcast3A_477, 1 {pack_format = #tpu.pack_format<interleaved>} : vector<32xbf16> -> vector<16xf32>
          %get3A_480 = arith.constant 1 : i32
          %get3A_481 = arith.index_cast %get3A_480 : i32 to index
          %get3A_482 = arith.index_cast %add3A_318 : i32 to index
          %get3A_483 = arith.constant 96 : index
          %get3A_484 = tpu.vector_load %arg14[%get3A_481, %get3A_482, %get3A_483] {strides = array<i32>} : memref<2x40x128xf32, #tpu.memory_space<vmem>>, vector<16xf32>,
          %add3A_485 = arith.addf %get3A_353, %get3A_484 : vector<16xf32>
          %add3A_486 = arith.addf %add3A_485, %unpack3A_478 : vector<16xf32>
          %mul3A_487 = arith.constant 2.000000e-01 : f32
          %mul3A_488 = vector.broadcast %mul3A_487 : f32 to vector<16xf32>
          %mul3A_489 = arith.mulf %add3A_486, %mul3A_488 : vector<16xf32>
          %max3A_490 = arith.maximumf %add3A_486, %mul3A_489 : vector<16xf32>
          %mul3A_491 = arith.mulf %max3A_490, %get3A_39 : vector<16xf32>
          %get3A_492 = arith.constant 1 : i32
          %get3A_493 = arith.index_cast %get3A_492 : i32 to index
          %get3A_494 = arith.index_cast %add3A_318 : i32 to index
          %get3A_495 = arith.constant 112 : index
          %get3A_496 = tpu.vector_load %arg14[%get3A_493, %get3A_494, %get3A_495] {strides = array<i32>} : memref<2x40x128xf32, #tpu.memory_space<vmem>>, vector<16xf32>,
          %add3A_497 = arith.addf %get3A_358, %get3A_496 : vector<16xf32>
          %add3A_498 = arith.addf %add3A_497, %unpack3A_479 : vector<16xf32>
          %mul3A_499 = arith.constant 2.000000e-01 : f32
          %mul3A_500 = vector.broadcast %mul3A_499 : f32 to vector<16xf32>
          %mul3A_501 = arith.mulf %add3A_498, %mul3A_500 : vector<16xf32>
          %max3A_502 = arith.maximumf %add3A_498, %mul3A_501 : vector<16xf32>
          %mul3A_503 = arith.mulf %max3A_502, %get3A_43 : vector<16xf32>
          %add3A_504 = arith.addf %mul3A_491, %mul3A_503 : vector<16xf32>
          %broadcast_in_dim3A_505 = arith.constant true
          %broadcast_in_dim3A_506 = vector.broadcast %broadcast_in_dim3A_505 : i1 to vector<16xi1>
          %masked_cumsum3A_507 = tpu.scan <sum>, %add3A_504 masked %broadcast_in_dim3A_506 : vector<16xf32>, vector<16xi1> -> vector<16xf32>
          %slice3A_508 = vector.extract_strided_slice %masked_cumsum3A_507 {offsets = [15], sizes = [1], strides = [1]} : vector<16xf32> to vector<1xf32>
          %squeeze3A_509 = vector.extract %slice3A_508[0] : f32 from vector<1xf32>
          %broadcast_in_dim3A_510 = vector.broadcast %squeeze3A_509 : f32 to vector<16xf32>
          %exp3A_511 = math.exp %broadcast_in_dim3A_510 : vector<16xf32>
          %mul3A_512 = arith.mulf %get3A_323, %exp3A : vector<16xf32>
          %swap3A = arith.constant 1 : i32
          %swap3A_513 = arith.index_cast %swap3A : i32 to index
          %swap3A_514 = arith.index_cast %add3A_318 : i32 to index
          %swap3A_515 = arith.constant 0 : index
          %swap3A_516 = tpu.vector_load %arg16[%swap3A_513, %swap3A_514, %swap3A_515] {strides = array<i32>} : memref<2x40x144xf32, #tpu.memory_space<vmem>>, vector<16xf32>,
          tpu.vector_store %arg16[%swap3A_513, %swap3A_514, %swap3A_515], %mul3A_512 {strides = array<i32>} : memref<2x40x144xf32, #tpu.memory_space<vmem>>, vector<16xf32>,
          %mul3A_517 = arith.mulf %get3A_328, %exp3A : vector<16xf32>
          %swap3A_518 = arith.constant 1 : i32
          %swap3A_519 = arith.index_cast %swap3A_518 : i32 to index
          %swap3A_520 = arith.index_cast %add3A_318 : i32 to index
          %swap3A_521 = arith.constant 16 : index
          %swap3A_522 = tpu.vector_load %arg16[%swap3A_519, %swap3A_520, %swap3A_521] {strides = array<i32>} : memref<2x40x144xf32, #tpu.memory_space<vmem>>, vector<16xf32>,
          tpu.vector_store %arg16[%swap3A_519, %swap3A_520, %swap3A_521], %mul3A_517 {strides = array<i32>} : memref<2x40x144xf32, #tpu.memory_space<vmem>>, vector<16xf32>,
          %mul3A_523 = arith.mulf %get3A_333, %exp3A_431 : vector<16xf32>
          %swap3A_524 = arith.constant 1 : i32
          %swap3A_525 = arith.index_cast %swap3A_524 : i32 to index
          %swap3A_526 = arith.index_cast %add3A_318 : i32 to index
          %swap3A_527 = arith.constant 32 : index
          %swap3A_528 = tpu.vector_load %arg16[%swap3A_525, %swap3A_526, %swap3A_527] {strides = array<i32>} : memref<2x40x144xf32, #tpu.memory_space<vmem>>, vector<16xf32>,
          tpu.vector_store %arg16[%swap3A_525, %swap3A_526, %swap3A_527], %mul3A_523 {strides = array<i32>} : memref<2x40x144xf32, #tpu.memory_space<vmem>>, vector<16xf32>,
          %mul3A_529 = arith.mulf %get3A_338, %exp3A_431 : vector<16xf32>
          %swap3A_530 = arith.constant 1 : i32
          %swap3A_531 = arith.index_cast %swap3A_530 : i32 to index
          %swap3A_532 = arith.index_cast %add3A_318 : i32 to index
          %swap3A_533 = arith.constant 48 : index
          %swap3A_534 = tpu.vector_load %arg16[%swap3A_531, %swap3A_532, %swap3A_533] {strides = array<i32>} : memref<2x40x144xf32, #tpu.memory_space<vmem>>, vector<16xf32>,
          tpu.vector_store %arg16[%swap3A_531, %swap3A_532, %swap3A_533], %mul3A_529 {strides = array<i32>} : memref<2x40x144xf32, #tpu.memory_space<vmem>>, vector<16xf32>,
          %mul3A_535 = arith.mulf %get3A_343, %exp3A_471 : vector<16xf32>
          %swap3A_536 = arith.constant 1 : i32
          %swap3A_537 = arith.index_cast %swap3A_536 : i32 to index
          %swap3A_538 = arith.index_cast %add3A_318 : i32 to index
          %swap3A_539 = arith.constant 64 : index
          %swap3A_540 = tpu.vector_load %arg16[%swap3A_537, %swap3A_538, %swap3A_539] {strides = array<i32>} : memref<2x40x144xf32, #tpu.memory_space<vmem>>, vector<16xf32>,
          tpu.vector_store %arg16[%swap3A_537, %swap3A_538, %swap3A_539], %mul3A_535 {strides = array<i32>} : memref<2x40x144xf32, #tpu.memory_space<vmem>>, vector<16xf32>,
          %mul3A_541 = arith.mulf %get3A_348, %exp3A_471 : vector<16xf32>
          %swap3A_542 = arith.constant 1 : i32
          %swap3A_543 = arith.index_cast %swap3A_542 : i32 to index
          %swap3A_544 = arith.index_cast %add3A_318 : i32 to index
          %swap3A_545 = arith.constant 80 : index
          %swap3A_546 = tpu.vector_load %arg16[%swap3A_543, %swap3A_544, %swap3A_545] {strides = array<i32>} : memref<2x40x144xf32, #tpu.memory_space<vmem>>, vector<16xf32>,
          tpu.vector_store %arg16[%swap3A_543, %swap3A_544, %swap3A_545], %mul3A_541 {strides = array<i32>} : memref<2x40x144xf32, #tpu.memory_space<vmem>>, vector<16xf32>,
          %mul3A_547 = arith.mulf %get3A_353, %exp3A_511 : vector<16xf32>
          %swap3A_548 = arith.constant 1 : i32
          %swap3A_549 = arith.index_cast %swap3A_548 : i32 to index
          %swap3A_550 = arith.index_cast %add3A_318 : i32 to index
          %swap3A_551 = arith.constant 96 : index
          %swap3A_552 = tpu.vector_load %arg16[%swap3A_549, %swap3A_550, %swap3A_551] {strides = array<i32>} : memref<2x40x144xf32, #tpu.memory_space<vmem>>, vector<16xf32>,
          tpu.vector_store %arg16[%swap3A_549, %swap3A_550, %swap3A_551], %mul3A_547 {strides = array<i32>} : memref<2x40x144xf32, #tpu.memory_space<vmem>>, vector<16xf32>,
          %mul3A_553 = arith.mulf %get3A_358, %exp3A_511 : vector<16xf32>
          %swap3A_554 = arith.constant 1 : i32
          %swap3A_555 = arith.index_cast %swap3A_554 : i32 to index
          %swap3A_556 = arith.index_cast %add3A_318 : i32 to index
          %swap3A_557 = arith.constant 112 : index
          %swap3A_558 = tpu.vector_load %arg16[%swap3A_555, %swap3A_556, %swap3A_557] {strides = array<i32>} : memref<2x40x144xf32, #tpu.memory_space<vmem>>, vector<16xf32>,
          tpu.vector_store %arg16[%swap3A_555, %swap3A_556, %swap3A_557], %mul3A_553 {strides = array<i32>} : memref<2x40x144xf32, #tpu.memory_space<vmem>>, vector<16xf32>,
          %jit3A = arith.constant 0.000000e+00 : f32
          %broadcast_in_dim3A_559 = vector.broadcast %jit3A : f32 to vector<16xf32>
          %select_n3A = arith.select %eq3A_54, %exp3A_511, %broadcast_in_dim3A_559 : vector<16xi1>, vector<16xf32>
          %select_n3A_560 = arith.select %eq3A_51, %exp3A_471, %select_n3A : vector<16xi1>, vector<16xf32>
          %select_n3A_561 = arith.select %eq3A_48, %exp3A_431, %select_n3A_560 : vector<16xi1>, vector<16xf32>
          %select_n3A_562 = arith.select %eq3A_45, %exp3A, %select_n3A_561 : vector<16xi1>, vector<16xf32>
          %swap3A_563 = arith.constant 1 : i32
          %swap3A_564 = arith.index_cast %swap3A_563 : i32 to index
          %swap3A_565 = arith.index_cast %add3A_318 : i32 to index
          %swap3A_566 = arith.constant 128 : index
          %swap3A_567 = tpu.vector_load %arg16[%swap3A_564, %swap3A_565, %swap3A_566] {strides = array<i32>} : memref<2x40x144xf32, #tpu.memory_space<vmem>>, vector<16xf32>,
          tpu.vector_store %arg16[%swap3A_564, %swap3A_565, %swap3A_566], %select_n3A_562 {strides = array<i32>} : memref<2x40x144xf32, #tpu.memory_space<vmem>>, vector<16xf32>,
          %mul3A_568 = arith.constant 4 : i32
          %mul3A_569 = arith.muli %scan3A_314, %mul3A_568 : i32
          %add3A_570 = arith.constant 1 : i32
          %add3A_571 = arith.addi %mul3A_569, %add3A_570 : i32
          %get3A_572 = arith.constant 1 : i32
          %get3A_573 = arith.index_cast %get3A_572 : i32 to index
          %get3A_574 = arith.index_cast %add3A_571 : i32 to index
          %get3A_575 = arith.constant 0 : index
          %get3A_576 = tpu.vector_load %arg13[%get3A_573, %get3A_574, %get3A_575] {strides = array<i32>} : memref<2x40x128xf32, #tpu.memory_space<vmem>>, vector<16xf32>,
          %get3A_577 = arith.constant 1 : i32
          %get3A_578 = arith.index_cast %get3A_577 : i32 to index
          %get3A_579 = arith.index_cast %add3A_571 : i32 to index
          %get3A_580 = arith.constant 16 : index
          %get3A_581 = tpu.vector_load %arg13[%get3A_578, %get3A_579, %get3A_580] {strides = array<i32>} : memref<2x40x128xf32, #tpu.memory_space<vmem>>, vector<16xf32>,
          %get3A_582 = arith.constant 1 : i32
          %get3A_583 = arith.index_cast %get3A_582 : i32 to index
          %get3A_584 = arith.index_cast %add3A_571 : i32 to index
          %get3A_585 = arith.constant 32 : index
          %get3A_586 = tpu.vector_load %arg13[%get3A_583, %get3A_584, %get3A_585] {strides = array<i32>} : memref<2x40x128xf32, #tpu.memory_space<vmem>>, vector<16xf32>,
          %get3A_587 = arith.constant 1 : i32
          %get3A_588 = arith.index_cast %get3A_587 : i32 to index
          %get3A_589 = arith.index_cast %add3A_571 : i32 to index
          %get3A_590 = arith.constant 48 : index
          %get3A_591 = tpu.vector_load %arg13[%get3A_588, %get3A_589, %get3A_590] {strides = array<i32>} : memref<2x40x128xf32, #tpu.memory_space<vmem>>, vector<16xf32>,
          %get3A_592 = arith.constant 1 : i32
          %get3A_593 = arith.index_cast %get3A_592 : i32 to index
          %get3A_594 = arith.index_cast %add3A_571 : i32 to index
          %get3A_595 = arith.constant 64 : index
          %get3A_596 = tpu.vector_load %arg13[%get3A_593, %get3A_594, %get3A_595] {strides = array<i32>} : memref<2x40x128xf32, #tpu.memory_space<vmem>>, vector<16xf32>,
          %get3A_597 = arith.constant 1 : i32
          %get3A_598 = arith.index_cast %get3A_597 : i32 to index
          %get3A_599 = arith.index_cast %add3A_571 : i32 to index
          %get3A_600 = arith.constant 80 : index
          %get3A_601 = tpu.vector_load %arg13[%get3A_598, %get3A_599, %get3A_600] {strides = array<i32>} : memref<2x40x128xf32, #tpu.memory_space<vmem>>, vector<16xf32>,
          %get3A_602 = arith.constant 1 : i32
          %get3A_603 = arith.index_cast %get3A_602 : i32 to index
          %get3A_604 = arith.index_cast %add3A_571 : i32 to index
          %get3A_605 = arith.constant 96 : index
          %get3A_606 = tpu.vector_load %arg13[%get3A_603, %get3A_604, %get3A_605] {strides = array<i32>} : memref<2x40x128xf32, #tpu.memory_space<vmem>>, vector<16xf32>,
          %get3A_607 = arith.constant 1 : i32
          %get3A_608 = arith.index_cast %get3A_607 : i32 to index
          %get3A_609 = arith.index_cast %add3A_571 : i32 to index
          %get3A_610 = arith.constant 112 : index
          %get3A_611 = tpu.vector_load %arg13[%get3A_608, %get3A_609, %get3A_610] {strides = array<i32>} : memref<2x40x128xf32, #tpu.memory_space<vmem>>, vector<16xf32>,
          %get3A_612 = arith.constant 1 : i32
          %get3A_613 = arith.index_cast %get3A_612 : i32 to index
          %get3A_614 = arith.index_cast %add3A_571 : i32 to index
          %get3A_615 = arith.constant 0 : index
          %get3A_616 = tpu.vector_load %arg15[%get3A_613, %get3A_614, %get3A_615] {strides = array<i32>} : memref<2x40x64xi32, #tpu.memory_space<vmem>>, vector<16xi32>,
          %bitcast3A_617 = vector.bitcast %get3A_616 : vector<16xi32> to vector<32xbf16>
          %unpack3A_618 = tpu.unpack_subelements %bitcast3A_617, 0 {pack_format = #tpu.pack_format<interleaved>} : vector<32xbf16> -> vector<16xf32>
          %unpack3A_619 = tpu.unpack_subelements %bitcast3A_617, 1 {pack_format = #tpu.pack_format<interleaved>} : vector<32xbf16> -> vector<16xf32>
          %get3A_620 = arith.constant 1 : i32
          %get3A_621 = arith.index_cast %get3A_620 : i32 to index
          %get3A_622 = arith.index_cast %add3A_571 : i32 to index
          %get3A_623 = arith.constant 0 : index
          %get3A_624 = tpu.vector_load %arg14[%get3A_621, %get3A_622, %get3A_623] {strides = array<i32>} : memref<2x40x128xf32, #tpu.memory_space<vmem>>, vector<16xf32>,
          %add3A_625 = arith.addf %get3A_576, %get3A_624 : vector<16xf32>
          %add3A_626 = arith.addf %add3A_625, %unpack3A_618 : vector<16xf32>
          %mul3A_627 = arith.constant 2.000000e-01 : f32
          %mul3A_628 = vector.broadcast %mul3A_627 : f32 to vector<16xf32>
          %mul3A_629 = arith.mulf %add3A_626, %mul3A_628 : vector<16xf32>
          %max3A_630 = arith.maximumf %add3A_626, %mul3A_629 : vector<16xf32>
          %mul3A_631 = arith.mulf %max3A_630, %get3A_15 : vector<16xf32>
          %get3A_632 = arith.constant 1 : i32
          %get3A_633 = arith.index_cast %get3A_632 : i32 to index
          %get3A_634 = arith.index_cast %add3A_571 : i32 to index
          %get3A_635 = arith.constant 16 : index
          %get3A_636 = tpu.vector_load %arg14[%get3A_633, %get3A_634, %get3A_635] {strides = array<i32>} : memref<2x40x128xf32, #tpu.memory_space<vmem>>, vector<16xf32>,
          %add3A_637 = arith.addf %get3A_581, %get3A_636 : vector<16xf32>
          %add3A_638 = arith.addf %add3A_637, %unpack3A_619 : vector<16xf32>
          %mul3A_639 = arith.constant 2.000000e-01 : f32
          %mul3A_640 = vector.broadcast %mul3A_639 : f32 to vector<16xf32>
          %mul3A_641 = arith.mulf %add3A_638, %mul3A_640 : vector<16xf32>
          %max3A_642 = arith.maximumf %add3A_638, %mul3A_641 : vector<16xf32>
          %mul3A_643 = arith.mulf %max3A_642, %get3A_19 : vector<16xf32>
          %add3A_644 = arith.addf %mul3A_631, %mul3A_643 : vector<16xf32>
          %broadcast_in_dim3A_645 = arith.constant true
          %broadcast_in_dim3A_646 = vector.broadcast %broadcast_in_dim3A_645 : i1 to vector<16xi1>
          %masked_cumsum3A_647 = tpu.scan <sum>, %add3A_644 masked %broadcast_in_dim3A_646 : vector<16xf32>, vector<16xi1> -> vector<16xf32>
          %slice3A_648 = vector.extract_strided_slice %masked_cumsum3A_647 {offsets = [15], sizes = [1], strides = [1]} : vector<16xf32> to vector<1xf32>
          %squeeze3A_649 = vector.extract %slice3A_648[0] : f32 from vector<1xf32>
          %broadcast_in_dim3A_650 = vector.broadcast %squeeze3A_649 : f32 to vector<16xf32>
          %exp3A_651 = math.exp %broadcast_in_dim3A_650 : vector<16xf32>
          %get3A_652 = arith.constant 1 : i32
          %get3A_653 = arith.index_cast %get3A_652 : i32 to index
          %get3A_654 = arith.index_cast %add3A_571 : i32 to index
          %get3A_655 = arith.constant 16 : index
          %get3A_656 = tpu.vector_load %arg15[%get3A_653, %get3A_654, %get3A_655] {strides = array<i32>} : memref<2x40x64xi32, #tpu.memory_space<vmem>>, vector<16xi32>,
          %bitcast3A_657 = vector.bitcast %get3A_656 : vector<16xi32> to vector<32xbf16>
          %unpack3A_658 = tpu.unpack_subelements %bitcast3A_657, 0 {pack_format = #tpu.pack_format<interleaved>} : vector<32xbf16> -> vector<16xf32>
          %unpack3A_659 = tpu.unpack_subelements %bitcast3A_657, 1 {pack_format = #tpu.pack_format<interleaved>} : vector<32xbf16> -> vector<16xf32>
          %get3A_660 = arith.constant 1 : i32
          %get3A_661 = arith.index_cast %get3A_660 : i32 to index
          %get3A_662 = arith.index_cast %add3A_571 : i32 to index
          %get3A_663 = arith.constant 32 : index
          %get3A_664 = tpu.vector_load %arg14[%get3A_661, %get3A_662, %get3A_663] {strides = array<i32>} : memref<2x40x128xf32, #tpu.memory_space<vmem>>, vector<16xf32>,
          %add3A_665 = arith.addf %get3A_586, %get3A_664 : vector<16xf32>
          %add3A_666 = arith.addf %add3A_665, %unpack3A_658 : vector<16xf32>
          %mul3A_667 = arith.constant 2.000000e-01 : f32
          %mul3A_668 = vector.broadcast %mul3A_667 : f32 to vector<16xf32>
          %mul3A_669 = arith.mulf %add3A_666, %mul3A_668 : vector<16xf32>
          %max3A_670 = arith.maximumf %add3A_666, %mul3A_669 : vector<16xf32>
          %mul3A_671 = arith.mulf %max3A_670, %get3A_23 : vector<16xf32>
          %get3A_672 = arith.constant 1 : i32
          %get3A_673 = arith.index_cast %get3A_672 : i32 to index
          %get3A_674 = arith.index_cast %add3A_571 : i32 to index
          %get3A_675 = arith.constant 48 : index
          %get3A_676 = tpu.vector_load %arg14[%get3A_673, %get3A_674, %get3A_675] {strides = array<i32>} : memref<2x40x128xf32, #tpu.memory_space<vmem>>, vector<16xf32>,
          %add3A_677 = arith.addf %get3A_591, %get3A_676 : vector<16xf32>
          %add3A_678 = arith.addf %add3A_677, %unpack3A_659 : vector<16xf32>
          %mul3A_679 = arith.constant 2.000000e-01 : f32
          %mul3A_680 = vector.broadcast %mul3A_679 : f32 to vector<16xf32>
          %mul3A_681 = arith.mulf %add3A_678, %mul3A_680 : vector<16xf32>
          %max3A_682 = arith.maximumf %add3A_678, %mul3A_681 : vector<16xf32>
          %mul3A_683 = arith.mulf %max3A_682, %get3A_27 : vector<16xf32>
          %add3A_684 = arith.addf %mul3A_671, %mul3A_683 : vector<16xf32>
          %broadcast_in_dim3A_685 = arith.constant true
          %broadcast_in_dim3A_686 = vector.broadcast %broadcast_in_dim3A_685 : i1 to vector<16xi1>
          %masked_cumsum3A_687 = tpu.scan <sum>, %add3A_684 masked %broadcast_in_dim3A_686 : vector<16xf32>, vector<16xi1> -> vector<16xf32>
          %slice3A_688 = vector.extract_strided_slice %masked_cumsum3A_687 {offsets = [15], sizes = [1], strides = [1]} : vector<16xf32> to vector<1xf32>
          %squeeze3A_689 = vector.extract %slice3A_688[0] : f32 from vector<1xf32>
          %broadcast_in_dim3A_690 = vector.broadcast %squeeze3A_689 : f32 to vector<16xf32>
          %exp3A_691 = math.exp %broadcast_in_dim3A_690 : vector<16xf32>
          %get3A_692 = arith.constant 1 : i32
          %get3A_693 = arith.index_cast %get3A_692 : i32 to index
          %get3A_694 = arith.index_cast %add3A_571 : i32 to index
          %get3A_695 = arith.constant 32 : index
          %get3A_696 = tpu.vector_load %arg15[%get3A_693, %get3A_694, %get3A_695] {strides = array<i32>} : memref<2x40x64xi32, #tpu.memory_space<vmem>>, vector<16xi32>,
          %bitcast3A_697 = vector.bitcast %get3A_696 : vector<16xi32> to vector<32xbf16>
          %unpack3A_698 = tpu.unpack_subelements %bitcast3A_697, 0 {pack_format = #tpu.pack_format<interleaved>} : vector<32xbf16> -> vector<16xf32>
          %unpack3A_699 = tpu.unpack_subelements %bitcast3A_697, 1 {pack_format = #tpu.pack_format<interleaved>} : vector<32xbf16> -> vector<16xf32>
          %get3A_700 = arith.constant 1 : i32
          %get3A_701 = arith.index_cast %get3A_700 : i32 to index
          %get3A_702 = arith.index_cast %add3A_571 : i32 to index
          %get3A_703 = arith.constant 64 : index
          %get3A_704 = tpu.vector_load %arg14[%get3A_701, %get3A_702, %get3A_703] {strides = array<i32>} : memref<2x40x128xf32, #tpu.memory_space<vmem>>, vector<16xf32>,
          %add3A_705 = arith.addf %get3A_596, %get3A_704 : vector<16xf32>
          %add3A_706 = arith.addf %add3A_705, %unpack3A_698 : vector<16xf32>
          %mul3A_707 = arith.constant 2.000000e-01 : f32
          %mul3A_708 = vector.broadcast %mul3A_707 : f32 to vector<16xf32>
          %mul3A_709 = arith.mulf %add3A_706, %mul3A_708 : vector<16xf32>
          %max3A_710 = arith.maximumf %add3A_706, %mul3A_709 : vector<16xf32>
          %mul3A_711 = arith.mulf %max3A_710, %get3A_31 : vector<16xf32>
          %get3A_712 = arith.constant 1 : i32
          %get3A_713 = arith.index_cast %get3A_712 : i32 to index
          %get3A_714 = arith.index_cast %add3A_571 : i32 to index
          %get3A_715 = arith.constant 80 : index
          %get3A_716 = tpu.vector_load %arg14[%get3A_713, %get3A_714, %get3A_715] {strides = array<i32>} : memref<2x40x128xf32, #tpu.memory_space<vmem>>, vector<16xf32>,
          %add3A_717 = arith.addf %get3A_601, %get3A_716 : vector<16xf32>
          %add3A_718 = arith.addf %add3A_717, %unpack3A_699 : vector<16xf32>
          %mul3A_719 = arith.constant 2.000000e-01 : f32
          %mul3A_720 = vector.broadcast %mul3A_719 : f32 to vector<16xf32>
          %mul3A_721 = arith.mulf %add3A_718, %mul3A_720 : vector<16xf32>
          %max3A_722 = arith.maximumf %add3A_718, %mul3A_721 : vector<16xf32>
          %mul3A_723 = arith.mulf %max3A_722, %get3A_35 : vector<16xf32>
          %add3A_724 = arith.addf %mul3A_711, %mul3A_723 : vector<16xf32>
          %broadcast_in_dim3A_725 = arith.constant true
          %broadcast_in_dim3A_726 = vector.broadcast %broadcast_in_dim3A_725 : i1 to vector<16xi1>
          %masked_cumsum3A_727 = tpu.scan <sum>, %add3A_724 masked %broadcast_in_dim3A_726 : vector<16xf32>, vector<16xi1> -> vector<16xf32>
          %slice3A_728 = vector.extract_strided_slice %masked_cumsum3A_727 {offsets = [15], sizes = [1], strides = [1]} : vector<16xf32> to vector<1xf32>
          %squeeze3A_729 = vector.extract %slice3A_728[0] : f32 from vector<1xf32>
          %broadcast_in_dim3A_730 = vector.broadcast %squeeze3A_729 : f32 to vector<16xf32>
          %exp3A_731 = math.exp %broadcast_in_dim3A_730 : vector<16xf32>
          %get3A_732 = arith.constant 1 : i32
          %get3A_733 = arith.index_cast %get3A_732 : i32 to index
          %get3A_734 = arith.index_cast %add3A_571 : i32 to index
          %get3A_735 = arith.constant 48 : index
          %get3A_736 = tpu.vector_load %arg15[%get3A_733, %get3A_734, %get3A_735] {strides = array<i32>} : memref<2x40x64xi32, #tpu.memory_space<vmem>>, vector<16xi32>,
          %bitcast3A_737 = vector.bitcast %get3A_736 : vector<16xi32> to vector<32xbf16>
          %unpack3A_738 = tpu.unpack_subelements %bitcast3A_737, 0 {pack_format = #tpu.pack_format<interleaved>} : vector<32xbf16> -> vector<16xf32>
          %unpack3A_739 = tpu.unpack_subelements %bitcast3A_737, 1 {pack_format = #tpu.pack_format<interleaved>} : vector<32xbf16> -> vector<16xf32>
          %get3A_740 = arith.constant 1 : i32
          %get3A_741 = arith.index_cast %get3A_740 : i32 to index
          %get3A_742 = arith.index_cast %add3A_571 : i32 to index
          %get3A_743 = arith.constant 96 : index
          %get3A_744 = tpu.vector_load %arg14[%get3A_741, %get3A_742, %get3A_743] {strides = array<i32>} : memref<2x40x128xf32, #tpu.memory_space<vmem>>, vector<16xf32>,
          %add3A_745 = arith.addf %get3A_606, %get3A_744 : vector<16xf32>
          %add3A_746 = arith.addf %add3A_745, %unpack3A_738 : vector<16xf32>
          %mul3A_747 = arith.constant 2.000000e-01 : f32
          %mul3A_748 = vector.broadcast %mul3A_747 : f32 to vector<16xf32>
          %mul3A_749 = arith.mulf %add3A_746, %mul3A_748 : vector<16xf32>
          %max3A_750 = arith.maximumf %add3A_746, %mul3A_749 : vector<16xf32>
          %mul3A_751 = arith.mulf %max3A_750, %get3A_39 : vector<16xf32>
          %get3A_752 = arith.constant 1 : i32
          %get3A_753 = arith.index_cast %get3A_752 : i32 to index
          %get3A_754 = arith.index_cast %add3A_571 : i32 to index
          %get3A_755 = arith.constant 112 : index
          %get3A_756 = tpu.vector_load %arg14[%get3A_753, %get3A_754, %get3A_755] {strides = array<i32>} : memref<2x40x128xf32, #tpu.memory_space<vmem>>, vector<16xf32>,
          %add3A_757 = arith.addf %get3A_611, %get3A_756 : vector<16xf32>
          %add3A_758 = arith.addf %add3A_757, %unpack3A_739 : vector<16xf32>
          %mul3A_759 = arith.constant 2.000000e-01 : f32
          %mul3A_760 = vector.broadcast %mul3A_759 : f32 to vector<16xf32>
          %mul3A_761 = arith.mulf %add3A_758, %mul3A_760 : vector<16xf32>
          %max3A_762 = arith.maximumf %add3A_758, %mul3A_761 : vector<16xf32>
          %mul3A_763 = arith.mulf %max3A_762, %get3A_43 : vector<16xf32>
          %add3A_764 = arith.addf %mul3A_751, %mul3A_763 : vector<16xf32>
          %broadcast_in_dim3A_765 = arith.constant true
          %broadcast_in_dim3A_766 = vector.broadcast %broadcast_in_dim3A_765 : i1 to vector<16xi1>
          %masked_cumsum3A_767 = tpu.scan <sum>, %add3A_764 masked %broadcast_in_dim3A_766 : vector<16xf32>, vector<16xi1> -> vector<16xf32>
          %slice3A_768 = vector.extract_strided_slice %masked_cumsum3A_767 {offsets = [15], sizes = [1], strides = [1]} : vector<16xf32> to vector<1xf32>
          %squeeze3A_769 = vector.extract %slice3A_768[0] : f32 from vector<1xf32>
          %broadcast_in_dim3A_770 = vector.broadcast %squeeze3A_769 : f32 to vector<16xf32>
          %exp3A_771 = math.exp %broadcast_in_dim3A_770 : vector<16xf32>
          %mul3A_772 = arith.mulf %get3A_576, %exp3A_651 : vector<16xf32>
          %swap3A_773 = arith.constant 1 : i32
          %swap3A_774 = arith.index_cast %swap3A_773 : i32 to index
          %swap3A_775 = arith.index_cast %add3A_571 : i32 to index
          %swap3A_776 = arith.constant 0 : index
          %swap3A_777 = tpu.vector_load %arg16[%swap3A_774, %swap3A_775, %swap3A_776] {strides = array<i32>} : memref<2x40x144xf32, #tpu.memory_space<vmem>>, vector<16xf32>,
          tpu.vector_store %arg16[%swap3A_774, %swap3A_775, %swap3A_776], %mul3A_772 {strides = array<i32>} : memref<2x40x144xf32, #tpu.memory_space<vmem>>, vector<16xf32>,
          %mul3A_778 = arith.mulf %get3A_581, %exp3A_651 : vector<16xf32>
          %swap3A_779 = arith.constant 1 : i32
          %swap3A_780 = arith.index_cast %swap3A_779 : i32 to index
          %swap3A_781 = arith.index_cast %add3A_571 : i32 to index
          %swap3A_782 = arith.constant 16 : index
          %swap3A_783 = tpu.vector_load %arg16[%swap3A_780, %swap3A_781, %swap3A_782] {strides = array<i32>} : memref<2x40x144xf32, #tpu.memory_space<vmem>>, vector<16xf32>,
          tpu.vector_store %arg16[%swap3A_780, %swap3A_781, %swap3A_782], %mul3A_778 {strides = array<i32>} : memref<2x40x144xf32, #tpu.memory_space<vmem>>, vector<16xf32>,
          %mul3A_784 = arith.mulf %get3A_586, %exp3A_691 : vector<16xf32>
          %swap3A_785 = arith.constant 1 : i32
          %swap3A_786 = arith.index_cast %swap3A_785 : i32 to index
          %swap3A_787 = arith.index_cast %add3A_571 : i32 to index
          %swap3A_788 = arith.constant 32 : index
          %swap3A_789 = tpu.vector_load %arg16[%swap3A_786, %swap3A_787, %swap3A_788] {strides = array<i32>} : memref<2x40x144xf32, #tpu.memory_space<vmem>>, vector<16xf32>,
          tpu.vector_store %arg16[%swap3A_786, %swap3A_787, %swap3A_788], %mul3A_784 {strides = array<i32>} : memref<2x40x144xf32, #tpu.memory_space<vmem>>, vector<16xf32>,
          %mul3A_790 = arith.mulf %get3A_591, %exp3A_691 : vector<16xf32>
          %swap3A_791 = arith.constant 1 : i32
          %swap3A_792 = arith.index_cast %swap3A_791 : i32 to index
          %swap3A_793 = arith.index_cast %add3A_571 : i32 to index
          %swap3A_794 = arith.constant 48 : index
          %swap3A_795 = tpu.vector_load %arg16[%swap3A_792, %swap3A_793, %swap3A_794] {strides = array<i32>} : memref<2x40x144xf32, #tpu.memory_space<vmem>>, vector<16xf32>,
          tpu.vector_store %arg16[%swap3A_792, %swap3A_793, %swap3A_794], %mul3A_790 {strides = array<i32>} : memref<2x40x144xf32, #tpu.memory_space<vmem>>, vector<16xf32>,
          %mul3A_796 = arith.mulf %get3A_596, %exp3A_731 : vector<16xf32>
          %swap3A_797 = arith.constant 1 : i32
          %swap3A_798 = arith.index_cast %swap3A_797 : i32 to index
          %swap3A_799 = arith.index_cast %add3A_571 : i32 to index
          %swap3A_800 = arith.constant 64 : index
          %swap3A_801 = tpu.vector_load %arg16[%swap3A_798, %swap3A_799, %swap3A_800] {strides = array<i32>} : memref<2x40x144xf32, #tpu.memory_space<vmem>>, vector<16xf32>,
          tpu.vector_store %arg16[%swap3A_798, %swap3A_799, %swap3A_800], %mul3A_796 {strides = array<i32>} : memref<2x40x144xf32, #tpu.memory_space<vmem>>, vector<16xf32>,
          %mul3A_802 = arith.mulf %get3A_601, %exp3A_731 : vector<16xf32>
          %swap3A_803 = arith.constant 1 : i32
          %swap3A_804 = arith.index_cast %swap3A_803 : i32 to index
          %swap3A_805 = arith.index_cast %add3A_571 : i32 to index
          %swap3A_806 = arith.constant 80 : index
          %swap3A_807 = tpu.vector_load %arg16[%swap3A_804, %swap3A_805, %swap3A_806] {strides = array<i32>} : memref<2x40x144xf32, #tpu.memory_space<vmem>>, vector<16xf32>,
          tpu.vector_store %arg16[%swap3A_804, %swap3A_805, %swap3A_806], %mul3A_802 {strides = array<i32>} : memref<2x40x144xf32, #tpu.memory_space<vmem>>, vector<16xf32>,
          %mul3A_808 = arith.mulf %get3A_606, %exp3A_771 : vector<16xf32>
          %swap3A_809 = arith.constant 1 : i32
          %swap3A_810 = arith.index_cast %swap3A_809 : i32 to index
          %swap3A_811 = arith.index_cast %add3A_571 : i32 to index
          %swap3A_812 = arith.constant 96 : index
          %swap3A_813 = tpu.vector_load %arg16[%swap3A_810, %swap3A_811, %swap3A_812] {strides = array<i32>} : memref<2x40x144xf32, #tpu.memory_space<vmem>>, vector<16xf32>,
          tpu.vector_store %arg16[%swap3A_810, %swap3A_811, %swap3A_812], %mul3A_808 {strides = array<i32>} : memref<2x40x144xf32, #tpu.memory_space<vmem>>, vector<16xf32>,
          %mul3A_814 = arith.mulf %get3A_611, %exp3A_771 : vector<16xf32>
          %swap3A_815 = arith.constant 1 : i32
          %swap3A_816 = arith.index_cast %swap3A_815 : i32 to index
          %swap3A_817 = arith.index_cast %add3A_571 : i32 to index
          %swap3A_818 = arith.constant 112 : index
          %swap3A_819 = tpu.vector_load %arg16[%swap3A_816, %swap3A_817, %swap3A_818] {strides = array<i32>} : memref<2x40x144xf32, #tpu.memory_space<vmem>>, vector<16xf32>,
          tpu.vector_store %arg16[%swap3A_816, %swap3A_817, %swap3A_818], %mul3A_814 {strides = array<i32>} : memref<2x40x144xf32, #tpu.memory_space<vmem>>, vector<16xf32>,
          %jit3A_820 = arith.constant 0.000000e+00 : f32
          %broadcast_in_dim3A_821 = vector.broadcast %jit3A_820 : f32 to vector<16xf32>
          %select_n3A_822 = arith.select %eq3A_54, %exp3A_771, %broadcast_in_dim3A_821 : vector<16xi1>, vector<16xf32>
          %select_n3A_823 = arith.select %eq3A_51, %exp3A_731, %select_n3A_822 : vector<16xi1>, vector<16xf32>
          %select_n3A_824 = arith.select %eq3A_48, %exp3A_691, %select_n3A_823 : vector<16xi1>, vector<16xf32>
          %select_n3A_825 = arith.select %eq3A_45, %exp3A_651, %select_n3A_824 : vector<16xi1>, vector<16xf32>
          %swap3A_826 = arith.constant 1 : i32
          %swap3A_827 = arith.index_cast %swap3A_826 : i32 to index
          %swap3A_828 = arith.index_cast %add3A_571 : i32 to index
          %swap3A_829 = arith.constant 128 : index
          %swap3A_830 = tpu.vector_load %arg16[%swap3A_827, %swap3A_828, %swap3A_829] {strides = array<i32>} : memref<2x40x144xf32, #tpu.memory_space<vmem>>, vector<16xf32>,
          tpu.vector_store %arg16[%swap3A_827, %swap3A_828, %swap3A_829], %select_n3A_825 {strides = array<i32>} : memref<2x40x144xf32, #tpu.memory_space<vmem>>, vector<16xf32>,
          %mul3A_831 = arith.constant 4 : i32
          %mul3A_832 = arith.muli %scan3A_314, %mul3A_831 : i32
          %add3A_833 = arith.constant 2 : i32
          %add3A_834 = arith.addi %mul3A_832, %add3A_833 : i32
          %get3A_835 = arith.constant 1 : i32
          %get3A_836 = arith.index_cast %get3A_835 : i32 to index
          %get3A_837 = arith.index_cast %add3A_834 : i32 to index
          %get3A_838 = arith.constant 0 : index
          %get3A_839 = tpu.vector_load %arg13[%get3A_836, %get3A_837, %get3A_838] {strides = array<i32>} : memref<2x40x128xf32, #tpu.memory_space<vmem>>, vector<16xf32>,
          %get3A_840 = arith.constant 1 : i32
          %get3A_841 = arith.index_cast %get3A_840 : i32 to index
          %get3A_842 = arith.index_cast %add3A_834 : i32 to index
          %get3A_843 = arith.constant 16 : index
          %get3A_844 = tpu.vector_load %arg13[%get3A_841, %get3A_842, %get3A_843] {strides = array<i32>} : memref<2x40x128xf32, #tpu.memory_space<vmem>>, vector<16xf32>,
          %get3A_845 = arith.constant 1 : i32
          %get3A_846 = arith.index_cast %get3A_845 : i32 to index
          %get3A_847 = arith.index_cast %add3A_834 : i32 to index
          %get3A_848 = arith.constant 32 : index
          %get3A_849 = tpu.vector_load %arg13[%get3A_846, %get3A_847, %get3A_848] {strides = array<i32>} : memref<2x40x128xf32, #tpu.memory_space<vmem>>, vector<16xf32>,
          %get3A_850 = arith.constant 1 : i32
          %get3A_851 = arith.index_cast %get3A_850 : i32 to index
          %get3A_852 = arith.index_cast %add3A_834 : i32 to index
          %get3A_853 = arith.constant 48 : index
          %get3A_854 = tpu.vector_load %arg13[%get3A_851, %get3A_852, %get3A_853] {strides = array<i32>} : memref<2x40x128xf32, #tpu.memory_space<vmem>>, vector<16xf32>,
          %get3A_855 = arith.constant 1 : i32
          %get3A_856 = arith.index_cast %get3A_855 : i32 to index
          %get3A_857 = arith.index_cast %add3A_834 : i32 to index
          %get3A_858 = arith.constant 64 : index
          %get3A_859 = tpu.vector_load %arg13[%get3A_856, %get3A_857, %get3A_858] {strides = array<i32>} : memref<2x40x128xf32, #tpu.memory_space<vmem>>, vector<16xf32>,
          %get3A_860 = arith.constant 1 : i32
          %get3A_861 = arith.index_cast %get3A_860 : i32 to index
          %get3A_862 = arith.index_cast %add3A_834 : i32 to index
          %get3A_863 = arith.constant 80 : index
          %get3A_864 = tpu.vector_load %arg13[%get3A_861, %get3A_862, %get3A_863] {strides = array<i32>} : memref<2x40x128xf32, #tpu.memory_space<vmem>>, vector<16xf32>,
          %get3A_865 = arith.constant 1 : i32
          %get3A_866 = arith.index_cast %get3A_865 : i32 to index
          %get3A_867 = arith.index_cast %add3A_834 : i32 to index
          %get3A_868 = arith.constant 96 : index
          %get3A_869 = tpu.vector_load %arg13[%get3A_866, %get3A_867, %get3A_868] {strides = array<i32>} : memref<2x40x128xf32, #tpu.memory_space<vmem>>, vector<16xf32>,
          %get3A_870 = arith.constant 1 : i32
          %get3A_871 = arith.index_cast %get3A_870 : i32 to index
          %get3A_872 = arith.index_cast %add3A_834 : i32 to index
          %get3A_873 = arith.constant 112 : index
          %get3A_874 = tpu.vector_load %arg13[%get3A_871, %get3A_872, %get3A_873] {strides = array<i32>} : memref<2x40x128xf32, #tpu.memory_space<vmem>>, vector<16xf32>,
          %get3A_875 = arith.constant 1 : i32
          %get3A_876 = arith.index_cast %get3A_875 : i32 to index
          %get3A_877 = arith.index_cast %add3A_834 : i32 to index
          %get3A_878 = arith.constant 0 : index
          %get3A_879 = tpu.vector_load %arg15[%get3A_876, %get3A_877, %get3A_878] {strides = array<i32>} : memref<2x40x64xi32, #tpu.memory_space<vmem>>, vector<16xi32>,
          %bitcast3A_880 = vector.bitcast %get3A_879 : vector<16xi32> to vector<32xbf16>
          %unpack3A_881 = tpu.unpack_subelements %bitcast3A_880, 0 {pack_format = #tpu.pack_format<interleaved>} : vector<32xbf16> -> vector<16xf32>
          %unpack3A_882 = tpu.unpack_subelements %bitcast3A_880, 1 {pack_format = #tpu.pack_format<interleaved>} : vector<32xbf16> -> vector<16xf32>
          %get3A_883 = arith.constant 1 : i32
          %get3A_884 = arith.index_cast %get3A_883 : i32 to index
          %get3A_885 = arith.index_cast %add3A_834 : i32 to index
          %get3A_886 = arith.constant 0 : index
          %get3A_887 = tpu.vector_load %arg14[%get3A_884, %get3A_885, %get3A_886] {strides = array<i32>} : memref<2x40x128xf32, #tpu.memory_space<vmem>>, vector<16xf32>,
          %add3A_888 = arith.addf %get3A_839, %get3A_887 : vector<16xf32>
          %add3A_889 = arith.addf %add3A_888, %unpack3A_881 : vector<16xf32>
          %mul3A_890 = arith.constant 2.000000e-01 : f32
          %mul3A_891 = vector.broadcast %mul3A_890 : f32 to vector<16xf32>
          %mul3A_892 = arith.mulf %add3A_889, %mul3A_891 : vector<16xf32>
          %max3A_893 = arith.maximumf %add3A_889, %mul3A_892 : vector<16xf32>
          %mul3A_894 = arith.mulf %max3A_893, %get3A_15 : vector<16xf32>
          %get3A_895 = arith.constant 1 : i32
          %get3A_896 = arith.index_cast %get3A_895 : i32 to index
          %get3A_897 = arith.index_cast %add3A_834 : i32 to index
          %get3A_898 = arith.constant 16 : index
          %get3A_899 = tpu.vector_load %arg14[%get3A_896, %get3A_897, %get3A_898] {strides = array<i32>} : memref<2x40x128xf32, #tpu.memory_space<vmem>>, vector<16xf32>,
          %add3A_900 = arith.addf %get3A_844, %get3A_899 : vector<16xf32>
          %add3A_901 = arith.addf %add3A_900, %unpack3A_882 : vector<16xf32>
          %mul3A_902 = arith.constant 2.000000e-01 : f32
          %mul3A_903 = vector.broadcast %mul3A_902 : f32 to vector<16xf32>
          %mul3A_904 = arith.mulf %add3A_901, %mul3A_903 : vector<16xf32>
          %max3A_905 = arith.maximumf %add3A_901, %mul3A_904 : vector<16xf32>
          %mul3A_906 = arith.mulf %max3A_905, %get3A_19 : vector<16xf32>
          %add3A_907 = arith.addf %mul3A_894, %mul3A_906 : vector<16xf32>
          %broadcast_in_dim3A_908 = arith.constant true
          %broadcast_in_dim3A_909 = vector.broadcast %broadcast_in_dim3A_908 : i1 to vector<16xi1>
          %masked_cumsum3A_910 = tpu.scan <sum>, %add3A_907 masked %broadcast_in_dim3A_909 : vector<16xf32>, vector<16xi1> -> vector<16xf32>
          %slice3A_911 = vector.extract_strided_slice %masked_cumsum3A_910 {offsets = [15], sizes = [1], strides = [1]} : vector<16xf32> to vector<1xf32>
          %squeeze3A_912 = vector.extract %slice3A_911[0] : f32 from vector<1xf32>
          %broadcast_in_dim3A_913 = vector.broadcast %squeeze3A_912 : f32 to vector<16xf32>
          %exp3A_914 = math.exp %broadcast_in_dim3A_913 : vector<16xf32>
          %get3A_915 = arith.constant 1 : i32
          %get3A_916 = arith.index_cast %get3A_915 : i32 to index
          %get3A_917 = arith.index_cast %add3A_834 : i32 to index
          %get3A_918 = arith.constant 16 : index
          %get3A_919 = tpu.vector_load %arg15[%get3A_916, %get3A_917, %get3A_918] {strides = array<i32>} : memref<2x40x64xi32, #tpu.memory_space<vmem>>, vector<16xi32>,
          %bitcast3A_920 = vector.bitcast %get3A_919 : vector<16xi32> to vector<32xbf16>
          %unpack3A_921 = tpu.unpack_subelements %bitcast3A_920, 0 {pack_format = #tpu.pack_format<interleaved>} : vector<32xbf16> -> vector<16xf32>
          %unpack3A_922 = tpu.unpack_subelements %bitcast3A_920, 1 {pack_format = #tpu.pack_format<interleaved>} : vector<32xbf16> -> vector<16xf32>
          %get3A_923 = arith.constant 1 : i32
          %get3A_924 = arith.index_cast %get3A_923 : i32 to index
          %get3A_925 = arith.index_cast %add3A_834 : i32 to index
          %get3A_926 = arith.constant 32 : index
          %get3A_927 = tpu.vector_load %arg14[%get3A_924, %get3A_925, %get3A_926] {strides = array<i32>} : memref<2x40x128xf32, #tpu.memory_space<vmem>>, vector<16xf32>,
          %add3A_928 = arith.addf %get3A_849, %get3A_927 : vector<16xf32>
          %add3A_929 = arith.addf %add3A_928, %unpack3A_921 : vector<16xf32>
          %mul3A_930 = arith.constant 2.000000e-01 : f32
          %mul3A_931 = vector.broadcast %mul3A_930 : f32 to vector<16xf32>
          %mul3A_932 = arith.mulf %add3A_929, %mul3A_931 : vector<16xf32>
          %max3A_933 = arith.maximumf %add3A_929, %mul3A_932 : vector<16xf32>
          %mul3A_934 = arith.mulf %max3A_933, %get3A_23 : vector<16xf32>
          %get3A_935 = arith.constant 1 : i32
          %get3A_936 = arith.index_cast %get3A_935 : i32 to index
          %get3A_937 = arith.index_cast %add3A_834 : i32 to index
          %get3A_938 = arith.constant 48 : index
          %get3A_939 = tpu.vector_load %arg14[%get3A_936, %get3A_937, %get3A_938] {strides = array<i32>} : memref<2x40x128xf32, #tpu.memory_space<vmem>>, vector<16xf32>,
          %add3A_940 = arith.addf %get3A_854, %get3A_939 : vector<16xf32>
          %add3A_941 = arith.addf %add3A_940, %unpack3A_922 : vector<16xf32>
          %mul3A_942 = arith.constant 2.000000e-01 : f32
          %mul3A_943 = vector.broadcast %mul3A_942 : f32 to vector<16xf32>
          %mul3A_944 = arith.mulf %add3A_941, %mul3A_943 : vector<16xf32>
          %max3A_945 = arith.maximumf %add3A_941, %mul3A_944 : vector<16xf32>
          %mul3A_946 = arith.mulf %max3A_945, %get3A_27 : vector<16xf32>
          %add3A_947 = arith.addf %mul3A_934, %mul3A_946 : vector<16xf32>
          %broadcast_in_dim3A_948 = arith.constant true
          %broadcast_in_dim3A_949 = vector.broadcast %broadcast_in_dim3A_948 : i1 to vector<16xi1>
          %masked_cumsum3A_950 = tpu.scan <sum>, %add3A_947 masked %broadcast_in_dim3A_949 : vector<16xf32>, vector<16xi1> -> vector<16xf32>
          %slice3A_951 = vector.extract_strided_slice %masked_cumsum3A_950 {offsets = [15], sizes = [1], strides = [1]} : vector<16xf32> to vector<1xf32>
          %squeeze3A_952 = vector.extract %slice3A_951[0] : f32 from vector<1xf32>
          %broadcast_in_dim3A_953 = vector.broadcast %squeeze3A_952 : f32 to vector<16xf32>
          %exp3A_954 = math.exp %broadcast_in_dim3A_953 : vector<16xf32>
          %get3A_955 = arith.constant 1 : i32
          %get3A_956 = arith.index_cast %get3A_955 : i32 to index
          %get3A_957 = arith.index_cast %add3A_834 : i32 to index
          %get3A_958 = arith.constant 32 : index
          %get3A_959 = tpu.vector_load %arg15[%get3A_956, %get3A_957, %get3A_958] {strides = array<i32>} : memref<2x40x64xi32, #tpu.memory_space<vmem>>, vector<16xi32>,
          %bitcast3A_960 = vector.bitcast %get3A_959 : vector<16xi32> to vector<32xbf16>
          %unpack3A_961 = tpu.unpack_subelements %bitcast3A_960, 0 {pack_format = #tpu.pack_format<interleaved>} : vector<32xbf16> -> vector<16xf32>
          %unpack3A_962 = tpu.unpack_subelements %bitcast3A_960, 1 {pack_format = #tpu.pack_format<interleaved>} : vector<32xbf16> -> vector<16xf32>
          %get3A_963 = arith.constant 1 : i32
          %get3A_964 = arith.index_cast %get3A_963 : i32 to index
          %get3A_965 = arith.index_cast %add3A_834 : i32 to index
          %get3A_966 = arith.constant 64 : index
          %get3A_967 = tpu.vector_load %arg14[%get3A_964, %get3A_965, %get3A_966] {strides = array<i32>} : memref<2x40x128xf32, #tpu.memory_space<vmem>>, vector<16xf32>,
          %add3A_968 = arith.addf %get3A_859, %get3A_967 : vector<16xf32>
          %add3A_969 = arith.addf %add3A_968, %unpack3A_961 : vector<16xf32>
          %mul3A_970 = arith.constant 2.000000e-01 : f32
          %mul3A_971 = vector.broadcast %mul3A_970 : f32 to vector<16xf32>
          %mul3A_972 = arith.mulf %add3A_969, %mul3A_971 : vector<16xf32>
          %max3A_973 = arith.maximumf %add3A_969, %mul3A_972 : vector<16xf32>
          %mul3A_974 = arith.mulf %max3A_973, %get3A_31 : vector<16xf32>
          %get3A_975 = arith.constant 1 : i32
          %get3A_976 = arith.index_cast %get3A_975 : i32 to index
          %get3A_977 = arith.index_cast %add3A_834 : i32 to index
          %get3A_978 = arith.constant 80 : index
          %get3A_979 = tpu.vector_load %arg14[%get3A_976, %get3A_977, %get3A_978] {strides = array<i32>} : memref<2x40x128xf32, #tpu.memory_space<vmem>>, vector<16xf32>,
          %add3A_980 = arith.addf %get3A_864, %get3A_979 : vector<16xf32>
          %add3A_981 = arith.addf %add3A_980, %unpack3A_962 : vector<16xf32>
          %mul3A_982 = arith.constant 2.000000e-01 : f32
          %mul3A_983 = vector.broadcast %mul3A_982 : f32 to vector<16xf32>
          %mul3A_984 = arith.mulf %add3A_981, %mul3A_983 : vector<16xf32>
          %max3A_985 = arith.maximumf %add3A_981, %mul3A_984 : vector<16xf32>
          %mul3A_986 = arith.mulf %max3A_985, %get3A_35 : vector<16xf32>
          %add3A_987 = arith.addf %mul3A_974, %mul3A_986 : vector<16xf32>
          %broadcast_in_dim3A_988 = arith.constant true
          %broadcast_in_dim3A_989 = vector.broadcast %broadcast_in_dim3A_988 : i1 to vector<16xi1>
          %masked_cumsum3A_990 = tpu.scan <sum>, %add3A_987 masked %broadcast_in_dim3A_989 : vector<16xf32>, vector<16xi1> -> vector<16xf32>
          %slice3A_991 = vector.extract_strided_slice %masked_cumsum3A_990 {offsets = [15], sizes = [1], strides = [1]} : vector<16xf32> to vector<1xf32>
          %squeeze3A_992 = vector.extract %slice3A_991[0] : f32 from vector<1xf32>
          %broadcast_in_dim3A_993 = vector.broadcast %squeeze3A_992 : f32 to vector<16xf32>
          %exp3A_994 = math.exp %broadcast_in_dim3A_993 : vector<16xf32>
          %get3A_995 = arith.constant 1 : i32
          %get3A_996 = arith.index_cast %get3A_995 : i32 to index
          %get3A_997 = arith.index_cast %add3A_834 : i32 to index
          %get3A_998 = arith.constant 48 : index
          %get3A_999 = tpu.vector_load %arg15[%get3A_996, %get3A_997, %get3A_998] {strides = array<i32>} : memref<2x40x64xi32, #tpu.memory_space<vmem>>, vector<16xi32>,
          %bitcast3A_1000 = vector.bitcast %get3A_999 : vector<16xi32> to vector<32xbf16>
          %unpack3A_1001 = tpu.unpack_subelements %bitcast3A_1000, 0 {pack_format = #tpu.pack_format<interleaved>} : vector<32xbf16> -> vector<16xf32>
          %unpack3A_1002 = tpu.unpack_subelements %bitcast3A_1000, 1 {pack_format = #tpu.pack_format<interleaved>} : vector<32xbf16> -> vector<16xf32>
          %get3A_1003 = arith.constant 1 : i32
          %get3A_1004 = arith.index_cast %get3A_1003 : i32 to index
          %get3A_1005 = arith.index_cast %add3A_834 : i32 to index
          %get3A_1006 = arith.constant 96 : index
          %get3A_1007 = tpu.vector_load %arg14[%get3A_1004, %get3A_1005, %get3A_1006] {strides = array<i32>} : memref<2x40x128xf32, #tpu.memory_space<vmem>>, vector<16xf32>,
          %add3A_1008 = arith.addf %get3A_869, %get3A_1007 : vector<16xf32>
          %add3A_1009 = arith.addf %add3A_1008, %unpack3A_1001 : vector<16xf32>
          %mul3A_1010 = arith.constant 2.000000e-01 : f32
          %mul3A_1011 = vector.broadcast %mul3A_1010 : f32 to vector<16xf32>
          %mul3A_1012 = arith.mulf %add3A_1009, %mul3A_1011 : vector<16xf32>
          %max3A_1013 = arith.maximumf %add3A_1009, %mul3A_1012 : vector<16xf32>
          %mul3A_1014 = arith.mulf %max3A_1013, %get3A_39 : vector<16xf32>
          %get3A_1015 = arith.constant 1 : i32
          %get3A_1016 = arith.index_cast %get3A_1015 : i32 to index
          %get3A_1017 = arith.index_cast %add3A_834 : i32 to index
          %get3A_1018 = arith.constant 112 : index
          %get3A_1019 = tpu.vector_load %arg14[%get3A_1016, %get3A_1017, %get3A_1018] {strides = array<i32>} : memref<2x40x128xf32, #tpu.memory_space<vmem>>, vector<16xf32>,
          %add3A_1020 = arith.addf %get3A_874, %get3A_1019 : vector<16xf32>
          %add3A_1021 = arith.addf %add3A_1020, %unpack3A_1002 : vector<16xf32>
          %mul3A_1022 = arith.constant 2.000000e-01 : f32
          %mul3A_1023 = vector.broadcast %mul3A_1022 : f32 to vector<16xf32>
          %mul3A_1024 = arith.mulf %add3A_1021, %mul3A_1023 : vector<16xf32>
          %max3A_1025 = arith.maximumf %add3A_1021, %mul3A_1024 : vector<16xf32>
          %mul3A_1026 = arith.mulf %max3A_1025, %get3A_43 : vector<16xf32>
          %add3A_1027 = arith.addf %mul3A_1014, %mul3A_1026 : vector<16xf32>
          %broadcast_in_dim3A_1028 = arith.constant true
          %broadcast_in_dim3A_1029 = vector.broadcast %broadcast_in_dim3A_1028 : i1 to vector<16xi1>
          %masked_cumsum3A_1030 = tpu.scan <sum>, %add3A_1027 masked %broadcast_in_dim3A_1029 : vector<16xf32>, vector<16xi1> -> vector<16xf32>
          %slice3A_1031 = vector.extract_strided_slice %masked_cumsum3A_1030 {offsets = [15], sizes = [1], strides = [1]} : vector<16xf32> to vector<1xf32>
          %squeeze3A_1032 = vector.extract %slice3A_1031[0] : f32 from vector<1xf32>
          %broadcast_in_dim3A_1033 = vector.broadcast %squeeze3A_1032 : f32 to vector<16xf32>
          %exp3A_1034 = math.exp %broadcast_in_dim3A_1033 : vector<16xf32>
          %mul3A_1035 = arith.mulf %get3A_839, %exp3A_914 : vector<16xf32>
          %swap3A_1036 = arith.constant 1 : i32
          %swap3A_1037 = arith.index_cast %swap3A_1036 : i32 to index
          %swap3A_1038 = arith.index_cast %add3A_834 : i32 to index
          %swap3A_1039 = arith.constant 0 : index
          %swap3A_1040 = tpu.vector_load %arg16[%swap3A_1037, %swap3A_1038, %swap3A_1039] {strides = array<i32>} : memref<2x40x144xf32, #tpu.memory_space<vmem>>, vector<16xf32>,
          tpu.vector_store %arg16[%swap3A_1037, %swap3A_1038, %swap3A_1039], %mul3A_1035 {strides = array<i32>} : memref<2x40x144xf32, #tpu.memory_space<vmem>>, vector<16xf32>,
          %mul3A_1041 = arith.mulf %get3A_844, %exp3A_914 : vector<16xf32>
          %swap3A_1042 = arith.constant 1 : i32
          %swap3A_1043 = arith.index_cast %swap3A_1042 : i32 to index
          %swap3A_1044 = arith.index_cast %add3A_834 : i32 to index
          %swap3A_1045 = arith.constant 16 : index
          %swap3A_1046 = tpu.vector_load %arg16[%swap3A_1043, %swap3A_1044, %swap3A_1045] {strides = array<i32>} : memref<2x40x144xf32, #tpu.memory_space<vmem>>, vector<16xf32>,
          tpu.vector_store %arg16[%swap3A_1043, %swap3A_1044, %swap3A_1045], %mul3A_1041 {strides = array<i32>} : memref<2x40x144xf32, #tpu.memory_space<vmem>>, vector<16xf32>,
          %mul3A_1047 = arith.mulf %get3A_849, %exp3A_954 : vector<16xf32>
          %swap3A_1048 = arith.constant 1 : i32
          %swap3A_1049 = arith.index_cast %swap3A_1048 : i32 to index
          %swap3A_1050 = arith.index_cast %add3A_834 : i32 to index
          %swap3A_1051 = arith.constant 32 : index
          %swap3A_1052 = tpu.vector_load %arg16[%swap3A_1049, %swap3A_1050, %swap3A_1051] {strides = array<i32>} : memref<2x40x144xf32, #tpu.memory_space<vmem>>, vector<16xf32>,
          tpu.vector_store %arg16[%swap3A_1049, %swap3A_1050, %swap3A_1051], %mul3A_1047 {strides = array<i32>} : memref<2x40x144xf32, #tpu.memory_space<vmem>>, vector<16xf32>,
          %mul3A_1053 = arith.mulf %get3A_854, %exp3A_954 : vector<16xf32>
          %swap3A_1054 = arith.constant 1 : i32
          %swap3A_1055 = arith.index_cast %swap3A_1054 : i32 to index
          %swap3A_1056 = arith.index_cast %add3A_834 : i32 to index
          %swap3A_1057 = arith.constant 48 : index
          %swap3A_1058 = tpu.vector_load %arg16[%swap3A_1055, %swap3A_1056, %swap3A_1057] {strides = array<i32>} : memref<2x40x144xf32, #tpu.memory_space<vmem>>, vector<16xf32>,
          tpu.vector_store %arg16[%swap3A_1055, %swap3A_1056, %swap3A_1057], %mul3A_1053 {strides = array<i32>} : memref<2x40x144xf32, #tpu.memory_space<vmem>>, vector<16xf32>,
          %mul3A_1059 = arith.mulf %get3A_859, %exp3A_994 : vector<16xf32>
          %swap3A_1060 = arith.constant 1 : i32
          %swap3A_1061 = arith.index_cast %swap3A_1060 : i32 to index
          %swap3A_1062 = arith.index_cast %add3A_834 : i32 to index
          %swap3A_1063 = arith.constant 64 : index
          %swap3A_1064 = tpu.vector_load %arg16[%swap3A_1061, %swap3A_1062, %swap3A_1063] {strides = array<i32>} : memref<2x40x144xf32, #tpu.memory_space<vmem>>, vector<16xf32>,
          tpu.vector_store %arg16[%swap3A_1061, %swap3A_1062, %swap3A_1063], %mul3A_1059 {strides = array<i32>} : memref<2x40x144xf32, #tpu.memory_space<vmem>>, vector<16xf32>,
          %mul3A_1065 = arith.mulf %get3A_864, %exp3A_994 : vector<16xf32>
          %swap3A_1066 = arith.constant 1 : i32
          %swap3A_1067 = arith.index_cast %swap3A_1066 : i32 to index
          %swap3A_1068 = arith.index_cast %add3A_834 : i32 to index
          %swap3A_1069 = arith.constant 80 : index
          %swap3A_1070 = tpu.vector_load %arg16[%swap3A_1067, %swap3A_1068, %swap3A_1069] {strides = array<i32>} : memref<2x40x144xf32, #tpu.memory_space<vmem>>, vector<16xf32>,
          tpu.vector_store %arg16[%swap3A_1067, %swap3A_1068, %swap3A_1069], %mul3A_1065 {strides = array<i32>} : memref<2x40x144xf32, #tpu.memory_space<vmem>>, vector<16xf32>,
          %mul3A_1071 = arith.mulf %get3A_869, %exp3A_1034 : vector<16xf32>
          %swap3A_1072 = arith.constant 1 : i32
          %swap3A_1073 = arith.index_cast %swap3A_1072 : i32 to index
          %swap3A_1074 = arith.index_cast %add3A_834 : i32 to index
          %swap3A_1075 = arith.constant 96 : index
          %swap3A_1076 = tpu.vector_load %arg16[%swap3A_1073, %swap3A_1074, %swap3A_1075] {strides = array<i32>} : memref<2x40x144xf32, #tpu.memory_space<vmem>>, vector<16xf32>,
          tpu.vector_store %arg16[%swap3A_1073, %swap3A_1074, %swap3A_1075], %mul3A_1071 {strides = array<i32>} : memref<2x40x144xf32, #tpu.memory_space<vmem>>, vector<16xf32>,
          %mul3A_1077 = arith.mulf %get3A_874, %exp3A_1034 : vector<16xf32>
          %swap3A_1078 = arith.constant 1 : i32
          %swap3A_1079 = arith.index_cast %swap3A_1078 : i32 to index
          %swap3A_1080 = arith.index_cast %add3A_834 : i32 to index
          %swap3A_1081 = arith.constant 112 : index
          %swap3A_1082 = tpu.vector_load %arg16[%swap3A_1079, %swap3A_1080, %swap3A_1081] {strides = array<i32>} : memref<2x40x144xf32, #tpu.memory_space<vmem>>, vector<16xf32>,
          tpu.vector_store %arg16[%swap3A_1079, %swap3A_1080, %swap3A_1081], %mul3A_1077 {strides = array<i32>} : memref<2x40x144xf32, #tpu.memory_space<vmem>>, vector<16xf32>,
          %jit3A_1083 = arith.constant 0.000000e+00 : f32
          %broadcast_in_dim3A_1084 = vector.broadcast %jit3A_1083 : f32 to vector<16xf32>
          %select_n3A_1085 = arith.select %eq3A_54, %exp3A_1034, %broadcast_in_dim3A_1084 : vector<16xi1>, vector<16xf32>
          %select_n3A_1086 = arith.select %eq3A_51, %exp3A_994, %select_n3A_1085 : vector<16xi1>, vector<16xf32>
          %select_n3A_1087 = arith.select %eq3A_48, %exp3A_954, %select_n3A_1086 : vector<16xi1>, vector<16xf32>
          %select_n3A_1088 = arith.select %eq3A_45, %exp3A_914, %select_n3A_1087 : vector<16xi1>, vector<16xf32>
          %swap3A_1089 = arith.constant 1 : i32
          %swap3A_1090 = arith.index_cast %swap3A_1089 : i32 to index
          %swap3A_1091 = arith.index_cast %add3A_834 : i32 to index
          %swap3A_1092 = arith.constant 128 : index
          %swap3A_1093 = tpu.vector_load %arg16[%swap3A_1090, %swap3A_1091, %swap3A_1092] {strides = array<i32>} : memref<2x40x144xf32, #tpu.memory_space<vmem>>, vector<16xf32>,
          tpu.vector_store %arg16[%swap3A_1090, %swap3A_1091, %swap3A_1092], %select_n3A_1088 {strides = array<i32>} : memref<2x40x144xf32, #tpu.memory_space<vmem>>, vector<16xf32>,
          %mul3A_1094 = arith.constant 4 : i32
          %mul3A_1095 = arith.muli %scan3A_314, %mul3A_1094 : i32
          %add3A_1096 = arith.constant 3 : i32
          %add3A_1097 = arith.addi %mul3A_1095, %add3A_1096 : i32
          %get3A_1098 = arith.constant 1 : i32
          %get3A_1099 = arith.index_cast %get3A_1098 : i32 to index
          %get3A_1100 = arith.index_cast %add3A_1097 : i32 to index
          %get3A_1101 = arith.constant 0 : index
          %get3A_1102 = tpu.vector_load %arg13[%get3A_1099, %get3A_1100, %get3A_1101] {strides = array<i32>} : memref<2x40x128xf32, #tpu.memory_space<vmem>>, vector<16xf32>,
          %get3A_1103 = arith.constant 1 : i32
          %get3A_1104 = arith.index_cast %get3A_1103 : i32 to index
          %get3A_1105 = arith.index_cast %add3A_1097 : i32 to index
          %get3A_1106 = arith.constant 16 : index
          %get3A_1107 = tpu.vector_load %arg13[%get3A_1104, %get3A_1105, %get3A_1106] {strides = array<i32>} : memref<2x40x128xf32, #tpu.memory_space<vmem>>, vector<16xf32>,
          %get3A_1108 = arith.constant 1 : i32
          %get3A_1109 = arith.index_cast %get3A_1108 : i32 to index
          %get3A_1110 = arith.index_cast %add3A_1097 : i32 to index
          %get3A_1111 = arith.constant 32 : index
          %get3A_1112 = tpu.vector_load %arg13[%get3A_1109, %get3A_1110, %get3A_1111] {strides = array<i32>} : memref<2x40x128xf32, #tpu.memory_space<vmem>>, vector<16xf32>,
          %get3A_1113 = arith.constant 1 : i32
          %get3A_1114 = arith.index_cast %get3A_1113 : i32 to index
          %get3A_1115 = arith.index_cast %add3A_1097 : i32 to index
          %get3A_1116 = arith.constant 48 : index
          %get3A_1117 = tpu.vector_load %arg13[%get3A_1114, %get3A_1115, %get3A_1116] {strides = array<i32>} : memref<2x40x128xf32, #tpu.memory_space<vmem>>, vector<16xf32>,
          %get3A_1118 = arith.constant 1 : i32
          %get3A_1119 = arith.index_cast %get3A_1118 : i32 to index
          %get3A_1120 = arith.index_cast %add3A_1097 : i32 to index
          %get3A_1121 = arith.constant 64 : index
          %get3A_1122 = tpu.vector_load %arg13[%get3A_1119, %get3A_1120, %get3A_1121] {strides = array<i32>} : memref<2x40x128xf32, #tpu.memory_space<vmem>>, vector<16xf32>,
          %get3A_1123 = arith.constant 1 : i32
          %get3A_1124 = arith.index_cast %get3A_1123 : i32 to index
          %get3A_1125 = arith.index_cast %add3A_1097 : i32 to index
          %get3A_1126 = arith.constant 80 : index
          %get3A_1127 = tpu.vector_load %arg13[%get3A_1124, %get3A_1125, %get3A_1126] {strides = array<i32>} : memref<2x40x128xf32, #tpu.memory_space<vmem>>, vector<16xf32>,
          %get3A_1128 = arith.constant 1 : i32
          %get3A_1129 = arith.index_cast %get3A_1128 : i32 to index
          %get3A_1130 = arith.index_cast %add3A_1097 : i32 to index
          %get3A_1131 = arith.constant 96 : index
          %get3A_1132 = tpu.vector_load %arg13[%get3A_1129, %get3A_1130, %get3A_1131] {strides = array<i32>} : memref<2x40x128xf32, #tpu.memory_space<vmem>>, vector<16xf32>,
          %get3A_1133 = arith.constant 1 : i32
          %get3A_1134 = arith.index_cast %get3A_1133 : i32 to index
          %get3A_1135 = arith.index_cast %add3A_1097 : i32 to index
          %get3A_1136 = arith.constant 112 : index
          %get3A_1137 = tpu.vector_load %arg13[%get3A_1134, %get3A_1135, %get3A_1136] {strides = array<i32>} : memref<2x40x128xf32, #tpu.memory_space<vmem>>, vector<16xf32>,
          %get3A_1138 = arith.constant 1 : i32
          %get3A_1139 = arith.index_cast %get3A_1138 : i32 to index
          %get3A_1140 = arith.index_cast %add3A_1097 : i32 to index
          %get3A_1141 = arith.constant 0 : index
          %get3A_1142 = tpu.vector_load %arg15[%get3A_1139, %get3A_1140, %get3A_1141] {strides = array<i32>} : memref<2x40x64xi32, #tpu.memory_space<vmem>>, vector<16xi32>,
          %bitcast3A_1143 = vector.bitcast %get3A_1142 : vector<16xi32> to vector<32xbf16>
          %unpack3A_1144 = tpu.unpack_subelements %bitcast3A_1143, 0 {pack_format = #tpu.pack_format<interleaved>} : vector<32xbf16> -> vector<16xf32>
          %unpack3A_1145 = tpu.unpack_subelements %bitcast3A_1143, 1 {pack_format = #tpu.pack_format<interleaved>} : vector<32xbf16> -> vector<16xf32>
          %get3A_1146 = arith.constant 1 : i32
          %get3A_1147 = arith.index_cast %get3A_1146 : i32 to index
          %get3A_1148 = arith.index_cast %add3A_1097 : i32 to index
          %get3A_1149 = arith.constant 0 : index
          %get3A_1150 = tpu.vector_load %arg14[%get3A_1147, %get3A_1148, %get3A_1149] {strides = array<i32>} : memref<2x40x128xf32, #tpu.memory_space<vmem>>, vector<16xf32>,
          %add3A_1151 = arith.addf %get3A_1102, %get3A_1150 : vector<16xf32>
          %add3A_1152 = arith.addf %add3A_1151, %unpack3A_1144 : vector<16xf32>
          %mul3A_1153 = arith.constant 2.000000e-01 : f32
          %mul3A_1154 = vector.broadcast %mul3A_1153 : f32 to vector<16xf32>
          %mul3A_1155 = arith.mulf %add3A_1152, %mul3A_1154 : vector<16xf32>
          %max3A_1156 = arith.maximumf %add3A_1152, %mul3A_1155 : vector<16xf32>
          %mul3A_1157 = arith.mulf %max3A_1156, %get3A_15 : vector<16xf32>
          %get3A_1158 = arith.constant 1 : i32
          %get3A_1159 = arith.index_cast %get3A_1158 : i32 to index
          %get3A_1160 = arith.index_cast %add3A_1097 : i32 to index
          %get3A_1161 = arith.constant 16 : index
          %get3A_1162 = tpu.vector_load %arg14[%get3A_1159, %get3A_1160, %get3A_1161] {strides = array<i32>} : memref<2x40x128xf32, #tpu.memory_space<vmem>>, vector<16xf32>,
          %add3A_1163 = arith.addf %get3A_1107, %get3A_1162 : vector<16xf32>
          %add3A_1164 = arith.addf %add3A_1163, %unpack3A_1145 : vector<16xf32>
          %mul3A_1165 = arith.constant 2.000000e-01 : f32
          %mul3A_1166 = vector.broadcast %mul3A_1165 : f32 to vector<16xf32>
          %mul3A_1167 = arith.mulf %add3A_1164, %mul3A_1166 : vector<16xf32>
          %max3A_1168 = arith.maximumf %add3A_1164, %mul3A_1167 : vector<16xf32>
          %mul3A_1169 = arith.mulf %max3A_1168, %get3A_19 : vector<16xf32>
          %add3A_1170 = arith.addf %mul3A_1157, %mul3A_1169 : vector<16xf32>
          %broadcast_in_dim3A_1171 = arith.constant true
          %broadcast_in_dim3A_1172 = vector.broadcast %broadcast_in_dim3A_1171 : i1 to vector<16xi1>
          %masked_cumsum3A_1173 = tpu.scan <sum>, %add3A_1170 masked %broadcast_in_dim3A_1172 : vector<16xf32>, vector<16xi1> -> vector<16xf32>
          %slice3A_1174 = vector.extract_strided_slice %masked_cumsum3A_1173 {offsets = [15], sizes = [1], strides = [1]} : vector<16xf32> to vector<1xf32>
          %squeeze3A_1175 = vector.extract %slice3A_1174[0] : f32 from vector<1xf32>
          %broadcast_in_dim3A_1176 = vector.broadcast %squeeze3A_1175 : f32 to vector<16xf32>
          %exp3A_1177 = math.exp %broadcast_in_dim3A_1176 : vector<16xf32>
          %get3A_1178 = arith.constant 1 : i32
          %get3A_1179 = arith.index_cast %get3A_1178 : i32 to index
          %get3A_1180 = arith.index_cast %add3A_1097 : i32 to index
          %get3A_1181 = arith.constant 16 : index
          %get3A_1182 = tpu.vector_load %arg15[%get3A_1179, %get3A_1180, %get3A_1181] {strides = array<i32>} : memref<2x40x64xi32, #tpu.memory_space<vmem>>, vector<16xi32>,
          %bitcast3A_1183 = vector.bitcast %get3A_1182 : vector<16xi32> to vector<32xbf16>
          %unpack3A_1184 = tpu.unpack_subelements %bitcast3A_1183, 0 {pack_format = #tpu.pack_format<interleaved>} : vector<32xbf16> -> vector<16xf32>
          %unpack3A_1185 = tpu.unpack_subelements %bitcast3A_1183, 1 {pack_format = #tpu.pack_format<interleaved>} : vector<32xbf16> -> vector<16xf32>
          %get3A_1186 = arith.constant 1 : i32
          %get3A_1187 = arith.index_cast %get3A_1186 : i32 to index
          %get3A_1188 = arith.index_cast %add3A_1097 : i32 to index
          %get3A_1189 = arith.constant 32 : index
          %get3A_1190 = tpu.vector_load %arg14[%get3A_1187, %get3A_1188, %get3A_1189] {strides = array<i32>} : memref<2x40x128xf32, #tpu.memory_space<vmem>>, vector<16xf32>,
          %add3A_1191 = arith.addf %get3A_1112, %get3A_1190 : vector<16xf32>
          %add3A_1192 = arith.addf %add3A_1191, %unpack3A_1184 : vector<16xf32>
          %mul3A_1193 = arith.constant 2.000000e-01 : f32
          %mul3A_1194 = vector.broadcast %mul3A_1193 : f32 to vector<16xf32>
          %mul3A_1195 = arith.mulf %add3A_1192, %mul3A_1194 : vector<16xf32>
          %max3A_1196 = arith.maximumf %add3A_1192, %mul3A_1195 : vector<16xf32>
          %mul3A_1197 = arith.mulf %max3A_1196, %get3A_23 : vector<16xf32>
          %get3A_1198 = arith.constant 1 : i32
          %get3A_1199 = arith.index_cast %get3A_1198 : i32 to index
          %get3A_1200 = arith.index_cast %add3A_1097 : i32 to index
          %get3A_1201 = arith.constant 48 : index
          %get3A_1202 = tpu.vector_load %arg14[%get3A_1199, %get3A_1200, %get3A_1201] {strides = array<i32>} : memref<2x40x128xf32, #tpu.memory_space<vmem>>, vector<16xf32>,
          %add3A_1203 = arith.addf %get3A_1117, %get3A_1202 : vector<16xf32>
          %add3A_1204 = arith.addf %add3A_1203, %unpack3A_1185 : vector<16xf32>
          %mul3A_1205 = arith.constant 2.000000e-01 : f32
          %mul3A_1206 = vector.broadcast %mul3A_1205 : f32 to vector<16xf32>
          %mul3A_1207 = arith.mulf %add3A_1204, %mul3A_1206 : vector<16xf32>
          %max3A_1208 = arith.maximumf %add3A_1204, %mul3A_1207 : vector<16xf32>
          %mul3A_1209 = arith.mulf %max3A_1208, %get3A_27 : vector<16xf32>
          %add3A_1210 = arith.addf %mul3A_1197, %mul3A_1209 : vector<16xf32>
          %broadcast_in_dim3A_1211 = arith.constant true
          %broadcast_in_dim3A_1212 = vector.broadcast %broadcast_in_dim3A_1211 : i1 to vector<16xi1>
          %masked_cumsum3A_1213 = tpu.scan <sum>, %add3A_1210 masked %broadcast_in_dim3A_1212 : vector<16xf32>, vector<16xi1> -> vector<16xf32>
          %slice3A_1214 = vector.extract_strided_slice %masked_cumsum3A_1213 {offsets = [15], sizes = [1], strides = [1]} : vector<16xf32> to vector<1xf32>
          %squeeze3A_1215 = vector.extract %slice3A_1214[0] : f32 from vector<1xf32>
          %broadcast_in_dim3A_1216 = vector.broadcast %squeeze3A_1215 : f32 to vector<16xf32>
          %exp3A_1217 = math.exp %broadcast_in_dim3A_1216 : vector<16xf32>
          %get3A_1218 = arith.constant 1 : i32
          %get3A_1219 = arith.index_cast %get3A_1218 : i32 to index
          %get3A_1220 = arith.index_cast %add3A_1097 : i32 to index
          %get3A_1221 = arith.constant 32 : index
          %get3A_1222 = tpu.vector_load %arg15[%get3A_1219, %get3A_1220, %get3A_1221] {strides = array<i32>} : memref<2x40x64xi32, #tpu.memory_space<vmem>>, vector<16xi32>,
          %bitcast3A_1223 = vector.bitcast %get3A_1222 : vector<16xi32> to vector<32xbf16>
          %unpack3A_1224 = tpu.unpack_subelements %bitcast3A_1223, 0 {pack_format = #tpu.pack_format<interleaved>} : vector<32xbf16> -> vector<16xf32>
          %unpack3A_1225 = tpu.unpack_subelements %bitcast3A_1223, 1 {pack_format = #tpu.pack_format<interleaved>} : vector<32xbf16> -> vector<16xf32>
          %get3A_1226 = arith.constant 1 : i32
          %get3A_1227 = arith.index_cast %get3A_1226 : i32 to index
          %get3A_1228 = arith.index_cast %add3A_1097 : i32 to index
          %get3A_1229 = arith.constant 64 : index
          %get3A_1230 = tpu.vector_load %arg14[%get3A_1227, %get3A_1228, %get3A_1229] {strides = array<i32>} : memref<2x40x128xf32, #tpu.memory_space<vmem>>, vector<16xf32>,
          %add3A_1231 = arith.addf %get3A_1122, %get3A_1230 : vector<16xf32>
          %add3A_1232 = arith.addf %add3A_1231, %unpack3A_1224 : vector<16xf32>
          %mul3A_1233 = arith.constant 2.000000e-01 : f32
          %mul3A_1234 = vector.broadcast %mul3A_1233 : f32 to vector<16xf32>
          %mul3A_1235 = arith.mulf %add3A_1232, %mul3A_1234 : vector<16xf32>
          %max3A_1236 = arith.maximumf %add3A_1232, %mul3A_1235 : vector<16xf32>
          %mul3A_1237 = arith.mulf %max3A_1236, %get3A_31 : vector<16xf32>
          %get3A_1238 = arith.constant 1 : i32
          %get3A_1239 = arith.index_cast %get3A_1238 : i32 to index
          %get3A_1240 = arith.index_cast %add3A_1097 : i32 to index
          %get3A_1241 = arith.constant 80 : index
          %get3A_1242 = tpu.vector_load %arg14[%get3A_1239, %get3A_1240, %get3A_1241] {strides = array<i32>} : memref<2x40x128xf32, #tpu.memory_space<vmem>>, vector<16xf32>,
          %add3A_1243 = arith.addf %get3A_1127, %get3A_1242 : vector<16xf32>
          %add3A_1244 = arith.addf %add3A_1243, %unpack3A_1225 : vector<16xf32>
          %mul3A_1245 = arith.constant 2.000000e-01 : f32
          %mul3A_1246 = vector.broadcast %mul3A_1245 : f32 to vector<16xf32>
          %mul3A_1247 = arith.mulf %add3A_1244, %mul3A_1246 : vector<16xf32>
          %max3A_1248 = arith.maximumf %add3A_1244, %mul3A_1247 : vector<16xf32>
          %mul3A_1249 = arith.mulf %max3A_1248, %get3A_35 : vector<16xf32>
          %add3A_1250 = arith.addf %mul3A_1237, %mul3A_1249 : vector<16xf32>
          %broadcast_in_dim3A_1251 = arith.constant true
          %broadcast_in_dim3A_1252 = vector.broadcast %broadcast_in_dim3A_1251 : i1 to vector<16xi1>
          %masked_cumsum3A_1253 = tpu.scan <sum>, %add3A_1250 masked %broadcast_in_dim3A_1252 : vector<16xf32>, vector<16xi1> -> vector<16xf32>
          %slice3A_1254 = vector.extract_strided_slice %masked_cumsum3A_1253 {offsets = [15], sizes = [1], strides = [1]} : vector<16xf32> to vector<1xf32>
          %squeeze3A_1255 = vector.extract %slice3A_1254[0] : f32 from vector<1xf32>
          %broadcast_in_dim3A_1256 = vector.broadcast %squeeze3A_1255 : f32 to vector<16xf32>
          %exp3A_1257 = math.exp %broadcast_in_dim3A_1256 : vector<16xf32>
          %get3A_1258 = arith.constant 1 : i32
          %get3A_1259 = arith.index_cast %get3A_1258 : i32 to index
          %get3A_1260 = arith.index_cast %add3A_1097 : i32 to index
          %get3A_1261 = arith.constant 48 : index
          %get3A_1262 = tpu.vector_load %arg15[%get3A_1259, %get3A_1260, %get3A_1261] {strides = array<i32>} : memref<2x40x64xi32, #tpu.memory_space<vmem>>, vector<16xi32>,
          %bitcast3A_1263 = vector.bitcast %get3A_1262 : vector<16xi32> to vector<32xbf16>
          %unpack3A_1264 = tpu.unpack_subelements %bitcast3A_1263, 0 {pack_format = #tpu.pack_format<interleaved>} : vector<32xbf16> -> vector<16xf32>
          %unpack3A_1265 = tpu.unpack_subelements %bitcast3A_1263, 1 {pack_format = #tpu.pack_format<interleaved>} : vector<32xbf16> -> vector<16xf32>
          %get3A_1266 = arith.constant 1 : i32
          %get3A_1267 = arith.index_cast %get3A_1266 : i32 to index
          %get3A_1268 = arith.index_cast %add3A_1097 : i32 to index
          %get3A_1269 = arith.constant 96 : index
          %get3A_1270 = tpu.vector_load %arg14[%get3A_1267, %get3A_1268, %get3A_1269] {strides = array<i32>} : memref<2x40x128xf32, #tpu.memory_space<vmem>>, vector<16xf32>,
          %add3A_1271 = arith.addf %get3A_1132, %get3A_1270 : vector<16xf32>
          %add3A_1272 = arith.addf %add3A_1271, %unpack3A_1264 : vector<16xf32>
          %mul3A_1273 = arith.constant 2.000000e-01 : f32
          %mul3A_1274 = vector.broadcast %mul3A_1273 : f32 to vector<16xf32>
          %mul3A_1275 = arith.mulf %add3A_1272, %mul3A_1274 : vector<16xf32>
          %max3A_1276 = arith.maximumf %add3A_1272, %mul3A_1275 : vector<16xf32>
          %mul3A_1277 = arith.mulf %max3A_1276, %get3A_39 : vector<16xf32>
          %get3A_1278 = arith.constant 1 : i32
          %get3A_1279 = arith.index_cast %get3A_1278 : i32 to index
          %get3A_1280 = arith.index_cast %add3A_1097 : i32 to index
          %get3A_1281 = arith.constant 112 : index
          %get3A_1282 = tpu.vector_load %arg14[%get3A_1279, %get3A_1280, %get3A_1281] {strides = array<i32>} : memref<2x40x128xf32, #tpu.memory_space<vmem>>, vector<16xf32>,
          %add3A_1283 = arith.addf %get3A_1137, %get3A_1282 : vector<16xf32>
          %add3A_1284 = arith.addf %add3A_1283, %unpack3A_1265 : vector<16xf32>
          %mul3A_1285 = arith.constant 2.000000e-01 : f32
          %mul3A_1286 = vector.broadcast %mul3A_1285 : f32 to vector<16xf32>
          %mul3A_1287 = arith.mulf %add3A_1284, %mul3A_1286 : vector<16xf32>
          %max3A_1288 = arith.maximumf %add3A_1284, %mul3A_1287 : vector<16xf32>
          %mul3A_1289 = arith.mulf %max3A_1288, %get3A_43 : vector<16xf32>
          %add3A_1290 = arith.addf %mul3A_1277, %mul3A_1289 : vector<16xf32>
          %broadcast_in_dim3A_1291 = arith.constant true
          %broadcast_in_dim3A_1292 = vector.broadcast %broadcast_in_dim3A_1291 : i1 to vector<16xi1>
          %masked_cumsum3A_1293 = tpu.scan <sum>, %add3A_1290 masked %broadcast_in_dim3A_1292 : vector<16xf32>, vector<16xi1> -> vector<16xf32>
          %slice3A_1294 = vector.extract_strided_slice %masked_cumsum3A_1293 {offsets = [15], sizes = [1], strides = [1]} : vector<16xf32> to vector<1xf32>
          %squeeze3A_1295 = vector.extract %slice3A_1294[0] : f32 from vector<1xf32>
          %broadcast_in_dim3A_1296 = vector.broadcast %squeeze3A_1295 : f32 to vector<16xf32>
          %exp3A_1297 = math.exp %broadcast_in_dim3A_1296 : vector<16xf32>
          %mul3A_1298 = arith.mulf %get3A_1102, %exp3A_1177 : vector<16xf32>
          %swap3A_1299 = arith.constant 1 : i32
          %swap3A_1300 = arith.index_cast %swap3A_1299 : i32 to index
          %swap3A_1301 = arith.index_cast %add3A_1097 : i32 to index
          %swap3A_1302 = arith.constant 0 : index
          %swap3A_1303 = tpu.vector_load %arg16[%swap3A_1300, %swap3A_1301, %swap3A_1302] {strides = array<i32>} : memref<2x40x144xf32, #tpu.memory_space<vmem>>, vector<16xf32>,
          tpu.vector_store %arg16[%swap3A_1300, %swap3A_1301, %swap3A_1302], %mul3A_1298 {strides = array<i32>} : memref<2x40x144xf32, #tpu.memory_space<vmem>>, vector<16xf32>,
          %mul3A_1304 = arith.mulf %get3A_1107, %exp3A_1177 : vector<16xf32>
          %swap3A_1305 = arith.constant 1 : i32
          %swap3A_1306 = arith.index_cast %swap3A_1305 : i32 to index
          %swap3A_1307 = arith.index_cast %add3A_1097 : i32 to index
          %swap3A_1308 = arith.constant 16 : index
          %swap3A_1309 = tpu.vector_load %arg16[%swap3A_1306, %swap3A_1307, %swap3A_1308] {strides = array<i32>} : memref<2x40x144xf32, #tpu.memory_space<vmem>>, vector<16xf32>,
          tpu.vector_store %arg16[%swap3A_1306, %swap3A_1307, %swap3A_1308], %mul3A_1304 {strides = array<i32>} : memref<2x40x144xf32, #tpu.memory_space<vmem>>, vector<16xf32>,
          %mul3A_1310 = arith.mulf %get3A_1112, %exp3A_1217 : vector<16xf32>
          %swap3A_1311 = arith.constant 1 : i32
          %swap3A_1312 = arith.index_cast %swap3A_1311 : i32 to index
          %swap3A_1313 = arith.index_cast %add3A_1097 : i32 to index
          %swap3A_1314 = arith.constant 32 : index
          %swap3A_1315 = tpu.vector_load %arg16[%swap3A_1312, %swap3A_1313, %swap3A_1314] {strides = array<i32>} : memref<2x40x144xf32, #tpu.memory_space<vmem>>, vector<16xf32>,
          tpu.vector_store %arg16[%swap3A_1312, %swap3A_1313, %swap3A_1314], %mul3A_1310 {strides = array<i32>} : memref<2x40x144xf32, #tpu.memory_space<vmem>>, vector<16xf32>,
          %mul3A_1316 = arith.mulf %get3A_1117, %exp3A_1217 : vector<16xf32>
          %swap3A_1317 = arith.constant 1 : i32
          %swap3A_1318 = arith.index_cast %swap3A_1317 : i32 to index
          %swap3A_1319 = arith.index_cast %add3A_1097 : i32 to index
          %swap3A_1320 = arith.constant 48 : index
          %swap3A_1321 = tpu.vector_load %arg16[%swap3A_1318, %swap3A_1319, %swap3A_1320] {strides = array<i32>} : memref<2x40x144xf32, #tpu.memory_space<vmem>>, vector<16xf32>,
          tpu.vector_store %arg16[%swap3A_1318, %swap3A_1319, %swap3A_1320], %mul3A_1316 {strides = array<i32>} : memref<2x40x144xf32, #tpu.memory_space<vmem>>, vector<16xf32>,
          %mul3A_1322 = arith.mulf %get3A_1122, %exp3A_1257 : vector<16xf32>
          %swap3A_1323 = arith.constant 1 : i32
          %swap3A_1324 = arith.index_cast %swap3A_1323 : i32 to index
          %swap3A_1325 = arith.index_cast %add3A_1097 : i32 to index
          %swap3A_1326 = arith.constant 64 : index
          %swap3A_1327 = tpu.vector_load %arg16[%swap3A_1324, %swap3A_1325, %swap3A_1326] {strides = array<i32>} : memref<2x40x144xf32, #tpu.memory_space<vmem>>, vector<16xf32>,
          tpu.vector_store %arg16[%swap3A_1324, %swap3A_1325, %swap3A_1326], %mul3A_1322 {strides = array<i32>} : memref<2x40x144xf32, #tpu.memory_space<vmem>>, vector<16xf32>,
          %mul3A_1328 = arith.mulf %get3A_1127, %exp3A_1257 : vector<16xf32>
          %swap3A_1329 = arith.constant 1 : i32
          %swap3A_1330 = arith.index_cast %swap3A_1329 : i32 to index
          %swap3A_1331 = arith.index_cast %add3A_1097 : i32 to index
          %swap3A_1332 = arith.constant 80 : index
          %swap3A_1333 = tpu.vector_load %arg16[%swap3A_1330, %swap3A_1331, %swap3A_1332] {strides = array<i32>} : memref<2x40x144xf32, #tpu.memory_space<vmem>>, vector<16xf32>,
          tpu.vector_store %arg16[%swap3A_1330, %swap3A_1331, %swap3A_1332], %mul3A_1328 {strides = array<i32>} : memref<2x40x144xf32, #tpu.memory_space<vmem>>, vector<16xf32>,
          %mul3A_1334 = arith.mulf %get3A_1132, %exp3A_1297 : vector<16xf32>
          %swap3A_1335 = arith.constant 1 : i32
          %swap3A_1336 = arith.index_cast %swap3A_1335 : i32 to index
          %swap3A_1337 = arith.index_cast %add3A_1097 : i32 to index
          %swap3A_1338 = arith.constant 96 : index
          %swap3A_1339 = tpu.vector_load %arg16[%swap3A_1336, %swap3A_1337, %swap3A_1338] {strides = array<i32>} : memref<2x40x144xf32, #tpu.memory_space<vmem>>, vector<16xf32>,
          tpu.vector_store %arg16[%swap3A_1336, %swap3A_1337, %swap3A_1338], %mul3A_1334 {strides = array<i32>} : memref<2x40x144xf32, #tpu.memory_space<vmem>>, vector<16xf32>,
          %mul3A_1340 = arith.mulf %get3A_1137, %exp3A_1297 : vector<16xf32>
          %swap3A_1341 = arith.constant 1 : i32
          %swap3A_1342 = arith.index_cast %swap3A_1341 : i32 to index
          %swap3A_1343 = arith.index_cast %add3A_1097 : i32 to index
          %swap3A_1344 = arith.constant 112 : index
          %swap3A_1345 = tpu.vector_load %arg16[%swap3A_1342, %swap3A_1343, %swap3A_1344] {strides = array<i32>} : memref<2x40x144xf32, #tpu.memory_space<vmem>>, vector<16xf32>,
          tpu.vector_store %arg16[%swap3A_1342, %swap3A_1343, %swap3A_1344], %mul3A_1340 {strides = array<i32>} : memref<2x40x144xf32, #tpu.memory_space<vmem>>, vector<16xf32>,
          %jit3A_1346 = arith.constant 0.000000e+00 : f32
          %broadcast_in_dim3A_1347 = vector.broadcast %jit3A_1346 : f32 to vector<16xf32>
          %select_n3A_1348 = arith.select %eq3A_54, %exp3A_1297, %broadcast_in_dim3A_1347 : vector<16xi1>, vector<16xf32>
          %select_n3A_1349 = arith.select %eq3A_51, %exp3A_1257, %select_n3A_1348 : vector<16xi1>, vector<16xf32>
          %select_n3A_1350 = arith.select %eq3A_48, %exp3A_1217, %select_n3A_1349 : vector<16xi1>, vector<16xf32>
          %select_n3A_1351 = arith.select %eq3A_45, %exp3A_1177, %select_n3A_1350 : vector<16xi1>, vector<16xf32>
          %swap3A_1352 = arith.constant 1 : i32
          %swap3A_1353 = arith.index_cast %swap3A_1352 : i32 to index
          %swap3A_1354 = arith.index_cast %add3A_1097 : i32 to index
          %swap3A_1355 = arith.constant 128 : index
          %swap3A_1356 = tpu.vector_load %arg16[%swap3A_1353, %swap3A_1354, %swap3A_1355] {strides = array<i32>} : memref<2x40x144xf32, #tpu.memory_space<vmem>>, vector<16xf32>,
          tpu.vector_store %arg16[%swap3A_1353, %swap3A_1354, %swap3A_1355], %select_n3A_1351 {strides = array<i32>} : memref<2x40x144xf32, #tpu.memory_space<vmem>>, vector<16xf32>,
        }
        %scan3A_290 = arith.constant 10 : i32
        %dma_wait3A_291 = arith.constant 1 : i32
        %dma_wait3A_292 = arith.constant 0 : i32
        %dma_wait3A_293 = tpu.memref_slice %arg12[%dma_wait3A_291, %dma_wait3A_292] : memref<2x40xi32, #tpu.memory_space<vmem>> -> memref<1x40xi32, #tpu.memory_space<vmem>>
        %dma_wait3A_294 = tpu.memref_squeeze %dma_wait3A_293 : memref<1x40xi32, #tpu.memory_space<vmem>> -> memref<40xi32, #tpu.memory_space<vmem>>
        %dma_wait3A_295 = arith.constant 0 : i32
        %dma_wait3A_296 = tpu.memref_slice %arg3[%dma_wait3A_295] : memref<320000xi32, #tpu.memory_space<hbm>> -> memref<40xi32, #tpu.memory_space<hbm>>
        %dma_wait3A_297 = arith.constant 0 : i32
        %dma_wait3A_298 = tpu.memref_slice %arg12[%dma_wait3A_291, %dma_wait3A_297] : memref<2x40xi32, #tpu.memory_space<vmem>> -> memref<1x40xi32, #tpu.memory_space<vmem>>
        %dma_wait3A_299 = tpu.memref_squeeze %dma_wait3A_298 : memref<1x40xi32, #tpu.memory_space<vmem>> -> memref<40xi32, #tpu.memory_space<vmem>>
        %dma_wait3A_300 = arith.constant 0 : i32
        %dma_wait3A_301 = tpu.memref_slice %arg3[%dma_wait3A_300] : memref<320000xi32, #tpu.memory_space<hbm>> -> memref<40xi32, #tpu.memory_space<hbm>>
        tpu.wait_dma2 semaphore(%arg26 : memref<!tpu.dma_semaphore, #tpu.memory_space<semaphore_mem>>) src(%dma_wait3A_301 : memref<40xi32, #tpu.memory_space<hbm>>) dst(%dma_wait3A_299 : memref<40xi32, #tpu.memory_space<vmem>>)
        %dma_start3A_302 = arith.constant 1 : i32
        %dma_start3A_303 = arith.constant 1 : i32
        %dma_start3A_304 = arith.constant 0 : i32
        %dma_start3A_305 = arith.constant 0 : i32
        %dma_start3A_306 = tpu.memref_slice %arg16[%dma_start3A_302, %dma_start3A_304, %dma_start3A_305] : memref<2x40x144xf32, #tpu.memory_space<vmem>> -> memref<1x40x144xf32, #tpu.memory_space<vmem>>
        %dma_start3A_307 = tpu.memref_squeeze %dma_start3A_306 : memref<1x40x144xf32, #tpu.memory_space<vmem>> -> memref<40x144xf32, #tpu.memory_space<vmem>>
        %dma_start3A_308 = arith.constant 0 : i32
        %dma_start3A_309 = tpu.memref_slice %arg12[%dma_start3A_303, %dma_start3A_308] : memref<2x40xi32, #tpu.memory_space<vmem>> -> memref<1x40xi32, #tpu.memory_space<vmem>>
        %dma_start3A_310 = tpu.memref_squeeze %dma_start3A_309 : memref<1x40xi32, #tpu.memory_space<vmem>> -> memref<40xi32, #tpu.memory_space<vmem>>
        %dma_start3A_311 = arith.constant 0 : i32
        %dma_start3A_312 = arith.constant 0 : i32
        %dma_start3A_313 = tpu.memref_slice %arg18[%dma_start3A_311, %dma_start3A_312] : memref<10000x144xf32, #tpu.memory_space<vmem_shared>> -> memref<10000x144xf32, #tpu.memory_space<vmem_shared>>
        tpu.enqueue_indirect_dma source(%dma_start3A_307 : memref<40x144xf32, #tpu.memory_space<vmem>>) target(%dma_start3A_313 : memref<10000x144xf32, #tpu.memory_space<vmem_shared>>) offsets(%dma_start3A_310 : memref<40xi32, #tpu.memory_space<vmem>>) semaphore(%arg24 : memref<!tpu.dma_semaphore, #tpu.memory_space<semaphore_mem>>) {add = true}
      } else {
      }
    }
    %scan3A_165 = arith.constant 250 : i32
    %dma_wait3A_166 = arith.constant 0 : i32
    %dma_wait3A_167 = arith.constant 0 : i32
    %dma_wait3A_168 = arith.constant 0 : i32
    %dma_wait3A_169 = arith.constant 0 : i32
    %dma_wait3A_170 = tpu.memref_slice %arg16[%dma_wait3A_166, %dma_wait3A_168, %dma_wait3A_169] : memref<2x40x144xf32, #tpu.memory_space<vmem>> -> memref<1x40x144xf32, #tpu.memory_space<vmem>>
    %dma_wait3A_171 = tpu.memref_squeeze %dma_wait3A_170 : memref<1x40x144xf32, #tpu.memory_space<vmem>> -> memref<40x144xf32, #tpu.memory_space<vmem>>
    %dma_wait3A_172 = arith.constant 0 : i32
    %dma_wait3A_173 = tpu.memref_slice %arg12[%dma_wait3A_167, %dma_wait3A_172] : memref<2x40xi32, #tpu.memory_space<vmem>> -> memref<1x40xi32, #tpu.memory_space<vmem>>
    %dma_wait3A_174 = tpu.memref_squeeze %dma_wait3A_173 : memref<1x40xi32, #tpu.memory_space<vmem>> -> memref<40xi32, #tpu.memory_space<vmem>>
    %dma_wait3A_175 = arith.constant 0 : i32
    %dma_wait3A_176 = arith.constant 0 : i32
    %dma_wait3A_177 = tpu.memref_slice %arg18[%dma_wait3A_175, %dma_wait3A_176] : memref<10000x144xf32, #tpu.memory_space<vmem_shared>> -> memref<10000x144xf32, #tpu.memory_space<vmem_shared>>
    tpu.wait_indirect_dma semaphore(%arg23 : memref<!tpu.dma_semaphore, #tpu.memory_space<semaphore_mem>>) src(%dma_wait3A_171 : memref<40x144xf32, #tpu.memory_space<vmem>>) dst(%dma_wait3A_177 : memref<10000x144xf32, #tpu.memory_space<vmem_shared>>)
    %dma_wait3A_178 = arith.constant 1 : i32
    %dma_wait3A_179 = arith.constant 1 : i32
    %dma_wait3A_180 = arith.constant 0 : i32
    %dma_wait3A_181 = arith.constant 0 : i32
    %dma_wait3A_182 = tpu.memref_slice %arg16[%dma_wait3A_178, %dma_wait3A_180, %dma_wait3A_181] : memref<2x40x144xf32, #tpu.memory_space<vmem>> -> memref<1x40x144xf32, #tpu.memory_space<vmem>>
    %dma_wait3A_183 = tpu.memref_squeeze %dma_wait3A_182 : memref<1x40x144xf32, #tpu.memory_space<vmem>> -> memref<40x144xf32, #tpu.memory_space<vmem>>
    %dma_wait3A_184 = arith.constant 0 : i32
    %dma_wait3A_185 = tpu.memref_slice %arg12[%dma_wait3A_179, %dma_wait3A_184] : memref<2x40xi32, #tpu.memory_space<vmem>> -> memref<1x40xi32, #tpu.memory_space<vmem>>
    %dma_wait3A_186 = tpu.memref_squeeze %dma_wait3A_185 : memref<1x40xi32, #tpu.memory_space<vmem>> -> memref<40xi32, #tpu.memory_space<vmem>>
    %dma_wait3A_187 = arith.constant 0 : i32
    %dma_wait3A_188 = arith.constant 0 : i32
    %dma_wait3A_189 = tpu.memref_slice %arg18[%dma_wait3A_187, %dma_wait3A_188] : memref<10000x144xf32, #tpu.memory_space<vmem_shared>> -> memref<10000x144xf32, #tpu.memory_space<vmem_shared>>
    tpu.wait_indirect_dma semaphore(%arg24 : memref<!tpu.dma_semaphore, #tpu.memory_space<semaphore_mem>>) src(%dma_wait3A_183 : memref<40x144xf32, #tpu.memory_space<vmem>>) dst(%dma_wait3A_189 : memref<10000x144xf32, #tpu.memory_space<vmem_shared>>)
    %barrier3A_190 = arith.constant 0 : index
    tpu.barrier barrier_id(%barrier3A_190)
    %scan3A_191 = arith.constant 0 : i32
    %scan3A_192 = arith.constant 0 : i32
    %scan3A_193 = arith.constant 4 : i32
    %scan3A_194 = arith.addi %scan3A_192, %scan3A_193 : i32
    %scan3A_195 = arith.constant 1 : i32
    scf.for %scan3A_197 = %scan3A_192 to %scan3A_194 step %scan3A_195  : i32 {
      %mul3A_198 = arith.constant 16 : i32
      %mul3A_199 = arith.muli %scan3A_197, %mul3A_198 : i32
      %add3A_200 = arith.addi %arg1, %mul3A_199 : i32
      %lt3A = arith.constant 50 : i32
      %lt3A_201 = arith.cmpi slt, %add3A_200, %lt3A : i32
      %convert_element_type3A = arith.extui %lt3A_201 : i1 to i32
      %cond3A = arith.constant 0 : i32
      %cond3A_202 = arith.cmpi ne, %convert_element_type3A, %cond3A : i32
      scf.if %cond3A_202 {
        %mul3A_203 = arith.constant 200 : i32
        %mul3A_204 = arith.muli %add3A_200, %mul3A_203 : i32
        "tpu.region"() ({
          %run_scoped3A = tpu.sem_alloc : memref<!tpu.dma_semaphore, #tpu.memory_space<semaphore_mem>>
          %dma_start3A_205 = arith.constant 0 : i32
          %dma_start3A_206 = tpu.memref_slice %arg8[%arg0, %mul3A_204, %dma_start3A_205] : memref<2x10000x128xf32, #tpu.memory_space<hbm>> -> memref<1x200x128xf32, #tpu.memory_space<hbm>>
          %dma_start3A_207 = tpu.memref_squeeze %dma_start3A_206 : memref<1x200x128xf32, #tpu.memory_space<hbm>> -> memref<200x128xf32, #tpu.memory_space<hbm>>
          %dma_start3A_208 = arith.constant 0 : i32
          %dma_start3A_209 = tpu.memref_slice %arg18[%mul3A_204, %dma_start3A_208] : memref<10000x144xf32, #tpu.memory_space<vmem_shared>> -> memref<200x128xf32, #tpu.memory_space<vmem_shared>>
          tpu.enqueue_dma source(%dma_start3A_209 : memref<200x128xf32, #tpu.memory_space<vmem_shared>>) target(%dma_start3A_207 : memref<200x128xf32, #tpu.memory_space<hbm>>) target_semaphore(%run_scoped3A : memref<!tpu.dma_semaphore, #tpu.memory_space<semaphore_mem>>)
          %dma_wait3A_210 = arith.constant 0 : i32
          %dma_wait3A_211 = tpu.memref_slice %arg8[%arg0, %mul3A_204, %dma_wait3A_210] : memref<2x10000x128xf32, #tpu.memory_space<hbm>> -> memref<1x200x128xf32, #tpu.memory_space<hbm>>
          %dma_wait3A_212 = tpu.memref_squeeze %dma_wait3A_211 : memref<1x200x128xf32, #tpu.memory_space<hbm>> -> memref<200x128xf32, #tpu.memory_space<hbm>>
          %dma_wait3A_213 = arith.constant 0 : i32
          %dma_wait3A_214 = tpu.memref_slice %arg18[%mul3A_204, %dma_wait3A_213] : memref<10000x144xf32, #tpu.memory_space<vmem_shared>> -> memref<200x128xf32, #tpu.memory_space<vmem_shared>>
          tpu.wait_dma2 semaphore(%run_scoped3A : memref<!tpu.dma_semaphore, #tpu.memory_space<semaphore_mem>>) src(%dma_wait3A_214 : memref<200x128xf32, #tpu.memory_space<vmem_shared>>) dst(%dma_wait3A_212 : memref<200x128xf32, #tpu.memory_space<hbm>>)
          tpu.yield
        }) : () -> ()
        "tpu.region"() ({
          %run_scoped3A = tpu.sem_alloc : memref<!tpu.dma_semaphore, #tpu.memory_space<semaphore_mem>>
          %dma_start3A_205 = arith.constant 0 : i32
          %dma_start3A_206 = tpu.memref_slice %arg9[%arg0, %mul3A_204, %dma_start3A_205] : memref<2x10000x16xf32, #tpu.memory_space<hbm>> -> memref<1x200x16xf32, #tpu.memory_space<hbm>>
          %dma_start3A_207 = tpu.memref_squeeze %dma_start3A_206 : memref<1x200x16xf32, #tpu.memory_space<hbm>> -> memref<200x16xf32, #tpu.memory_space<hbm>>
          %dma_start3A_208 = arith.constant 128 : i32
          %dma_start3A_209 = tpu.memref_slice %arg18[%mul3A_204, %dma_start3A_208] : memref<10000x144xf32, #tpu.memory_space<vmem_shared>> -> memref<200x16xf32, #tpu.memory_space<vmem_shared>>
          tpu.enqueue_dma source(%dma_start3A_209 : memref<200x16xf32, #tpu.memory_space<vmem_shared>>) target(%dma_start3A_207 : memref<200x16xf32, #tpu.memory_space<hbm>>) target_semaphore(%run_scoped3A : memref<!tpu.dma_semaphore, #tpu.memory_space<semaphore_mem>>)
          %dma_wait3A_210 = arith.constant 0 : i32
          %dma_wait3A_211 = tpu.memref_slice %arg9[%arg0, %mul3A_204, %dma_wait3A_210] : memref<2x10000x16xf32, #tpu.memory_space<hbm>> -> memref<1x200x16xf32, #tpu.memory_space<hbm>>
          %dma_wait3A_212 = tpu.memref_squeeze %dma_wait3A_211 : memref<1x200x16xf32, #tpu.memory_space<hbm>> -> memref<200x16xf32, #tpu.memory_space<hbm>>
          %dma_wait3A_213 = arith.constant 128 : i32
          %dma_wait3A_214 = tpu.memref_slice %arg18[%mul3A_204, %dma_wait3A_213] : memref<10000x144xf32, #tpu.memory_space<vmem_shared>> -> memref<200x16xf32, #tpu.memory_space<vmem_shared>>
          tpu.wait_dma2 semaphore(%run_scoped3A : memref<!tpu.dma_semaphore, #tpu.memory_space<semaphore_mem>>) src(%dma_wait3A_214 : memref<200x16xf32, #tpu.memory_space<vmem_shared>>) dst(%dma_wait3A_212 : memref<200x16xf32, #tpu.memory_space<hbm>>)
          tpu.yield
        }) : () -> ()
      } else {
      }
    }
    %scan3A_196 = arith.constant 4 : i32
    return
  }
}

module attributes {stable_mosaic.version = 14 : i64} {
  func.func @body(%arg0: i32, %arg1: memref<16x6400xf32, #tpu.memory_space<vmem>>, %arg2: memref<16x6400xf32, #tpu.memory_space<vmem>>, %arg3: memref<16x64xf32, #tpu.memory_space<vmem>>, %arg4: memref<16x64xf32, #tpu.memory_space<vmem>>, %arg5: memref<6400x128xi32, #tpu.memory_space<vmem>>) attributes {dimension_semantics = [#tpu.dimension_semantics<arbitrary>], iteration_bounds = array<i64: 25>, scalar_prefetch = 0 : i64, scratch_operands = 0 : i64, tpu.core_type = #tpu.core_type<tc>, window_params = [{transform_indices = @transform_0, window_bounds = array<i64: 16, 6400>}, {transform_indices = @transform_1, window_bounds = array<i64: 16, 6400>}, {pipeline_mode = #tpu.pipeline_mode<synchronous>, transform_indices = @transform_2, window_bounds = array<i64: 16, 64>}, {pipeline_mode = #tpu.pipeline_mode<synchronous>, transform_indices = @transform_3, window_bounds = array<i64: 16, 64>}, {transform_indices = @transform_4, window_bounds = array<i64: 6400, 128>}]} {
    %get3A = arith.constant 0 : index
    %get3A_0 = arith.constant 0 : index
    %get3A_1 = vector.load %arg3[%get3A, %get3A_0] : memref<16x64xf32, #tpu.memory_space<vmem>>, vector<16x64xf32>
    %get3A_2 = arith.constant 0 : index
    %get3A_3 = arith.constant 0 : index
    %get3A_4 = vector.load %arg4[%get3A_2, %get3A_3] : memref<16x64xf32, #tpu.memory_space<vmem>>, vector<16x64xf32>
    %get3A_5 = arith.constant 0 : index
    %get3A_6 = arith.constant 0 : index
    %get3A_7 = vector.load %arg1[%get3A_5, %get3A_6] : memref<16x6400xf32, #tpu.memory_space<vmem>>, vector<16x6400xf32>
    %dot_general3A = arith.constant dense<0.000000e+00> : vector<6400x64xf32>
    %dot_general3A_8 = tpu.matmul %get3A_7, %get3A_1, %dot_general3A {dimension_numbers = #tpu.dot_dimension_numbers<[0], [0], [1], [1], [0, 1, 1, 1], [], []>, transpose_lhs_hint = false} : vector<16x6400xf32>, vector<16x64xf32>, vector<6400x64xf32> -> vector<6400x64xf32>
    %dot_general3A_9 = arith.constant dense<0.000000e+00> : vector<6400x64xf32>
    %dot_general3A_10 = tpu.matmul %get3A_7, %get3A_4, %dot_general3A_9 {dimension_numbers = #tpu.dot_dimension_numbers<[0], [0], [1], [1], [0, 1, 1, 1], [], []>, transpose_lhs_hint = false} : vector<16x6400xf32>, vector<16x64xf32>, vector<6400x64xf32> -> vector<6400x64xf32>
    %convert_element_type3A = arith.truncf %dot_general3A_8 : vector<6400x64xf32> to vector<6400x64xbf16>
    %bitcast_convert_type3A = tpu.bitcast %convert_element_type3A : vector<6400x64xbf16> -> vector<6400x64xi16>
    %convert_element_type3A_11 = arith.truncf %dot_general3A_10 : vector<6400x64xf32> to vector<6400x64xbf16>
    %bitcast_convert_type3A_12 = tpu.bitcast %convert_element_type3A_11 : vector<6400x64xbf16> -> vector<6400x64xi16>
    %convert_element_type3A_13 = arith.extui %bitcast_convert_type3A : vector<6400x64xi16> to vector<6400x64xi32>
    %convert_element_type3A_14 = arith.extui %bitcast_convert_type3A_12 : vector<6400x64xi16> to vector<6400x64xi32>
    %shift_left3A = arith.constant 16 : i32
    %shift_left3A_15 = vector.broadcast %shift_left3A : i32 to vector<6400x64xi32>
    %shift_left3A_16 = arith.shli %convert_element_type3A_14, %shift_left3A_15 : vector<6400x64xi32>
    %or3A = arith.ori %convert_element_type3A_13, %shift_left3A_16 : vector<6400x64xi32>
    %get3A_17 = arith.constant 0 : index
    %get3A_18 = arith.constant 0 : index
    %get3A_19 = vector.load %arg2[%get3A_17, %get3A_18] : memref<16x6400xf32, #tpu.memory_space<vmem>>, vector<16x6400xf32>
    %dot_general3A_20 = arith.constant dense<0.000000e+00> : vector<6400x64xf32>
    %dot_general3A_21 = tpu.matmul %get3A_19, %get3A_1, %dot_general3A_20 {dimension_numbers = #tpu.dot_dimension_numbers<[0], [0], [1], [1], [0, 1, 1, 1], [], []>, transpose_lhs_hint = false} : vector<16x6400xf32>, vector<16x64xf32>, vector<6400x64xf32> -> vector<6400x64xf32>
    %dot_general3A_22 = arith.constant dense<0.000000e+00> : vector<6400x64xf32>
    %dot_general3A_23 = tpu.matmul %get3A_19, %get3A_4, %dot_general3A_22 {dimension_numbers = #tpu.dot_dimension_numbers<[0], [0], [1], [1], [0, 1, 1, 1], [], []>, transpose_lhs_hint = false} : vector<16x6400xf32>, vector<16x64xf32>, vector<6400x64xf32> -> vector<6400x64xf32>
    %convert_element_type3A_24 = arith.truncf %dot_general3A_21 : vector<6400x64xf32> to vector<6400x64xbf16>
    %bitcast_convert_type3A_25 = tpu.bitcast %convert_element_type3A_24 : vector<6400x64xbf16> -> vector<6400x64xi16>
    %convert_element_type3A_26 = arith.truncf %dot_general3A_23 : vector<6400x64xf32> to vector<6400x64xbf16>
    %bitcast_convert_type3A_27 = tpu.bitcast %convert_element_type3A_26 : vector<6400x64xbf16> -> vector<6400x64xi16>
    %convert_element_type3A_28 = arith.extui %bitcast_convert_type3A_25 : vector<6400x64xi16> to vector<6400x64xi32>
    %convert_element_type3A_29 = arith.extui %bitcast_convert_type3A_27 : vector<6400x64xi16> to vector<6400x64xi32>
    %shift_left3A_30 = arith.constant 16 : i32
    %shift_left3A_31 = vector.broadcast %shift_left3A_30 : i32 to vector<6400x64xi32>
    %shift_left3A_32 = arith.shli %convert_element_type3A_29, %shift_left3A_31 : vector<6400x64xi32>
    %or3A_33 = arith.ori %convert_element_type3A_28, %shift_left3A_32 : vector<6400x64xi32>
    %concatenate3A = tpu.concatenate %or3A, %or3A_33 in 1 : vector<6400x64xi32>, vector<6400x64xi32> -> vector<6400x128xi32>
    %swap3A = arith.constant 0 : index
    %swap3A_34 = arith.constant 0 : index
    %swap3A_35 = vector.load %arg5[%swap3A, %swap3A_34] : memref<6400x128xi32, #tpu.memory_space<vmem>>, vector<6400x128xi32>
    tpu.vector_store %arg5[%swap3A, %swap3A_34], %concatenate3A {strides = array<i32>} : memref<6400x128xi32, #tpu.memory_space<vmem>>, vector<6400x128xi32>,
    return
  }
  func.func @transform_0(%arg0: i32) -> (i32, i32) {
    %c0_i32 = arith.constant 0 : i32
    %c0_i32_0 = arith.constant 0 : i32
    return %c0_i32, %arg0 : i32, i32
  }
  func.func @transform_1(%arg0: i32) -> (i32, i32) {
    %add3A = arith.constant 25 : i32
    %add3A_0 = arith.addi %arg0, %add3A : i32
    %c0_i32 = arith.constant 0 : i32
    %c0_i32_1 = arith.constant 0 : i32
    return %c0_i32, %add3A_0 : i32, i32
  }
  func.func @transform_2(%arg0: i32) -> (i32, i32) {
    %c0_i32 = arith.constant 0 : i32
    %c0_i32_0 = arith.constant 0 : i32
    %c0_i32_1 = arith.constant 0 : i32
    return %c0_i32, %c0_i32_0 : i32, i32
  }
  func.func @transform_3(%arg0: i32) -> (i32, i32) {
    %c0_i32 = arith.constant 0 : i32
    %c0_i32_0 = arith.constant 0 : i32
    %c0_i32_1 = arith.constant 0 : i32
    return %c0_i32, %c0_i32_0 : i32, i32
  }
  func.func @transform_4(%arg0: i32) -> (i32, i32) {
    %c0_i32 = arith.constant 0 : i32
    %c0_i32_0 = arith.constant 0 : i32
    return %arg0, %c0_i32 : i32, i32
  }
}

module attributes {stable_mosaic.version = 14 : i64} {
  func.func @body(%arg0: i32, %arg1: memref<2000x128xf32, #tpu.memory_space<vmem>>, %arg2: memref<128x128xf32, #tpu.memory_space<vmem>>, %arg3: memref<1x128xf32, #tpu.memory_space<vmem>>, %arg4: memref<128x128xf32, #tpu.memory_space<vmem>>, %arg5: memref<1x128xf32, #tpu.memory_space<vmem>>, %arg6: memref<2000x128xf32, #tpu.memory_space<vmem>>, %arg7: memref<2000x128xf32, #tpu.memory_space<vmem>>) attributes {dimension_semantics = [#tpu.dimension_semantics<arbitrary>], iteration_bounds = array<i64: 5>, scalar_prefetch = 0 : i64, scratch_operands = 0 : i64, tpu.core_type = #tpu.core_type<tc>, window_params = [{transform_indices = @transform_0, window_bounds = array<i64: 2000, 128>}, {pipeline_mode = #tpu.pipeline_mode<synchronous>, transform_indices = @transform_1, window_bounds = array<i64: 128, 128>}, {pipeline_mode = #tpu.pipeline_mode<synchronous>, transform_indices = @transform_2, window_bounds = array<i64: 1, 128>}, {pipeline_mode = #tpu.pipeline_mode<synchronous>, transform_indices = @transform_3, window_bounds = array<i64: 128, 128>}, {pipeline_mode = #tpu.pipeline_mode<synchronous>, transform_indices = @transform_4, window_bounds = array<i64: 1, 128>}, {transform_indices = @transform_5, window_bounds = array<i64: 2000, 128>}, {transform_indices = @transform_6, window_bounds = array<i64: 2000, 128>}]} {
    %get3A = arith.constant 0 : index
    %get3A_0 = arith.constant 0 : index
    %get3A_1 = vector.load %arg1[%get3A, %get3A_0] : memref<2000x128xf32, #tpu.memory_space<vmem>>, vector<2000x128xf32>
    %get3A_2 = arith.constant 0 : index
    %get3A_3 = arith.constant 0 : index
    %get3A_4 = vector.load %arg2[%get3A_2, %get3A_3] : memref<128x128xf32, #tpu.memory_space<vmem>>, vector<128x128xf32>
    %dot_general3A = arith.constant dense<0.000000e+00> : vector<2000x128xf32>
    %dot_general3A_5 = tpu.matmul %get3A_1, %get3A_4, %dot_general3A {dimension_numbers = #tpu.dot_dimension_numbers<[1], [0], [0], [1], [0, 0, 1, 1], [], []>, transpose_lhs_hint = false} : vector<2000x128xf32>, vector<128x128xf32>, vector<2000x128xf32> -> vector<2000x128xf32>
    %get3A_6 = arith.constant 0 : index
    %get3A_7 = arith.constant 0 : index
    %get3A_8 = vector.load %arg3[%get3A_6, %get3A_7] : memref<1x128xf32, #tpu.memory_space<vmem>>, vector<1x128xf32>
    %add3A = vector.broadcast %get3A_8 : vector<1x128xf32> to vector<2000x128xf32>
    %add3A_9 = arith.addf %dot_general3A_5, %add3A : vector<2000x128xf32>
    %swap3A = arith.constant 0 : index
    %swap3A_10 = arith.constant 0 : index
    %swap3A_11 = vector.load %arg6[%swap3A, %swap3A_10] : memref<2000x128xf32, #tpu.memory_space<vmem>>, vector<2000x128xf32>
    tpu.vector_store %arg6[%swap3A, %swap3A_10], %add3A_9 {strides = array<i32>} : memref<2000x128xf32, #tpu.memory_space<vmem>>, vector<2000x128xf32>,
    %get3A_12 = arith.constant 0 : index
    %get3A_13 = arith.constant 0 : index
    %get3A_14 = vector.load %arg4[%get3A_12, %get3A_13] : memref<128x128xf32, #tpu.memory_space<vmem>>, vector<128x128xf32>
    %dot_general3A_15 = arith.constant dense<0.000000e+00> : vector<2000x128xf32>
    %dot_general3A_16 = tpu.matmul %get3A_1, %get3A_14, %dot_general3A_15 {dimension_numbers = #tpu.dot_dimension_numbers<[1], [0], [0], [1], [0, 0, 1, 1], [], []>, transpose_lhs_hint = false} : vector<2000x128xf32>, vector<128x128xf32>, vector<2000x128xf32> -> vector<2000x128xf32>
    %get3A_17 = arith.constant 0 : index
    %get3A_18 = arith.constant 0 : index
    %get3A_19 = vector.load %arg5[%get3A_17, %get3A_18] : memref<1x128xf32, #tpu.memory_space<vmem>>, vector<1x128xf32>
    %add3A_20 = vector.broadcast %get3A_19 : vector<1x128xf32> to vector<2000x128xf32>
    %add3A_21 = arith.addf %dot_general3A_16, %add3A_20 : vector<2000x128xf32>
    %swap3A_22 = arith.constant 0 : index
    %swap3A_23 = arith.constant 0 : index
    %swap3A_24 = vector.load %arg7[%swap3A_22, %swap3A_23] : memref<2000x128xf32, #tpu.memory_space<vmem>>, vector<2000x128xf32>
    tpu.vector_store %arg7[%swap3A_22, %swap3A_23], %add3A_21 {strides = array<i32>} : memref<2000x128xf32, #tpu.memory_space<vmem>>, vector<2000x128xf32>,
    return
  }
  func.func @transform_0(%arg0: i32) -> (i32, i32) {
    %c0_i32 = arith.constant 0 : i32
    %c0_i32_0 = arith.constant 0 : i32
    return %arg0, %c0_i32 : i32, i32
  }
  func.func @transform_1(%arg0: i32) -> (i32, i32) {
    %c0_i32 = arith.constant 0 : i32
    %c0_i32_0 = arith.constant 0 : i32
    %c0_i32_1 = arith.constant 0 : i32
    return %c0_i32, %c0_i32_0 : i32, i32
  }
  func.func @transform_2(%arg0: i32) -> (i32, i32) {
    %c0_i32 = arith.constant 0 : i32
    %c0_i32_0 = arith.constant 0 : i32
    %c0_i32_1 = arith.constant 0 : i32
    return %c0_i32, %c0_i32_0 : i32, i32
  }
  func.func @transform_3(%arg0: i32) -> (i32, i32) {
    %c0_i32 = arith.constant 0 : i32
    %c0_i32_0 = arith.constant 0 : i32
    %c0_i32_1 = arith.constant 0 : i32
    return %c0_i32, %c0_i32_0 : i32, i32
  }
  func.func @transform_4(%arg0: i32) -> (i32, i32) {
    %c0_i32 = arith.constant 0 : i32
    %c0_i32_0 = arith.constant 0 : i32
    %c0_i32_1 = arith.constant 0 : i32
    return %c0_i32, %c0_i32_0 : i32, i32
  }
  func.func @transform_5(%arg0: i32) -> (i32, i32) {
    %c0_i32 = arith.constant 0 : i32
    %c0_i32_0 = arith.constant 0 : i32
    return %arg0, %c0_i32 : i32, i32
  }
  func.func @transform_6(%arg0: i32) -> (i32, i32) {
    %c0_i32 = arith.constant 0 : i32
    %c0_i32_0 = arith.constant 0 : i32
    return %arg0, %c0_i32 : i32, i32
  }
}

module attributes {stable_mosaic.version = 14 : i64} {
  func.func @body(%arg0: i32, %arg1: memref<2000x128xf32, #tpu.memory_space<vmem>>, %arg2: memref<2000x128xf32, #tpu.memory_space<vmem>>, %arg3: memref<2000x128xf32, #tpu.memory_space<vmem>>, %arg4: memref<1x2000x128xf32, #tpu.memory_space<vmem>>, %arg5: memref<1x2000x128xf32, #tpu.memory_space<vmem>>, %arg6: memref<1x2000x16xf32, #tpu.memory_space<vmem>>, %arg7: memref<1x2000x16xf32, #tpu.memory_space<vmem>>, %arg8: memref<1x2000x16xf32, #tpu.memory_space<vmem>>, %arg9: memref<1x2000x16xf32, #tpu.memory_space<vmem>>, %arg10: memref<1x2000x16xf32, #tpu.memory_space<vmem>>, %arg11: memref<1x2000x16xf32, #tpu.memory_space<vmem>>, %arg12: memref<16x128xf32, #tpu.memory_space<vmem>>, %arg13: memref<1x128xf32, #tpu.memory_space<vmem>>, %arg14: memref<1x128xf32, #tpu.memory_space<vmem>>, %arg15: memref<1x128xf32, #tpu.memory_space<vmem>>, %arg16: memref<1x128xf32, #tpu.memory_space<vmem>>, %arg17: memref<8x128xf32, #tpu.memory_space<vmem>>, %arg18: memref<2000x128xf32, #tpu.memory_space<vmem>>) attributes {dimension_semantics = [#tpu.dimension_semantics<arbitrary>], iteration_bounds = array<i64: 5>, scalar_prefetch = 0 : i64, scratch_operands = 0 : i64, tpu.core_type = #tpu.core_type<tc>, window_params = [{transform_indices = @transform_0, window_bounds = array<i64: 2000, 128>}, {transform_indices = @transform_1, window_bounds = array<i64: 2000, 128>}, {transform_indices = @transform_2, window_bounds = array<i64: 2000, 128>}, {transform_indices = @transform_3, window_bounds = array<i64: 1, 2000, 128>}, {transform_indices = @transform_4, window_bounds = array<i64: 1, 2000, 128>}, {transform_indices = @transform_5, window_bounds = array<i64: 1, 2000, 16>}, {transform_indices = @transform_6, window_bounds = array<i64: 1, 2000, 16>}, {transform_indices = @transform_7, window_bounds = array<i64: 1, 2000, 16>}, {transform_indices = @transform_8, window_bounds = array<i64: 1, 2000, 16>}, {transform_indices = @transform_9, window_bounds = array<i64: 1, 2000, 16>}, {transform_indices = @transform_10, window_bounds = array<i64: 1, 2000, 16>}, {pipeline_mode = #tpu.pipeline_mode<synchronous>, transform_indices = @transform_11, window_bounds = array<i64: 16, 128>}, {pipeline_mode = #tpu.pipeline_mode<synchronous>, transform_indices = @transform_12, window_bounds = array<i64: 1, 128>}, {pipeline_mode = #tpu.pipeline_mode<synchronous>, transform_indices = @transform_13, window_bounds = array<i64: 1, 128>}, {pipeline_mode = #tpu.pipeline_mode<synchronous>, transform_indices = @transform_14, window_bounds = array<i64: 1, 128>}, {pipeline_mode = #tpu.pipeline_mode<synchronous>, transform_indices = @transform_15, window_bounds = array<i64: 1, 128>}, {pipeline_mode = #tpu.pipeline_mode<synchronous>, transform_indices = @transform_16, window_bounds = array<i64: 8, 128>}, {transform_indices = @transform_17, window_bounds = array<i64: 2000, 128>}]} {
    %get3A = arith.constant 0 : index
    %get3A_0 = arith.constant 0 : index
    %get3A_1 = vector.load %arg1[%get3A, %get3A_0] : memref<2000x128xf32, #tpu.memory_space<vmem>>, vector<2000x128xf32>
    %get3A_2 = arith.constant 0 : index
    %get3A_3 = arith.constant 0 : index
    %get3A_4 = vector.load %arg2[%get3A_2, %get3A_3] : memref<2000x128xf32, #tpu.memory_space<vmem>>, vector<2000x128xf32>
    %get3A_5 = arith.constant 0 : index
    %get3A_6 = arith.constant 0 : index
    %get3A_7 = vector.load %arg3[%get3A_5, %get3A_6] : memref<2000x128xf32, #tpu.memory_space<vmem>>, vector<2000x128xf32>
    %get3A_8 = arith.constant 0 : index
    %get3A_9 = arith.constant 0 : index
    %get3A_10 = arith.constant 0 : index
    %get3A_11 = vector.load %arg4[%get3A_8, %get3A_9, %get3A_10] : memref<1x2000x128xf32, #tpu.memory_space<vmem>>, vector<1x2000x128xf32>
    %get3A_12 = vector.shape_cast %get3A_11 : vector<1x2000x128xf32> to vector<2000x128xf32>
    %get3A_13 = arith.constant 0 : index
    %get3A_14 = arith.constant 0 : index
    %get3A_15 = arith.constant 0 : index
    %get3A_16 = vector.load %arg5[%get3A_13, %get3A_14, %get3A_15] : memref<1x2000x128xf32, #tpu.memory_space<vmem>>, vector<1x2000x128xf32>
    %get3A_17 = vector.shape_cast %get3A_16 : vector<1x2000x128xf32> to vector<2000x128xf32>
    %get3A_18 = arith.constant 0 : index
    %get3A_19 = arith.constant 0 : index
    %get3A_20 = arith.constant 0 : index
    %get3A_21 = vector.load %arg6[%get3A_18, %get3A_19, %get3A_20] : memref<1x2000x16xf32, #tpu.memory_space<vmem>>, vector<1x2000x16xf32>
    %get3A_22 = vector.shape_cast %get3A_21 : vector<1x2000x16xf32> to vector<2000x16xf32>
    %slice3A = vector.extract_strided_slice %get3A_22 {offsets = [0, 0], sizes = [2000, 8], strides = [1, 1]} : vector<2000x16xf32> to vector<2000x8xf32>
    %get3A_23 = arith.constant 0 : index
    %get3A_24 = arith.constant 0 : index
    %get3A_25 = arith.constant 0 : index
    %get3A_26 = vector.load %arg7[%get3A_23, %get3A_24, %get3A_25] : memref<1x2000x16xf32, #tpu.memory_space<vmem>>, vector<1x2000x16xf32>
    %get3A_27 = vector.shape_cast %get3A_26 : vector<1x2000x16xf32> to vector<2000x16xf32>
    %slice3A_28 = vector.extract_strided_slice %get3A_27 {offsets = [0, 0], sizes = [2000, 8], strides = [1, 1]} : vector<2000x16xf32> to vector<2000x8xf32>
    %add3A = arith.addf %slice3A, %slice3A_28 : vector<2000x8xf32>
    %get3A_29 = arith.constant 0 : index
    %get3A_30 = arith.constant 0 : index
    %get3A_31 = arith.constant 0 : index
    %get3A_32 = vector.load %arg10[%get3A_29, %get3A_30, %get3A_31] : memref<1x2000x16xf32, #tpu.memory_space<vmem>>, vector<1x2000x16xf32>
    %get3A_33 = vector.shape_cast %get3A_32 : vector<1x2000x16xf32> to vector<2000x16xf32>
    %get3A_34 = arith.constant 0 : index
    %get3A_35 = arith.constant 0 : index
    %get3A_36 = arith.constant 0 : index
    %get3A_37 = vector.load %arg11[%get3A_34, %get3A_35, %get3A_36] : memref<1x2000x16xf32, #tpu.memory_space<vmem>>, vector<1x2000x16xf32>
    %get3A_38 = vector.shape_cast %get3A_37 : vector<1x2000x16xf32> to vector<2000x16xf32>
    %add3A_39 = arith.addf %get3A_33, %get3A_38 : vector<2000x16xf32>
    %get3A_40 = arith.constant 0 : index
    %get3A_41 = arith.constant 0 : index
    %get3A_42 = arith.constant 0 : index
    %get3A_43 = vector.load %arg8[%get3A_40, %get3A_41, %get3A_42] : memref<1x2000x16xf32, #tpu.memory_space<vmem>>, vector<1x2000x16xf32>
    %get3A_44 = vector.shape_cast %get3A_43 : vector<1x2000x16xf32> to vector<2000x16xf32>
    %get3A_45 = arith.constant 0 : index
    %get3A_46 = arith.constant 0 : index
    %get3A_47 = arith.constant 0 : index
    %get3A_48 = vector.load %arg9[%get3A_45, %get3A_46, %get3A_47] : memref<1x2000x16xf32, #tpu.memory_space<vmem>>, vector<1x2000x16xf32>
    %get3A_49 = vector.shape_cast %get3A_48 : vector<1x2000x16xf32> to vector<2000x16xf32>
    %add3A_50 = arith.addf %get3A_44, %get3A_49 : vector<2000x16xf32>
    %max3A = arith.constant 1.000000e+00 : f32
    %max3A_51 = vector.broadcast %max3A : f32 to vector<2000x16xf32>
    %max3A_52 = arith.maximumf %add3A_39, %max3A_51 : vector<2000x16xf32>
    %div3A = arith.divf %add3A_50, %max3A_52 : vector<2000x16xf32>
    %get3A_53 = arith.constant 0 : index
    %get3A_54 = arith.constant 0 : index
    %get3A_55 = vector.load %arg12[%get3A_53, %get3A_54] : memref<16x128xf32, #tpu.memory_space<vmem>>, vector<16x128xf32>
    %dot_general3A = arith.constant dense<0.000000e+00> : vector<2000x128xf32>
    %dot_general3A_56 = tpu.matmul %div3A, %get3A_55, %dot_general3A {dimension_numbers = #tpu.dot_dimension_numbers<[1], [0], [0], [1], [0, 0, 1, 1], [], []>, transpose_lhs_hint = false} : vector<2000x16xf32>, vector<16x128xf32>, vector<2000x128xf32> -> vector<2000x128xf32>
    %add3A_57 = arith.addf %get3A_4, %get3A_7 : vector<2000x128xf32>
    %add3A_58 = arith.addf %add3A_57, %dot_general3A_56 : vector<2000x128xf32>
    %mul3A = arith.constant 2.000000e-01 : f32
    %mul3A_59 = vector.broadcast %mul3A : f32 to vector<2000x128xf32>
    %mul3A_60 = arith.mulf %add3A_58, %mul3A_59 : vector<2000x128xf32>
    %max3A_61 = arith.maximumf %add3A_58, %mul3A_60 : vector<2000x128xf32>
    %get3A_62 = arith.constant 0 : index
    %get3A_63 = arith.constant 0 : index
    %get3A_64 = vector.load %arg13[%get3A_62, %get3A_63] : memref<1x128xf32, #tpu.memory_space<vmem>>, vector<1x128xf32>
    %mul3A_65 = vector.broadcast %get3A_64 : vector<1x128xf32> to vector<2000x128xf32>
    %mul3A_66 = arith.mulf %max3A_61, %mul3A_65 : vector<2000x128xf32>
    %get3A_67 = arith.constant 0 : index
    %get3A_68 = arith.constant 0 : index
    %get3A_69 = vector.load %arg17[%get3A_67, %get3A_68] : memref<8x128xf32, #tpu.memory_space<vmem>>, vector<8x128xf32>
    %transpose3A = tpu.transpose %get3A_69, [1, 0] : vector<8x128xf32> -> vector<128x8xf32>
    %dot_general3A_70 = arith.constant dense<0.000000e+00> : vector<2000x8xf32>
    %dot_general3A_71 = tpu.matmul %mul3A_66, %transpose3A, %dot_general3A_70 {dimension_numbers = #tpu.dot_dimension_numbers<[1], [0], [0], [1], [0, 0, 1, 1], [], []>, transpose_lhs_hint = false} : vector<2000x128xf32>, vector<128x8xf32>, vector<2000x8xf32> -> vector<2000x8xf32>
    %exp3A = math.exp %dot_general3A_71 : vector<2000x8xf32>
    %add3A_72 = arith.addf %add3A, %exp3A : vector<2000x8xf32>
    %dot_general3A_73 = arith.constant dense<0.000000e+00> : vector<2000x128xf32>
    %dot_general3A_74 = tpu.matmul %add3A_72, %get3A_69, %dot_general3A_73 {dimension_numbers = #tpu.dot_dimension_numbers<[1], [0], [0], [1], [0, 0, 1, 1], [], []>, transpose_lhs_hint = false} : vector<2000x8xf32>, vector<8x128xf32>, vector<2000x128xf32> -> vector<2000x128xf32>
    %dot_general3A_75 = arith.constant dense<0.000000e+00> : vector<2000x128xf32>
    %dot_general3A_76 = tpu.matmul %exp3A, %get3A_69, %dot_general3A_75 {dimension_numbers = #tpu.dot_dimension_numbers<[1], [0], [0], [1], [0, 0, 1, 1], [], []>, transpose_lhs_hint = false} : vector<2000x8xf32>, vector<8x128xf32>, vector<2000x128xf32> -> vector<2000x128xf32>
    %add3A_77 = arith.addf %get3A_12, %get3A_17 : vector<2000x128xf32>
    %mul3A_78 = arith.mulf %dot_general3A_76, %get3A_4 : vector<2000x128xf32>
    %add3A_79 = arith.addf %add3A_77, %mul3A_78 : vector<2000x128xf32>
    %add3A_80 = arith.constant 1.000000e-16 : f32
    %add3A_81 = vector.broadcast %add3A_80 : f32 to vector<2000x128xf32>
    %add3A_82 = arith.addf %dot_general3A_74, %add3A_81 : vector<2000x128xf32>
    %div3A_83 = arith.divf %add3A_79, %add3A_82 : vector<2000x128xf32>
    %get3A_84 = arith.constant 0 : index
    %get3A_85 = arith.constant 0 : index
    %get3A_86 = vector.load %arg14[%get3A_84, %get3A_85] : memref<1x128xf32, #tpu.memory_space<vmem>>, vector<1x128xf32>
    %add3A_87 = vector.broadcast %get3A_86 : vector<1x128xf32> to vector<2000x128xf32>
    %add3A_88 = arith.addf %div3A_83, %add3A_87 : vector<2000x128xf32>
    %gt3A = arith.constant 0.000000e+00 : f32
    %gt3A_89 = vector.broadcast %gt3A : f32 to vector<2000x128xf32>
    %gt3A_90 = arith.cmpf ogt, %add3A_88, %gt3A_89 : vector<2000x128xf32>
    %exp3A_91 = math.exp %add3A_88 : vector<2000x128xf32>
    %sub3A = arith.constant 1.000000e+00 : f32
    %sub3A_92 = vector.broadcast %sub3A : f32 to vector<2000x128xf32>
    %sub3A_93 = arith.subf %exp3A_91, %sub3A_92 : vector<2000x128xf32>
    %select_n3A = arith.select %gt3A_90, %add3A_88, %sub3A_93 : vector<2000x128xi1>, vector<2000x128xf32>
    %add3A_94 = arith.addf %select_n3A, %get3A_1 : vector<2000x128xf32>
    %reduce_sum3A = arith.constant dense<0.000000e+00> : vector<2000xf32>
    %reduce_sum3A_95 = vector.multi_reduction <add>, %add3A_94, %reduce_sum3A [1] : vector<2000x128xf32> to vector<2000xf32>
    %broadcast_in_dim3A = vector.shape_cast %reduce_sum3A_95 : vector<2000xf32> to vector<2000x1xf32>
    %div3A_96 = arith.constant 1.280000e+02 : f32
    %div3A_97 = vector.broadcast %div3A_96 : f32 to vector<2000x1xf32>
    %div3A_98 = arith.divf %broadcast_in_dim3A, %div3A_97 : vector<2000x1xf32>
    %sub3A_99 = vector.broadcast %div3A_98 : vector<2000x1xf32> to vector<2000x128xf32>
    %sub3A_100 = arith.subf %add3A_94, %sub3A_99 : vector<2000x128xf32>
    %mul3A_101 = arith.mulf %sub3A_100, %sub3A_100 : vector<2000x128xf32>
    %reduce_sum3A_102 = arith.constant dense<0.000000e+00> : vector<2000xf32>
    %reduce_sum3A_103 = vector.multi_reduction <add>, %mul3A_101, %reduce_sum3A_102 [1] : vector<2000x128xf32> to vector<2000xf32>
    %broadcast_in_dim3A_104 = vector.shape_cast %reduce_sum3A_103 : vector<2000xf32> to vector<2000x1xf32>
    %div3A_105 = arith.constant 1.280000e+02 : f32
    %div3A_106 = vector.broadcast %div3A_105 : f32 to vector<2000x1xf32>
    %div3A_107 = arith.divf %broadcast_in_dim3A_104, %div3A_106 : vector<2000x1xf32>
    %add3A_108 = arith.constant 9.99999974E-6 : f32
    %add3A_109 = vector.broadcast %add3A_108 : f32 to vector<2000x1xf32>
    %add3A_110 = arith.addf %div3A_107, %add3A_109 : vector<2000x1xf32>
    %rsqrt3A = math.rsqrt %add3A_110 : vector<2000x1xf32>
    %mul3A_111 = vector.broadcast %rsqrt3A : vector<2000x1xf32> to vector<2000x128xf32>
    %mul3A_112 = arith.mulf %sub3A_100, %mul3A_111 : vector<2000x128xf32>
    %get3A_113 = arith.constant 0 : index
    %get3A_114 = arith.constant 0 : index
    %get3A_115 = vector.load %arg15[%get3A_113, %get3A_114] : memref<1x128xf32, #tpu.memory_space<vmem>>, vector<1x128xf32>
    %mul3A_116 = vector.broadcast %get3A_115 : vector<1x128xf32> to vector<2000x128xf32>
    %mul3A_117 = arith.mulf %mul3A_112, %mul3A_116 : vector<2000x128xf32>
    %get3A_118 = arith.constant 0 : index
    %get3A_119 = arith.constant 0 : index
    %get3A_120 = vector.load %arg16[%get3A_118, %get3A_119] : memref<1x128xf32, #tpu.memory_space<vmem>>, vector<1x128xf32>
    %add3A_121 = vector.broadcast %get3A_120 : vector<1x128xf32> to vector<2000x128xf32>
    %add3A_122 = arith.addf %mul3A_117, %add3A_121 : vector<2000x128xf32>
    %swap3A = arith.constant 0 : index
    %swap3A_123 = arith.constant 0 : index
    %swap3A_124 = vector.load %arg18[%swap3A, %swap3A_123] : memref<2000x128xf32, #tpu.memory_space<vmem>>, vector<2000x128xf32>
    tpu.vector_store %arg18[%swap3A, %swap3A_123], %add3A_122 {strides = array<i32>} : memref<2000x128xf32, #tpu.memory_space<vmem>>, vector<2000x128xf32>,
    return
  }
  func.func @transform_0(%arg0: i32) -> (i32, i32) {
    %c0_i32 = arith.constant 0 : i32
    %c0_i32_0 = arith.constant 0 : i32
    return %arg0, %c0_i32 : i32, i32
  }
  func.func @transform_1(%arg0: i32) -> (i32, i32) {
    %c0_i32 = arith.constant 0 : i32
    %c0_i32_0 = arith.constant 0 : i32
    return %arg0, %c0_i32 : i32, i32
  }
  func.func @transform_2(%arg0: i32) -> (i32, i32) {
    %c0_i32 = arith.constant 0 : i32
    %c0_i32_0 = arith.constant 0 : i32
    return %arg0, %c0_i32 : i32, i32
  }
  func.func @transform_3(%arg0: i32) -> (i32, i32, i32) {
    %c0_i32 = arith.constant 0 : i32
    %c0_i32_0 = arith.constant 0 : i32
    %c0_i32_1 = arith.constant 0 : i32
    return %c0_i32, %arg0, %c0_i32_0 : i32, i32, i32
  }
  func.func @transform_4(%arg0: i32) -> (i32, i32, i32) {
    %c1_i32 = arith.constant 1 : i32
    %c0_i32 = arith.constant 0 : i32
    %c0_i32_0 = arith.constant 0 : i32
    return %c1_i32, %arg0, %c0_i32 : i32, i32, i32
  }
  func.func @transform_5(%arg0: i32) -> (i32, i32, i32) {
    %c0_i32 = arith.constant 0 : i32
    %c0_i32_0 = arith.constant 0 : i32
    %c0_i32_1 = arith.constant 0 : i32
    return %c0_i32, %arg0, %c0_i32_0 : i32, i32, i32
  }
  func.func @transform_6(%arg0: i32) -> (i32, i32, i32) {
    %c1_i32 = arith.constant 1 : i32
    %c0_i32 = arith.constant 0 : i32
    %c0_i32_0 = arith.constant 0 : i32
    return %c1_i32, %arg0, %c0_i32 : i32, i32, i32
  }
  func.func @transform_7(%arg0: i32) -> (i32, i32, i32) {
    %c0_i32 = arith.constant 0 : i32
    %c0_i32_0 = arith.constant 0 : i32
    %c0_i32_1 = arith.constant 0 : i32
    return %c0_i32, %arg0, %c0_i32_0 : i32, i32, i32
  }
  func.func @transform_8(%arg0: i32) -> (i32, i32, i32) {
    %c1_i32 = arith.constant 1 : i32
    %c0_i32 = arith.constant 0 : i32
    %c0_i32_0 = arith.constant 0 : i32
    return %c1_i32, %arg0, %c0_i32 : i32, i32, i32
  }
  func.func @transform_9(%arg0: i32) -> (i32, i32, i32) {
    %c0_i32 = arith.constant 0 : i32
    %c0_i32_0 = arith.constant 0 : i32
    %c0_i32_1 = arith.constant 0 : i32
    return %c0_i32, %arg0, %c0_i32_0 : i32, i32, i32
  }
  func.func @transform_10(%arg0: i32) -> (i32, i32, i32) {
    %c1_i32 = arith.constant 1 : i32
    %c0_i32 = arith.constant 0 : i32
    %c0_i32_0 = arith.constant 0 : i32
    return %c1_i32, %arg0, %c0_i32 : i32, i32, i32
  }
  func.func @transform_11(%arg0: i32) -> (i32, i32) {
    %c0_i32 = arith.constant 0 : i32
    %c0_i32_0 = arith.constant 0 : i32
    %c0_i32_1 = arith.constant 0 : i32
    return %c0_i32, %c0_i32_0 : i32, i32
  }
  func.func @transform_12(%arg0: i32) -> (i32, i32) {
    %c0_i32 = arith.constant 0 : i32
    %c0_i32_0 = arith.constant 0 : i32
    %c0_i32_1 = arith.constant 0 : i32
    return %c0_i32, %c0_i32_0 : i32, i32
  }
  func.func @transform_13(%arg0: i32) -> (i32, i32) {
    %c0_i32 = arith.constant 0 : i32
    %c0_i32_0 = arith.constant 0 : i32
    %c0_i32_1 = arith.constant 0 : i32
    return %c0_i32, %c0_i32_0 : i32, i32
  }
  func.func @transform_14(%arg0: i32) -> (i32, i32) {
    %c0_i32 = arith.constant 0 : i32
    %c0_i32_0 = arith.constant 0 : i32
    %c0_i32_1 = arith.constant 0 : i32
    return %c0_i32, %c0_i32_0 : i32, i32
  }
  func.func @transform_15(%arg0: i32) -> (i32, i32) {
    %c0_i32 = arith.constant 0 : i32
    %c0_i32_0 = arith.constant 0 : i32
    %c0_i32_1 = arith.constant 0 : i32
    return %c0_i32, %c0_i32_0 : i32, i32
  }
  func.func @transform_16(%arg0: i32) -> (i32, i32) {
    %c0_i32 = arith.constant 0 : i32
    %c0_i32_0 = arith.constant 0 : i32
    %c0_i32_1 = arith.constant 0 : i32
    return %c0_i32, %c0_i32_0 : i32, i32
  }
  func.func @transform_17(%arg0: i32) -> (i32, i32) {
    %c0_i32 = arith.constant 0 : i32
    %c0_i32_0 = arith.constant 0 : i32
    return %arg0, %c0_i32 : i32, i32
  }
}

</mosaic_0001>

<sc_bundles>
// kernel: kernel.10.cloned.1.call-start
scs
__scs_entry_jumppad:
0x0: {  	(pc) =	sbr.rel $0x88, $3  }
0x1: {  	(tag) =	ssettag $0x0;
	lr =	simm.s32 $0x1  }
0x2: {  	[smem:$0x3F95] =	sst lr;
	_ =	strace $0xD0000000  }
0x3: {  	_ = 	snop  }
0x4: {  	_ = 	snop  }
0x5: {  	_ = 	snop  }
0x6: {  	_ = 	snop  }
0x7: {  	_ = 	snop  }
__scs_overlays_trampoline_lowered:
0x8: {  	[smem:$0x3FA4] =	sst s0  }
0x9: {  	[smem:$0x3FA5] =	sst s1  }
0xa: {  	[smem:$0x3FA6] =	sst s2  }
0xb: {  	[smem:$0x3FA7] =	sst s3  }
0xc: {  	[smem:$0x3FA8] =	sst s4  }
0xd: {  	[smem:$0x3FA9] =	sst s5  }
0xe: {  	[smem:$0x3FAA] =	sst s6  }
0xf: {  	[smem:$0x3FAB] =	sst s7  }
0x10: {  	[smem:$0x3FAC] =	sst s8  }
0x11: {  	[smem:$0x3FAD] =	sst s9;
	s0 =	simm.s32 @!p0 $0x0  }
0x12: {  	s1 =	sld [smem:$0x3F93];
	s0 =	simm.s32 @p0 $0x1  }
0x13: {  	[smem:$0x3FAE] =	sst s0;
	s0 =	simm.s32 @!p1 $0x0  }
0x14: {  	s2 =	sld [smem:$0x3F92];
	s0 =	simm.s32 @p1 $0x1  }
0x15: {  	[smem:$0x3FAF] =	sst s0;
	s0 =	simm.s32 @!p2 $0x0  }
0x16: {  	s3 =	sld [smem:$0x3FDB];
	s0 =	simm.s32 @p2 $0x1  }
0x17: {  	s4 =	simm.s32 $0x1BF5;
	[smem:$0x3FB1] =	sst s0  }
0x18: {  	s0 =	sld [smem:$0x3F94];
	_ =	swait.ge [sflag:s4], $0x0  }
0x19: {  	s7 =	sld [smem:$0x3F95]  }
0x1a: {  	s8 =	sadd.s32 $0xFFFFE003, lr  }
0x1b: {  	s9 =	sadd.s32 $0xFFFFFEF7, lr;
	s5 =	simm.s32 $0xFFFFFFFF;
	p2 =	slt.u32 s8, $0xFFFFF086  }
0x1c: {  	p1 =	slt.u32 s9, $0xF7A;
	s5 =	simm.s32 @!p2 $0x0  }
0x1d: {  	s5 =	simm.s32 @p1 $0x1;
	p0 =	seq.s32 s7, s2  }
0x1e: {  	s7 =	smul.u32 @!p0 $0xF7A, s2;
	p2 =	seq.s32 @!p0 s5, $0x0  }
0x1f: {  	s9 =	smul.u32 $0xF7A, s1;
	s8 =	simm.s32 @!p0 $0x1BF5;
	p2 =	por !p2, p0  }
0x20: {  	[sflag:s8] =	ssyncset.s32 @!p0 $0xFFFFF086;
	s6 =	sadd.s32 @!p0 s3, s7;
	s7 =	simm.s32 @!p0 $0x108  }
0x21: {  	s3 =	sadd.s32 s3, s9;
	s6 =	sadd.s32 @!p0 $0x88, s6;
	s7 =	simm.s32 @p2 $0x1082  }
0x22: {  	[simem:s7], [sflag:s8] =	dma.local @!p0 [hbm:s6], $0xF7A  }
0x23: {  	s9 =	sor.u32 $0xD0000000, s2;
	s6 =	simm.s32 $0x108;
	_ =	swait.ge @!p0 [sflag:s8], $0x0  }
0x24: {  	s3 =	sadd.s32 $0x88, s3;
	s6 =	simm.s32 @!p1 $0x1082;
	[sflag:s4] =	ssyncset.s32 $0xFFFFF086  }
0x25: {  	[simem:s6], [sflag:s4] =	dma.local [hbm:s3], $0xF7A  }
0x26: {  	[smem:$0x3F95] =	sst s1;
	(tag) =	ssettag s2;
	_ =	strace s9  }
0x27: {  	s1 =	sld [smem:$0x3FA5]  }
0x28: {  	s2 =	sld [smem:$0x3FA6]  }
0x29: {  	s4 =	sld [smem:$0x3FA8]  }
0x2a: {  	p0 =	seq.s32 s5, $0x0;
	s5 =	sld [smem:$0x3FA9]  }
0x2b: {  	s6 =	sld [smem:$0x3FAA]  }
0x2c: {  	s7 =	sld [smem:$0x3FAB]  }
0x2d: {  	s3 =	simm.s32 $0x108;
	s8 =	sld [smem:$0x3FAC]  }
0x2e: {  	s3 =	simm.s32 @!p0 $0x1082;
	s9 =	sld [smem:$0x3FAD]  }
0x2f: {  	lr =	sadd.s32 s0, s3;
	s0 =	sld [smem:$0x3FA4]  }
0x30: {  	s3 =	sld [smem:$0x3FA7]  }
0x31: {  	[smem:$0x3FB0] =	sst s10  }
0x32: {  	s10 =	sld [smem:$0x3FAE];
	_ =	sdelay $0x3  }
0x33: {  	p0 =	seq.s32 s10, $0x1;
	s10 =	sld [smem:$0x3FB0];
	_ =	sdelay $0x3  }
0x34: {  	[smem:$0x3FB0] =	sst s10  }
0x35: {  	s10 =	sld [smem:$0x3FAF];
	_ =	sdelay $0x3  }
0x36: {  	p1 =	seq.s32 s10, $0x1;
	s10 =	sld [smem:$0x3FB0];
	_ =	sdelay $0x3  }
0x37: {  	[smem:$0x3FB0] =	sst s10  }
0x38: {  	s10 =	sld [smem:$0x3FB1]  }
0x39: {  	_ = 	snop;
	(pc) =	sbr.ind lr, $3  }
0x3a: {  	_ = 	snop  }
0x3b: {  	_ = 	snop  }
0x3c: {  	p2 =	seq.s32 s10, $0x1;
	s10 =	sld [smem:$0x3FB0]  }
0x3d: {  	_ =	shalt  }
0x3e: {  	_ =	shalt  }
0x3f: {  	_ =	shalt  }
0x40: {  	_ =	shalt  }
0x41: {  	_ =	shalt  }
0x42: {  	_ =	shalt  }
0x43: {  	_ =	shalt  }
0x44: {  	_ =	shalt  }
0x45: {  	_ =	shalt  }
0x46: {  	_ =	shalt  }
0x47: {  	_ =	shalt  }
0x48: {  	_ =	shalt  }
0x49: {  	_ =	shalt  }
0x4a: {  	_ =	shalt  }
0x4b: {  	_ =	shalt  }
0x4c: {  	_ =	shalt  }
0x4d: {  	_ =	shalt  }
0x4e: {  	_ =	shalt  }
0x4f: {  	_ =	shalt  }
0x50: {  	_ =	shalt  }
0x51: {  	_ =	shalt  }
0x52: {  	_ =	shalt  }
0x53: {  	_ =	shalt  }
0x54: {  	_ =	shalt  }
0x55: {  	_ =	shalt  }
0x56: {  	_ =	shalt  }
0x57: {  	_ =	shalt  }
0x58: {  	_ =	shalt  }
0x59: {  	_ =	shalt  }
0x5a: {  	_ =	shalt  }
0x5b: {  	_ =	shalt  }
0x5c: {  	_ =	shalt  }
0x5d: {  	_ =	shalt  }
0x5e: {  	_ =	shalt  }
0x5f: {  	_ =	shalt  }
0x60: {  	_ =	shalt  }
0x61: {  	_ =	shalt  }
0x62: {  	_ =	shalt  }
0x63: {  	_ =	shalt  }
0x64: {  	_ =	shalt  }
0x65: {  	_ =	shalt  }
0x66: {  	_ =	shalt  }
0x67: {  	_ =	shalt  }
0x68: {  	_ =	shalt  }
0x69: {  	_ =	shalt  }
0x6a: {  	_ =	shalt  }
0x6b: {  	_ =	shalt  }
0x6c: {  	_ =	shalt  }
0x6d: {  	_ =	shalt  }
0x6e: {  	_ =	shalt  }
0x6f: {  	_ =	shalt  }
0x70: {  	_ =	shalt  }
0x71: {  	_ =	shalt  }
0x72: {  	_ =	shalt  }
0x73: {  	_ =	shalt  }
0x74: {  	_ =	shalt  }
0x75: {  	_ =	shalt  }
0x76: {  	_ =	shalt  }
0x77: {  	_ =	shalt  }
0x78: {  	_ =	shalt  }
0x79: {  	_ =	shalt  }
0x7a: {  	_ =	shalt  }
0x7b: {  	_ =	shalt  }
0x7c: {  	_ =	shalt  }
0x7d: {  	_ =	shalt  }
0x7e: {  	_ =	shalt  }
0x7f: {  	_ =	shalt  }
0x80: {  	_ =	shalt  }
0x81: {  	_ =	shalt  }
0x82: {  	_ =	shalt  }
0x83: {  	_ =	shalt  }
0x84: {  	_ =	shalt  }
0x85: {  	_ =	shalt  }
0x86: {  	_ =	shalt  }
0x87: {  	_ =	shalt  }
.Lfunc_end0:
.L_simem_size_0:
called_computation.1_lowered:
.L_overlay_start_0:
0x88: {  	s2 =	sld [smem:$0x3FD9]  }
0x89: {  	s3 =	sld [smem:$0x3FFE];
	_ =	sdelay $0x1  }
0x8a: {  	s1 =	srdreg.scid  }
0x8b: {  	s0 =	sand.u32 $0x1, s1  }
0x8c: {  	s17 =	sshll.u32 s0, $0xA;
	s2 =	sadd.s32 s3, s2  }
0x8d: {  	s2 =	sadd.s32 s2, s17  }
0x8e: {  	[smem:$0x3FBC] =	sst s2  }
0x8f: {  	_ = 	snop  }
0x90: {  	(tm) =	ssettm $0x1  }
0x91: {  	s18 =	sld [smem:$0x3FFB];
	_ =	sdelay $0x3  }
0x92: {  	_ =	strace s18  }
0x93: {  	s2 =	sld [smem:$0x3FFC];
	_ =	sdelay $0x3  }
0x94: {  	_ =	strace s2  }
0x95: {  	s2 =	sld [smem:$0x3FFD];
	_ =	sdelay $0x3  }
0x96: {  	_ =	strace s2  }
0x97: {  	_ =	strace $0x8FFFFFFF  }
0x98: {  	s19 =	sld [smem:$0x3FDB];
	_ =	sdelay $0x1  }
0x99: {  	s20 =	simm.s32 $_scs_section_size  }
0x9a: {  	s4 =	simm.s32 $_size__tile_overlayer_lowered;
	s5 =	simm.s32 $_tile_overlayer_lowered  }
0x9b: {  	s6 =	simm.s32 $0x1BFF;
	s21 =	sshll.u32 s5, $0x1;
	s3 =	sadd.s32 s20, s19  }
0x9c: {  	s22 =	simm.s32 $0x0;
	s4 =	sshll.u32 s4, $0x1;
	s5 =	sadd.s32 s21, s3  }
0x9d: {  	[timem:s22], [sflag:s6] =	dma.local [hbm:s5], s4  }
0x9e: {  	_ =	swait.ge [sflag:s6], s4  }
0x9f: {  	s4 =	ssub.s32 $0x0, s4;
	[sflag:s6] =	ssyncset.done $0x0  }
0xa0: {  	[sflag:s6] =	ssyncadd.s32 s4;
	_ =	sdelay $0x1  }
0xa1: {  	s23 =	simm.s32 $0x1B8B  }
0xa2: {  	_ =	swait.ge [sflag:s23], $0x1  }
0xa3: {  	[sflag:s23] =	ssyncset.done $0x0  }
0xa4: {  	[sflag:s23] =	ssyncadd.s32 $0xFFFFFFFF  }
0xa5: {  	s4 =	sld [smem:$0x0]  }
0xa6: {  	s5 =	sand.u32 $0xFFFFFFFE, s1  }
0xa7: {  	p0 =	sne.s32 s1, s5  }
0xa8: {  	s5 =	sshll.u32 @p0 s5, $0xE  }
0xa9: {  	s5 =	sadd.s32 @p0 $0x11B8D, s5;
	s6 =	sshll.u32 @p0 s4, $0x11  }
0xaa: {  	s5 =	sor.u32 @p0 s6, s5  }
0xab: {  	[sflag:s5] =	ssyncadd.remote.s32 @p0 $0x1;
	_ =	sdelay $0x1  }
0xac: {  	s5 =	simm.s32 @p0 $0x1B8D  }
0xad: {  	_ =	swait.eq @p0 [sflag:s5], $0x1  }
0xae: {  	[sflag:s5] =	ssyncadd.s32 @p0 $0xFFFFFFFF  }
0xaf: {  	s6 =	sshll.u32 @!p0 s1, $0xE  }
0xb0: {  	s6 =	sor.u32 @!p0 $0x4000, s6;
	s5 =	simm.s32 @!p0 $0x1B8D  }
0xb1: {  	s4 =	sshll.u32 @!p0 s4, $0x11;
	s6 =	sadd.s32 @!p0 $0x11B8D, s6;
	_ =	swait.eq @!p0 [sflag:s5], $0x1  }
0xb2: {  	s4 =	sor.u32 @!p0 s4, s6;
	[sflag:s5] =	ssyncadd.s32 @!p0 $0xFFFFFFFF  }
0xb3: {  	s25 =	simm.s32 $0x1B8E;
	s24 =	sld [smem:$0x3FFE];
	[sflag:s4] =	ssyncadd.remote.s32 @!p0 $0x1  }
0xb4: {  	s26 =	simm.s32 $execute0_lowered;
	[smem:$0x3FD2] =	sst s25  }
0xb5: {  	s5 =	sshll.u32 s26, $0x1;
	_ =	strace $0x80000049;
	[dreg:$0x1] =	wrdreg $0xFFFFFFFF  }
0xb6: {  	s28 =	simm.s32 $_size_execute0_lowered;
	s3 =	sadd.s32 s3, s5;
	[dreg:$0x0] =	wrdreg $0x0  }
0xb7: {  	s5 =	sshll.u32 s28, $0x1;
	[dreg:$0x2] =	wrdreg s3  }
0xb8: {  	[dreg:$0x3] =	wrdreg s5  }
0xb9: {  	[dreg:$0x4] =	wrdreg $0xC0  }
0xba: {  	_ =	task [dreg:s22], $0x5FFFF  }
0xbb: {  	[dreg:$0x1] =	wrdreg $0xFFFFFFFF  }
0xbc: {  	[dreg:$0x0] =	wrdreg $0x60  }
0xbd: {  	[dreg:$0x2] =	wrdreg s24  }
0xbe: {  	[dreg:$0x3] =	wrdreg $0x1A400  }
0xbf: {  	[dreg:$0x4] =	wrdreg $0x41500  }
0xc0: {  	[dreg:$0x5] =	wrdreg $0xA  }
0xc1: {  	_ =	task.clear_ibuf [dreg:s22], $0x6FFFF;
	_ =	strace $0x90000049  }
0xc2: {  	s29 =	simm.s32 $0xA;
	_ =	strace $0x8000004B  }
0xc3: {  	_ =	swait.ge [sflag:s29], $0x1  }
0xc4: {  	[sflag:s29] =	ssyncadd.s32 $0xFFFFFFFF  }
0xc5: {  	_ =	strace $0x9000004B  }
0xc6: {  	_ =	sfence  }
0xc7: {  	s30 =	sld [smem:$0x0];
	_ =	sdelay $0x2  }
0xc8: {  	s31 =	sshll.u32 s1, $0xD;
	s1 =	sshrl.u32 s1, $0x2  }
0xc9: {  	s4 =	sand.u32 $0x4000, s31;
	s1 =	sadd.s32 s1, s30  }
0xca: {  	s0 =	sor.u32 s4, s0;
	s1 =	sshll.u32 s1, $0x11  }
0xcb: {  	s0 =	sor.u32 s1, s0  }
0xcc: {  	s0 =	sadd.s32 $0x8F2B, s0  }
0xcd: {  	[sflag:s0] =	ssyncadd.remote.s32 $0x1  }
0xce: {  	_ =	sfence.sel $0xFFFF  }
0xcf: {  	[dreg:$0x0] =	wrdreg $0xFFFFFFFF;
	(pc) =	sbr.abs _section_cstart, $3  }
0xd0: {  	[dreg:$0x1] =	wrdreg $0xFFFFFFFF  }
0xd1: {  	_ =	task.clear_ibuf [dreg:s22], $0x2FFFF;
	_ =	strace $0x9FFFFFFF  }
0xd2: {  	(tm) =	ssettm $0x7FFFFFFF  }
0xd3: {  	_ =	shalt  }
tec
execute0_lowered:
.L_overlay_start_1:
0x0: {  	(tag) =	ssettag $0x1  }
0x1: {  	s0 =	rddreg [dreg:$0x0]  }
0x2: {  	s2 =	rddreg [dreg:$0x1]  }
0x3: {  	s3 =	rddreg [dreg:$0x2];
	s1 =	stileid.u32  }
0x4: {  	s5 =	srdreg.scid;
	s4 =	simm.s32 $0x0;
	s6 =	smul.u32 $0x500, s1  }
0x5: {  	s5 =	sand.u32 $0x1, s5;
	[smem:$0x7FF] =	sst s4;
	s24 =	smul.u32 $0x2710, s1  }
0x6: {  	s9 =	sadd.s32 $0xEC00, s0;
	s12 =	sadd.s32 $0x7EAE00, s0;
	s7 =	smul.u32 $0x27100, s5  }
0x7: {  	_ =	strace $0x8000004A;
	s8 =	sshll.u32 s5, $0x4;
	s5 =	ssub.s32 $0x2, s5  }
0x8: {  	s8 =	sor.u32 s1, s8;
	s14 =	sshrl.u32 s5, $0x1;
	s19 =	sadd.s32 $0x5000, s6  }
0x9: {  	s20 =	sadd.s32 s6, s2;
	s21 =	sadd.s32 s6, s3;
	s23 =	sadd.s32 $0xA000, s6  }
0xa: {  	s26 =	sadd.s32 $0xF000, s6;
	s10 =	sadd.s32 s6, s7;
	s11 =	smul.u32 $0x2710, s8  }
0xb: {  	s8 =	smul.u32 $0x4E20, s8;
	s5 =	ssub.s32 s5, s14;
	[dreg:$0x9] =	wrdreg s20  }
0xc: {  	[dreg:$0xa] =	wrdreg s21;
	s22 =	sadd.s32 s19, s2;
	s25 =	sadd.s32 s23, s2  }
0xd: {  	s7 =	sadd.s32 s24, s7;
	s20 =	smul.u32 $0x1400, s1;
	[dreg:$0xb] =	wrdreg s22  }
0xe: {  	s10 =	sshrl.u32 s10, $0x3;
	s5 =	smax.u32 s5, $0x1;
	[dreg:$0xd] =	wrdreg s25  }
0xf: {  	s0 =	sadd.s32 s10, s0;
	s13 =	sshrl.u32 s11, $0x3;
	s11 =	sadd.s32 $0x50, s11  }
0x10: {  	s8 =	sadd.s32 s12, s8;
	[dreg:$0x8] =	wrdreg s5;
	s5 =	sadd.s32 s19, s3  }
0x11: {  	s19 =	sadd.s32 $0x19000, s6;
	s21 =	sshrl.u32 s20, $0x2;
	s15 =	sadd.s32 s9, s13  }
0x12: {  	s16 =	sshrl.u32 s11, $0x3;
	[dreg:$0x5] =	wrdreg s8;
	s18 =	sshll.u32 s11, $0x1  }
0x13: {  	[dreg:$0xc] =	wrdreg s5;
	s5 =	sadd.s32 s23, s3;
	s11 =	sadd.s32 s26, s2  }
0x14: {  	s13 =	sadd.s32 $0x14000, s6;
	s6 =	sadd.s32 $0x1E000, s6;
	s22 =	sadd.s32 s19, s2  }
0x15: {  	s23 =	sadd.s32 s19, s3;
	s29 =	sadd.s32 s21, s3;
	[dreg:$0x4] =	wrdreg s15  }
0x16: {  	s30 =	sadd.s32 s21, s2;
	s31 =	sadd.s32 $0x308E00, s0;
	[dreg:$0xe] =	wrdreg s5  }
0x17: {  	s0 =	sadd.s32 $0x312C00, s0;
	s17 =	sadd.s32 s9, s16;
	[dreg:$0xf] =	wrdreg s11  }
0x18: {  	s8 =	sadd.s32 s12, s18;
	s5 =	sadd.s32 s26, s3;
	[dreg:$0x6] =	wrdreg s17  }
0x19: {  	s14 =	sadd.s32 s13, s2;
	s15 =	sadd.s32 $0xA0, s7;
	[dreg:$0x7] =	wrdreg s8  }
0x1a: {  	s16 =	sadd.s32 s13, s3;
	s18 =	sor.u32 $0x70, s1;
	[dreg:$0x10] =	wrdreg s5  }
0x1b: {  	s24 =	sadd.s32 s6, s2;
	s25 =	sadd.s32 s6, s3;
	[dreg:$0x11] =	wrdreg s14  }
0x1c: {  	s6 =	simm.s32 $0xA;
	[dreg:$0x12] =	wrdreg s16;
	s17 =	sshll.u32 s15, $0x1  }
0x1d: {  	s5 =	sshrl.u32 s15, $0x3;
	p0 =	sgt.u32 s18, $0x7C;
	s7 =	sadd.s32 s17, s12  }
0x1e: {  	s8 =	simm.s32 $0x8;
	[dreg:$0x13] =	wrdreg s7;
	s7 =	smul.u32 $0x500, s18  }
0x1f: {  	s11 =	sadd.s32 s5, s9;
	s5 =	simm.s32 $0x1540;
	s9 =	simm.s32 $0x5  }
0x20: {  	v0 =	vimm.f32 $0.0e+00;
	v1 =	vimm.f32 $1.000000000e+00;
	s26 =	sadd.s32 s7, s2;
	s28 =	sadd.s32 s7, s3;
	s7 =	simm.s32 $0x9  }
.LBB2_1:
0x21: {  	s10 =	simm.s32 $0x40;
	s13 =	simm.s32 $0x0  }
.LBB2_2:
0x22: {  	p1 =	sne.s32 s10, $0x13C0;
	[tilespmem:s13+$0x1540] =	vst v0;
	s13 =	smov.u32 s10;
	s10 =	sadd.s32 $0x40, s10  }
.Ltmp0:
0x23: {  	(pc) =	sbr.rel @p1 .LBB2_2-.Ltmp0, $2  }
0x24: {  	_ =	sdelay $0x2  }
0x25: {  	s13 =	sshra.s32 s13, $0x2  }
0x26: {  	[tilespmem:s13+$0x1540] =	vst v0;
	s10 =	rddreg [dreg:$0x9]  }
0x27: {  	[spmem:s10] =	stream.linear.scatter [tilespmem:s5], [sflag:$0xA], $0x500, $0x38;
	[tilespmem:$0x6860] =	vst v63  }
0x28: {  	_ =	swait.ge [sflag:s6], $0x500  }
0x29: {  	[sflag:s6] =	ssyncset.done $0x0  }
0x2a: {  	s13 =	rddreg [dreg:$0xa];
	[sflag:s6] =	ssyncadd.s32 $0xFFFFFB00  }
0x2b: {  	[spmem:s13] =	stream.linear.scatter [tilespmem:s5], [sflag:$0x9], $0x500, $0x38;
	[tilespmem:$0x6860] =	vst v63  }
0x2c: {  	_ =	swait.ge [sflag:s7], $0x500  }
0x2d: {  	[sflag:s7] =	ssyncset.done $0x0  }
0x2e: {  	s14 =	rddreg [dreg:$0xb];
	[sflag:s7] =	ssyncadd.s32 $0xFFFFFB00  }
0x2f: {  	[spmem:s14] =	stream.linear.scatter [tilespmem:s5], [sflag:$0xA], $0x500, $0x38;
	[tilespmem:$0x6860] =	vst v63  }
0x30: {  	_ =	swait.ge [sflag:s6], $0x500  }
0x31: {  	[sflag:s6] =	ssyncset.done $0x0  }
0x32: {  	s15 =	rddreg [dreg:$0xc];
	[sflag:s6] =	ssyncadd.s32 $0xFFFFFB00  }
0x33: {  	[spmem:s15] =	stream.linear.scatter [tilespmem:s5], [sflag:$0x9], $0x500, $0x38;
	[tilespmem:$0x6860] =	vst v63  }
0x34: {  	_ =	swait.ge [sflag:s7], $0x500  }
0x35: {  	[sflag:s7] =	ssyncset.done $0x0  }
0x36: {  	s16 =	rddreg [dreg:$0xd];
	[sflag:s7] =	ssyncadd.s32 $0xFFFFFB00  }
0x37: {  	[spmem:s16] =	stream.linear.scatter [tilespmem:s5], [sflag:$0xA], $0x500, $0x38;
	[tilespmem:$0x6860] =	vst v63  }
0x38: {  	_ =	swait.ge [sflag:s6], $0x500  }
0x39: {  	[sflag:s6] =	ssyncset.done $0x0  }
0x3a: {  	s17 =	rddreg [dreg:$0xe];
	[sflag:s6] =	ssyncadd.s32 $0xFFFFFB00  }
0x3b: {  	[spmem:s17] =	stream.linear.scatter [tilespmem:s5], [sflag:$0x9], $0x500, $0x38;
	[tilespmem:$0x6860] =	vst v63  }
0x3c: {  	_ =	swait.ge [sflag:s7], $0x500  }
0x3d: {  	[sflag:s7] =	ssyncset.done $0x0  }
0x3e: {  	s18 =	rddreg [dreg:$0xf];
	[sflag:s7] =	ssyncadd.s32 $0xFFFFFB00  }
0x3f: {  	[spmem:s18] =	stream.linear.scatter [tilespmem:s5], [sflag:$0xA], $0x500, $0x38;
	[tilespmem:$0x6860] =	vst v63  }
0x40: {  	_ =	swait.ge [sflag:s6], $0x500  }
0x41: {  	[sflag:s6] =	ssyncset.done $0x0  }
0x42: {  	s19 =	rddreg [dreg:$0x10];
	[sflag:s6] =	ssyncadd.s32 $0xFFFFFB00  }
0x43: {  	[spmem:s19] =	stream.linear.scatter [tilespmem:s5], [sflag:$0x9], $0x500, $0x38;
	[tilespmem:$0x6860] =	vst v63  }
0x44: {  	_ =	swait.ge [sflag:s7], $0x500  }
0x45: {  	[sflag:s7] =	ssyncset.done $0x0  }
0x46: {  	s20 =	rddreg [dreg:$0x11];
	[sflag:s7] =	ssyncadd.s32 $0xFFFFFB00  }
0x47: {  	[spmem:s20] =	stream.linear.scatter [tilespmem:s5], [sflag:$0xA], $0x500, $0x38;
	[tilespmem:$0x6860] =	vst v63  }
0x48: {  	_ =	swait.ge [sflag:s6], $0x500  }
0x49: {  	[sflag:s6] =	ssyncset.done $0x0  }
0x4a: {  	s21 =	rddreg [dreg:$0x12];
	[sflag:s6] =	ssyncadd.s32 $0xFFFFFB00  }
0x4b: {  	[spmem:s21] =	stream.linear.scatter [tilespmem:s5], [sflag:$0x9], $0x500, $0x38;
	[tilespmem:$0x6860] =	vst v63  }
0x4c: {  	_ =	swait.ge [sflag:s7], $0x500  }
0x4d: {  	[sflag:s7] =	ssyncset.done $0x0  }
0x4e: {  	[sflag:s7] =	ssyncadd.s32 $0xFFFFFB00  }
0x4f: {  	[spmem:s22] =	stream.linear.scatter [tilespmem:s5], [sflag:$0xA], $0x500, $0x38;
	[tilespmem:$0x6860] =	vst v63  }
0x50: {  	_ =	swait.ge [sflag:s6], $0x500  }
0x51: {  	[sflag:s6] =	ssyncset.done $0x0  }
0x52: {  	[sflag:s6] =	ssyncadd.s32 $0xFFFFFB00  }
0x53: {  	[spmem:s23] =	stream.linear.scatter [tilespmem:s5], [sflag:$0x9], $0x500, $0x38;
	[tilespmem:$0x6860] =	vst v63  }
0x54: {  	_ =	swait.ge [sflag:s7], $0x500  }
0x55: {  	[sflag:s7] =	ssyncset.done $0x0  }
0x56: {  	[sflag:s7] =	ssyncadd.s32 $0xFFFFFB00  }
0x57: {  	[spmem:s24] =	stream.linear.scatter [tilespmem:s5], [sflag:$0xA], $0x500, $0x38;
	[tilespmem:$0x6860] =	vst v63  }
0x58: {  	_ =	swait.ge [sflag:s6], $0x500  }
0x59: {  	[sflag:s6] =	ssyncset.done $0x0  }
0x5a: {  	[sflag:s6] =	ssyncadd.s32 $0xFFFFFB00  }
0x5b: {  	[spmem:s25] =	stream.linear.scatter [tilespmem:s5], [sflag:$0x9], $0x500, $0x38;
	[tilespmem:$0x6860] =	vst v63  }
0x5c: {  	_ =	swait.ge [sflag:s7], $0x500  }
0x5d: {  	[sflag:s7] =	ssyncset.done $0x0  }
0x5e: {  	s10 =	simm.s32 @!p0 $0x1540;
	s13 =	simm.s32 @!p0 $0xA;
	[sflag:s7] =	ssyncadd.s32 $0xFFFFFB00  }
0x5f: {  	[spmem:s26] =	stream.linear.scatter @!p0 [tilespmem:s10], [sflag:$0xA], $0x500, $0x38;
	[tilespmem:$0x6860] =	vst v63  }
0x60: {  	_ =	swait.ge @!p0 [sflag:s13], $0x500  }
0x61: {  	[sflag:s13] =	ssyncset.done @!p0 $0x0  }
0x62: {  	[sflag:s13] =	ssyncadd.s32 @!p0 $0xFFFFFB00  }
0x63: {  	[spmem:s28] =	stream.linear.scatter @!p0 [tilespmem:s10], [sflag:$0x9], $0x500, $0x38;
	[tilespmem:$0x6860] =	vst v63  }
0x64: {  	s10 =	simm.s32 @!p0 $0x9  }
0x65: {  	_ =	swait.ge @!p0 [sflag:s10], $0x500  }
0x66: {  	[sflag:s10] =	ssyncset.done @!p0 $0x0  }
0x67: {  	s13 =	simm.s32 $0x0;
	[sflag:s10] =	ssyncadd.s32 @!p0 $0xFFFFFB00;
	s10 =	simm.s32 $0x40  }
.LBB2_4:
0x68: {  	p1 =	sne.s32 s10, $0x13C0;
	[tilespmem:s13+$0x1540] =	vst v1;
	s13 =	smov.u32 s10;
	s10 =	sadd.s32 $0x40, s10  }
.Ltmp1:
0x69: {  	(pc) =	sbr.rel @p1 .LBB2_4-.Ltmp1, $2  }
0x6a: {  	_ =	sdelay $0x2  }
0x6b: {  	s13 =	sshra.s32 s13, $0x2  }
0x6c: {  	[tilespmem:s13+$0x1540] =	vst v1  }
0x6d: {  	[bflag:$0x0] =	sbarrier.arrive $0xFFFF  }
0x6e: {  	s10 =	simm.s32 $0x0;
	s12 =	rddreg [dreg:$0x4]  }
0x6f: {  	[tilespmem:s10], [sflag:$0x1] =	stream.linear.gather [hbm4b:s12+s10], $0x50, $0x38;
	[tilespmem:$0x6860] =	vst v63  }
0x70: {  	s17 =	simm.s32 $0x140;
	s16 =	rddreg [dreg:$0x5]  }
0x71: {  	[tilespmem:s17], [sflag:$0x1] =	stream.linear.gather [hbm4b:s16+s10], $0x500, $0x38;
	[tilespmem:$0x6860] =	vst v63  }
.Ltmp2:
0x72: {  	s19 =	simm.s32 $0x50;
	s18 =	rddreg [dreg:$0x6];
	(pc) =	sbr.rel .LBB2_6-.Ltmp2, $4  }
0x73: {  	[tilespmem:s19], [sflag:$0x2] =	stream.linear.gather [hbm4b:s18+s10], $0x50, $0x38;
	[tilespmem:$0x6860] =	vst v63  }
0x74: {  	s21 =	simm.s32 $0x640;
	s20 =	rddreg [dreg:$0x7]  }
0x75: {  	[tilespmem:s21], [sflag:$0x2] =	stream.linear.gather [hbm4b:s20+s10], $0x500, $0x38;
	[tilespmem:$0x6860] =	vst v63  }
0x76: {  	s21 =	smov.u32 s11;
	s20 =	rddreg [dreg:$0x13]  }
.LBB2_8:
0x77: {  	p1 =	seq.s32 s13, $0x2  }
0x78: {  	s13 =	simm.s32 @p1 $0x3  }
0x79: {  	_ =	swait.ge @p1 [sflag:s13], $0x50  }
0x7a: {  	[sflag:s13] =	ssyncset.done @p1 $0x0  }
0x7b: {  	p2 =	sgt.u32 @p1 s10, $0x7A;
	[sflag:s13] =	ssyncadd.s32 @p1 $0xFFFFFFB0  }
0x7c: {  	s14 =	simm.s32 @p1 $0xA0;
	p3 =	por p2, !p1;
	_ =	swait.ge @p1 [sflag:s13], $0x500  }
0x7d: {  	s15 =	simm.s32 @p1 $0xB40;
	p4 =	slt.u32 @!p3 s10, $0x2;
	[sflag:s13] =	ssyncset.done @p1 $0x0  }
0x7e: {  	p2 =	por @p1 p4, p2;
	[sflag:s13] =	ssyncadd.s32 @p1 $0xFFFFFB00;
	s13 =	simm.s32 @p1 $0x50  }
0x7f: {  	[spmem:s2] =	stream.indirect.scatter.add.f32 @p1 [tilespmem:s15], [sflag:$0x7], $0x10, s14, s13, $0xb8;
	[tilespmem:$0x6860] =	vst v63  }
0x80: {  	p2 =	por p2, !p1;
	s15 =	simm.s32 @p1 $0x1540  }
0x81: {  	[spmem:s3] =	stream.indirect.scatter.add.f32 @p1 [tilespmem:s15], [sflag:$0x7], $0x10, s14, s13, $0xb8;
	[tilespmem:$0x6860] =	vst v63  }
0x82: {  	s13 =	simm.s32 @!p2 $0x5  }
0x83: {  	_ =	swait.ge @!p2 [sflag:s13], $0x500  }
0x84: {  	[sflag:s13] =	ssyncset.done @!p2 $0x0  }
0x85: {  	[sflag:s13] =	ssyncadd.s32 @!p2 $0xFFFFFB00  }
0x86: {  	_ =	swait.ge @!p2 [sflag:s13], $0x500  }
0x87: {  	[sflag:s13] =	ssyncset.done @!p2 $0x0  }
0x88: {  	[sflag:s13] =	ssyncadd.s32 @!p2 $0xFFFFFB00;
	s13 =	simm.s32 @!p3 $0x0  }
0x89: {  	[tilespmem:s13], [sflag:$0x1] =	stream.linear.gather @!p3 [hbm4b:s21+s13], $0x50, $0x38;
	[tilespmem:$0x6860] =	vst v63  }
0x8a: {  	s14 =	simm.s32 @!p3 $0x140  }
0x8b: {  	[tilespmem:s14], [sflag:$0x1] =	stream.linear.gather @!p3 [hbm4b:s20+s13], $0x500, $0x38;
	[tilespmem:$0x6860] =	vst v63  }
0x8c: {  	s13 =	simm.s32 @!p1 $0x4  }
0x8d: {  	_ =	swait.ge @!p1 [sflag:s13], $0x50  }
0x8e: {  	[sflag:s13] =	ssyncset.done @!p1 $0x0  }
0x8f: {  	[sflag:s13] =	ssyncadd.s32 @!p1 $0xFFFFFFB0  }
0x90: {  	s15 =	simm.s32 @!p1 $0x1040;
	p3 =	sgt.u32 @!p1 s10, $0x7A;
	_ =	swait.ge @!p1 [sflag:s13], $0x500  }
0x91: {  	s14 =	simm.s32 @!p1 $0xF0;
	p2 =	por p3, p1;
	[sflag:s13] =	ssyncset.done @!p1 $0x0  }
0x92: {  	p4 =	slt.u32 @!p2 s10, $0x2;
	[sflag:s13] =	ssyncadd.s32 @!p1 $0xFFFFFB00;
	s13 =	simm.s32 @!p1 $0x50  }
0x93: {  	[spmem:s2] =	stream.indirect.scatter.add.f32 @!p1 [tilespmem:s15], [sflag:$0x8], $0x10, s14, s13, $0xb8;
	[tilespmem:$0x6860] =	vst v63  }
0x94: {  	p3 =	por @!p1 p4, p3;
	s15 =	simm.s32 @!p1 $0x1540  }
0x95: {  	[spmem:s3] =	stream.indirect.scatter.add.f32 @!p1 [tilespmem:s15], [sflag:$0x8], $0x10, s14, s13, $0xb8;
	[tilespmem:$0x6860] =	vst v63  }
0x96: {  	p1 =	por p3, p1  }
0x97: {  	s13 =	simm.s32 @!p1 $0x6  }
0x98: {  	_ =	swait.ge @!p1 [sflag:s13], $0x500  }
0x99: {  	[sflag:s13] =	ssyncset.done @!p1 $0x0  }
0x9a: {  	[sflag:s13] =	ssyncadd.s32 @!p1 $0xFFFFFB00  }
0x9b: {  	_ =	swait.ge @!p1 [sflag:s13], $0x500  }
0x9c: {  	[sflag:s13] =	ssyncset.done @!p1 $0x0  }
0x9d: {  	s14 =	simm.s32 @!p2 $0x50;
	[sflag:s13] =	ssyncadd.s32 @!p1 $0xFFFFFB00;
	s13 =	simm.s32 @!p2 $0x0  }
0x9e: {  	[tilespmem:s14], [sflag:$0x2] =	stream.linear.gather @!p2 [hbm4b:s21+s13], $0x50, $0x38;
	[tilespmem:$0x6860] =	vst v63  }
0x9f: {  	s14 =	simm.s32 @!p2 $0x640  }
0xa0: {  	[tilespmem:s14], [sflag:$0x2] =	stream.linear.gather @!p2 [hbm4b:s20+s13], $0x500, $0x38;
	[tilespmem:$0x6860] =	vst v63  }
.LBB2_9:
0xa1: {  	s10 =	sadd.s32 $0x1, s10  }
0xa2: {  	p1 =	sne.s32 s10, $0x7D  }
.Ltmp3:
0xa3: {  	_ = 	snop;
	(pc) =	sbr.rel @!p1 .LBB2_10-.Ltmp3, $2  }
0xa4: {  	_ =	sdelay $0x2  }
0xa5: {  	s20 =	sadd.s32 $0xA0, s20;
	s21 =	sadd.s32 $0xA, s21  }
.LBB2_6:
0xa6: {  	s13 =	sand.u32 $0x3, s10  }
0xa7: {  	p1 =	sgt.s32 s13, $0x1  }
.Ltmp4:
0xa8: {  	_ = 	snop;
	(pc) =	sbr.rel @p1 .LBB2_8-.Ltmp4, $1  }
0xa9: {  	_ =	sdelay $0x3  }
0xaa: {  	p1 =	seq.s32 s13, $0x0  }
0xab: {  	s13 =	simm.s32 @p1 $0x1  }
0xac: {  	_ =	swait.ge @p1 [sflag:s13], $0x50  }
0xad: {  	[sflag:s13] =	ssyncset.done @p1 $0x0  }
0xae: {  	p3 =	sgt.u32 @p1 s10, $0x7A;
	[sflag:s13] =	ssyncadd.s32 @p1 $0xFFFFFFB0  }
0xaf: {  	s14 =	simm.s32 @p1 $0x0;
	p2 =	por p3, !p1;
	_ =	swait.ge @p1 [sflag:s13], $0x500  }
0xb0: {  	s15 =	simm.s32 @p1 $0x140;
	p4 =	slt.u32 @!p2 s10, $0x2;
	[sflag:s13] =	ssyncset.done @p1 $0x0  }
0xb1: {  	p3 =	por @p1 p4, p3;
	[sflag:s13] =	ssyncadd.s32 @p1 $0xFFFFFB00;
	s13 =	simm.s32 @p1 $0x50  }
0xb2: {  	[spmem:s2] =	stream.indirect.scatter.add.f32 @p1 [tilespmem:s15], [sflag:$0x5], $0x10, s14, s13, $0xb8;
	[tilespmem:$0x6860] =	vst v63  }
0xb3: {  	p3 =	por p3, !p1;
	s15 =	simm.s32 @p1 $0x1540  }
0xb4: {  	[spmem:s3] =	stream.indirect.scatter.add.f32 @p1 [tilespmem:s15], [sflag:$0x5], $0x10, s14, s13, $0xb8;
	[tilespmem:$0x6860] =	vst v63  }
0xb5: {  	s13 =	simm.s32 @!p3 $0x7  }
0xb6: {  	_ =	swait.ge @!p3 [sflag:s13], $0x500  }
0xb7: {  	[sflag:s13] =	ssyncset.done @!p3 $0x0  }
0xb8: {  	[sflag:s13] =	ssyncadd.s32 @!p3 $0xFFFFFB00  }
0xb9: {  	_ =	swait.ge @!p3 [sflag:s13], $0x500  }
0xba: {  	[sflag:s13] =	ssyncset.done @!p3 $0x0  }
0xbb: {  	s14 =	simm.s32 @!p2 $0xA0;
	[sflag:s13] =	ssyncadd.s32 @!p3 $0xFFFFFB00;
	s13 =	simm.s32 @!p2 $0x0  }
0xbc: {  	[tilespmem:s14], [sflag:$0x3] =	stream.linear.gather @!p2 [hbm4b:s21+s13], $0x50, $0x38;
	[tilespmem:$0x6860] =	vst v63  }
0xbd: {  	s14 =	simm.s32 @!p2 $0xB40  }
0xbe: {  	[tilespmem:s14], [sflag:$0x3] =	stream.linear.gather @!p2 [hbm4b:s20+s13], $0x500, $0x38;
	[tilespmem:$0x6860] =	vst v63  }
0xbf: {  	s13 =	simm.s32 @!p1 $0x2  }
0xc0: {  	_ =	swait.ge @!p1 [sflag:s13], $0x50  }
0xc1: {  	[sflag:s13] =	ssyncset.done @!p1 $0x0  }
0xc2: {  	[sflag:s13] =	ssyncadd.s32 @!p1 $0xFFFFFFB0  }
0xc3: {  	p3 =	sgt.u32 @!p1 s10, $0x7A;
	_ =	swait.ge @!p1 [sflag:s13], $0x500  }
0xc4: {  	s14 =	simm.s32 @!p1 $0x640;
	p2 =	por p3, p1;
	[sflag:s13] =	ssyncset.done @!p1 $0x0  }
0xc5: {  	p4 =	slt.u32 @!p2 s10, $0x2;
	[sflag:s13] =	ssyncadd.s32 @!p1 $0xFFFFFB00;
	s13 =	simm.s32 @!p1 $0x50  }
0xc6: {  	[spmem:s2] =	stream.indirect.scatter.add.f32 @!p1 [tilespmem:s14], [sflag:$0x6], $0x10, s13, s13, $0xb8;
	[tilespmem:$0x6860] =	vst v63  }
0xc7: {  	p3 =	por @!p1 p4, p3;
	s14 =	simm.s32 @!p1 $0x1540  }
0xc8: {  	[spmem:s3] =	stream.indirect.scatter.add.f32 @!p1 [tilespmem:s14], [sflag:$0x6], $0x10, s13, s13, $0xb8;
	[tilespmem:$0x6860] =	vst v63  }
0xc9: {  	p1 =	por p3, p1  }
0xca: {  	s13 =	simm.s32 @!p1 $0x8  }
0xcb: {  	_ =	swait.ge @!p1 [sflag:s13], $0x500  }
0xcc: {  	[sflag:s13] =	ssyncset.done @!p1 $0x0  }
0xcd: {  	[sflag:s13] =	ssyncadd.s32 @!p1 $0xFFFFFB00  }
0xce: {  	_ =	swait.ge @!p1 [sflag:s13], $0x500  }
.Ltmp5:
0xcf: {  	[sflag:s13] =	ssyncset.done @!p1 $0x0;
	(pc) =	sbr.rel .LBB2_9-.Ltmp5, $4  }
0xd0: {  	s14 =	simm.s32 @!p2 $0xF0;
	[sflag:s13] =	ssyncadd.s32 @!p1 $0xFFFFFB00;
	s13 =	simm.s32 @!p2 $0x0  }
0xd1: {  	[tilespmem:s14], [sflag:$0x4] =	stream.linear.gather @!p2 [hbm4b:s21+s13], $0x50, $0x38;
	[tilespmem:$0x6860] =	vst v63  }
0xd2: {  	s14 =	simm.s32 @!p2 $0x1040  }
0xd3: {  	[tilespmem:s14], [sflag:$0x4] =	stream.linear.gather @!p2 [hbm4b:s20+s13], $0x500, $0x38;
	[tilespmem:$0x6860] =	vst v63  }
.LBB2_10:
0xd4: {  	_ =	swait.ge [sflag:s8], $0x500  }
0xd5: {  	[sflag:s8] =	ssyncset.done $0x0  }
0xd6: {  	[sflag:s8] =	ssyncadd.s32 $0xFFFFFB00  }
0xd7: {  	_ =	swait.ge [sflag:s8], $0x500  }
0xd8: {  	[sflag:s8] =	ssyncset.done $0x0  }
0xd9: {  	[sflag:s8] =	ssyncadd.s32 $0xFFFFFB00  }
0xda: {  	_ =	swait.ge [sflag:s9], $0x500  }
0xdb: {  	[sflag:s9] =	ssyncset.done $0x0  }
0xdc: {  	[sflag:s9] =	ssyncadd.s32 $0xFFFFFB00  }
0xdd: {  	p1 =	sgt.u32 s1, $0x7C;
	_ =	swait.ge [sflag:s9], $0x500  }
0xde: {  	s10 =	sadd.s32 @!p1 $0x0, s0;
	[sflag:s9] =	ssyncset.done $0x0  }
0xdf: {  	s13 =	sshll.u32 @!p1 s1, $0x6;
	s14 =	sshrl.u32 @!p1 s30, $0x3;
	[sflag:s9] =	ssyncadd.s32 $0xFFFFFB00  }
0xe0: {  	s20 =	simm.s32 @!p1 $0xA;
	s15 =	sor.u32 @!p1 $0x1C0A, s13;
	[bflag:$0x0] =	sbarrier.arrive $0xFFFF  }
0xe1: {  	[hbm:s10], [sflag:s15] =	dma.local @!p1 [spmem:s14], $0xA0  }
0xe2: {  	s21 =	sadd.s32 $0x5000, s30;
	_ =	swait.ge @!p1 [sflag:s20], $0xA0  }
0xe3: {  	s13 =	sor.u32 @!p1 $0x1C09, s13;
	s15 =	simm.s32 @!p1 $0x9;
	[sflag:s20] =	ssyncset.done @!p1 $0x0  }
0xe4: {  	s14 =	sadd.s32 @!p1 $0x0, s31;
	[sflag:s20] =	ssyncadd.s32 @!p1 $0xFFFFFF60;
	s20 =	sshrl.u32 @!p1 s29, $0x3  }
0xe5: {  	[hbm:s14], [sflag:s13] =	dma.local @!p1 [spmem:s20], $0xA0  }
0xe6: {  	s10 =	simm.s32 $0xA00;
	s13 =	simm.s32 $0x1400;
	_ =	swait.ge @!p1 [sflag:s15], $0xA0  }
0xe7: {  	s20 =	sadd.s32 $0x5000, s29;
	s14 =	sadd.s32 $0x10, s1;
	[sflag:s15] =	ssyncset.done @!p1 $0x0  }
.LBB2_11:
0xe8: {  	[sflag:s15] =	ssyncadd.s32 @!p1 $0xFFFFFF60  }
0xe9: {  	p1 =	sgt.u32 s14, $0x7C;
	s16 =	smov.u32 s13;
	s13 =	sadd.s32 $0xA00, s13  }
0xea: {  	s15 =	sadd.s32 @!p1 s10, s0;
	s17 =	sshll.u32 @!p1 s1, $0x6;
	s18 =	sshrl.u32 @!p1 s21, $0x3  }
0xeb: {  	s12 =	simm.s32 @!p1 $0xA;
	s19 =	sor.u32 @!p1 $0x1C0A, s17;
	s17 =	sor.u32 @!p1 $0x1C09, s17  }
0xec: {  	[hbm:s15], [sflag:s19] =	dma.local @!p1 [spmem:s18], $0xA0  }
0xed: {  	p2 =	sne.s32 s13, $0x5000;
	_ =	swait.ge @!p1 [sflag:s12], $0xA0  }
.Ltmp6:
0xee: {  	s15 =	simm.s32 @!p1 $0x9;
	[sflag:s12] =	ssyncset.done @!p1 $0x0;
	(pc) =	sbr.rel @p2 .LBB2_11-.Ltmp6, $4  }
0xef: {  	s10 =	sadd.s32 @!p1 s10, s31;
	[sflag:s12] =	ssyncadd.s32 @!p1 $0xFFFFFF60;
	s12 =	sshrl.u32 @!p1 s20, $0x3  }
0xf0: {  	[hbm:s10], [sflag:s17] =	dma.local @!p1 [spmem:s12], $0xA0  }
0xf1: {  	s21 =	sadd.s32 $0x5000, s21;
	s10 =	smov.u32 s16;
	_ =	swait.ge @!p1 [sflag:s15], $0xA0  }
0xf2: {  	s14 =	sadd.s32 $0x10, s14;
	s20 =	sadd.s32 $0x5000, s20;
	[sflag:s15] =	ssyncset.done @!p1 $0x0  }
0xf3: {  	p2 =	sgt.u32 s14, $0x7C  }
0xf4: {  	[sflag:s15] =	ssyncadd.s32 @!p1 $0xFFFFFF60;
	s12 =	sadd.s32 @!p2 s10, s0;
	s13 =	sshll.u32 @!p2 s1, $0x6  }
0xf5: {  	s14 =	sshrl.u32 @!p2 s21, $0x3;
	s16 =	simm.s32 @!p2 $0xA;
	s15 =	sor.u32 @!p2 $0x1C0A, s13  }
0xf6: {  	[hbm:s12], [sflag:s15] =	dma.local @!p2 [spmem:s14], $0xA0  }
0xf7: {  	_ =	swait.ge @!p2 [sflag:s16], $0xA0  }
0xf8: {  	s10 =	sadd.s32 @!p2 s10, s31;
	s12 =	sor.u32 @!p2 $0x1C09, s13;
	[sflag:s16] =	ssyncset.done @!p2 $0x0  }
0xf9: {  	s13 =	simm.s32 @!p2 $0x9;
	s14 =	sshrl.u32 @!p2 s20, $0x3;
	[sflag:s16] =	ssyncadd.s32 @!p2 $0xFFFFFF60  }
0xfa: {  	[hbm:s10], [sflag:s12] =	dma.local @!p2 [spmem:s14], $0xA0  }
0xfb: {  	_ =	swait.ge @!p2 [sflag:s13], $0xA0  }
0xfc: {  	s4 =	sadd.s32 $0x1, s4;
	s21 =	rddreg [dreg:$0x8]  }
0xfd: {  	p1 =	sne.s32 s4, s21  }
.Ltmp7:
0xfe: {  	_ = 	snop;
	(pc) =	sbr.rel @p1 .LBB2_1-.Ltmp7, $3  }
0xff: {  	_ =	sdelay $0x1  }
0x100: {  	[sflag:s13] =	ssyncset.done @!p2 $0x0  }
0x101: {  	[sflag:s13] =	ssyncadd.s32 @!p2 $0xFFFFFF60  }
0x102: {  	_ =	sfence.sel $0x180000  }
0x103: {  	[bflag:$0x0] =	sbarrier.arrive $0xFFFF  }
0x104: {  	_ =	strace $0x9000004A  }
0x105: {  	[bflag:$0x2] =	sbarrier.arrive $0xFFFF  }
0x106: {  	p0 =	sne.s32 s1, $0x0;
	s0 =	rddreg [dreg:$0x3]  }
0x107: {  	s0 =	sadd.s32 @!p0 $0x100000, s0  }
0x108: {  	[sflag:s0] =	ssyncadd.tile.s32 @!p0 $0x1;
	_ =	shalt  }
.Lfunc_end2:
_tile_overlayer_lowered:
.L_overlay_start_2:
0x109: {  	(tag) =	ssettag $0x2  }
0x10a: {  	s0 =	rddreg [dreg:$0x0];
	s2 =	stileid.u32  }
0x10b: {  	s1 =	rddreg [dreg:$0x1];
	p0 =	sne.s32 s2, $0x0  }
0x10c: {  	s3 =	rddreg [dreg:$0x2];
	[bflag:$0x3] =	sbarrier.arrive $0xFFFF;
	s2 =	simm.s32 @!p0 $0x1C09  }
0x10d: {  	[timem:s3], [sflag:s2] =	dma.local @!p0 [hbm:s0], s1  }
0x10e: {  	s0 =	simm.s32 @!p0 $0x9  }
0x10f: {  	_ =	swait.ge @!p0 [sflag:s0], s1  }
0x110: {  	s1 =	ssub.s32 @!p0 $0x0, s1;
	[sflag:s0] =	ssyncset.done @!p0 $0x0  }
0x111: {  	[sflag:s0] =	ssyncadd.s32 @!p0 s1  }
0x112: {  	[bflag:$0x3] =	sbarrier.arrive $0xFFFF  }
0x113: {  	_ =	shalt  }

// kernel: kernel.7.cloned.1.call-start
scs
__scs_entry_jumppad:
0x0: {  	(pc) =	sbr.rel $0x88, $3  }
0x1: {  	(tag) =	ssettag $0x0;
	lr =	simm.s32 $0x1  }
0x2: {  	[smem:$0x3F95] =	sst lr;
	_ =	strace $0xD0000000  }
0x3: {  	_ = 	snop  }
0x4: {  	_ = 	snop  }
0x5: {  	_ = 	snop  }
0x6: {  	_ = 	snop  }
0x7: {  	_ = 	snop  }
__scs_overlays_trampoline_lowered:
0x8: {  	[smem:$0x3FA4] =	sst s0  }
0x9: {  	[smem:$0x3FA5] =	sst s1  }
0xa: {  	[smem:$0x3FA6] =	sst s2  }
0xb: {  	[smem:$0x3FA7] =	sst s3  }
0xc: {  	[smem:$0x3FA8] =	sst s4  }
0xd: {  	[smem:$0x3FA9] =	sst s5  }
0xe: {  	[smem:$0x3FAA] =	sst s6  }
0xf: {  	[smem:$0x3FAB] =	sst s7  }
0x10: {  	[smem:$0x3FAC] =	sst s8  }
0x11: {  	[smem:$0x3FAD] =	sst s9;
	s0 =	simm.s32 @!p0 $0x0  }
0x12: {  	s1 =	sld [smem:$0x3F93];
	s0 =	simm.s32 @p0 $0x1  }
0x13: {  	[smem:$0x3FAE] =	sst s0;
	s0 =	simm.s32 @!p1 $0x0  }
0x14: {  	s2 =	sld [smem:$0x3F92];
	s0 =	simm.s32 @p1 $0x1  }
0x15: {  	[smem:$0x3FAF] =	sst s0;
	s0 =	simm.s32 @!p2 $0x0  }
0x16: {  	s3 =	sld [smem:$0x3FDB];
	s0 =	simm.s32 @p2 $0x1  }
0x17: {  	s4 =	simm.s32 $0x1BF5;
	[smem:$0x3FB1] =	sst s0  }
0x18: {  	s0 =	sld [smem:$0x3F94];
	_ =	swait.ge [sflag:s4], $0x0  }
0x19: {  	s7 =	sld [smem:$0x3F95]  }
0x1a: {  	s8 =	sadd.s32 $0xFFFFE003, lr  }
0x1b: {  	s9 =	sadd.s32 $0xFFFFFEF7, lr;
	s5 =	simm.s32 $0xFFFFFFFF;
	p2 =	slt.u32 s8, $0xFFFFF086  }
0x1c: {  	p1 =	slt.u32 s9, $0xF7A;
	s5 =	simm.s32 @!p2 $0x0  }
0x1d: {  	s5 =	simm.s32 @p1 $0x1;
	p0 =	seq.s32 s7, s2  }
0x1e: {  	s7 =	smul.u32 @!p0 $0xF7A, s2;
	p2 =	seq.s32 @!p0 s5, $0x0  }
0x1f: {  	s9 =	smul.u32 $0xF7A, s1;
	s8 =	simm.s32 @!p0 $0x1BF5;
	p2 =	por !p2, p0  }
0x20: {  	[sflag:s8] =	ssyncset.s32 @!p0 $0xFFFFF086;
	s6 =	sadd.s32 @!p0 s3, s7;
	s7 =	simm.s32 @!p0 $0x108  }
0x21: {  	s3 =	sadd.s32 s3, s9;
	s6 =	sadd.s32 @!p0 $0x88, s6;
	s7 =	simm.s32 @p2 $0x1082  }
0x22: {  	[simem:s7], [sflag:s8] =	dma.local @!p0 [hbm:s6], $0xF7A  }
0x23: {  	s9 =	sor.u32 $0xD0000000, s2;
	s6 =	simm.s32 $0x108;
	_ =	swait.ge @!p0 [sflag:s8], $0x0  }
0x24: {  	s3 =	sadd.s32 $0x88, s3;
	s6 =	simm.s32 @!p1 $0x1082;
	[sflag:s4] =	ssyncset.s32 $0xFFFFF086  }
0x25: {  	[simem:s6], [sflag:s4] =	dma.local [hbm:s3], $0xF7A  }
0x26: {  	[smem:$0x3F95] =	sst s1;
	(tag) =	ssettag s2;
	_ =	strace s9  }
0x27: {  	s1 =	sld [smem:$0x3FA5]  }
0x28: {  	s2 =	sld [smem:$0x3FA6]  }
0x29: {  	s4 =	sld [smem:$0x3FA8]  }
0x2a: {  	p0 =	seq.s32 s5, $0x0;
	s5 =	sld [smem:$0x3FA9]  }
0x2b: {  	s6 =	sld [smem:$0x3FAA]  }
0x2c: {  	s7 =	sld [smem:$0x3FAB]  }
0x2d: {  	s3 =	simm.s32 $0x108;
	s8 =	sld [smem:$0x3FAC]  }
0x2e: {  	s3 =	simm.s32 @!p0 $0x1082;
	s9 =	sld [smem:$0x3FAD]  }
0x2f: {  	lr =	sadd.s32 s0, s3;
	s0 =	sld [smem:$0x3FA4]  }
0x30: {  	s3 =	sld [smem:$0x3FA7]  }
0x31: {  	[smem:$0x3FB0] =	sst s10  }
0x32: {  	s10 =	sld [smem:$0x3FAE];
	_ =	sdelay $0x3  }
0x33: {  	p0 =	seq.s32 s10, $0x1;
	s10 =	sld [smem:$0x3FB0];
	_ =	sdelay $0x3  }
0x34: {  	[smem:$0x3FB0] =	sst s10  }
0x35: {  	s10 =	sld [smem:$0x3FAF];
	_ =	sdelay $0x3  }
0x36: {  	p1 =	seq.s32 s10, $0x1;
	s10 =	sld [smem:$0x3FB0];
	_ =	sdelay $0x3  }
0x37: {  	[smem:$0x3FB0] =	sst s10  }
0x38: {  	s10 =	sld [smem:$0x3FB1]  }
0x39: {  	_ = 	snop;
	(pc) =	sbr.ind lr, $3  }
0x3a: {  	_ = 	snop  }
0x3b: {  	_ = 	snop  }
0x3c: {  	p2 =	seq.s32 s10, $0x1;
	s10 =	sld [smem:$0x3FB0]  }
0x3d: {  	_ =	shalt  }
0x3e: {  	_ =	shalt  }
0x3f: {  	_ =	shalt  }
0x40: {  	_ =	shalt  }
0x41: {  	_ =	shalt  }
0x42: {  	_ =	shalt  }
0x43: {  	_ =	shalt  }
0x44: {  	_ =	shalt  }
0x45: {  	_ =	shalt  }
0x46: {  	_ =	shalt  }
0x47: {  	_ =	shalt  }
0x48: {  	_ =	shalt  }
0x49: {  	_ =	shalt  }
0x4a: {  	_ =	shalt  }
0x4b: {  	_ =	shalt  }
0x4c: {  	_ =	shalt  }
0x4d: {  	_ =	shalt  }
0x4e: {  	_ =	shalt  }
0x4f: {  	_ =	shalt  }
0x50: {  	_ =	shalt  }
0x51: {  	_ =	shalt  }
0x52: {  	_ =	shalt  }
0x53: {  	_ =	shalt  }
0x54: {  	_ =	shalt  }
0x55: {  	_ =	shalt  }
0x56: {  	_ =	shalt  }
0x57: {  	_ =	shalt  }
0x58: {  	_ =	shalt  }
0x59: {  	_ =	shalt  }
0x5a: {  	_ =	shalt  }
0x5b: {  	_ =	shalt  }
0x5c: {  	_ =	shalt  }
0x5d: {  	_ =	shalt  }
0x5e: {  	_ =	shalt  }
0x5f: {  	_ =	shalt  }
0x60: {  	_ =	shalt  }
0x61: {  	_ =	shalt  }
0x62: {  	_ =	shalt  }
0x63: {  	_ =	shalt  }
0x64: {  	_ =	shalt  }
0x65: {  	_ =	shalt  }
0x66: {  	_ =	shalt  }
0x67: {  	_ =	shalt  }
0x68: {  	_ =	shalt  }
0x69: {  	_ =	shalt  }
0x6a: {  	_ =	shalt  }
0x6b: {  	_ =	shalt  }
0x6c: {  	_ =	shalt  }
0x6d: {  	_ =	shalt  }
0x6e: {  	_ =	shalt  }
0x6f: {  	_ =	shalt  }
0x70: {  	_ =	shalt  }
0x71: {  	_ =	shalt  }
0x72: {  	_ =	shalt  }
0x73: {  	_ =	shalt  }
0x74: {  	_ =	shalt  }
0x75: {  	_ =	shalt  }
0x76: {  	_ =	shalt  }
0x77: {  	_ =	shalt  }
0x78: {  	_ =	shalt  }
0x79: {  	_ =	shalt  }
0x7a: {  	_ =	shalt  }
0x7b: {  	_ =	shalt  }
0x7c: {  	_ =	shalt  }
0x7d: {  	_ =	shalt  }
0x7e: {  	_ =	shalt  }
0x7f: {  	_ =	shalt  }
0x80: {  	_ =	shalt  }
0x81: {  	_ =	shalt  }
0x82: {  	_ =	shalt  }
0x83: {  	_ =	shalt  }
0x84: {  	_ =	shalt  }
0x85: {  	_ =	shalt  }
0x86: {  	_ =	shalt  }
0x87: {  	_ =	shalt  }
.Lfunc_end0:
.L_simem_size_0:
called_computation_lowered:
.L_overlay_start_0:
0x88: {  	s2 =	sld [smem:$0x3FD9]  }
0x89: {  	s3 =	sld [smem:$0x3FFE];
	_ =	sdelay $0x1  }
0x8a: {  	s1 =	srdreg.scid  }
0x8b: {  	s0 =	sand.u32 $0x1, s1  }
0x8c: {  	s17 =	sshll.u32 s0, $0xA;
	s2 =	sadd.s32 s3, s2  }
0x8d: {  	s2 =	sadd.s32 s2, s17  }
0x8e: {  	[smem:$0x3FBC] =	sst s2  }
0x8f: {  	_ = 	snop  }
0x90: {  	s2 =	sld [smem:$0x3FD0];
	(tm) =	ssettm $0x1  }
0x91: {  	s18 =	sld [smem:$0x3FFB];
	_ =	sdelay $0x3  }
0x92: {  	_ =	strace s18  }
0x93: {  	s3 =	sld [smem:$0x3FFC];
	_ =	sdelay $0x3  }
0x94: {  	_ =	strace s3  }
0x95: {  	s3 =	sld [smem:$0x3FFD];
	_ =	sdelay $0x3  }
0x96: {  	_ =	strace s3  }
0x97: {  	_ =	strace $0x8FFFFFFF  }
0x98: {  	s19 =	sld [smem:$0x3FDB];
	_ =	sdelay $0x1  }
0x99: {  	s4 =	simm.s32 $_scs_section_size  }
0x9a: {  	s5 =	simm.s32 $_size__tile_overlayer_lowered;
	s6 =	simm.s32 $_tile_overlayer_lowered  }
0x9b: {  	s22 =	simm.s32 $0x1BFF;
	s21 =	sshll.u32 s6, $0x1;
	s3 =	sadd.s32 s4, s19  }
0x9c: {  	s7 =	simm.s32 $0x0;
	s20 =	sshll.u32 s5, $0x1;
	s5 =	sadd.s32 s21, s3  }
0x9d: {  	[timem:s7], [sflag:s22] =	dma.local [hbm:s5], s20  }
0x9e: {  	_ =	swait.ge [sflag:s22], s20  }
0x9f: {  	s4 =	ssub.s32 $0x0, s20;
	[sflag:s22] =	ssyncset.done $0x0  }
0xa0: {  	[sflag:s22] =	ssyncadd.s32 s4;
	_ =	sdelay $0x1  }
0xa1: {  	s23 =	simm.s32 $0x1B8B  }
0xa2: {  	_ =	swait.ge [sflag:s23], $0x1  }
0xa3: {  	[sflag:s23] =	ssyncset.done $0x0  }
0xa4: {  	s25 =	simm.s32 $0x1B8E;
	s24 =	sld [smem:$0x3FFE];
	[sflag:s23] =	ssyncadd.s32 $0xFFFFFFFF  }
0xa5: {  	s26 =	simm.s32 $execute0_lowered;
	[smem:$0x3FD2] =	sst s25  }
0xa6: {  	s5 =	sshll.u32 s26, $0x1;
	_ =	strace $0x80000046;
	[dreg:$0x1] =	wrdreg $0xFFFFFFFF  }
0xa7: {  	s28 =	simm.s32 $_size_execute0_lowered;
	s3 =	sadd.s32 s3, s5;
	[dreg:$0x0] =	wrdreg $0x0  }
0xa8: {  	s5 =	sshll.u32 s28, $0x1;
	[dreg:$0x2] =	wrdreg s3  }
0xa9: {  	[dreg:$0x3] =	wrdreg s5  }
0xaa: {  	[dreg:$0x4] =	wrdreg $0xC0  }
0xab: {  	_ =	task [dreg:s7], $0x5FFFF  }
0xac: {  	[dreg:$0x1] =	wrdreg $0xFFFFFFFF  }
0xad: {  	[dreg:$0x0] =	wrdreg $0x60  }
0xae: {  	[dreg:$0x2] =	wrdreg s24  }
0xaf: {  	[dreg:$0x3] =	wrdreg s2  }
0xb0: {  	[dreg:$0x4] =	wrdreg $0x92700  }
0xb1: {  	[dreg:$0x5] =	wrdreg $0x9  }
0xb2: {  	_ =	task.clear_ibuf [dreg:s7], $0x6FFFF;
	_ =	strace $0x90000046  }
0xb3: {  	s29 =	simm.s32 $0x9;
	_ =	strace $0x80000048  }
0xb4: {  	_ =	swait.ge [sflag:s29], $0x1  }
0xb5: {  	[sflag:s29] =	ssyncadd.s32 $0xFFFFFFFF  }
0xb6: {  	_ =	strace $0x90000048  }
0xb7: {  	_ =	sfence  }
0xb8: {  	s30 =	sld [smem:$0x0];
	_ =	sdelay $0x2  }
0xb9: {  	s31 =	sshll.u32 s1, $0xD;
	s1 =	sshrl.u32 s1, $0x2  }
0xba: {  	s3 =	sand.u32 $0x4000, s31;
	s1 =	sadd.s32 s1, s30  }
0xbb: {  	s0 =	sor.u32 s3, s0;
	s1 =	sshll.u32 s1, $0x11  }
0xbc: {  	s0 =	sor.u32 s1, s0  }
0xbd: {  	s0 =	sadd.s32 $0x8F2B, s0  }
0xbe: {  	[sflag:s0] =	ssyncadd.remote.s32 $0x1  }
0xbf: {  	_ =	sfence.sel $0xFFFF  }
0xc0: {  	[dreg:$0x0] =	wrdreg $0xFFFFFFFF;
	(pc) =	sbr.abs _section_cstart, $3  }
0xc1: {  	[dreg:$0x1] =	wrdreg $0xFFFFFFFF  }
0xc2: {  	_ =	task.clear_ibuf [dreg:s7], $0x2FFFF;
	_ =	strace $0x9FFFFFFF  }
0xc3: {  	(tm) =	ssettm $0x7FFFFFFF  }
tec
execute0_lowered:
.L_overlay_start_1:
0x0: {  	(tag) =	ssettag $0x1  }
0x1: {  	s0 =	rddreg [dreg:$0x0]  }
0x2: {  	s1 =	rddreg [dreg:$0x1];
	s4 =	srdreg.scid  }
0x3: {  	s2 =	rddreg [dreg:$0x2];
	s3 =	simm.s32 $0x0;
	s9 =	sand.u32 $0x1, s4  }
0x4: {  	s28 =	simm.s32 $0x50;
	s4 =	stileid.u32;
	s13 =	smul.u32 $0x138800, s9  }
0x5: {  	s31 =	simm.s32 $0x4;
	s29 =	simm.s32 $0x14F0;
	s15 =	smul.u32 $0x6400, s4  }
0x6: {  	[smem:$0x7FF] =	sst s3;
	s5 =	sadd.s32 $0x4E00, s0;
	s17 =	smul.u32 $0x27100, s9  }
0x7: {  	s6 =	sadd.s32 $0xEC00, s0;
	s16 =	sor.u32 $0x10, s4;
	s25 =	smul.u32 $0xC80, s4  }
0x8: {  	s7 =	sadd.s32 $0x289C00, s0;
	s18 =	sor.u32 $0x20, s4;
	s24 =	smul.u32 $0x6400, s16  }
0x9: {  	s23 =	sadd.s32 $0x2BAC00, s0;
	s20 =	sor.u32 $0x30, s4;
	s19 =	smul.u32 $0x6400, s18  }
0xa: {  	s11 =	sadd.s32 $0x18A00, s0;
	_ =	strace $0x80000047;
	s21 =	smul.u32 $0x6400, s20  }
0xb: {  	s8 =	sshll.u32 s9, $0x4;
	[dreg:$0x4] =	wrdreg s11;
	s26 =	smul.u32 $0xC80, s16  }
0xc: {  	s12 =	ssub.s32 $0x2, s9;
	s10 =	sor.u32 s4, s8;
	s30 =	smul.u32 $0xC80, s18  }
0xd: {  	s8 =	sadd.s32 $0x18C00, s0;
	s14 =	sshrl.u32 s12, $0x1;
	s22 =	smul.u32 $0xC80, s20  }
0xe: {  	s0 =	sadd.s32 $0x2B0E00, s0;
	p0 =	sgt.u32 s20, $0x31;
	s10 =	smul.u32 $0x2710, s10  }
0xf: {  	s12 =	ssub.s32 s12, s14;
	s15 =	sadd.s32 s13, s15;
	s14 =	sadd.s32 s13, s24  }
0x10: {  	s15 =	sshrl.u32 s15, $0x3;
	s19 =	sadd.s32 s13, s19;
	s13 =	sadd.s32 s13, s21  }
0x11: {  	s24 =	sadd.s32 s17, s30;
	s14 =	sshrl.u32 s14, $0x3;
	s15 =	sadd.s32 s23, s15  }
0x12: {  	s19 =	sshrl.u32 s19, $0x3;
	[dreg:$0x5] =	wrdreg s15;
	s14 =	sadd.s32 s23, s14  }
0x13: {  	s13 =	sshrl.u32 s13, $0x3;
	s19 =	sadd.s32 s23, s19;
	[dreg:$0x6] =	wrdreg s14  }
0x14: {  	s30 =	sshrl.u32 s24, $0x3;
	s11 =	sadd.s32 s23, s13;
	[dreg:$0x7] =	wrdreg s19  }
0x15: {  	s23 =	sadd.s32 s17, s25;
	s25 =	sshrl.u32 s10, $0x3;
	[dreg:$0x8] =	wrdreg s11  }
0x16: {  	s14 =	sadd.s32 s17, s26;
	s11 =	sadd.s32 s17, s22;
	s19 =	smul.u32 $0x138800, s4  }
0x17: {  	s13 =	sshrl.u32 s23, $0x3;
	s15 =	sadd.s32 s5, s25;
	s23 =	smul.u32 $0x1C200, s16  }
0x18: {  	s21 =	sadd.s32 s6, s25;
	s22 =	sadd.s32 $0x28, s10;
	s25 =	smul.u32 $0x2710, s4  }
0x19: {  	s13 =	sadd.s32 s0, s13;
	s26 =	sshrl.u32 s14, $0x3;
	[dreg:$0xd] =	wrdreg s15  }
0x1a: {  	s14 =	sadd.s32 s0, s30;
	s11 =	sshrl.u32 s11, $0x3;
	[dreg:$0xe] =	wrdreg s21  }
0x1b: {  	s21 =	sshll.u32 s9, $0x6;
	s9 =	sshrl.u32 s22, $0x3;
	[dreg:$0x9] =	wrdreg s13  }
0x1c: {  	s30 =	smax.u32 s12, $0x1;
	s12 =	smul.u32 $0x1C200, s18;
	[dreg:$0xb] =	wrdreg s14  }
0x1d: {  	s13 =	sadd.s32 s0, s26;
	s0 =	sadd.s32 s0, s11;
	[dreg:$0x12] =	wrdreg s30  }
0x1e: {  	s24 =	sadd.s32 s5, s9;
	s9 =	sadd.s32 s6, s9;
	[dreg:$0xa] =	wrdreg s13  }
0x1f: {  	s26 =	smul.u32 $0x1C200, s4;
	s25 =	sadd.s32 $0x28, s25;
	[dreg:$0xc] =	wrdreg s0  }
0x20: {  	s11 =	sshrl.u32 s23, $0x2;
	s14 =	smul.u32 $0x5A00, s4;
	[dreg:$0xf] =	wrdreg s24  }
0x21: {  	s0 =	sor.u32 s21, s19;
	[dreg:$0x10] =	wrdreg s9;
	s13 =	smul.u32 $0x1C200, s20  }
0x22: {  	s9 =	sshrl.u32 s12, $0x2;
	s16 =	sadd.s32 s11, s2;
	s0 =	sshrl.u32 s0, $0x3  }
0x23: {  	s17 =	sadd.s32 s9, s2;
	s19 =	sshrl.u32 s14, $0x2;
	[dreg:$0x14] =	wrdreg s16  }
0x24: {  	s24 =	sadd.s32 $0x80, s16;
	s14 =	sadd.s32 $0x50, s10;
	s0 =	sadd.s32 s8, s0  }
0x25: {  	s18 =	sshrl.u32 s13, $0x2;
	s22 =	sadd.s32 s19, s2;
	[dreg:$0x15] =	wrdreg s17  }
0x26: {  	s13 =	simm.s32 $0x1;
	s19 =	simm.s32 $0x7;
	[dreg:$0x11] =	wrdreg s0  }
0x27: {  	s0 =	sshrl.u32 s26, $0x2;
	s12 =	sadd.s32 s18, s2;
	[dreg:$0x17] =	wrdreg s22  }
0x28: {  	s26 =	sadd.s32 $0x80, s17;
	s17 =	simm.s32 $0x28;
	s18 =	simm.s32 $0x78  }
0x29: {  	s22 =	simm.s32 $0x80;
	s15 =	sadd.s32 s0, s2;
	[dreg:$0x16] =	wrdreg s12  }
0x2a: {  	s11 =	sadd.s32 $0x80, s12;
	s0 =	sshrl.u32 s24, $0x3;
	s30 =	sshrl.u32 s26, $0x3  }
.Ltmp0:
0x2b: {  	s24 =	simm.s32 $0xC8;
	[dreg:$0x13] =	wrdreg s15;
	(pc) =	sbr.rel .LBB2_1-.Ltmp0, $4  }
0x2c: {  	s26 =	simm.s32 $0x8;
	s12 =	simm.s32 $0x0;
	[dreg:$0x19] =	wrdreg s0  }
0x2d: {  	s20 =	sadd.s32 $0x80, s15;
	[dreg:$0x1a] =	wrdreg s30;
	s0 =	sshrl.u32 @!p0 s11, $0x3  }
0x2e: {  	v0 =	vimm.f32 $0.0e+00;
	vm0 =	vcmask $0x3F10;
	s23 =	sshrl.u32 s20, $0x3;
	[dreg:$0x1b] =	wrdreg s0;
	s20 =	simm.s32 $0x40  }
0x2f: {  	vm1 =	vcmask $0x3F0C;
	vm2 =	vcmask $0x3F08;
	vm3 =	vmmov $0x1;
	s0 =	simm.s32 $0xA0;
	[dreg:$0x18] =	wrdreg s23;
	s23 =	simm.s32 $0x2  }
.LBB2_14:
0x30: {  	s9 =	simm.s32 $0x5  }
0x31: {  	_ =	swait.ge [sflag:s9], $0x1680  }
0x32: {  	[sflag:s9] =	ssyncset.done $0x0  }
0x33: {  	s15 =	simm.s32 $0x6;
	[sflag:s9] =	ssyncadd.s32 $0xFFFFE980  }
0x34: {  	_ =	swait.ge [sflag:s15], $0x1680  }
0x35: {  	[sflag:s15] =	ssyncset.done $0x0  }
0x36: {  	[sflag:s15] =	ssyncadd.s32 $0xFFFFE980  }
0x37: {  	s28 =	simm.s32 $0x10;
	s30 =	simm.s32 $0x12;
	[bflag:$0x0] =	sbarrier.arrive $0xFFFF  }
0x38: {  	s29 =	simm.s32 $0xA;
	s9 =	sshll.u32 s4, $0x6;
	s12 =	rddreg [dreg:$0x13]  }
0x39: {  	s11 =	sor.u32 $0x1C0A, s9;
	s16 =	rddreg [dreg:$0x5];
	s15 =	sshrl.u32 s12, $0x3  }
0x3a: {  	[hbm:s16@s28], [sflag:s11] =	dma.strided [spmem:s15@s30], $0xC80, s13, $0x10   }
0x3b: {  	_ =	swait.ge [sflag:s29], $0xC80  }
0x3c: {  	[sflag:s29] =	ssyncset.done $0x0;
	s15 =	rddreg [dreg:$0x9]  }
0x3d: {  	s9 =	sor.u32 $0x1C09, s9;
	s16 =	rddreg [dreg:$0x18];
	[sflag:s29] =	ssyncadd.s32 $0xFFFFF380  }
0x3e: {  	[hbm:s15@s23], [sflag:s9] =	dma.strided [spmem:s16@s30], $0x190, s13, $0x2   }
0x3f: {  	s16 =	simm.s32 $0x9  }
0x40: {  	_ =	swait.ge [sflag:s16], $0x190  }
0x41: {  	[sflag:s16] =	ssyncset.done $0x0;
	s15 =	rddreg [dreg:$0x14]  }
0x42: {  	s12 =	rddreg [dreg:$0x6];
	[sflag:s16] =	ssyncadd.s32 $0xFFFFFE70;
	s15 =	sshrl.u32 s15, $0x3  }
0x43: {  	[hbm:s12@s28], [sflag:s11] =	dma.strided [spmem:s15@s30], $0xC80, s13, $0x10   }
0x44: {  	_ =	swait.ge [sflag:s29], $0xC80  }
0x45: {  	[sflag:s29] =	ssyncset.done $0x0;
	s12 =	rddreg [dreg:$0xa]  }
0x46: {  	s15 =	rddreg [dreg:$0x19];
	[sflag:s29] =	ssyncadd.s32 $0xFFFFF380  }
0x47: {  	[hbm:s12@s23], [sflag:s9] =	dma.strided [spmem:s15@s30], $0x190, s13, $0x2   }
0x48: {  	_ =	swait.ge [sflag:s16], $0x190  }
0x49: {  	[sflag:s16] =	ssyncset.done $0x0;
	s15 =	rddreg [dreg:$0x15]  }
0x4a: {  	s12 =	rddreg [dreg:$0x7];
	[sflag:s16] =	ssyncadd.s32 $0xFFFFFE70;
	s15 =	sshrl.u32 s15, $0x3  }
0x4b: {  	[hbm:s12@s28], [sflag:s11] =	dma.strided [spmem:s15@s30], $0xC80, s13, $0x10   }
0x4c: {  	_ =	swait.ge [sflag:s29], $0xC80  }
0x4d: {  	[sflag:s29] =	ssyncset.done $0x0;
	s12 =	rddreg [dreg:$0xb]  }
0x4e: {  	s15 =	rddreg [dreg:$0x1a];
	[sflag:s29] =	ssyncadd.s32 $0xFFFFF380  }
0x4f: {  	[hbm:s12@s23], [sflag:s9] =	dma.strided [spmem:s15@s30], $0x190, s13, $0x2   }
0x50: {  	_ =	swait.ge [sflag:s16], $0x190  }
0x51: {  	[sflag:s16] =	ssyncset.done $0x0;
	s12 =	rddreg [dreg:$0x16]  }
0x52: {  	s30 =	simm.s32 @!p0 $0x10;
	s28 =	rddreg [dreg:$0x8];
	[sflag:s16] =	ssyncadd.s32 $0xFFFFFE70  }
0x53: {  	s15 =	sshrl.u32 @!p0 s12, $0x3;
	s16 =	simm.s32 @!p0 $0x1;
	s12 =	simm.s32 @!p0 $0x12  }
0x54: {  	[hbm:s28@s30], [sflag:s11] =	dma.strided @!p0 [spmem:s15@s12], $0xC80, s16, $0x10   }
0x55: {  	s11 =	simm.s32 @!p0 $0xA  }
0x56: {  	_ =	swait.ge @!p0 [sflag:s11], $0xC80  }
0x57: {  	[sflag:s11] =	ssyncset.done @!p0 $0x0;
	s15 =	rddreg [dreg:$0xc]  }
0x58: {  	s28 =	rddreg [dreg:$0x1b];
	[sflag:s11] =	ssyncadd.s32 @!p0 $0xFFFFF380;
	s11 =	simm.s32 @!p0 $0x2  }
0x59: {  	[hbm:s15@s11], [sflag:s9] =	dma.strided @!p0 [spmem:s28@s12], $0x190, s16, $0x2   }
0x5a: {  	s9 =	simm.s32 @!p0 $0x9  }
0x5b: {  	_ =	swait.ge @!p0 [sflag:s9], $0x190  }
0x5c: {  	s16 =	rddreg [dreg:$0x1c]  }
0x5d: {  	s30 =	rddreg [dreg:$0x12];
	s12 =	sadd.s32 $0x1, s16  }
0x5e: {  	p1 =	sne.s32 s12, s30  }
.Ltmp1:
0x5f: {  	_ = 	snop;
	(pc) =	sbr.rel @!p1 .LBB2_15-.Ltmp1, $3  }
0x60: {  	_ =	sdelay $0x1  }
0x61: {  	[sflag:s9] =	ssyncset.done @!p0 $0x0  }
0x62: {  	s29 =	simm.s32 $0x14F0;
	s28 =	simm.s32 $0x50;
	[sflag:s9] =	ssyncadd.s32 @!p0 $0xFFFFFE70  }
.LBB2_1:
0x63: {  	[dreg:$0x1c] =	wrdreg s12;
	s9 =	simm.s32 $0x0;
	s11 =	simm.s32 $0x240  }
.LBB2_2:
0x64: {  	p1 =	sne.s32 s11, $0x57C0;
	[tilespmem:s9+$0x6570] =	vst v0  }
0x65: {  	[tilespmem:s9+$0x64F0] =	vst v0  }
0x66: {  	[tilespmem:s9+$0x6500] =	vst v0  }
0x67: {  	[tilespmem:s9+$0x6510] =	vst v0  }
.Ltmp2:
0x68: {  	[tilespmem:s9+$0x6520] =	vst v0;
	(pc) =	sbr.rel @p1 .LBB2_2-.Ltmp2, $4  }
0x69: {  	[tilespmem:s9+$0x6530] =	vst v0  }
0x6a: {  	[tilespmem:s9+$0x6540] =	vst v0  }
0x6b: {  	[tilespmem:s9+$0x6550] =	vst v0  }
0x6c: {  	[tilespmem:s9+$0x6560] =	vst v0;
	s9 =	sshra.s32 s11, $0x2;
	s11 =	sadd.s32 $0x240, s11  }
0x6d: {  	[tilespmem:s9+$0x6570] =	vst v0  }
0x6e: {  	[tilespmem:s9+$0x64F0] =	vst v0  }
0x6f: {  	[tilespmem:s9+$0x6500] =	vst v0  }
0x70: {  	[tilespmem:s9+$0x6510] =	vst v0  }
0x71: {  	[tilespmem:s9+$0x6520] =	vst v0  }
0x72: {  	[tilespmem:s9+$0x6530] =	vst v0  }
0x73: {  	[tilespmem:s9+$0x6540] =	vst v0;
	s11 =	sadd.s32 $0x0, s4  }
0x74: {  	[tilespmem:s9+$0x6550] =	vst v0;
	p1 =	sgt.u32 s11, $0xF9  }
0x75: {  	[tilespmem:s9+$0x6560] =	vst v0;
	s12 =	rddreg [dreg:$0x17];
	s9 =	simm.s32 @!p1 $0x64F0;
	s16 =	simm.s32 @!p1 $0x9  }
0x76: {  	[spmem:s12] =	stream.linear.scatter @!p1 [tilespmem:s9], [sflag:$0x9], $0x1680, $0x38;
	[tilespmem:$0x1F200] =	vst v63  }
0x77: {  	s15 =	simm.s32 $0x20;
	_ =	swait.ge @!p1 [sflag:s16], $0x1680  }
0x78: {  	s11 =	simm.s32 $0x10;
	s9 =	sadd.s32 $0x16800, s12;
	[sflag:s16] =	ssyncset.done @!p1 $0x0  }
.LBB2_4:
0x79: {  	s30 =	sadd.s32 s11, s4;
	s11 =	smov.u32 s15;
	s15 =	sadd.s32 $0x10, s15  }
0x7a: {  	[sflag:s16] =	ssyncadd.s32 @!p1 $0xFFFFE980;
	p2 =	sne.s32 s15, $0x100  }
.Ltmp3:
0x7b: {  	p1 =	sgt.u32 s30, $0xF9;
	(pc) =	sbr.rel @p2 .LBB2_4-.Ltmp3, $4  }
0x7c: {  	s30 =	simm.s32 @!p1 $0x64F0;
	s16 =	simm.s32 @!p1 $0x9  }
0x7d: {  	[spmem:s9] =	stream.linear.scatter @!p1 [tilespmem:s30], [sflag:$0x9], $0x1680, $0x38;
	[tilespmem:$0x1F200] =	vst v63  }
0x7e: {  	_ =	swait.ge @!p1 [sflag:s16], $0x1680  }
0x7f: {  	s9 =	sadd.s32 $0x16800, s9;
	[sflag:s16] =	ssyncset.done @!p1 $0x0  }
0x80: {  	s11 =	sadd.s32 s11, s4  }
0x81: {  	p2 =	sgt.u32 s11, $0xF9  }
0x82: {  	[sflag:s16] =	ssyncadd.s32 @!p1 $0xFFFFE980;
	s11 =	simm.s32 @!p2 $0x64F0;
	s15 =	simm.s32 @!p2 $0x9  }
0x83: {  	[spmem:s9] =	stream.linear.scatter @!p2 [tilespmem:s11], [sflag:$0x9], $0x1680, $0x38;
	[tilespmem:$0x1F200] =	vst v63  }
0x84: {  	_ =	swait.ge @!p2 [sflag:s15], $0x1680  }
0x85: {  	[sflag:s15] =	ssyncset.done @!p2 $0x0  }
0x86: {  	[sflag:s15] =	ssyncadd.s32 @!p2 $0xFFFFE980  }
0x87: {  	s16 =	simm.s32 $0x0;
	[bflag:$0x0] =	sbarrier.arrive $0xFFFF  }
0x88: {  	s12 =	simm.s32 $0x91F0;
	s15 =	simm.s32 $0x9;
	s11 =	rddreg [dreg:$0x4]  }
0x89: {  	[tilespmem:s12], [sflag:$0x9] =	stream.linear.gather [hbm4b:s11+s16], $0x80, $0x38;
	[tilespmem:$0x1F200] =	vst v63  }
0x8a: {  	_ =	swait.ge [sflag:s15], $0x80  }
0x8b: {  	[sflag:s15] =	ssyncset.done $0x0  }
0x8c: {  	[sflag:s15] =	ssyncadd.s32 $0xFFFFFF80  }
0x8d: {  	v1 =	vld [tilespmem:$0x91F0]  }
0x8e: {  	v2 =	vld [tilespmem:$0x9200]  }
0x8f: {  	v3 =	vld [tilespmem:$0x9210]  }
0x90: {  	v4 =	vld [tilespmem:$0x9220]  }
0x91: {  	v5 =	vld [tilespmem:$0x9230]  }
0x92: {  	v6 =	vld [tilespmem:$0x9240]  }
0x93: {  	s30 =	rddreg [dreg:$0xd];
	v7 =	vld [tilespmem:$0x9250]  }
0x94: {  	v8 =	vld [tilespmem:$0x9260];
	[tilespmem:s16], [sflag:$0x3] =	stream.linear.gather [hbm4b:s30+s16], $0x28, $0x38  }
0x95: {  	s11 =	rddreg [dreg:$0xe]  }
0x96: {  	[tilespmem:s28], [sflag:$0x3] =	stream.linear.gather [hbm4b:s11+s16], $0x28, $0x38;
	[tilespmem:$0x1F200] =	vst v63  }
0x97: {  	s12 =	rddreg [dreg:$0xf]  }
0x98: {  	[tilespmem:s17], [sflag:$0x4] =	stream.linear.gather [hbm4b:s12+s16], $0x28, $0x38;
	[tilespmem:$0x1F200] =	vst v63  }
0x99: {  	s15 =	rddreg [dreg:$0x10];
	s30 =	simm.s32 $0x3  }
0x9a: {  	[tilespmem:s18], [sflag:$0x4] =	stream.linear.gather [hbm4b:s15+s16], $0x28, $0x38;
	[tilespmem:$0x1F200] =	vst v63  }
0x9b: {  	_ =	swait.ge [sflag:s30], $0x28  }
0x9c: {  	[sflag:s30] =	ssyncset.done $0x0  }
0x9d: {  	[sflag:s30] =	ssyncadd.s32 $0xFFFFFFD8  }
0x9e: {  	_ =	swait.ge [sflag:s30], $0x28  }
0x9f: {  	[sflag:s30] =	ssyncset.done $0x0  }
0xa0: {  	s11 =	simm.s32 $0xF0;
	[sflag:s30] =	ssyncadd.s32 $0xFFFFFFD8  }
0xa1: {  	[tilespmem:s11], [sflag:$0x1] =	stream.indirect.gather [hbm4b:s1+s17], $0x80, s16, s17, $0xb8;
	[tilespmem:$0x1F200] =	vst v63  }
.Ltmp4:
0xa2: {  	_ = 	snop;
	(pc) =	sbr.rel .LBB2_6-.Ltmp4, $4  }
0xa3: {  	s12 =	simm.s32 $0x28F0  }
0xa4: {  	[tilespmem:s12], [sflag:$0x1] =	stream.indirect.gather [hbm4b:s7+s17], $0x80, s28, s17, $0xb8;
	[tilespmem:$0x1F200] =	vst v63  }
0xa5: {  	s15 =	rddreg [dreg:$0x11];
	s30 =	simm.s32 $0x50F0;
	s12 =	simm.s32 $0x7B70  }
0xa6: {  	[tilespmem:s30], [sflag:$0x1] =	stream.strided.gather [hbm4b:s15+s20], $0xA00, s22, s20, $0x38;
	[tilespmem:$0x1F200] =	vst v63  }
.LBB2_13:
0xa7: {  	s16 =	sadd.s32 $0x1, s16  }
0xa8: {  	p1 =	sne.s32 s16, $0xFA  }
.Ltmp5:
0xa9: {  	_ = 	snop;
	(pc) =	sbr.rel @!p1 .LBB2_14-.Ltmp5, $1  }
0xaa: {  	_ =	sdelay $0x3  }
.LBB2_6:
0xab: {  	s9 =	sand.u32 $0x1, s16  }
0xac: {  	p1 =	seq.s32 s9, $0x1  }
.Ltmp6:
0xad: {  	_ = 	snop;
	(pc) =	sbr.rel @!p1 .LBB2_7-.Ltmp6, $1  }
0xae: {  	_ =	sdelay $0x3  }
0xaf: {  	p1 =	seq.s32 s16, $0xF9  }
0xb0: {  	s9 =	simm.s32 @!p1 $0x3  }
0xb1: {  	_ =	swait.ge @!p1 [sflag:s9], $0x28  }
0xb2: {  	[sflag:s9] =	ssyncset.done @!p1 $0x0  }
0xb3: {  	[sflag:s9] =	ssyncadd.s32 @!p1 $0xFFFFFFD8  }
0xb4: {  	_ =	swait.ge @!p1 [sflag:s9], $0x28  }
0xb5: {  	s11 =	simm.s32 @!p1 $0x0;
	[sflag:s9] =	ssyncset.done @!p1 $0x0  }
0xb6: {  	s15 =	simm.s32 @!p1 $0xF0;
	[sflag:s9] =	ssyncadd.s32 @!p1 $0xFFFFFFD8;
	s9 =	simm.s32 @!p1 $0x28  }
0xb7: {  	[tilespmem:s15], [sflag:$0x1] =	stream.indirect.gather @!p1 [hbm4b:s1+s9], $0x80, s11, s9, $0xb8;
	[tilespmem:$0x1F200] =	vst v63  }
0xb8: {  	s30 =	smul.u32 @!p1 $0x28, s16;
	s11 =	simm.s32 @!p1 $0x50;
	s15 =	simm.s32 @!p1 $0x28F0  }
0xb9: {  	[tilespmem:s15], [sflag:$0x1] =	stream.indirect.gather @!p1 [hbm4b:s7+s9], $0x80, s11, s9, $0xb8;
	[tilespmem:$0x1F200] =	vst v63  }
0xba: {  	s9 =	sadd.s32 @!p1 s30, s25  }
0xbb: {  	s9 =	sshll.u32 @!p1 s9, $0x7  }
0xbc: {  	s9 =	sor.u32 @!p1 s21, s9  }
0xbd: {  	s11 =	simm.s32 @!p1 $0x40;
	s9 =	sshrl.u32 @!p1 s9, $0x3  }
0xbe: {  	s15 =	simm.s32 @!p1 $0x80;
	s30 =	simm.s32 @!p1 $0x50F0;
	s9 =	sadd.s32 @!p1 s8, s9  }
0xbf: {  	[tilespmem:s30], [sflag:$0x1] =	stream.strided.gather @!p1 [hbm4b:s9+s11], $0xA00, s15, s11, $0x38;
	[tilespmem:$0x1F200] =	vst v63  }
0xc0: {  	_ =	swait.ge [sflag:s23], $0x1400  }
0xc1: {  	[sflag:s23] =	ssyncset.done $0x0  }
0xc2: {  	[sflag:s23] =	ssyncadd.s32 $0xFFFFEC00  }
0xc3: {  	_ =	swait.ge [sflag:s23], $0x1400  }
0xc4: {  	[sflag:s23] =	ssyncset.done $0x0  }
0xc5: {  	[sflag:s23] =	ssyncadd.s32 $0xFFFFEC00  }
0xc6: {  	_ =	swait.ge [sflag:s23], $0xA00  }
0xc7: {  	p1 =	slt.u32 s16, $0x2;
	[sflag:s23] =	ssyncset.done $0x0  }
0xc8: {  	s9 =	simm.s32 @!p1 $0x6;
	[sflag:s23] =	ssyncadd.s32 $0xFFFFF600  }
0xc9: {  	_ =	swait.ge @!p1 [sflag:s9], $0x1680  }
0xca: {  	[sflag:s9] =	ssyncset.done @!p1 $0x0  }
0xcb: {  	p2 =	slt.u32 @!p1 s16, $0xF8;
	[sflag:s9] =	ssyncadd.s32 @!p1 $0xFFFFE980;
	s9 =	smul.u32 $0x28, s16  }
0xcc: {  	p2 =	por p1, p2  }
0xcd: {  	s11 =	sadd.s32 @p2 s9, s14  }
0xce: {  	s11 =	sshrl.u32 @p2 s11, $0x3  }
0xcf: {  	s9 =	sadd.s32 s10, s9;
	s15 =	sadd.s32 @p2 s5, s11  }
0xd0: {  	[tilespmem:s17], [sflag:$0x4] =	stream.linear.gather @p2 [hbm4b:s15+s3], $0x28, $0x38;
	[tilespmem:$0x1F200] =	vst v63  }
0xd1: {  	s9 =	sshrl.u32 s9, $0x3;
	s11 =	sadd.s32 @p2 s6, s11  }
0xd2: {  	[tilespmem:s18], [sflag:$0x4] =	stream.linear.gather @p2 [hbm4b:s11+s3], $0x28, $0x38;
	[tilespmem:$0x1F200] =	vst v63  }
0xd3: {  	s9 =	sadd.s32 s6, s9;
	s15 =	simm.s32 $0x0  }
0xd4: {  	[tilespmem:s24], [sflag:$0x8] =	stream.linear.gather [hbm4b:s9+s15], $0x28, $0x38;
	[tilespmem:$0x1F200] =	vst v63  }
0xd5: {  	s30 =	simm.s32 $0x5BE0;
	s9 =	simm.s32 $0x7DA0  }
.LBB2_11:
0xd6: {  	v15 =	vld [tilespmem:s30+$0xFFFFFF10]  }
0xd7: {  	s11 =	sshra.s32 s15, $0x2;
	v18 =	vld [tilespmem:s30+$0xFFFFFF20]  }
0xd8: {  	v9 =	vld [tilespmem:s11+$0x14F0]  }
0xd9: {  	v10 =	vld [tilespmem:s11+$0x1500]  }
0xda: {  	v11 =	vld [tilespmem:s11+$0x1510]  }
0xdb: {  	v12 =	vld [tilespmem:s11+$0x1520]  }
0xdc: {  	v13 =	vld [tilespmem:s11+$0x1530]  }
0xdd: {  	v14 =	vld [tilespmem:s11+$0x3CF0]  }
0xde: {  	v16 =	vld [tilespmem:s11+$0x3D00]  }
0xdf: {  	v17 =	vld [tilespmem:s11+$0x3D10]  }
0xe0: {  	v19 =	vld [tilespmem:s11+$0x3D20]  }
0xe1: {  	v20 =	vld [tilespmem:s11+$0x1540]  }
0xe2: {  	v42 =	vld [tilespmem:s11+$0x1560]  }
0xe3: {  	v24 =	vld [tilespmem:s11+$0x3D30]  }
0xe4: {  	v45 =	vld [tilespmem:s11+$0x3D40]  }
0xe5: {  	v27 =	vld [tilespmem:s11+$0x3D60]  }
0xe6: {  	v46 =	vld [tilespmem:s30+$0xFFFFFF30]  }
0xe7: {  	v49 =	vld [tilespmem:s30+$0xFFFFFF40];
	v21 =	vunpack.i.l.bf16.f32 v15;
	v14 =	vadd.f32 v14, v9  }
0xe8: {  	v22 =	vld [tilespmem:s11+$0x1550];
	v15 =	vunpack.i.u.bf16.f32 v15;
	v16 =	vadd.f32 v16, v10;
	v17 =	vadd.f32 v17, v11  }
0xe9: {  	v47 =	vld [tilespmem:s11+$0x3D50];
	v43 =	vunpack.i.l.bf16.f32 v18;
	v44 =	vadd.f32 v19, v12;
	v24 =	vadd.f32 v24, v13  }
0xea: {  	v18 =	vunpack.i.u.bf16.f32 v18;
	v19 =	vadd.f32 v45, v20;
	v51 =	vadd.f32 v27, v42  }
0xeb: {  	v50 =	vunpack.i.u.bf16.f32 v46;
	v14 =	vadd.f32 v14, v21;
	v15 =	vadd.f32 v16, v15  }
0xec: {  	v53 =	vunpack.i.u.bf16.f32 v49;
	v16 =	vadd.f32 v17, v43;
	v17 =	vadd.f32 v44, v18  }
0xed: {  	v19 =	vadd.f32 v19, v50;
	v23 =	vmul.f32 $2.000000030e-01, v14;
	v25 =	vmul.f32 $2.000000030e-01, v15  }
0xee: {  	v18 =	vadd.f32 v47, v22;
	v26 =	vmul.f32 $2.000000030e-01, v16;
	v48 =	vmul.f32 $2.000000030e-01, v17  }
0xef: {  	v54 =	vmul.f32 $2.000000030e-01, v19;
	v14 =	vmax.f32 v14, v23;
	v15 =	vmax.f32 v15, v25  }
0xf0: {  	v16 =	vmax.f32 v16, v26;
	v17 =	vmax.f32 v17, v48;
	v23 =	vunpack.i.l.bf16.f32 v46  }
0xf1: {  	v14 =	vmul.f32 v14, v1;
	v15 =	vmul.f32 v15, v2;
	v23 =	vadd.f32 v24, v23  }
0xf2: {  	v26 =	vunpack.i.l.bf16.f32 v49;
	v16 =	vmul.f32 v16, v3;
	v17 =	vmul.f32 v17, v4  }
0xf3: {  	v18 =	vadd.f32 v18, v26;
	v24 =	vadd.f32 v51, v53;
	v52 =	vmul.f32 $2.000000030e-01, v23  }
0xf4: {  	v57 =	vmax.f32 v19, v54;
	v14 =	vadd.f32 v15, v14;
	v55 =	vadd.f32 v17, v16  }
0xf5: {  	v58 =	vmul.f32 $2.000000030e-01, v18;
	v59 =	vmul.f32 $2.000000030e-01, v24;
	v56 =	vmax.f32 v23, v52  }
0xf6: {  	v61 =	vmul.f32 v57, v6;
	(xrf2) =	vadd.scan.msk.f32 $0xffff, v14;
	v60 =	vmul.f32 v56, v5  }
0xf7: {  	v62 =	vmax.f32 v18, v58;
	v63 =	vmax.f32 v24, v59;
	(xrf2) =	vadd.scan.msk.f32 $0xffff, v55  }
0xf8: {  	v15 =	vmul.f32 v62, v7;
	v23 =	vmul.f32 v63, v8;
	v14 =	vadd.f32 v61, v60;
	_ =	sdelay $0x1  }
0xf9: {  	v24 =	vadd.f32 v23, v15;
	(xrf2) =	vadd.scan.msk.f32 $0xffff, v14;
	_ =	sdelay $0x1  }
0xfa: {  	(xrf2) =	vadd.scan.msk.f32 $0xffff, v24;
	_ =	sdelay $0x3  }
0xfb: {  	v25, _, _ =	vpop (xrf2)  }
0xfc: {  	v14 =	vmul.f32 $1.442695020e+00, v25;
	v26, _, _ =	vpop (xrf2)  }
0xfd: {  	v15 =	vmul.f32 $1.442695020e+00, v26  }
0xfe: {  	v14 =	vbroadcast v14, $0xF  }
0xff: {  	v15 =	vbroadcast v15, $0xF;
	v27, _, _ =	vpop (xrf2)  }
0x100: {  	(erf) = vpow2.f32 v14;
	v28 =	vmul.f32 $1.442695020e+00, v27  }
0x101: {  	(erf) = vpow2.f32 v15;
	v29, _, _ =	vpop (xrf2)  }
0x102: {  	v15 =	vmul.f32 $1.442695020e+00, v29;
	v14 =	vbroadcast v28, $0xF;
	_ =	sdelay $0x1  }
0x103: {  	v30 =	vbroadcast v15, $0xF;
	(erf) = vpow2.f32 v14;
	_ =	sdelay $0x1  }
0x104: {  	(erf) = vpow2.f32 v30;
	_ =	sdelay $0x2  }
0x105: {  	v31 =	vpop (erf)  }
0x106: {  	v9 =	vmul.f32 v31, v9  }
0x107: {  	v32 =	vpop (erf);
	v10 =	vmul.f32 v31, v10  }
0x108: {  	[tilespmem:s9+$0xFFFFFDD0] =	vst v9;
	v9 =	vmul.f32 v32, v11  }
0x109: {  	[tilespmem:s9+$0xFFFFFDE0] =	vst v10;
	v10 =	vmul.f32 v32, v12;
	v11 =	vpop (erf)  }
0x10a: {  	[tilespmem:s9+$0xFFFFFDF0] =	vst v9;
	v9 =	vmul.f32 v11, v13  }
0x10b: {  	[tilespmem:s9+$0xFFFFFE00] =	vst v10;
	v33 =	vpop (erf);
	v10 =	vmul.f32 v11, v20  }
0x10c: {  	v34 =	vsel vm0, $0x0, v33;
	[tilespmem:s9+$0xFFFFFE10] =	vst v9;
	v9 =	vmul.f32 v33, v22  }
0x10d: {  	[tilespmem:s9+$0xFFFFFE20] =	vst v10;
	v10 =	vmul.f32 v33, v42;
	v11 =	vsel vm1, v34, v11  }
0x10e: {  	[tilespmem:s9+$0xFFFFFE30] =	vst v9;
	v9 =	vsel vm2, v11, v32  }
0x10f: {  	[tilespmem:s9+$0xFFFFFE40] =	vst v10;
	v9 =	vsel vm3, v31, v9  }
0x110: {  	[tilespmem:s9+$0xFFFFFE50] =	vst v9  }
0x111: {  	v9 =	vld [tilespmem:s11+$0x1570]  }
0x112: {  	v10 =	vld [tilespmem:s11+$0x1580]  }
0x113: {  	v11 =	vld [tilespmem:s11+$0x1590]  }
0x114: {  	v12 =	vld [tilespmem:s11+$0x15A0]  }
0x115: {  	v13 =	vld [tilespmem:s11+$0x15B0]  }
0x116: {  	v35 =	vld [tilespmem:s11+$0x3D70]  }
0x117: {  	v36 =	vld [tilespmem:s30+$0xFFFFFF50]  }
0x118: {  	v37 =	vld [tilespmem:s11+$0x3D80]  }
0x119: {  	v38 =	vld [tilespmem:s11+$0x3D90]  }
0x11a: {  	v39 =	vld [tilespmem:s30+$0xFFFFFF60]  }
0x11b: {  	v40 =	vld [tilespmem:s11+$0x3DA0]  }
0x11c: {  	v20 =	vld [tilespmem:s11+$0x15C0]  }
0x11d: {  	v43 =	vld [tilespmem:s11+$0x15E0]  }
0x11e: {  	v46 =	vld [tilespmem:s11+$0x3DB0]  }
0x11f: {  	v48 =	vld [tilespmem:s11+$0x3DC0]  }
0x120: {  	v49 =	vld [tilespmem:s30+$0xFFFFFF70]  }
0x121: {  	v53 =	vld [tilespmem:s11+$0x3DE0]  }
0x122: {  	v42 =	vld [tilespmem:s11+$0x15D0];
	v14 =	vadd.f32 v35, v9  }
0x123: {  	v55 =	vld [tilespmem:s30+$0xFFFFFF80];
	v41 =	vunpack.i.l.bf16.f32 v36;
	v16 =	vadd.f32 v37, v10;
	v15 =	vunpack.i.u.bf16.f32 v36  }
0x124: {  	v52 =	vld [tilespmem:s11+$0x3DD0];
	v17 =	vadd.f32 v38, v11;
	v45 =	vunpack.i.l.bf16.f32 v39;
	v47 =	vadd.f32 v40, v12  }
0x125: {  	v18 =	vunpack.i.u.bf16.f32 v39;
	v24 =	vadd.f32 v46, v13;
	v19 =	vadd.f32 v48, v20  }
0x126: {  	v56 =	vunpack.i.u.bf16.f32 v49;
	v57 =	vadd.f32 v53, v43;
	v14 =	vadd.f32 v14, v41  }
0x127: {  	v23 =	vunpack.i.l.bf16.f32 v49;
	v15 =	vadd.f32 v16, v15;
	v16 =	vadd.f32 v17, v45  }
0x128: {  	v59 =	vunpack.i.u.bf16.f32 v55;
	v17 =	vadd.f32 v47, v18;
	v23 =	vadd.f32 v24, v23  }
0x129: {  	v19 =	vadd.f32 v19, v56;
	v18 =	vadd.f32 v52, v42;
	v44 =	vmul.f32 $2.000000030e-01, v14  }
0x12a: {  	v24 =	vadd.f32 v57, v59;
	v50 =	vmul.f32 $2.000000030e-01, v15;
	v51 =	vmul.f32 $2.000000030e-01, v16  }
0x12b: {  	v26 =	vunpack.i.l.bf16.f32 v55;
	v54 =	vmul.f32 $2.000000030e-01, v17;
	v58 =	vmul.f32 $2.000000030e-01, v23  }
0x12c: {  	v18 =	vadd.f32 v18, v26;
	v60 =	vmul.f32 $2.000000030e-01, v19;
	v26 =	vmul.f32 $2.000000030e-01, v24  }
0x12d: {  	v14 =	vmax.f32 v14, v44;
	v15 =	vmax.f32 v15, v50;
	v16 =	vmax.f32 v16, v51  }
0x12e: {  	v17 =	vmax.f32 v17, v54;
	v14 =	vmul.f32 v14, v1;
	v15 =	vmul.f32 v15, v2  }
0x12f: {  	v62 =	vmax.f32 v23, v58;
	v63 =	vmax.f32 v19, v60;
	v25 =	vmul.f32 $2.000000030e-01, v18  }
0x130: {  	v16 =	vmul.f32 v16, v3;
	v17 =	vmul.f32 v17, v4;
	v14 =	vadd.f32 v15, v14  }
0x131: {  	v27 =	vmul.f32 v62, v5;
	v28 =	vmul.f32 v63, v6  }
0x132: {  	v61 =	vadd.f32 v17, v16;
	(xrf2) =	vadd.scan.msk.f32 $0xffff, v14  }
0x133: {  	v30 =	vmax.f32 v24, v26;
	v29 =	vmax.f32 v18, v25;
	v14 =	vadd.f32 v28, v27  }
0x134: {  	v31 =	vmul.f32 v30, v8;
	v15 =	vmul.f32 v29, v7;
	(xrf2) =	vadd.scan.msk.f32 $0xffff, v61  }
0x135: {  	(xrf2) =	vadd.scan.msk.f32 $0xffff, v14  }
0x136: {  	v32 =	vadd.f32 v31, v15;
	_ =	sdelay $0x1  }
0x137: {  	(xrf2) =	vadd.scan.msk.f32 $0xffff, v32;
	_ =	sdelay $0x3  }
0x138: {  	v33, _, _ =	vpop (xrf2)  }
0x139: {  	v14 =	vmul.f32 $1.442695020e+00, v33  }
0x13a: {  	v34, _, _ =	vpop (xrf2)  }
0x13b: {  	v15 =	vmul.f32 $1.442695020e+00, v34;
	v35, _, _ =	vpop (xrf2);
	v14 =	vbroadcast v14, $0xF  }
0x13c: {  	v36 =	vmul.f32 $1.442695020e+00, v35  }
0x13d: {  	v15 =	vbroadcast v15, $0xF;
	(erf) = vpow2.f32 v14  }
0x13e: {  	v37, _, _ =	vpop (xrf2);
	v14 =	vbroadcast v36, $0xF  }
0x13f: {  	(erf) = vpow2.f32 v15;
	v15 =	vmul.f32 $1.442695020e+00, v37;
	_ =	sdelay $0x1  }
0x140: {  	(erf) = vpow2.f32 v14;
	v38 =	vbroadcast v15, $0xF;
	_ =	sdelay $0x1  }
0x141: {  	(erf) = vpow2.f32 v38;
	_ =	sdelay $0x2  }
0x142: {  	v39 =	vpop (erf)  }
0x143: {  	v9 =	vmul.f32 v39, v9  }
0x144: {  	v40 =	vpop (erf);
	v10 =	vmul.f32 v39, v10  }
0x145: {  	[tilespmem:s9+$0xFFFFFE60] =	vst v9;
	v9 =	vmul.f32 v40, v11  }
0x146: {  	v11 =	vpop (erf);
	[tilespmem:s9+$0xFFFFFE70] =	vst v10;
	v10 =	vmul.f32 v40, v12  }
0x147: {  	[tilespmem:s9+$0xFFFFFE80] =	vst v9;
	v9 =	vmul.f32 v11, v13  }
0x148: {  	v41 =	vpop (erf);
	[tilespmem:s9+$0xFFFFFE90] =	vst v10;
	v10 =	vmul.f32 v11, v20  }
0x149: {  	[tilespmem:s9+$0xFFFFFEA0] =	vst v9;
	v9 =	vmul.f32 v41, v42;
	v42 =	vsel vm0, $0x0, v41  }
0x14a: {  	[tilespmem:s9+$0xFFFFFEB0] =	vst v10;
	v10 =	vmul.f32 v41, v43;
	v11 =	vsel vm1, v42, v11  }
0x14b: {  	[tilespmem:s9+$0xFFFFFEC0] =	vst v9;
	v9 =	vsel vm2, v11, v40  }
0x14c: {  	[tilespmem:s9+$0xFFFFFED0] =	vst v10;
	v9 =	vsel vm3, v39, v9  }
0x14d: {  	[tilespmem:s9+$0xFFFFFEE0] =	vst v9  }
0x14e: {  	v9 =	vld [tilespmem:s11+$0x15F0]  }
0x14f: {  	v10 =	vld [tilespmem:s11+$0x1600]  }
0x150: {  	v11 =	vld [tilespmem:s11+$0x1610]  }
0x151: {  	v12 =	vld [tilespmem:s11+$0x1620]  }
0x152: {  	v13 =	vld [tilespmem:s11+$0x1630]  }
0x153: {  	v43 =	vld [tilespmem:s11+$0x3DF0]  }
0x154: {  	v44 =	vld [tilespmem:s30+$0xFFFFFF90]  }
0x155: {  	v45 =	vld [tilespmem:s11+$0x3E00]  }
0x156: {  	v46 =	vld [tilespmem:s11+$0x3E10]  }
0x157: {  	v47 =	vld [tilespmem:s30+$0xFFFFFFA0]  }
0x158: {  	v48 =	vld [tilespmem:s11+$0x3E20]  }
0x159: {  	v20 =	vld [tilespmem:s11+$0x1640]  }
0x15a: {  	v21 =	vld [tilespmem:s11+$0x1660]  }
0x15b: {  	v52 =	vld [tilespmem:s11+$0x3E30]  }
0x15c: {  	v54 =	vld [tilespmem:s11+$0x3E40]  }
0x15d: {  	v55 =	vld [tilespmem:s30+$0xFFFFFFB0]  }
0x15e: {  	v59 =	vld [tilespmem:s11+$0x3E60]  }
0x15f: {  	v22 =	vld [tilespmem:s11+$0x1650];
	v14 =	vadd.f32 v43, v9  }
0x160: {  	v61 =	vld [tilespmem:s30+$0xFFFFFFC0];
	v49 =	vunpack.i.l.bf16.f32 v44;
	v16 =	vadd.f32 v45, v10;
	v15 =	vunpack.i.u.bf16.f32 v44  }
0x161: {  	v58 =	vld [tilespmem:s11+$0x3E50];
	v17 =	vadd.f32 v46, v11;
	v51 =	vunpack.i.l.bf16.f32 v47;
	v53 =	vadd.f32 v48, v12  }
0x162: {  	v18 =	vunpack.i.u.bf16.f32 v47;
	v24 =	vadd.f32 v52, v13;
	v19 =	vadd.f32 v54, v20  }
0x163: {  	v62 =	vunpack.i.u.bf16.f32 v55;
	v63 =	vadd.f32 v59, v21;
	v14 =	vadd.f32 v14, v49  }
0x164: {  	v23 =	vunpack.i.l.bf16.f32 v55;
	v15 =	vadd.f32 v16, v15;
	v16 =	vadd.f32 v17, v51  }
0x165: {  	v31 =	vunpack.i.u.bf16.f32 v61;
	v17 =	vadd.f32 v53, v18;
	v23 =	vadd.f32 v24, v23  }
0x166: {  	v19 =	vadd.f32 v19, v62;
	v18 =	vadd.f32 v58, v22;
	v50 =	vmul.f32 $2.000000030e-01, v14  }
0x167: {  	v24 =	vadd.f32 v63, v31;
	v56 =	vmul.f32 $2.000000030e-01, v15;
	v57 =	vmul.f32 $2.000000030e-01, v16  }
0x168: {  	v26 =	vunpack.i.l.bf16.f32 v61;
	v60 =	vmul.f32 $2.000000030e-01, v17;
	v30 =	vmul.f32 $2.000000030e-01, v23  }
0x169: {  	v18 =	vadd.f32 v18, v26;
	v32 =	vmul.f32 $2.000000030e-01, v19;
	v37 =	vmul.f32 $2.000000030e-01, v24  }
0x16a: {  	v14 =	vmax.f32 v14, v50;
	v15 =	vmax.f32 v15, v56;
	v16 =	vmax.f32 v16, v57  }
0x16b: {  	v17 =	vmax.f32 v17, v60;
	v14 =	vmul.f32 v14, v1;
	v15 =	vmul.f32 v15, v2  }
0x16c: {  	v34 =	vmax.f32 v23, v30;
	v35 =	vmax.f32 v19, v32;
	v36 =	vmul.f32 $2.000000030e-01, v18  }
0x16d: {  	v16 =	vmul.f32 v16, v3;
	v17 =	vmul.f32 v17, v4;
	v14 =	vadd.f32 v15, v14  }
0x16e: {  	v38 =	vmul.f32 v34, v5;
	v39 =	vmul.f32 v35, v6  }
0x16f: {  	v33 =	vadd.f32 v17, v16;
	(xrf2) =	vadd.scan.msk.f32 $0xffff, v14  }
0x170: {  	v41 =	vmax.f32 v24, v37;
	v40 =	vmax.f32 v18, v36;
	v14 =	vadd.f32 v39, v38  }
0x171: {  	v42 =	vmul.f32 v41, v8;
	v15 =	vmul.f32 v40, v7;
	(xrf2) =	vadd.scan.msk.f32 $0xffff, v33  }
0x172: {  	(xrf2) =	vadd.scan.msk.f32 $0xffff, v14  }
0x173: {  	v43 =	vadd.f32 v42, v15;
	_ =	sdelay $0x1  }
0x174: {  	(xrf2) =	vadd.scan.msk.f32 $0xffff, v43;
	_ =	sdelay $0x3  }
0x175: {  	v44, _, _ =	vpop (xrf2)  }
0x176: {  	v14 =	vmul.f32 $1.442695020e+00, v44  }
0x177: {  	v45, _, _ =	vpop (xrf2)  }
0x178: {  	v15 =	vmul.f32 $1.442695020e+00, v45;
	v46, _, _ =	vpop (xrf2);
	v14 =	vbroadcast v14, $0xF  }
0x179: {  	v47 =	vmul.f32 $1.442695020e+00, v46  }
0x17a: {  	v15 =	vbroadcast v15, $0xF;
	(erf) = vpow2.f32 v14  }
0x17b: {  	v48, _, _ =	vpop (xrf2);
	v14 =	vbroadcast v47, $0xF  }
0x17c: {  	(erf) = vpow2.f32 v15;
	v15 =	vmul.f32 $1.442695020e+00, v48;
	_ =	sdelay $0x1  }
0x17d: {  	(erf) = vpow2.f32 v14;
	v49 =	vbroadcast v15, $0xF;
	_ =	sdelay $0x1  }
0x17e: {  	(erf) = vpow2.f32 v49;
	_ =	sdelay $0x2  }
0x17f: {  	v50 =	vpop (erf)  }
0x180: {  	v9 =	vmul.f32 v50, v9  }
0x181: {  	v51 =	vpop (erf);
	v10 =	vmul.f32 v50, v10  }
0x182: {  	[tilespmem:s9+$0xFFFFFEF0] =	vst v9;
	v9 =	vmul.f32 v51, v11  }
0x183: {  	v11 =	vpop (erf);
	[tilespmem:s9+$0xFFFFFF00] =	vst v10;
	v10 =	vmul.f32 v51, v12  }
0x184: {  	[tilespmem:s9+$0xFFFFFF10] =	vst v9;
	v9 =	vmul.f32 v11, v13  }
0x185: {  	v52 =	vpop (erf);
	[tilespmem:s9+$0xFFFFFF20] =	vst v10;
	v10 =	vmul.f32 v11, v20  }
0x186: {  	v53 =	vsel vm0, $0x0, v52;
	[tilespmem:s9+$0xFFFFFF30] =	vst v9;
	v9 =	vmul.f32 v52, v22  }
0x187: {  	[tilespmem:s9+$0xFFFFFF40] =	vst v10;
	v10 =	vmul.f32 v52, v21;
	v11 =	vsel vm1, v53, v11  }
0x188: {  	[tilespmem:s9+$0xFFFFFF50] =	vst v9;
	v9 =	vsel vm2, v11, v51  }
0x189: {  	[tilespmem:s9+$0xFFFFFF60] =	vst v10;
	v9 =	vsel vm3, v50, v9  }
0x18a: {  	[tilespmem:s9+$0xFFFFFF70] =	vst v9  }
0x18b: {  	v9 =	vld [tilespmem:s11+$0x1670]  }
0x18c: {  	v10 =	vld [tilespmem:s11+$0x1680]  }
0x18d: {  	v11 =	vld [tilespmem:s11+$0x1690]  }
0x18e: {  	v12 =	vld [tilespmem:s11+$0x16A0]  }
0x18f: {  	v13 =	vld [tilespmem:s11+$0x16B0]  }
0x190: {  	v54 =	vld [tilespmem:s11+$0x3E70]  }
0x191: {  	v55 =	vld [tilespmem:s30+$0xFFFFFFD0]  }
0x192: {  	v56 =	vld [tilespmem:s11+$0x3E80]  }
0x193: {  	v57 =	vld [tilespmem:s11+$0x3E90]  }
0x194: {  	v58 =	vld [tilespmem:s30+$0xFFFFFFE0]  }
0x195: {  	v59 =	vld [tilespmem:s11+$0x3EA0]  }
0x196: {  	v20 =	vld [tilespmem:s11+$0x16C0]  }
0x197: {  	v21 =	vld [tilespmem:s11+$0x16E0]  }
0x198: {  	v63 =	vld [tilespmem:s11+$0x3EB0]  }
0x199: {  	v30 =	vld [tilespmem:s11+$0x3EC0]  }
0x19a: {  	v31 =	vld [tilespmem:s30+$0xFFFFFFF0]  }
0x19b: {  	v35 =	vld [tilespmem:s11+$0x3EE0]  }
0x19c: {  	v22 =	vld [tilespmem:s11+$0x16D0];
	v14 =	vadd.f32 v54, v9  }
0x19d: {  	v37 =	vld [tilespmem:s30+$0x0];
	v60 =	vunpack.i.l.bf16.f32 v55;
	v16 =	vadd.f32 v56, v10;
	v15 =	vunpack.i.u.bf16.f32 v55  }
0x19e: {  	v34 =	vld [tilespmem:s11+$0x3ED0];
	v17 =	vadd.f32 v57, v11;
	v62 =	vunpack.i.l.bf16.f32 v58;
	v29 =	vadd.f32 v59, v12  }
0x19f: {  	v18 =	vunpack.i.u.bf16.f32 v58;
	v24 =	vadd.f32 v63, v13;
	v19 =	vadd.f32 v30, v20  }
0x1a0: {  	v38 =	vunpack.i.u.bf16.f32 v31;
	v39 =	vadd.f32 v35, v21;
	v14 =	vadd.f32 v14, v60  }
0x1a1: {  	v23 =	vunpack.i.l.bf16.f32 v31;
	v15 =	vadd.f32 v16, v15;
	v16 =	vadd.f32 v17, v62  }
0x1a2: {  	v41 =	vunpack.i.u.bf16.f32 v37;
	v17 =	vadd.f32 v29, v18;
	v23 =	vadd.f32 v24, v23  }
0x1a3: {  	v19 =	vadd.f32 v19, v38;
	v18 =	vadd.f32 v34, v22;
	v61 =	vmul.f32 $2.000000030e-01, v14  }
0x1a4: {  	v24 =	vadd.f32 v39, v41;
	v32 =	vmul.f32 $2.000000030e-01, v15;
	v33 =	vmul.f32 $2.000000030e-01, v16  }
0x1a5: {  	v26 =	vunpack.i.l.bf16.f32 v37;
	v36 =	vmul.f32 $2.000000030e-01, v17;
	v40 =	vmul.f32 $2.000000030e-01, v23  }
0x1a6: {  	v18 =	vadd.f32 v18, v26;
	v42 =	vmul.f32 $2.000000030e-01, v19;
	v47 =	vmul.f32 $2.000000030e-01, v24  }
0x1a7: {  	v14 =	vmax.f32 v14, v61;
	v15 =	vmax.f32 v15, v32;
	v16 =	vmax.f32 v16, v33  }
0x1a8: {  	v17 =	vmax.f32 v17, v36;
	v14 =	vmul.f32 v14, v1;
	v15 =	vmul.f32 v15, v2  }
0x1a9: {  	v44 =	vmax.f32 v23, v40;
	v45 =	vmax.f32 v19, v42;
	v46 =	vmul.f32 $2.000000030e-01, v18  }
0x1aa: {  	v16 =	vmul.f32 v16, v3;
	v17 =	vmul.f32 v17, v4;
	v14 =	vadd.f32 v15, v14  }
0x1ab: {  	v48 =	vmul.f32 v44, v5;
	v49 =	vmul.f32 v45, v6  }
0x1ac: {  	v43 =	vadd.f32 v17, v16;
	(xrf2) =	vadd.scan.msk.f32 $0xffff, v14  }
0x1ad: {  	v51 =	vmax.f32 v24, v47;
	v50 =	vmax.f32 v18, v46;
	v14 =	vadd.f32 v49, v48  }
0x1ae: {  	v52 =	vmul.f32 v51, v8;
	v15 =	vmul.f32 v50, v7;
	(xrf2) =	vadd.scan.msk.f32 $0xffff, v43  }
0x1af: {  	(xrf2) =	vadd.scan.msk.f32 $0xffff, v14  }
0x1b0: {  	v53 =	vadd.f32 v52, v15;
	_ =	sdelay $0x1  }
0x1b1: {  	(xrf2) =	vadd.scan.msk.f32 $0xffff, v53;
	_ =	sdelay $0x3  }
0x1b2: {  	v54, _, _ =	vpop (xrf2)  }
0x1b3: {  	v14 =	vmul.f32 $1.442695020e+00, v54  }
0x1b4: {  	v55, _, _ =	vpop (xrf2)  }
0x1b5: {  	v15 =	vmul.f32 $1.442695020e+00, v55;
	v56, _, _ =	vpop (xrf2);
	v14 =	vbroadcast v14, $0xF  }
0x1b6: {  	v57 =	vmul.f32 $1.442695020e+00, v56  }
0x1b7: {  	v15 =	vbroadcast v15, $0xF;
	(erf) = vpow2.f32 v14  }
0x1b8: {  	v58, _, _ =	vpop (xrf2);
	v14 =	vbroadcast v57, $0xF  }
0x1b9: {  	(erf) = vpow2.f32 v15;
	v15 =	vmul.f32 $1.442695020e+00, v58;
	_ =	sdelay $0x1  }
0x1ba: {  	(erf) = vpow2.f32 v14;
	v59 =	vbroadcast v15, $0xF;
	_ =	sdelay $0x1  }
0x1bb: {  	(erf) = vpow2.f32 v59;
	_ =	sdelay $0x2  }
0x1bc: {  	v60 =	vpop (erf)  }
0x1bd: {  	v9 =	vmul.f32 v60, v9  }
0x1be: {  	v61 =	vpop (erf);
	v10 =	vmul.f32 v60, v10  }
0x1bf: {  	[tilespmem:s9+$0xFFFFFF80] =	vst v9;
	v9 =	vmul.f32 v61, v11  }
0x1c0: {  	v11 =	vpop (erf);
	[tilespmem:s9+$0xFFFFFF90] =	vst v10;
	v10 =	vmul.f32 v61, v12  }
0x1c1: {  	[tilespmem:s9+$0xFFFFFFA0] =	vst v9;
	v9 =	vmul.f32 v11, v13  }
0x1c2: {  	p1 =	sne.s32 s15, $0x4800;
	v62 =	vpop (erf);
	[tilespmem:s9+$0xFFFFFFB0] =	vst v10;
	v10 =	vmul.f32 v11, v20  }
.Ltmp7:
0x1c3: {  	v63 =	vsel vm0, $0x0, v62;
	[tilespmem:s9+$0xFFFFFFC0] =	vst v9;
	v9 =	vmul.f32 v62, v22;
	(pc) =	sbr.rel @p1 .LBB2_11-.Ltmp7, $4  }
0x1c4: {  	[tilespmem:s9+$0xFFFFFFD0] =	vst v10;
	v10 =	vmul.f32 v62, v21;
	v11 =	vsel vm1, v63, v11  }
0x1c5: {  	[tilespmem:s9+$0xFFFFFFE0] =	vst v9;
	v9 =	vsel vm2, v11, v61  }
0x1c6: {  	[tilespmem:s9+$0xFFFFFFF0] =	vst v10;
	v9 =	vsel vm3, v60, v9  }
0x1c7: {  	s15 =	sadd.s32 $0x800, s15;
	s30 =	sadd.s32 $0x100, s30;
	[tilespmem:s9+$0x0] =	vst v9;
	s9 =	sadd.s32 $0x240, s9  }
.Ltmp8:
0x1c8: {  	(pc) =	sbr.rel .LBB2_13-.Ltmp8, $4  }
0x1c9: {  	_ =	swait.ge [sflag:s26], $0x28  }
0x1ca: {  	[sflag:s26] =	ssyncset.done $0x0  }
0x1cb: {  	[sflag:s26] =	ssyncadd.s32 $0xFFFFFFD8  }
0x1cc: {  	[spmem:s2] =	stream.indirect.scatter.add.f32 [tilespmem:s12], [sflag:$0x6], $0x90, s24, s17, $0xb8;
	[tilespmem:$0x1F200] =	vst v63  }
.LBB2_7:
0x1cd: {  	_ =	swait.ge [sflag:s31], $0x28  }
0x1ce: {  	[sflag:s31] =	ssyncset.done $0x0  }
0x1cf: {  	[sflag:s31] =	ssyncadd.s32 $0xFFFFFFD8  }
0x1d0: {  	_ =	swait.ge [sflag:s31], $0x28  }
0x1d1: {  	[sflag:s31] =	ssyncset.done $0x0  }
0x1d2: {  	s9 =	smul.u32 $0x28, s16;
	[sflag:s31] =	ssyncadd.s32 $0xFFFFFFD8  }
0x1d3: {  	[tilespmem:s29], [sflag:$0x2] =	stream.indirect.gather [hbm4b:s1+s17], $0x80, s17, s17, $0xb8;
	[tilespmem:$0x1F200] =	vst v63  }
0x1d4: {  	s11 =	simm.s32 $0x3CF0;
	s15 =	sadd.s32 s9, s25  }
0x1d5: {  	[tilespmem:s11], [sflag:$0x2] =	stream.indirect.gather [hbm4b:s7+s17], $0x80, s18, s17, $0xb8;
	[tilespmem:$0x1F200] =	vst v63  }
0x1d6: {  	s11 =	sshll.u32 s15, $0x7  }
0x1d7: {  	s11 =	sor.u32 s21, s11  }
0x1d8: {  	s11 =	sshrl.u32 s11, $0x3  }
0x1d9: {  	s15 =	simm.s32 $0x5AF0;
	s11 =	sadd.s32 s8, s11  }
0x1da: {  	[tilespmem:s15], [sflag:$0x2] =	stream.strided.gather [hbm4b:s11+s20], $0xA00, s22, s20, $0x38;
	[tilespmem:$0x1F200] =	vst v63  }
0x1db: {  	_ =	swait.ge [sflag:s13], $0x1400  }
0x1dc: {  	[sflag:s13] =	ssyncset.done $0x0  }
0x1dd: {  	[sflag:s13] =	ssyncadd.s32 $0xFFFFEC00  }
0x1de: {  	_ =	swait.ge [sflag:s13], $0x1400  }
0x1df: {  	[sflag:s13] =	ssyncset.done $0x0  }
0x1e0: {  	[sflag:s13] =	ssyncadd.s32 $0xFFFFEC00  }
0x1e1: {  	_ =	swait.ge [sflag:s13], $0xA00  }
0x1e2: {  	p1 =	slt.u32 s16, $0x2;
	[sflag:s13] =	ssyncset.done $0x0  }
0x1e3: {  	s11 =	simm.s32 @!p1 $0x5;
	[sflag:s13] =	ssyncadd.s32 $0xFFFFF600  }
0x1e4: {  	p2 =	sgt.u32 @!p1 s16, $0xF7;
	_ =	swait.ge @!p1 [sflag:s11], $0x1680  }
0x1e5: {  	p2 =	por p1, !p2;
	[sflag:s11] =	ssyncset.done @!p1 $0x0  }
0x1e6: {  	[sflag:s11] =	ssyncadd.s32 @!p1 $0xFFFFE980;
	s11 =	sadd.s32 @p2 s9, s14  }
0x1e7: {  	s11 =	sshrl.u32 @p2 s11, $0x3  }
0x1e8: {  	s9 =	sadd.s32 s10, s9;
	s15 =	sadd.s32 @p2 s5, s11  }
0x1e9: {  	[tilespmem:s3], [sflag:$0x3] =	stream.linear.gather @p2 [hbm4b:s15+s3], $0x28, $0x38;
	[tilespmem:$0x1F200] =	vst v63  }
0x1ea: {  	s9 =	sshrl.u32 s9, $0x3;
	s11 =	sadd.s32 @p2 s6, s11  }
0x1eb: {  	[tilespmem:s28], [sflag:$0x3] =	stream.linear.gather @p2 [hbm4b:s11+s3], $0x28, $0x38;
	[tilespmem:$0x1F200] =	vst v63  }
0x1ec: {  	s9 =	sadd.s32 s6, s9;
	s15 =	simm.s32 $0x0  }
0x1ed: {  	[tilespmem:s0], [sflag:$0x7] =	stream.linear.gather [hbm4b:s9+s15], $0x28, $0x38;
	[tilespmem:$0x1F200] =	vst v63  }
0x1ee: {  	s30 =	simm.s32 $0x5170;
	s9 =	simm.s32 $0x6610  }
.LBB2_8:
0x1ef: {  	v15 =	vld [tilespmem:s30+$0xFFFFFF80]  }
0x1f0: {  	s11 =	sshra.s32 s15, $0x2;
	v18 =	vld [tilespmem:s30+$0xFFFFFF90]  }
0x1f1: {  	v9 =	vld [tilespmem:s11+$0xF0]  }
0x1f2: {  	v10 =	vld [tilespmem:s11+$0x100]  }
0x1f3: {  	v11 =	vld [tilespmem:s11+$0x110]  }
0x1f4: {  	v12 =	vld [tilespmem:s11+$0x120]  }
0x1f5: {  	v13 =	vld [tilespmem:s11+$0x130]  }
0x1f6: {  	v14 =	vld [tilespmem:s11+$0x28F0]  }
0x1f7: {  	v16 =	vld [tilespmem:s11+$0x2900]  }
0x1f8: {  	v17 =	vld [tilespmem:s11+$0x2910]  }
0x1f9: {  	v19 =	vld [tilespmem:s11+$0x2920]  }
0x1fa: {  	v20 =	vld [tilespmem:s11+$0x140]  }
0x1fb: {  	v42 =	vld [tilespmem:s11+$0x160]  }
0x1fc: {  	v24 =	vld [tilespmem:s11+$0x2930]  }
0x1fd: {  	v45 =	vld [tilespmem:s11+$0x2940]  }
0x1fe: {  	v27 =	vld [tilespmem:s11+$0x2960]  }
0x1ff: {  	v46 =	vld [tilespmem:s30+$0xFFFFFFA0]  }
0x200: {  	v49 =	vld [tilespmem:s30+$0xFFFFFFB0];
	v21 =	vunpack.i.l.bf16.f32 v15;
	v14 =	vadd.f32 v14, v9  }
0x201: {  	v22 =	vld [tilespmem:s11+$0x150];
	v15 =	vunpack.i.u.bf16.f32 v15;
	v16 =	vadd.f32 v16, v10;
	v17 =	vadd.f32 v17, v11  }
0x202: {  	v47 =	vld [tilespmem:s11+$0x2950];
	v43 =	vunpack.i.l.bf16.f32 v18;
	v44 =	vadd.f32 v19, v12;
	v24 =	vadd.f32 v24, v13  }
0x203: {  	v18 =	vunpack.i.u.bf16.f32 v18;
	v19 =	vadd.f32 v45, v20;
	v51 =	vadd.f32 v27, v42  }
0x204: {  	v50 =	vunpack.i.u.bf16.f32 v46;
	v14 =	vadd.f32 v14, v21;
	v15 =	vadd.f32 v16, v15  }
0x205: {  	v53 =	vunpack.i.u.bf16.f32 v49;
	v16 =	vadd.f32 v17, v43;
	v17 =	vadd.f32 v44, v18  }
0x206: {  	v19 =	vadd.f32 v19, v50;
	v23 =	vmul.f32 $2.000000030e-01, v14;
	v25 =	vmul.f32 $2.000000030e-01, v15  }
0x207: {  	v18 =	vadd.f32 v47, v22;
	v26 =	vmul.f32 $2.000000030e-01, v16;
	v48 =	vmul.f32 $2.000000030e-01, v17  }
0x208: {  	v54 =	vmul.f32 $2.000000030e-01, v19;
	v14 =	vmax.f32 v14, v23;
	v15 =	vmax.f32 v15, v25  }
0x209: {  	v16 =	vmax.f32 v16, v26;
	v17 =	vmax.f32 v17, v48;
	v23 =	vunpack.i.l.bf16.f32 v46  }
0x20a: {  	v14 =	vmul.f32 v14, v1;
	v15 =	vmul.f32 v15, v2;
	v23 =	vadd.f32 v24, v23  }
0x20b: {  	v26 =	vunpack.i.l.bf16.f32 v49;
	v16 =	vmul.f32 v16, v3;
	v17 =	vmul.f32 v17, v4  }
0x20c: {  	v18 =	vadd.f32 v18, v26;
	v24 =	vadd.f32 v51, v53;
	v52 =	vmul.f32 $2.000000030e-01, v23  }
0x20d: {  	v57 =	vmax.f32 v19, v54;
	v14 =	vadd.f32 v15, v14;
	v55 =	vadd.f32 v17, v16  }
0x20e: {  	v58 =	vmul.f32 $2.000000030e-01, v18;
	v59 =	vmul.f32 $2.000000030e-01, v24;
	v56 =	vmax.f32 v23, v52  }
0x20f: {  	v61 =	vmul.f32 v57, v6;
	(xrf2) =	vadd.scan.msk.f32 $0xffff, v14;
	v60 =	vmul.f32 v56, v5  }
0x210: {  	v62 =	vmax.f32 v18, v58;
	v63 =	vmax.f32 v24, v59;
	(xrf2) =	vadd.scan.msk.f32 $0xffff, v55  }
0x211: {  	v15 =	vmul.f32 v62, v7;
	v23 =	vmul.f32 v63, v8;
	v14 =	vadd.f32 v61, v60;
	_ =	sdelay $0x1  }
0x212: {  	v24 =	vadd.f32 v23, v15;
	(xrf2) =	vadd.scan.msk.f32 $0xffff, v14;
	_ =	sdelay $0x1  }
0x213: {  	(xrf2) =	vadd.scan.msk.f32 $0xffff, v24;
	_ =	sdelay $0x3  }
0x214: {  	v25, _, _ =	vpop (xrf2)  }
0x215: {  	v14 =	vmul.f32 $1.442695020e+00, v25;
	v26, _, _ =	vpop (xrf2)  }
0x216: {  	v15 =	vmul.f32 $1.442695020e+00, v26  }
0x217: {  	v14 =	vbroadcast v14, $0xF  }
0x218: {  	v15 =	vbroadcast v15, $0xF;
	v27, _, _ =	vpop (xrf2)  }
0x219: {  	(erf) = vpow2.f32 v14;
	v28 =	vmul.f32 $1.442695020e+00, v27  }
0x21a: {  	(erf) = vpow2.f32 v15;
	v29, _, _ =	vpop (xrf2)  }
0x21b: {  	v15 =	vmul.f32 $1.442695020e+00, v29;
	v14 =	vbroadcast v28, $0xF;
	_ =	sdelay $0x1  }
0x21c: {  	v30 =	vbroadcast v15, $0xF;
	(erf) = vpow2.f32 v14;
	_ =	sdelay $0x1  }
0x21d: {  	(erf) = vpow2.f32 v30;
	_ =	sdelay $0x2  }
0x21e: {  	v31 =	vpop (erf)  }
0x21f: {  	v9 =	vmul.f32 v31, v9  }
0x220: {  	v32 =	vpop (erf);
	v10 =	vmul.f32 v31, v10  }
0x221: {  	[tilespmem:s9+$0xFFFFFEE0] =	vst v9;
	v9 =	vmul.f32 v32, v11  }
0x222: {  	[tilespmem:s9+$0xFFFFFEF0] =	vst v10;
	v10 =	vmul.f32 v32, v12;
	v11 =	vpop (erf)  }
0x223: {  	[tilespmem:s9+$0xFFFFFF00] =	vst v9;
	v9 =	vmul.f32 v11, v13  }
0x224: {  	[tilespmem:s9+$0xFFFFFF10] =	vst v10;
	v33 =	vpop (erf);
	v10 =	vmul.f32 v11, v20  }
0x225: {  	v34 =	vsel vm0, $0x0, v33;
	[tilespmem:s9+$0xFFFFFF20] =	vst v9;
	v9 =	vmul.f32 v33, v22  }
0x226: {  	[tilespmem:s9+$0xFFFFFF30] =	vst v10;
	v10 =	vmul.f32 v33, v42;
	v11 =	vsel vm1, v34, v11  }
0x227: {  	[tilespmem:s9+$0xFFFFFF40] =	vst v9;
	v9 =	vsel vm2, v11, v32  }
0x228: {  	[tilespmem:s9+$0xFFFFFF50] =	vst v10;
	v9 =	vsel vm3, v31, v9  }
0x229: {  	[tilespmem:s9+$0xFFFFFF60] =	vst v9  }
0x22a: {  	v9 =	vld [tilespmem:s11+$0x170]  }
0x22b: {  	v10 =	vld [tilespmem:s11+$0x180]  }
0x22c: {  	v11 =	vld [tilespmem:s11+$0x190]  }
0x22d: {  	v12 =	vld [tilespmem:s11+$0x1A0]  }
0x22e: {  	v13 =	vld [tilespmem:s11+$0x1B0]  }
0x22f: {  	v35 =	vld [tilespmem:s11+$0x2970]  }
0x230: {  	v36 =	vld [tilespmem:s30+$0xFFFFFFC0]  }
0x231: {  	v37 =	vld [tilespmem:s11+$0x2980]  }
0x232: {  	v38 =	vld [tilespmem:s11+$0x2990]  }
0x233: {  	v39 =	vld [tilespmem:s30+$0xFFFFFFD0]  }
0x234: {  	v40 =	vld [tilespmem:s11+$0x29A0]  }
0x235: {  	v20 =	vld [tilespmem:s11+$0x1C0]  }
0x236: {  	v43 =	vld [tilespmem:s11+$0x1E0]  }
0x237: {  	v46 =	vld [tilespmem:s11+$0x29B0]  }
0x238: {  	v48 =	vld [tilespmem:s11+$0x29C0]  }
0x239: {  	v49 =	vld [tilespmem:s30+$0xFFFFFFE0]  }
0x23a: {  	v53 =	vld [tilespmem:s11+$0x29E0]  }
0x23b: {  	v42 =	vld [tilespmem:s11+$0x1D0];
	v14 =	vadd.f32 v35, v9  }
0x23c: {  	v55 =	vld [tilespmem:s30+$0xFFFFFFF0];
	v41 =	vunpack.i.l.bf16.f32 v36;
	v16 =	vadd.f32 v37, v10;
	v15 =	vunpack.i.u.bf16.f32 v36  }
0x23d: {  	v52 =	vld [tilespmem:s11+$0x29D0];
	v17 =	vadd.f32 v38, v11;
	v45 =	vunpack.i.l.bf16.f32 v39;
	v47 =	vadd.f32 v40, v12  }
0x23e: {  	v18 =	vunpack.i.u.bf16.f32 v39;
	v24 =	vadd.f32 v46, v13;
	v19 =	vadd.f32 v48, v20  }
0x23f: {  	v56 =	vunpack.i.u.bf16.f32 v49;
	v57 =	vadd.f32 v53, v43;
	v14 =	vadd.f32 v14, v41  }
0x240: {  	v23 =	vunpack.i.l.bf16.f32 v49;
	v15 =	vadd.f32 v16, v15;
	v16 =	vadd.f32 v17, v45  }
0x241: {  	v59 =	vunpack.i.u.bf16.f32 v55;
	v17 =	vadd.f32 v47, v18;
	v23 =	vadd.f32 v24, v23  }
0x242: {  	v19 =	vadd.f32 v19, v56;
	v18 =	vadd.f32 v52, v42;
	v44 =	vmul.f32 $2.000000030e-01, v14  }
0x243: {  	v24 =	vadd.f32 v57, v59;
	v50 =	vmul.f32 $2.000000030e-01, v15;
	v51 =	vmul.f32 $2.000000030e-01, v16  }
0x244: {  	v26 =	vunpack.i.l.bf16.f32 v55;
	v54 =	vmul.f32 $2.000000030e-01, v17;
	v58 =	vmul.f32 $2.000000030e-01, v23  }
0x245: {  	v18 =	vadd.f32 v18, v26;
	v60 =	vmul.f32 $2.000000030e-01, v19;
	v26 =	vmul.f32 $2.000000030e-01, v24  }
0x246: {  	v14 =	vmax.f32 v14, v44;
	v15 =	vmax.f32 v15, v50;
	v16 =	vmax.f32 v16, v51  }
0x247: {  	v17 =	vmax.f32 v17, v54;
	v14 =	vmul.f32 v14, v1;
	v15 =	vmul.f32 v15, v2  }
0x248: {  	v62 =	vmax.f32 v23, v58;
	v63 =	vmax.f32 v19, v60;
	v25 =	vmul.f32 $2.000000030e-01, v18  }
0x249: {  	v16 =	vmul.f32 v16, v3;
	v17 =	vmul.f32 v17, v4;
	v14 =	vadd.f32 v15, v14  }
0x24a: {  	v27 =	vmul.f32 v62, v5;
	v28 =	vmul.f32 v63, v6  }
0x24b: {  	v61 =	vadd.f32 v17, v16;
	(xrf2) =	vadd.scan.msk.f32 $0xffff, v14  }
0x24c: {  	v30 =	vmax.f32 v24, v26;
	v29 =	vmax.f32 v18, v25;
	v14 =	vadd.f32 v28, v27  }
0x24d: {  	v31 =	vmul.f32 v30, v8;
	v15 =	vmul.f32 v29, v7;
	(xrf2) =	vadd.scan.msk.f32 $0xffff, v61  }
0x24e: {  	(xrf2) =	vadd.scan.msk.f32 $0xffff, v14  }
0x24f: {  	v32 =	vadd.f32 v31, v15;
	_ =	sdelay $0x1  }
0x250: {  	(xrf2) =	vadd.scan.msk.f32 $0xffff, v32;
	_ =	sdelay $0x3  }
0x251: {  	v33, _, _ =	vpop (xrf2)  }
0x252: {  	v14 =	vmul.f32 $1.442695020e+00, v33  }
0x253: {  	v34, _, _ =	vpop (xrf2)  }
0x254: {  	v15 =	vmul.f32 $1.442695020e+00, v34;
	v35, _, _ =	vpop (xrf2);
	v14 =	vbroadcast v14, $0xF  }
0x255: {  	v36 =	vmul.f32 $1.442695020e+00, v35  }
0x256: {  	v15 =	vbroadcast v15, $0xF;
	(erf) = vpow2.f32 v14  }
0x257: {  	v37, _, _ =	vpop (xrf2);
	v14 =	vbroadcast v36, $0xF  }
0x258: {  	(erf) = vpow2.f32 v15;
	v15 =	vmul.f32 $1.442695020e+00, v37;
	_ =	sdelay $0x1  }
0x259: {  	(erf) = vpow2.f32 v14;
	v38 =	vbroadcast v15, $0xF;
	_ =	sdelay $0x1  }
0x25a: {  	(erf) = vpow2.f32 v38;
	_ =	sdelay $0x2  }
0x25b: {  	v39 =	vpop (erf)  }
0x25c: {  	v9 =	vmul.f32 v39, v9  }
0x25d: {  	v40 =	vpop (erf);
	v10 =	vmul.f32 v39, v10  }
0x25e: {  	[tilespmem:s9+$0xFFFFFF70] =	vst v9;
	v9 =	vmul.f32 v40, v11  }
0x25f: {  	v11 =	vpop (erf);
	[tilespmem:s9+$0xFFFFFF80] =	vst v10;
	v10 =	vmul.f32 v40, v12  }
0x260: {  	[tilespmem:s9+$0xFFFFFF90] =	vst v9;
	v9 =	vmul.f32 v11, v13  }
0x261: {  	v41 =	vpop (erf);
	[tilespmem:s9+$0xFFFFFFA0] =	vst v10;
	v10 =	vmul.f32 v11, v20  }
0x262: {  	[tilespmem:s9+$0xFFFFFFB0] =	vst v9;
	v9 =	vmul.f32 v41, v42;
	v42 =	vsel vm0, $0x0, v41  }
0x263: {  	[tilespmem:s9+$0xFFFFFFC0] =	vst v10;
	v10 =	vmul.f32 v41, v43;
	v11 =	vsel vm1, v42, v11  }
0x264: {  	[tilespmem:s9+$0xFFFFFFD0] =	vst v9;
	v9 =	vsel vm2, v11, v40  }
0x265: {  	[tilespmem:s9+$0xFFFFFFE0] =	vst v10;
	v9 =	vsel vm3, v39, v9  }
0x266: {  	[tilespmem:s9+$0xFFFFFFF0] =	vst v9  }
0x267: {  	v9 =	vld [tilespmem:s11+$0x1F0]  }
0x268: {  	v10 =	vld [tilespmem:s11+$0x200]  }
0x269: {  	v11 =	vld [tilespmem:s11+$0x210]  }
0x26a: {  	v12 =	vld [tilespmem:s11+$0x220]  }
0x26b: {  	v13 =	vld [tilespmem:s11+$0x230]  }
0x26c: {  	v43 =	vld [tilespmem:s11+$0x29F0]  }
0x26d: {  	v44 =	vld [tilespmem:s30+$0x0]  }
0x26e: {  	v45 =	vld [tilespmem:s11+$0x2A00]  }
0x26f: {  	v46 =	vld [tilespmem:s11+$0x2A10]  }
0x270: {  	v47 =	vld [tilespmem:s30+$0x10]  }
0x271: {  	v48 =	vld [tilespmem:s11+$0x2A20]  }
0x272: {  	v20 =	vld [tilespmem:s11+$0x240]  }
0x273: {  	v21 =	vld [tilespmem:s11+$0x260]  }
0x274: {  	v52 =	vld [tilespmem:s11+$0x2A30]  }
0x275: {  	v54 =	vld [tilespmem:s11+$0x2A40]  }
0x276: {  	v55 =	vld [tilespmem:s30+$0x20]  }
0x277: {  	v59 =	vld [tilespmem:s11+$0x2A60]  }
0x278: {  	v22 =	vld [tilespmem:s11+$0x250];
	v14 =	vadd.f32 v43, v9  }
0x279: {  	v61 =	vld [tilespmem:s30+$0x30];
	v49 =	vunpack.i.l.bf16.f32 v44;
	v16 =	vadd.f32 v45, v10;
	v15 =	vunpack.i.u.bf16.f32 v44  }
0x27a: {  	v58 =	vld [tilespmem:s11+$0x2A50];
	v17 =	vadd.f32 v46, v11;
	v51 =	vunpack.i.l.bf16.f32 v47;
	v53 =	vadd.f32 v48, v12  }
0x27b: {  	v18 =	vunpack.i.u.bf16.f32 v47;
	v24 =	vadd.f32 v52, v13;
	v19 =	vadd.f32 v54, v20  }
0x27c: {  	v62 =	vunpack.i.u.bf16.f32 v55;
	v63 =	vadd.f32 v59, v21;
	v14 =	vadd.f32 v14, v49  }
0x27d: {  	v23 =	vunpack.i.l.bf16.f32 v55;
	v15 =	vadd.f32 v16, v15;
	v16 =	vadd.f32 v17, v51  }
0x27e: {  	v31 =	vunpack.i.u.bf16.f32 v61;
	v17 =	vadd.f32 v53, v18;
	v23 =	vadd.f32 v24, v23  }
0x27f: {  	v19 =	vadd.f32 v19, v62;
	v18 =	vadd.f32 v58, v22;
	v50 =	vmul.f32 $2.000000030e-01, v14  }
0x280: {  	v24 =	vadd.f32 v63, v31;
	v56 =	vmul.f32 $2.000000030e-01, v15;
	v57 =	vmul.f32 $2.000000030e-01, v16  }
0x281: {  	v26 =	vunpack.i.l.bf16.f32 v61;
	v60 =	vmul.f32 $2.000000030e-01, v17;
	v30 =	vmul.f32 $2.000000030e-01, v23  }
0x282: {  	v18 =	vadd.f32 v18, v26;
	v32 =	vmul.f32 $2.000000030e-01, v19;
	v37 =	vmul.f32 $2.000000030e-01, v24  }
0x283: {  	v14 =	vmax.f32 v14, v50;
	v15 =	vmax.f32 v15, v56;
	v16 =	vmax.f32 v16, v57  }
0x284: {  	v17 =	vmax.f32 v17, v60;
	v14 =	vmul.f32 v14, v1;
	v15 =	vmul.f32 v15, v2  }
0x285: {  	v34 =	vmax.f32 v23, v30;
	v35 =	vmax.f32 v19, v32;
	v36 =	vmul.f32 $2.000000030e-01, v18  }
0x286: {  	v16 =	vmul.f32 v16, v3;
	v17 =	vmul.f32 v17, v4;
	v14 =	vadd.f32 v15, v14  }
0x287: {  	v38 =	vmul.f32 v34, v5;
	v39 =	vmul.f32 v35, v6  }
0x288: {  	v33 =	vadd.f32 v17, v16;
	(xrf2) =	vadd.scan.msk.f32 $0xffff, v14  }
0x289: {  	v41 =	vmax.f32 v24, v37;
	v40 =	vmax.f32 v18, v36;
	v14 =	vadd.f32 v39, v38  }
0x28a: {  	v42 =	vmul.f32 v41, v8;
	v15 =	vmul.f32 v40, v7;
	(xrf2) =	vadd.scan.msk.f32 $0xffff, v33  }
0x28b: {  	(xrf2) =	vadd.scan.msk.f32 $0xffff, v14  }
0x28c: {  	v43 =	vadd.f32 v42, v15;
	_ =	sdelay $0x1  }
0x28d: {  	(xrf2) =	vadd.scan.msk.f32 $0xffff, v43;
	_ =	sdelay $0x3  }
0x28e: {  	v44, _, _ =	vpop (xrf2)  }
0x28f: {  	v14 =	vmul.f32 $1.442695020e+00, v44  }
0x290: {  	v45, _, _ =	vpop (xrf2)  }
0x291: {  	v15 =	vmul.f32 $1.442695020e+00, v45;
	v46, _, _ =	vpop (xrf2);
	v14 =	vbroadcast v14, $0xF  }
0x292: {  	v47 =	vmul.f32 $1.442695020e+00, v46  }
0x293: {  	v15 =	vbroadcast v15, $0xF;
	(erf) = vpow2.f32 v14  }
0x294: {  	v48, _, _ =	vpop (xrf2);
	v14 =	vbroadcast v47, $0xF  }
0x295: {  	(erf) = vpow2.f32 v15;
	v15 =	vmul.f32 $1.442695020e+00, v48;
	_ =	sdelay $0x1  }
0x296: {  	(erf) = vpow2.f32 v14;
	v49 =	vbroadcast v15, $0xF;
	_ =	sdelay $0x1  }
0x297: {  	(erf) = vpow2.f32 v49;
	_ =	sdelay $0x2  }
0x298: {  	v50 =	vpop (erf)  }
0x299: {  	v9 =	vmul.f32 v50, v9  }
0x29a: {  	v51 =	vpop (erf);
	v10 =	vmul.f32 v50, v10  }
0x29b: {  	[tilespmem:s9+$0x0] =	vst v9;
	v9 =	vmul.f32 v51, v11  }
0x29c: {  	v11 =	vpop (erf);
	[tilespmem:s9+$0x10] =	vst v10;
	v10 =	vmul.f32 v51, v12  }
0x29d: {  	[tilespmem:s9+$0x20] =	vst v9;
	v9 =	vmul.f32 v11, v13  }
0x29e: {  	v52 =	vpop (erf);
	[tilespmem:s9+$0x30] =	vst v10;
	v10 =	vmul.f32 v11, v20  }
0x29f: {  	v53 =	vsel vm0, $0x0, v52;
	[tilespmem:s9+$0x40] =	vst v9;
	v9 =	vmul.f32 v52, v22  }
0x2a0: {  	[tilespmem:s9+$0x50] =	vst v10;
	v10 =	vmul.f32 v52, v21;
	v11 =	vsel vm1, v53, v11  }
0x2a1: {  	[tilespmem:s9+$0x60] =	vst v9;
	v9 =	vsel vm2, v11, v51  }
0x2a2: {  	[tilespmem:s9+$0x70] =	vst v10;
	v9 =	vsel vm3, v50, v9  }
0x2a3: {  	[tilespmem:s9+$0x80] =	vst v9  }
0x2a4: {  	v9 =	vld [tilespmem:s11+$0x270]  }
0x2a5: {  	v10 =	vld [tilespmem:s11+$0x280]  }
0x2a6: {  	v11 =	vld [tilespmem:s11+$0x290]  }
0x2a7: {  	v12 =	vld [tilespmem:s11+$0x2A0]  }
0x2a8: {  	v13 =	vld [tilespmem:s11+$0x2B0]  }
0x2a9: {  	v54 =	vld [tilespmem:s11+$0x2A70]  }
0x2aa: {  	v55 =	vld [tilespmem:s30+$0x40]  }
0x2ab: {  	v56 =	vld [tilespmem:s11+$0x2A80]  }
0x2ac: {  	v57 =	vld [tilespmem:s11+$0x2A90]  }
0x2ad: {  	v58 =	vld [tilespmem:s30+$0x50]  }
0x2ae: {  	v59 =	vld [tilespmem:s11+$0x2AA0]  }
0x2af: {  	v20 =	vld [tilespmem:s11+$0x2C0]  }
0x2b0: {  	v21 =	vld [tilespmem:s11+$0x2E0]  }
0x2b1: {  	v63 =	vld [tilespmem:s11+$0x2AB0]  }
0x2b2: {  	v30 =	vld [tilespmem:s11+$0x2AC0]  }
0x2b3: {  	v31 =	vld [tilespmem:s30+$0x60]  }
0x2b4: {  	v35 =	vld [tilespmem:s11+$0x2AE0]  }
0x2b5: {  	v22 =	vld [tilespmem:s11+$0x2D0];
	v14 =	vadd.f32 v54, v9  }
0x2b6: {  	v37 =	vld [tilespmem:s30+$0x70];
	v60 =	vunpack.i.l.bf16.f32 v55;
	v16 =	vadd.f32 v56, v10;
	v15 =	vunpack.i.u.bf16.f32 v55  }
0x2b7: {  	v34 =	vld [tilespmem:s11+$0x2AD0];
	v17 =	vadd.f32 v57, v11;
	v62 =	vunpack.i.l.bf16.f32 v58;
	v29 =	vadd.f32 v59, v12  }
0x2b8: {  	v18 =	vunpack.i.u.bf16.f32 v58;
	v24 =	vadd.f32 v63, v13;
	v19 =	vadd.f32 v30, v20  }
0x2b9: {  	v38 =	vunpack.i.u.bf16.f32 v31;
	v39 =	vadd.f32 v35, v21;
	v14 =	vadd.f32 v14, v60  }
0x2ba: {  	v23 =	vunpack.i.l.bf16.f32 v31;
	v15 =	vadd.f32 v16, v15;
	v16 =	vadd.f32 v17, v62  }
0x2bb: {  	v41 =	vunpack.i.u.bf16.f32 v37;
	v17 =	vadd.f32 v29, v18;
	v23 =	vadd.f32 v24, v23  }
0x2bc: {  	v19 =	vadd.f32 v19, v38;
	v18 =	vadd.f32 v34, v22;
	v61 =	vmul.f32 $2.000000030e-01, v14  }
0x2bd: {  	v24 =	vadd.f32 v39, v41;
	v32 =	vmul.f32 $2.000000030e-01, v15;
	v33 =	vmul.f32 $2.000000030e-01, v16  }
0x2be: {  	v26 =	vunpack.i.l.bf16.f32 v37;
	v36 =	vmul.f32 $2.000000030e-01, v17;
	v40 =	vmul.f32 $2.000000030e-01, v23  }
0x2bf: {  	v18 =	vadd.f32 v18, v26;
	v42 =	vmul.f32 $2.000000030e-01, v19;
	v47 =	vmul.f32 $2.000000030e-01, v24  }
0x2c0: {  	v14 =	vmax.f32 v14, v61;
	v15 =	vmax.f32 v15, v32;
	v16 =	vmax.f32 v16, v33  }
0x2c1: {  	v17 =	vmax.f32 v17, v36;
	v14 =	vmul.f32 v14, v1;
	v15 =	vmul.f32 v15, v2  }
0x2c2: {  	v44 =	vmax.f32 v23, v40;
	v45 =	vmax.f32 v19, v42;
	v46 =	vmul.f32 $2.000000030e-01, v18  }
0x2c3: {  	v16 =	vmul.f32 v16, v3;
	v17 =	vmul.f32 v17, v4;
	v14 =	vadd.f32 v15, v14  }
0x2c4: {  	v48 =	vmul.f32 v44, v5;
	v49 =	vmul.f32 v45, v6  }
0x2c5: {  	v43 =	vadd.f32 v17, v16;
	(xrf2) =	vadd.scan.msk.f32 $0xffff, v14  }
0x2c6: {  	v51 =	vmax.f32 v24, v47;
	v50 =	vmax.f32 v18, v46;
	v14 =	vadd.f32 v49, v48  }
0x2c7: {  	v52 =	vmul.f32 v51, v8;
	v15 =	vmul.f32 v50, v7;
	(xrf2) =	vadd.scan.msk.f32 $0xffff, v43  }
0x2c8: {  	(xrf2) =	vadd.scan.msk.f32 $0xffff, v14  }
0x2c9: {  	v53 =	vadd.f32 v52, v15;
	_ =	sdelay $0x1  }
0x2ca: {  	(xrf2) =	vadd.scan.msk.f32 $0xffff, v53;
	_ =	sdelay $0x3  }
0x2cb: {  	v54, _, _ =	vpop (xrf2)  }
0x2cc: {  	v14 =	vmul.f32 $1.442695020e+00, v54  }
0x2cd: {  	v55, _, _ =	vpop (xrf2)  }
0x2ce: {  	v15 =	vmul.f32 $1.442695020e+00, v55;
	v56, _, _ =	vpop (xrf2);
	v14 =	vbroadcast v14, $0xF  }
0x2cf: {  	v57 =	vmul.f32 $1.442695020e+00, v56  }
0x2d0: {  	v15 =	vbroadcast v15, $0xF;
	(erf) = vpow2.f32 v14  }
0x2d1: {  	v58, _, _ =	vpop (xrf2);
	v14 =	vbroadcast v57, $0xF  }
0x2d2: {  	(erf) = vpow2.f32 v15;
	v15 =	vmul.f32 $1.442695020e+00, v58;
	_ =	sdelay $0x1  }
0x2d3: {  	(erf) = vpow2.f32 v14;
	v59 =	vbroadcast v15, $0xF;
	_ =	sdelay $0x1  }
0x2d4: {  	(erf) = vpow2.f32 v59;
	_ =	sdelay $0x2  }
0x2d5: {  	v60 =	vpop (erf)  }
0x2d6: {  	v9 =	vmul.f32 v60, v9  }
0x2d7: {  	v61 =	vpop (erf);
	v10 =	vmul.f32 v60, v10  }
0x2d8: {  	[tilespmem:s9+$0x90] =	vst v9;
	v9 =	vmul.f32 v61, v11  }
0x2d9: {  	v11 =	vpop (erf);
	[tilespmem:s9+$0xA0] =	vst v10;
	v10 =	vmul.f32 v61, v12  }
0x2da: {  	[tilespmem:s9+$0xB0] =	vst v9;
	v9 =	vmul.f32 v11, v13  }
0x2db: {  	p1 =	sne.s32 s15, $0x4800;
	v62 =	vpop (erf);
	[tilespmem:s9+$0xC0] =	vst v10;
	v10 =	vmul.f32 v11, v20  }
.Ltmp9:
0x2dc: {  	v63 =	vsel vm0, $0x0, v62;
	[tilespmem:s9+$0xD0] =	vst v9;
	v9 =	vmul.f32 v62, v22;
	(pc) =	sbr.rel @p1 .LBB2_8-.Ltmp9, $4  }
0x2dd: {  	[tilespmem:s9+$0xE0] =	vst v10;
	v10 =	vmul.f32 v62, v21;
	v11 =	vsel vm1, v63, v11  }
0x2de: {  	[tilespmem:s9+$0xF0] =	vst v9;
	v9 =	vsel vm2, v11, v61  }
0x2df: {  	[tilespmem:s9+$0x100] =	vst v10;
	v9 =	vsel vm3, v60, v9  }
0x2e0: {  	s15 =	sadd.s32 $0x800, s15;
	s30 =	sadd.s32 $0x100, s30;
	[tilespmem:s9+$0x110] =	vst v9;
	s9 =	sadd.s32 $0x240, s9  }
.Ltmp10:
0x2e1: {  	(pc) =	sbr.rel .LBB2_13-.Ltmp10, $4  }
0x2e2: {  	_ =	swait.ge [sflag:s19], $0x28  }
0x2e3: {  	[sflag:s19] =	ssyncset.done $0x0  }
0x2e4: {  	s9 =	simm.s32 $0x64F0;
	[sflag:s19] =	ssyncadd.s32 $0xFFFFFFD8  }
0x2e5: {  	[spmem:s2] =	stream.indirect.scatter.add.f32 [tilespmem:s9], [sflag:$0x5], $0x90, s0, s17, $0xb8;
	[tilespmem:$0x1F200] =	vst v63  }
.LBB2_15:
0x2e6: {  	_ =	sfence.sel $0x180000  }
0x2e7: {  	[bflag:$0x0] =	sbarrier.arrive $0xFFFF  }
0x2e8: {  	_ =	strace $0x90000047  }
0x2e9: {  	[bflag:$0x2] =	sbarrier.arrive $0xFFFF  }
0x2ea: {  	p0 =	sne.s32 s4, $0x0;
	s0 =	rddreg [dreg:$0x3]  }
0x2eb: {  	s0 =	sadd.s32 @!p0 $0x100000, s0  }
0x2ec: {  	[sflag:s0] =	ssyncadd.tile.s32 @!p0 $0x1;
	_ =	shalt  }
.Lfunc_end2:
_tile_overlayer_lowered:
.L_overlay_start_2:
0x2ed: {  	(tag) =	ssettag $0x2  }
0x2ee: {  	s0 =	rddreg [dreg:$0x0];
	s2 =	stileid.u32  }
0x2ef: {  	s1 =	rddreg [dreg:$0x1];
	p0 =	sne.s32 s2, $0x0  }
0x2f0: {  	s3 =	rddreg [dreg:$0x2];
	[bflag:$0x3] =	sbarrier.arrive $0xFFFF;
	s2 =	simm.s32 @!p0 $0x1C09  }
0x2f1: {  	[timem:s3], [sflag:s2] =	dma.local @!p0 [hbm:s0], s1  }
0x2f2: {  	s0 =	simm.s32 @!p0 $0x9  }
0x2f3: {  	_ =	swait.ge @!p0 [sflag:s0], s1  }
0x2f4: {  	s1 =	ssub.s32 @!p0 $0x0, s1;
	[sflag:s0] =	ssyncset.done @!p0 $0x0  }
0x2f5: {  	[sflag:s0] =	ssyncadd.s32 @!p0 s1  }
0x2f6: {  	[bflag:$0x3] =	sbarrier.arrive $0xFFFF  }
0x2f7: {  	_ =	shalt  }

</sc_bundles>
